<compile_context>
chip_gen: v7x
topology: tpu7x:2x2x1
jax: 0.10.2.dev20260603
libtpu: 0.0.44.dev20260713+nightly
codegen_flags: <defaults>
</compile_context>

<pallas_src>
import jax
import jax.numpy as jnp
from jax import lax
from jax.experimental import pallas as pl
from jax.experimental.pallas import tpu as pltpu
from jax.experimental.pallas import tpu_sc as plsc

N = 1_600_000
NP = 1_600_512
S = 100_000
NC = 2
NS = 16
NW = NC * NS

S_PAD = 102_400
TBL = 2 * S_PAD
ZSL = TBL // NS
SSL = S_PAD // NS
CH = 3072
NCHUNKS = NP // CH

_mesh = plsc.VectorSubcoreMesh(
    core_axis_name="c", subcore_axis_name="s", num_cores=NC, num_subcores=NS
)


def _worker_id():
    return lax.axis_index("s") * NC + lax.axis_index("c")


def _num_chunks_for(w):
    return (NCHUNKS - w + NW - 1) // NW


HC = CH // 2


def _seg_sums_body(sid_hbm, trk_hbm, en_hbm, part_hbm,
                   tbl, sidb, trkb, enbA, enbB, idxa, idxb2, zbuf, semi, sems):
    c = lax.axis_index("c")
    s = lax.axis_index("s")
    w = _worker_id()
    n = _num_chunks_for(w)

    def zvec(i, carry):
        zbuf[pl.ds(i * 16, 16)] = jnp.zeros((16,), jnp.float32)
        return carry

    lax.fori_loop(0, ZSL // 16, zvec, 0)
    pltpu.sync_copy(zbuf, tbl.at[pl.ds(s * ZSL, ZSL)])
    plsc.subcore_barrier()

    pltpu.sync_copy(sid_hbm.at[pl.ds(w * CH, CH)], sidb)
    pltpu.sync_copy(trk_hbm.at[pl.ds(w * CH, CH)], trkb)

    def chunk(i, carry):
        eb = (w + i * NW) * CH

        @pl.when(i > 0)
        def _drain_prefetch():
            pltpu.make_async_copy(sid_hbm.at[pl.ds(eb, CH)], sidb, semi).wait()
            pltpu.make_async_copy(trk_hbm.at[pl.ds(eb, CH)], trkb, semi).wait()

        dl1 = pltpu.async_copy(en_hbm.at[pl.ds(eb, HC)], enbA, semi)
        dl2 = pltpu.async_copy(en_hbm.at[pl.ds(eb + HC, HC)], enbB, semi)

        def mk_grp(idx_ref, half):
            def grp(j, carry2):
                for u in range(8):
                    o = half * HC + j * 128 + u * 16
                    idx_ref[pl.ds(j * 128 + u * 16, 16)] = (
                        sidb[pl.ds(o, 16)] + trkb[pl.ds(o, 16)] * S_PAD)
                return carry2
            return grp

        lax.fori_loop(0, HC // 128, mk_grp(idxa, 0), 0)
        dl1.wait()
        dl2.wait()
        dA = pltpu.async_copy(enbA, tbl.at[idxa], sems, add=True)
        lax.fori_loop(0, HC // 128, mk_grp(idxb2, 1), 0)
        dB = pltpu.async_copy(enbB, tbl.at[idxb2], sems, add=True)

        @pl.when(i + 1 < n)
        def _prefetch():
            eb2 = (w + (i + 1) * NW) * CH
            pltpu.async_copy(sid_hbm.at[pl.ds(eb2, CH)], sidb, semi)
            pltpu.async_copy(trk_hbm.at[pl.ds(eb2, CH)], trkb, semi)

        dA.wait()
        dB.wait()
        return carry

    lax.fori_loop(0, n, chunk, 0)
    plsc.subcore_barrier()
    pltpu.sync_copy(tbl.at[pl.ds(s * ZSL, ZSL)],
                    part_hbm.at[pl.ds(c * TBL + s * ZSL, ZSL)])


_seg_sums = pl.kernel(
    _seg_sums_body,
    out_type=jax.ShapeDtypeStruct((NC * TBL,), jnp.float32),
    mesh=_mesh,
    scratch_types=[
        pltpu.VMEM_SHARED((TBL,), jnp.float32),
        pltpu.VMEM((CH,), jnp.int32),
        pltpu.VMEM((CH,), jnp.int32),
        pltpu.VMEM((HC,), jnp.float32),
        pltpu.VMEM((HC,), jnp.float32),
        pltpu.VMEM((HC,), jnp.int32),
        pltpu.VMEM((HC,), jnp.int32),
        pltpu.VMEM((ZSL,), jnp.float32),
        pltpu.SemaphoreType.DMA,
        pltpu.SemaphoreType.DMA,
    ],
)


def _single_gather_loop(sid_hbm, ta, oa,
                        sid0, sid1, p0, p1,
                        semg, semw0, semw1, sems0, sems1, w):
    n = _num_chunks_for(w)
    m = n // 2
    rem = n - 2 * m
    pltpu.sync_copy(sid_hbm.at[pl.ds(w * CH, CH)], sid0)
    pltpu.sync_copy(sid_hbm.at[pl.ds((w + NW) * CH, CH)], sid1)

    sets = ((sid0, p0, semw0, sems0), (sid1, p1, semw1, sems1))

    def body(j, carry):
        for t, (sb, pbuf, semw, sems) in enumerate(sets):
            i = 2 * j + t
            eb = (w + i * NW) * CH

            @pl.when(j > 0)
            def _drain(sb=sb, pbuf=pbuf, semw=semw, sems=sems, eb=eb):
                pltpu.make_async_copy(pbuf, oa.at[pl.ds(eb, CH)], semw).wait()
                pltpu.make_async_copy(sid_hbm.at[pl.ds(eb, CH)], sb, sems).wait()

            pltpu.async_copy(ta.at[sb], pbuf, semg).wait()

            @pl.when(i + 2 < n)
            def _prefetch(sb=sb, sems=sems, i=i):
                eb2 = (w + (i + 2) * NW) * CH
                pltpu.async_copy(sid_hbm.at[pl.ds(eb2, CH)], sb, sems)

            pltpu.async_copy(pbuf, oa.at[pl.ds(eb, CH)], semw)
        return carry

    lax.fori_loop(0, m, body, 0)

    @pl.when(rem == 1)
    def _epilogue():
        i = n - 1
        eb = (w + i * NW) * CH
        pltpu.make_async_copy(p0, oa.at[pl.ds(eb, CH)], semw0).wait()
        pltpu.make_async_copy(sid_hbm.at[pl.ds(eb, CH)], sid0, sems0).wait()
        pltpu.async_copy(ta.at[sid0], p0, semg).wait()
        pltpu.sync_copy(p0, oa.at[pl.ds(eb, CH)])

    @pl.when(rem == 0)
    def _drain_w0():
        pltpu.make_async_copy(p0, oa.at[pl.ds(0, CH)], semw0).wait()

    pltpu.make_async_copy(p1, oa.at[pl.ds(0, CH)], semw1).wait()


HSL = S_PAD // NW


def _tables_body(part_hbm, corr_hbm, aih_hbm, ait_hbm, tbl4_hbm,
                 pa0, pb0, pa1, pb1, ia0, ia1, cg0, cg1,
                 vr0, vc0, vr1, vc1, semi, semg, semw):
    w = _worker_id()
    base = w * HSL

    g = ((pa0, pb0, ia0, cg0, vr0, vc0, aih_hbm, 2),
         (pa1, pb1, ia1, cg1, vr1, vc1, ait_hbm, 0))
    loads = []
    for pa, pb, ia, cg, vr, vc, alpha_hbm, cbase in g:
        off = (0 if cbase == 2 else S_PAD)
        loads.extend((
            pltpu.async_copy(part_hbm.at[pl.ds(off + base, HSL)], pa, semi),
            pltpu.async_copy(part_hbm.at[pl.ds(TBL + off + base, HSL)], pb, semi),
            pltpu.async_copy(alpha_hbm.at[pl.ds(base, HSL)], cg, semi),
        ))
    for d in loads:
        d.wait()
    gath = []
    for pa, pb, ia, cg, vr, vc, alpha_hbm, cbase in g:
        def cvt(k, carry, ia=ia, cg=cg):
            o = k * 16
            ia[pl.ds(o, 16)] = cg[pl.ds(o, 16)].astype(jnp.int32)
            return carry

        lax.fori_loop(0, HSL // 16, cvt, 0)
        gath.append(pltpu.async_copy(corr_hbm.at[ia], cg, semg))
    gath[0].wait()
    gath[1].wait()
    writes = []
    for pa, pb, ia, cg, vr, vc, alpha_hbm, cbase in g:
        def comb(k, carry, pa=pa, pb=pb, cg=cg, vr=vr, vc=vc):
            o = k * 16
            v = pa[pl.ds(o, 16)] + pb[pl.ds(o, 16)]
            vr[pl.ds(o, 16)] = v
            vc[pl.ds(o, 16)] = v * cg[pl.ds(o, 16)]
            return carry

        lax.fori_loop(0, HSL // 16, comb, 0)
        writes.append(pltpu.async_copy(
            vr, tbl4_hbm.at[pl.ds(cbase * S_PAD + base, HSL)], semw))
        writes.append(pltpu.async_copy(
            vc, tbl4_hbm.at[pl.ds((cbase + 1) * S_PAD + base, HSL)], semw))
    for d in writes:
        d.wait()


_tables_kernel = pl.kernel(
    _tables_body,
    out_type=jax.ShapeDtypeStruct((4 * S_PAD,), jnp.float32),
    mesh=_mesh,
    scratch_types=(
        [pltpu.VMEM((HSL,), jnp.float32)] * 4
        + [pltpu.VMEM((HSL,), jnp.int32)] * 2
        + [pltpu.VMEM((HSL,), jnp.float32)] * 6
        + [pltpu.SemaphoreType.DMA] * 3
    ),
)


def _make_out_kernel(off):
    def body(tbl4_hbm, sid_hbm, out,
             t_tab, sid0, sid1, p0, p1,
             semi, semg, semw0, semw1, sems0, sems1):
        s = lax.axis_index("s")
        w = _worker_id()
        base = s * SSL
        pltpu.async_copy(tbl4_hbm.at[pl.ds(off * S_PAD + base, SSL)],
                         t_tab.at[pl.ds(base, SSL)], semi).wait()
        plsc.subcore_barrier()
        _single_gather_loop(sid_hbm, t_tab, out,
                            sid0, sid1, p0, p1,
                            semg, semw0, semw1, sems0, sems1, w)

    return pl.kernel(
        body,
        out_type=jax.ShapeDtypeStruct((NP,), jnp.float32),
        mesh=_mesh,
        scratch_types=[
            pltpu.VMEM_SHARED((S_PAD,), jnp.float32),
            pltpu.VMEM((CH,), jnp.int32),
            pltpu.VMEM((CH,), jnp.int32),
            pltpu.VMEM((CH,), jnp.float32),
            pltpu.VMEM((CH,), jnp.float32),
            pltpu.SemaphoreType.DMA,
            pltpu.SemaphoreType.DMA,
            pltpu.SemaphoreType.DMA,
            pltpu.SemaphoreType.DMA,
            pltpu.SemaphoreType.DMA,
            pltpu.SemaphoreType.DMA,
        ],
    )


_out_kernels = tuple(_make_out_kernel(off) for off in range(4))


def _squeeze_pad(x):
    return jnp.pad(x, ((0, NP - N), (0, 0))).reshape(NP)


def kernel(pred_sid, pred_corr_factor, rechit_energy, no_noise_idx,
           pred_beta, is_track, alpha_idx_tracks, alpha_idx_hits):
    del no_noise_idx, pred_beta
    sid1d = _squeeze_pad(pred_sid)
    trk1d = _squeeze_pad(is_track.astype(jnp.int32))
    en1d = _squeeze_pad(rechit_energy)
    corr1d = _squeeze_pad(pred_corr_factor)
    zpad = jnp.zeros((S_PAD - S,), jnp.float32)
    aih1d = jnp.concatenate([alpha_idx_hits.astype(jnp.float32), zpad])
    ait1d = jnp.concatenate([alpha_idx_tracks.astype(jnp.float32), zpad])

    part = _seg_sums(sid1d, trk1d, en1d)
    tbl4 = _tables_kernel(part, corr1d, aih1d, ait1d)
    otraw = _out_kernels[0](tbl4, sid1d)
    otcor = _out_kernels[1](tbl4, sid1d)
    ohraw = _out_kernels[2](tbl4, sid1d)
    ohcor = _out_kernels[3](tbl4, sid1d)

    def rs(x):
        return lax.slice(x.reshape(NP, 1), (0, 0), (N, 1))

    return (rs(otraw), rs(otcor), rs(ohraw), rs(ohcor))

# --- scband reference (transcript-rebuilt; emitter-appended) ---
"""Pipeline reference for scband-ocgather-energy-corr-fac-new-81235011436601 (READ-ONLY COPY).

The authoritative reference and input builder live on the scoring server;
editing this copy changes nothing except your own understanding.
"""

import jax, jax.numpy as jnp
import numpy as np

N = 1_600_000
S = 100_000


def setup_inputs(seed: int = 0) -> dict:
    key = jax.random.key(seed)
    ks = jax.random.split(key, 8)
    pred_sid = jax.random.randint(ks[0], (N, 1), 0, S, dtype=jnp.int32)
    # guarantee the max shower id is present so num_segments == S + 1
    pred_sid = pred_sid.at[0, 0].set(S - 1)
    pred_corr_factor = jax.random.uniform(ks[1], (N, 1), dtype=jnp.float32)
    rechit_energy = jax.random.uniform(ks[2], (N, 1), dtype=jnp.float32)
    no_noise_idx = jax.random.randint(ks[3], (N, 1), 0, N, dtype=jnp.int32)
    pred_beta = jax.random.uniform(ks[4], (N, 1), dtype=jnp.float32)
    is_track = jax.random.randint(ks[5], (N, 1), 0, 2, dtype=jnp.int32)
    alpha_idx_tracks = jax.random.randint(ks[6], (S,), 0, N, dtype=jnp.int32).astype(jnp.float32)
    alpha_idx_hits = jax.random.randint(ks[7], (S,), 0, N, dtype=jnp.int32).astype(jnp.float32)
    return {
        'pred_sid': pred_sid,
        'pred_corr_factor': pred_corr_factor,
        'rechit_energy': rechit_energy,
        'no_noise_idx': no_noise_idx,
        'pred_beta': pred_beta,
        'is_track': is_track,
        'alpha_idx_tracks': alpha_idx_tracks,
        'alpha_idx_hits': alpha_idx_hits,
    }


def reference(pred_sid, pred_corr_factor, rechit_energy, no_noise_idx, pred_beta,
              is_track, alpha_idx_tracks, alpha_idx_hits):
    is_track = is_track.astype(jnp.int32)
    pred_sid_p1 = pred_sid + 1
    pred_corr_factor = jnp.where(pred_sid == -1, jnp.zeros_like(pred_corr_factor), pred_corr_factor)
    rechit_energy = jnp.where(pred_sid == -1, jnp.zeros_like(rechit_energy), rechit_energy)
    e_hit = jnp.where(is_track == 0, rechit_energy, jnp.zeros_like(rechit_energy))
    e_track = jnp.where(is_track == 1, rechit_energy, jnp.zeros_like(rechit_energy))
    beta_hit = jnp.where(is_track == 0, pred_beta, jnp.zeros_like(pred_beta))  # dead code in original, kept for faithfulness
    beta_track = jnp.where(is_track == 1, pred_beta, jnp.zeros_like(pred_beta))
    seg = pred_sid_p1[:, 0]
    num_segments = alpha_idx_hits.shape[0] + 1
    e_hit_shower = jax.ops.segment_sum(e_hit[:, 0], seg, num_segments=num_segments)
    e_track_shower = jax.ops.segment_sum(e_track[:, 0], seg, num_segments=num_segments)
    zero_appendix = jnp.zeros((1, 1), dtype=pred_corr_factor.dtype)
    pcf = jnp.concatenate([pred_corr_factor, zero_appendix], axis=0)
    aih = jnp.where(jnp.isnan(alpha_idx_hits.astype(jnp.float32)), -1.0, alpha_idx_hits)
    ait = jnp.where(jnp.isnan(alpha_idx_tracks.astype(jnp.float32)), -1.0, alpha_idx_tracks)
    correction_hits = pcf[aih.astype(jnp.int32)]
    correction_hits = jnp.concatenate([jnp.array([[0.0]], dtype=jnp.float32), correction_hits], axis=0)
    correction_tracks = pcf[ait.astype(jnp.int32)]
    correction_tracks = jnp.concatenate([jnp.array([[0.0]], dtype=jnp.float32), correction_tracks], axis=0)
    e_hit_shower_corrected = e_hit_shower * correction_hits[:, 0]
    e_track_shower_corrected = e_track_shower * correction_tracks[:, 0]
    e_hit_corrected = jnp.take(e_hit_shower_corrected, seg, axis=0).reshape(-1, 1)
    e_hit_raw = jnp.take(e_hit_shower, seg, axis=0).reshape(-1, 1)
    e_track_corrected = jnp.take(e_track_shower_corrected, seg, axis=0).reshape(-1, 1)
    e_track_raw = jnp.take(e_track_shower, seg, axis=0).reshape(-1, 1)
    return (e_track_raw, e_track_corrected, e_hit_raw, e_hit_corrected)

if __name__ == "__main__":
    import jax
    _d = setup_inputs()
    print(jax.jit(kernel)(*tuple(_d.values())))

</pallas_src>

<mosaic_0001>
#map = affine_map<(d0, d1) -> (0)>
module attributes {stable_mosaic.version = 14 : i64} {
  func.func @body(%arg0: i32, %arg1: i32, %arg2: memref<409600xf32, #tpu.memory_space<hbm>>, %arg3: memref<1600512xi32, #tpu.memory_space<hbm>>, %arg4: memref<1600512xf32, #tpu.memory_space<hbm>>, %arg5: memref<102400xf32, #tpu.memory_space<vmem_shared>>, %arg6: memref<3072xi32, #tpu.memory_space<vmem>>, %arg7: memref<3072xi32, #tpu.memory_space<vmem>>, %arg8: memref<3072xf32, #tpu.memory_space<vmem>>, %arg9: memref<3072xf32, #tpu.memory_space<vmem>>, %arg10: memref<!tpu.dma_semaphore, #tpu.memory_space<semaphore_mem>>, %arg11: memref<!tpu.dma_semaphore, #tpu.memory_space<semaphore_mem>>, %arg12: memref<!tpu.dma_semaphore, #tpu.memory_space<semaphore_mem>>, %arg13: memref<!tpu.dma_semaphore, #tpu.memory_space<semaphore_mem>>, %arg14: memref<!tpu.dma_semaphore, #tpu.memory_space<semaphore_mem>>, %arg15: memref<!tpu.dma_semaphore, #tpu.memory_space<semaphore_mem>>) attributes {dimension_semantics = [#tpu.dimension_semantics<core_parallel>, #tpu.dimension_semantics<subcore_parallel>], iteration_bounds = array<i64: 2, 16>, scalar_prefetch = 0 : i64, scratch_operands = 11 : i64, tpu.core_type = #tpu.core_type<sc_vector_subcore>, window_params = [{transform_indices = #map}, {transform_indices = #map}, {transform_indices = #map}]} {
    %mul3A = arith.constant 2 : i32
    %mul3A_0 = arith.muli %arg1, %mul3A : i32
    %add3A = arith.addi %mul3A_0, %arg0 : i32
    %mul3A_1 = arith.constant 6400 : i32
    %mul3A_2 = arith.muli %arg1, %mul3A_1 : i32
    %add3A_3 = arith.constant 204800 : i32
    %add3A_4 = arith.addi %add3A_3, %mul3A_2 : i32
    %dma_start3A = tpu.memref_slice %arg5[%mul3A_2] : memref<102400xf32, #tpu.memory_space<vmem_shared>> -> memref<6400xf32, #tpu.memory_space<vmem_shared>>
    %dma_start3A_5 = tpu.memref_slice %arg2[%add3A_4] : memref<409600xf32, #tpu.memory_space<hbm>> -> memref<6400xf32, #tpu.memory_space<hbm>>
    tpu.enqueue_dma source(%dma_start3A_5 : memref<6400xf32, #tpu.memory_space<hbm>>) target(%dma_start3A : memref<6400xf32, #tpu.memory_space<vmem_shared>>) target_semaphore(%arg10 : memref<!tpu.dma_semaphore, #tpu.memory_space<semaphore_mem>>)
    %dma_wait3A = tpu.memref_slice %arg5[%mul3A_2] : memref<102400xf32, #tpu.memory_space<vmem_shared>> -> memref<6400xf32, #tpu.memory_space<vmem_shared>>
    %dma_wait3A_6 = tpu.memref_slice %arg2[%add3A_4] : memref<409600xf32, #tpu.memory_space<hbm>> -> memref<6400xf32, #tpu.memory_space<hbm>>
    tpu.wait_dma2 semaphore(%arg10 : memref<!tpu.dma_semaphore, #tpu.memory_space<semaphore_mem>>) src(%dma_wait3A_6 : memref<6400xf32, #tpu.memory_space<hbm>>) dst(%dma_wait3A : memref<6400xf32, #tpu.memory_space<vmem_shared>>)
    %barrier3A = arith.constant 0 : index
    tpu.barrier barrier_id(%barrier3A)
    %sub3A = arith.constant 521 : i32
    %sub3A_7 = arith.subi %sub3A, %add3A : i32
    %add3A_8 = arith.constant 32 : i32
    %add3A_9 = arith.addi %sub3A_7, %add3A_8 : i32
    %sub3A_10 = arith.constant 1 : i32
    %sub3A_11 = arith.subi %add3A_9, %sub3A_10 : i32
    %jit3A = arith.constant 32 : i32
    %div3A = arith.divsi %sub3A_11, %jit3A : i32
    %sign3A = arith.constant 0 : i32
    %sign3A_12 = arith.cmpi sgt, %sub3A_11, %sign3A : i32
    %sign3A_13 = arith.extui %sign3A_12 : i1 to i32
    %sign3A_14 = arith.constant 0 : i32
    %sign3A_15 = arith.cmpi slt, %sub3A_11, %sign3A_14 : i32
    %sign3A_16 = arith.extui %sign3A_15 : i1 to i32
    %sign3A_17 = arith.subi %sign3A_13, %sign3A_16 : i32
    %sign3A_18 = arith.constant 0 : i32
    %sign3A_19 = arith.cmpi sgt, %jit3A, %sign3A_18 : i32
    %sign3A_20 = arith.extui %sign3A_19 : i1 to i32
    %sign3A_21 = arith.constant 0 : i32
    %sign3A_22 = arith.cmpi slt, %jit3A, %sign3A_21 : i32
    %sign3A_23 = arith.extui %sign3A_22 : i1 to i32
    %sign3A_24 = arith.subi %sign3A_20, %sign3A_23 : i32
    %ne3A = arith.cmpi ne, %sign3A_17, %sign3A_24 : i32
    %rem3A = arith.remsi %sub3A_11, %jit3A : i32
    %ne3A_25 = arith.constant 0 : i32
    %ne3A_26 = arith.cmpi ne, %rem3A, %ne3A_25 : i32
    %and3A = arith.andi %ne3A, %ne3A_26 : i1
    %sub3A_27 = arith.constant 1 : i32
    %sub3A_28 = arith.subi %div3A, %sub3A_27 : i32
    %select_n3A = arith.select %and3A, %sub3A_28, %div3A : i32
    %jit3A_29 = arith.constant 2 : i32
    %div3A_30 = arith.divsi %select_n3A, %jit3A_29 : i32
    %sign3A_31 = arith.constant 0 : i32
    %sign3A_32 = arith.cmpi sgt, %select_n3A, %sign3A_31 : i32
    %sign3A_33 = arith.extui %sign3A_32 : i1 to i32
    %sign3A_34 = arith.constant 0 : i32
    %sign3A_35 = arith.cmpi slt, %select_n3A, %sign3A_34 : i32
    %sign3A_36 = arith.extui %sign3A_35 : i1 to i32
    %sign3A_37 = arith.subi %sign3A_33, %sign3A_36 : i32
    %sign3A_38 = arith.constant 0 : i32
    %sign3A_39 = arith.cmpi sgt, %jit3A_29, %sign3A_38 : i32
    %sign3A_40 = arith.extui %sign3A_39 : i1 to i32
    %sign3A_41 = arith.constant 0 : i32
    %sign3A_42 = arith.cmpi slt, %jit3A_29, %sign3A_41 : i32
    %sign3A_43 = arith.extui %sign3A_42 : i1 to i32
    %sign3A_44 = arith.subi %sign3A_40, %sign3A_43 : i32
    %ne3A_45 = arith.cmpi ne, %sign3A_37, %sign3A_44 : i32
    %rem3A_46 = arith.remsi %select_n3A, %jit3A_29 : i32
    %ne3A_47 = arith.constant 0 : i32
    %ne3A_48 = arith.cmpi ne, %rem3A_46, %ne3A_47 : i32
    %and3A_49 = arith.andi %ne3A_45, %ne3A_48 : i1
    %sub3A_50 = arith.constant 1 : i32
    %sub3A_51 = arith.subi %div3A_30, %sub3A_50 : i32
    %select_n3A_52 = arith.select %and3A_49, %sub3A_51, %div3A_30 : i32
    %mul3A_53 = arith.constant 2 : i32
    %mul3A_54 = arith.muli %mul3A_53, %select_n3A_52 : i32
    %sub3A_55 = arith.subi %select_n3A, %mul3A_54 : i32
    %mul3A_56 = arith.constant 3072 : i32
    %mul3A_57 = arith.muli %add3A, %mul3A_56 : i32
    "tpu.region"() ({
      %run_scoped3A = tpu.sem_alloc : memref<!tpu.dma_semaphore, #tpu.memory_space<semaphore_mem>>
      %dma_start3A_82 = tpu.memref_slice %arg3[%mul3A_57] : memref<1600512xi32, #tpu.memory_space<hbm>> -> memref<3072xi32, #tpu.memory_space<hbm>>
      %dma_start3A_83 = tpu.memref_slice %arg3[%mul3A_57] : memref<1600512xi32, #tpu.memory_space<hbm>> -> memref<3072xi32, #tpu.memory_space<hbm>>
      tpu.enqueue_dma source(%dma_start3A_83 : memref<3072xi32, #tpu.memory_space<hbm>>) target(%arg6 : memref<3072xi32, #tpu.memory_space<vmem>>) target_semaphore(%run_scoped3A : memref<!tpu.dma_semaphore, #tpu.memory_space<semaphore_mem>>)
      %dma_wait3A_84 = tpu.memref_slice %arg3[%mul3A_57] : memref<1600512xi32, #tpu.memory_space<hbm>> -> memref<3072xi32, #tpu.memory_space<hbm>>
      %dma_wait3A_85 = tpu.memref_slice %arg3[%mul3A_57] : memref<1600512xi32, #tpu.memory_space<hbm>> -> memref<3072xi32, #tpu.memory_space<hbm>>
      tpu.wait_dma2 semaphore(%run_scoped3A : memref<!tpu.dma_semaphore, #tpu.memory_space<semaphore_mem>>) src(%dma_wait3A_85 : memref<3072xi32, #tpu.memory_space<hbm>>) dst(%arg6 : memref<3072xi32, #tpu.memory_space<vmem>>)
      tpu.yield
    }) : () -> ()
    %add3A_58 = arith.constant 32 : i32
    %add3A_59 = arith.addi %add3A, %add3A_58 : i32
    %mul3A_60 = arith.constant 3072 : i32
    %mul3A_61 = arith.muli %add3A_59, %mul3A_60 : i32
    "tpu.region"() ({
      %run_scoped3A = tpu.sem_alloc : memref<!tpu.dma_semaphore, #tpu.memory_space<semaphore_mem>>
      %dma_start3A_82 = tpu.memref_slice %arg3[%mul3A_61] : memref<1600512xi32, #tpu.memory_space<hbm>> -> memref<3072xi32, #tpu.memory_space<hbm>>
      %dma_start3A_83 = tpu.memref_slice %arg3[%mul3A_61] : memref<1600512xi32, #tpu.memory_space<hbm>> -> memref<3072xi32, #tpu.memory_space<hbm>>
      tpu.enqueue_dma source(%dma_start3A_83 : memref<3072xi32, #tpu.memory_space<hbm>>) target(%arg7 : memref<3072xi32, #tpu.memory_space<vmem>>) target_semaphore(%run_scoped3A : memref<!tpu.dma_semaphore, #tpu.memory_space<semaphore_mem>>)
      %dma_wait3A_84 = tpu.memref_slice %arg3[%mul3A_61] : memref<1600512xi32, #tpu.memory_space<hbm>> -> memref<3072xi32, #tpu.memory_space<hbm>>
      %dma_wait3A_85 = tpu.memref_slice %arg3[%mul3A_61] : memref<1600512xi32, #tpu.memory_space<hbm>> -> memref<3072xi32, #tpu.memory_space<hbm>>
      tpu.wait_dma2 semaphore(%run_scoped3A : memref<!tpu.dma_semaphore, #tpu.memory_space<semaphore_mem>>) src(%dma_wait3A_85 : memref<3072xi32, #tpu.memory_space<hbm>>) dst(%arg7 : memref<3072xi32, #tpu.memory_space<vmem>>)
      tpu.yield
    }) : () -> ()
    %while3A = arith.constant 0 : i32
    %while3A_62 = arith.constant 0 : i32
    %while3A_63 = arith.subi %select_n3A_52, %while3A_62 : i32
    %while3A_64 = arith.addi %while3A_62, %while3A_63 : i32
    %while3A_65 = arith.constant 1 : i32
    %while3A_66 = arith.divsi %while3A_63, %while3A_65 : i32
    %while3A_67 = arith.muli %while3A_66, %while3A_65 : i32
    %while3A_68 = arith.addi %while3A_62, %while3A_67 : i32
    %while3A_69 = arith.constant 1 : i32
    scf.for %while3A_82 = %while3A_62 to %while3A_68 step %while3A_69  : i32 {
      %mul3A_83 = arith.constant 2 : i32
      %mul3A_84 = arith.muli %mul3A_83, %while3A_82 : i32
      %add3A_85 = arith.constant 0 : i32
      %add3A_86 = arith.addi %mul3A_84, %add3A_85 : i32
      %mul3A_87 = arith.constant 32 : i32
      %mul3A_88 = arith.muli %add3A_86, %mul3A_87 : i32
      %add3A_89 = arith.addi %add3A, %mul3A_88 : i32
      %mul3A_90 = arith.constant 3072 : i32
      %mul3A_91 = arith.muli %add3A_89, %mul3A_90 : i32
      %gt3A = arith.constant 0 : i32
      %gt3A_92 = arith.cmpi sgt, %while3A_82, %gt3A : i32
      %convert_element_type3A_93 = arith.extui %gt3A_92 : i1 to i32
      %cond3A_94 = arith.constant 0 : i32
      %cond3A_95 = arith.cmpi ne, %convert_element_type3A_93, %cond3A_94 : i32
      scf.if %cond3A_95 {
        %dma_wait3A_133 = tpu.memref_slice %arg4[%mul3A_91] : memref<1600512xf32, #tpu.memory_space<hbm>> -> memref<3072xf32, #tpu.memory_space<hbm>>
        %dma_wait3A_134 = tpu.memref_slice %arg4[%mul3A_91] : memref<1600512xf32, #tpu.memory_space<hbm>> -> memref<3072xf32, #tpu.memory_space<hbm>>
        tpu.wait_dma2 semaphore(%arg12 : memref<!tpu.dma_semaphore, #tpu.memory_space<semaphore_mem>>) src(%arg8 : memref<3072xf32, #tpu.memory_space<vmem>>) dst(%dma_wait3A_134 : memref<3072xf32, #tpu.memory_space<hbm>>)
        %dma_wait3A_135 = tpu.memref_slice %arg3[%mul3A_91] : memref<1600512xi32, #tpu.memory_space<hbm>> -> memref<3072xi32, #tpu.memory_space<hbm>>
        %dma_wait3A_136 = tpu.memref_slice %arg3[%mul3A_91] : memref<1600512xi32, #tpu.memory_space<hbm>> -> memref<3072xi32, #tpu.memory_space<hbm>>
        tpu.wait_dma2 semaphore(%arg14 : memref<!tpu.dma_semaphore, #tpu.memory_space<semaphore_mem>>) src(%dma_wait3A_136 : memref<3072xi32, #tpu.memory_space<hbm>>) dst(%arg6 : memref<3072xi32, #tpu.memory_space<vmem>>)
      } else {
      }
      %dma_start3A_96 = arith.constant 0 : i32
      %dma_start3A_97 = tpu.memref_slice %arg5[%dma_start3A_96] : memref<102400xf32, #tpu.memory_space<vmem_shared>> -> memref<102400xf32, #tpu.memory_space<vmem_shared>>
      tpu.enqueue_indirect_dma source(%dma_start3A_97 : memref<102400xf32, #tpu.memory_space<vmem_shared>>) target(%arg8 : memref<3072xf32, #tpu.memory_space<vmem>>) offsets(%arg6 : memref<3072xi32, #tpu.memory_space<vmem>>) semaphore(%arg11 : memref<!tpu.dma_semaphore, #tpu.memory_space<semaphore_mem>>)
      %dma_wait3A_98 = arith.constant 0 : i32
      %dma_wait3A_99 = tpu.memref_slice %arg5[%dma_wait3A_98] : memref<102400xf32, #tpu.memory_space<vmem_shared>> -> memref<102400xf32, #tpu.memory_space<vmem_shared>>
      tpu.wait_indirect_dma semaphore(%arg11 : memref<!tpu.dma_semaphore, #tpu.memory_space<semaphore_mem>>) src(%dma_wait3A_99 : memref<102400xf32, #tpu.memory_space<vmem_shared>>) dst(%arg8 : memref<3072xf32, #tpu.memory_space<vmem>>)
      %add3A_100 = arith.constant 2 : i32
      %add3A_101 = arith.addi %add3A_86, %add3A_100 : i32
      %lt3A = arith.cmpi slt, %add3A_101, %select_n3A : i32
      %convert_element_type3A_102 = arith.extui %lt3A : i1 to i32
      %cond3A_103 = arith.constant 0 : i32
      %cond3A_104 = arith.cmpi ne, %convert_element_type3A_102, %cond3A_103 : i32
      scf.if %cond3A_104 {
        %add3A_133 = arith.constant 2 : i32
        %add3A_134 = arith.addi %add3A_86, %add3A_133 : i32
        %mul3A_135 = arith.constant 32 : i32
        %mul3A_136 = arith.muli %add3A_134, %mul3A_135 : i32
        %add3A_137 = arith.addi %add3A, %mul3A_136 : i32
        %mul3A_138 = arith.constant 3072 : i32
        %mul3A_139 = arith.muli %add3A_137, %mul3A_138 : i32
        %dma_start3A_140 = tpu.memref_slice %arg3[%mul3A_139] : memref<1600512xi32, #tpu.memory_space<hbm>> -> memref<3072xi32, #tpu.memory_space<hbm>>
        %dma_start3A_141 = tpu.memref_slice %arg3[%mul3A_139] : memref<1600512xi32, #tpu.memory_space<hbm>> -> memref<3072xi32, #tpu.memory_space<hbm>>
        tpu.enqueue_dma source(%dma_start3A_141 : memref<3072xi32, #tpu.memory_space<hbm>>) target(%arg6 : memref<3072xi32, #tpu.memory_space<vmem>>) target_semaphore(%arg14 : memref<!tpu.dma_semaphore, #tpu.memory_space<semaphore_mem>>)
      } else {
      }
      %dma_start3A_105 = tpu.memref_slice %arg4[%mul3A_91] : memref<1600512xf32, #tpu.memory_space<hbm>> -> memref<3072xf32, #tpu.memory_space<hbm>>
      %dma_start3A_106 = tpu.memref_slice %arg4[%mul3A_91] : memref<1600512xf32, #tpu.memory_space<hbm>> -> memref<3072xf32, #tpu.memory_space<hbm>>
      tpu.enqueue_dma source(%arg8 : memref<3072xf32, #tpu.memory_space<vmem>>) target(%dma_start3A_106 : memref<3072xf32, #tpu.memory_space<hbm>>) target_semaphore(%arg12 : memref<!tpu.dma_semaphore, #tpu.memory_space<semaphore_mem>>)
      %mul3A_107 = arith.constant 2 : i32
      %mul3A_108 = arith.muli %mul3A_107, %while3A_82 : i32
      %add3A_109 = arith.constant 1 : i32
      %add3A_110 = arith.addi %mul3A_108, %add3A_109 : i32
      %mul3A_111 = arith.constant 32 : i32
      %mul3A_112 = arith.muli %add3A_110, %mul3A_111 : i32
      %add3A_113 = arith.addi %add3A, %mul3A_112 : i32
      %mul3A_114 = arith.constant 3072 : i32
      %mul3A_115 = arith.muli %add3A_113, %mul3A_114 : i32
      %gt3A_116 = arith.constant 0 : i32
      %gt3A_117 = arith.cmpi sgt, %while3A_82, %gt3A_116 : i32
      %convert_element_type3A_118 = arith.extui %gt3A_117 : i1 to i32
      %cond3A_119 = arith.constant 0 : i32
      %cond3A_120 = arith.cmpi ne, %convert_element_type3A_118, %cond3A_119 : i32
      scf.if %cond3A_120 {
        %dma_wait3A_133 = tpu.memref_slice %arg4[%mul3A_115] : memref<1600512xf32, #tpu.memory_space<hbm>> -> memref<3072xf32, #tpu.memory_space<hbm>>
        %dma_wait3A_134 = tpu.memref_slice %arg4[%mul3A_115] : memref<1600512xf32, #tpu.memory_space<hbm>> -> memref<3072xf32, #tpu.memory_space<hbm>>
        tpu.wait_dma2 semaphore(%arg13 : memref<!tpu.dma_semaphore, #tpu.memory_space<semaphore_mem>>) src(%arg9 : memref<3072xf32, #tpu.memory_space<vmem>>) dst(%dma_wait3A_134 : memref<3072xf32, #tpu.memory_space<hbm>>)
        %dma_wait3A_135 = tpu.memref_slice %arg3[%mul3A_115] : memref<1600512xi32, #tpu.memory_space<hbm>> -> memref<3072xi32, #tpu.memory_space<hbm>>
        %dma_wait3A_136 = tpu.memref_slice %arg3[%mul3A_115] : memref<1600512xi32, #tpu.memory_space<hbm>> -> memref<3072xi32, #tpu.memory_space<hbm>>
        tpu.wait_dma2 semaphore(%arg15 : memref<!tpu.dma_semaphore, #tpu.memory_space<semaphore_mem>>) src(%dma_wait3A_136 : memref<3072xi32, #tpu.memory_space<hbm>>) dst(%arg7 : memref<3072xi32, #tpu.memory_space<vmem>>)
      } else {
      }
      %dma_start3A_121 = arith.constant 0 : i32
      %dma_start3A_122 = tpu.memref_slice %arg5[%dma_start3A_121] : memref<102400xf32, #tpu.memory_space<vmem_shared>> -> memref<102400xf32, #tpu.memory_space<vmem_shared>>
      tpu.enqueue_indirect_dma source(%dma_start3A_122 : memref<102400xf32, #tpu.memory_space<vmem_shared>>) target(%arg9 : memref<3072xf32, #tpu.memory_space<vmem>>) offsets(%arg7 : memref<3072xi32, #tpu.memory_space<vmem>>) semaphore(%arg11 : memref<!tpu.dma_semaphore, #tpu.memory_space<semaphore_mem>>)
      %dma_wait3A_123 = arith.constant 0 : i32
      %dma_wait3A_124 = tpu.memref_slice %arg5[%dma_wait3A_123] : memref<102400xf32, #tpu.memory_space<vmem_shared>> -> memref<102400xf32, #tpu.memory_space<vmem_shared>>
      tpu.wait_indirect_dma semaphore(%arg11 : memref<!tpu.dma_semaphore, #tpu.memory_space<semaphore_mem>>) src(%dma_wait3A_124 : memref<102400xf32, #tpu.memory_space<vmem_shared>>) dst(%arg9 : memref<3072xf32, #tpu.memory_space<vmem>>)
      %add3A_125 = arith.constant 2 : i32
      %add3A_126 = arith.addi %add3A_110, %add3A_125 : i32
      %lt3A_127 = arith.cmpi slt, %add3A_126, %select_n3A : i32
      %convert_element_type3A_128 = arith.extui %lt3A_127 : i1 to i32
      %cond3A_129 = arith.constant 0 : i32
      %cond3A_130 = arith.cmpi ne, %convert_element_type3A_128, %cond3A_129 : i32
      scf.if %cond3A_130 {
        %add3A_133 = arith.constant 2 : i32
        %add3A_134 = arith.addi %add3A_110, %add3A_133 : i32
        %mul3A_135 = arith.constant 32 : i32
        %mul3A_136 = arith.muli %add3A_134, %mul3A_135 : i32
        %add3A_137 = arith.addi %add3A, %mul3A_136 : i32
        %mul3A_138 = arith.constant 3072 : i32
        %mul3A_139 = arith.muli %add3A_137, %mul3A_138 : i32
        %dma_start3A_140 = tpu.memref_slice %arg3[%mul3A_139] : memref<1600512xi32, #tpu.memory_space<hbm>> -> memref<3072xi32, #tpu.memory_space<hbm>>
        %dma_start3A_141 = tpu.memref_slice %arg3[%mul3A_139] : memref<1600512xi32, #tpu.memory_space<hbm>> -> memref<3072xi32, #tpu.memory_space<hbm>>
        tpu.enqueue_dma source(%dma_start3A_141 : memref<3072xi32, #tpu.memory_space<hbm>>) target(%arg7 : memref<3072xi32, #tpu.memory_space<vmem>>) target_semaphore(%arg15 : memref<!tpu.dma_semaphore, #tpu.memory_space<semaphore_mem>>)
      } else {
      }
      %dma_start3A_131 = tpu.memref_slice %arg4[%mul3A_115] : memref<1600512xf32, #tpu.memory_space<hbm>> -> memref<3072xf32, #tpu.memory_space<hbm>>
      %dma_start3A_132 = tpu.memref_slice %arg4[%mul3A_115] : memref<1600512xf32, #tpu.memory_space<hbm>> -> memref<3072xf32, #tpu.memory_space<hbm>>
      tpu.enqueue_dma source(%arg9 : memref<3072xf32, #tpu.memory_space<vmem>>) target(%dma_start3A_132 : memref<3072xf32, #tpu.memory_space<hbm>>) target_semaphore(%arg13 : memref<!tpu.dma_semaphore, #tpu.memory_space<semaphore_mem>>)
    }
    %while3A_70 = arith.constant 1 : i32
    scf.for %while3A_82 = %while3A_68 to %while3A_64 step %while3A_70  : i32 {
      %mul3A_83 = arith.constant 2 : i32
      %mul3A_84 = arith.muli %mul3A_83, %while3A_82 : i32
      %add3A_85 = arith.constant 0 : i32
      %add3A_86 = arith.addi %mul3A_84, %add3A_85 : i32
      %mul3A_87 = arith.constant 32 : i32
      %mul3A_88 = arith.muli %add3A_86, %mul3A_87 : i32
      %add3A_89 = arith.addi %add3A, %mul3A_88 : i32
      %mul3A_90 = arith.constant 3072 : i32
      %mul3A_91 = arith.muli %add3A_89, %mul3A_90 : i32
      %gt3A = arith.constant 0 : i32
      %gt3A_92 = arith.cmpi sgt, %while3A_82, %gt3A : i32
      %convert_element_type3A_93 = arith.extui %gt3A_92 : i1 to i32
      %cond3A_94 = arith.constant 0 : i32
      %cond3A_95 = arith.cmpi ne, %convert_element_type3A_93, %cond3A_94 : i32
      scf.if %cond3A_95 {
        %dma_wait3A_133 = tpu.memref_slice %arg4[%mul3A_91] : memref<1600512xf32, #tpu.memory_space<hbm>> -> memref<3072xf32, #tpu.memory_space<hbm>>
        %dma_wait3A_134 = tpu.memref_slice %arg4[%mul3A_91] : memref<1600512xf32, #tpu.memory_space<hbm>> -> memref<3072xf32, #tpu.memory_space<hbm>>
        tpu.wait_dma2 semaphore(%arg12 : memref<!tpu.dma_semaphore, #tpu.memory_space<semaphore_mem>>) src(%arg8 : memref<3072xf32, #tpu.memory_space<vmem>>) dst(%dma_wait3A_134 : memref<3072xf32, #tpu.memory_space<hbm>>)
        %dma_wait3A_135 = tpu.memref_slice %arg3[%mul3A_91] : memref<1600512xi32, #tpu.memory_space<hbm>> -> memref<3072xi32, #tpu.memory_space<hbm>>
        %dma_wait3A_136 = tpu.memref_slice %arg3[%mul3A_91] : memref<1600512xi32, #tpu.memory_space<hbm>> -> memref<3072xi32, #tpu.memory_space<hbm>>
        tpu.wait_dma2 semaphore(%arg14 : memref<!tpu.dma_semaphore, #tpu.memory_space<semaphore_mem>>) src(%dma_wait3A_136 : memref<3072xi32, #tpu.memory_space<hbm>>) dst(%arg6 : memref<3072xi32, #tpu.memory_space<vmem>>)
      } else {
      }
      %dma_start3A_96 = arith.constant 0 : i32
      %dma_start3A_97 = tpu.memref_slice %arg5[%dma_start3A_96] : memref<102400xf32, #tpu.memory_space<vmem_shared>> -> memref<102400xf32, #tpu.memory_space<vmem_shared>>
      tpu.enqueue_indirect_dma source(%dma_start3A_97 : memref<102400xf32, #tpu.memory_space<vmem_shared>>) target(%arg8 : memref<3072xf32, #tpu.memory_space<vmem>>) offsets(%arg6 : memref<3072xi32, #tpu.memory_space<vmem>>) semaphore(%arg11 : memref<!tpu.dma_semaphore, #tpu.memory_space<semaphore_mem>>)
      %dma_wait3A_98 = arith.constant 0 : i32
      %dma_wait3A_99 = tpu.memref_slice %arg5[%dma_wait3A_98] : memref<102400xf32, #tpu.memory_space<vmem_shared>> -> memref<102400xf32, #tpu.memory_space<vmem_shared>>
      tpu.wait_indirect_dma semaphore(%arg11 : memref<!tpu.dma_semaphore, #tpu.memory_space<semaphore_mem>>) src(%dma_wait3A_99 : memref<102400xf32, #tpu.memory_space<vmem_shared>>) dst(%arg8 : memref<3072xf32, #tpu.memory_space<vmem>>)
      %add3A_100 = arith.constant 2 : i32
      %add3A_101 = arith.addi %add3A_86, %add3A_100 : i32
      %lt3A = arith.cmpi slt, %add3A_101, %select_n3A : i32
      %convert_element_type3A_102 = arith.extui %lt3A : i1 to i32
      %cond3A_103 = arith.constant 0 : i32
      %cond3A_104 = arith.cmpi ne, %convert_element_type3A_102, %cond3A_103 : i32
      scf.if %cond3A_104 {
        %add3A_133 = arith.constant 2 : i32
        %add3A_134 = arith.addi %add3A_86, %add3A_133 : i32
        %mul3A_135 = arith.constant 32 : i32
        %mul3A_136 = arith.muli %add3A_134, %mul3A_135 : i32
        %add3A_137 = arith.addi %add3A, %mul3A_136 : i32
        %mul3A_138 = arith.constant 3072 : i32
        %mul3A_139 = arith.muli %add3A_137, %mul3A_138 : i32
        %dma_start3A_140 = tpu.memref_slice %arg3[%mul3A_139] : memref<1600512xi32, #tpu.memory_space<hbm>> -> memref<3072xi32, #tpu.memory_space<hbm>>
        %dma_start3A_141 = tpu.memref_slice %arg3[%mul3A_139] : memref<1600512xi32, #tpu.memory_space<hbm>> -> memref<3072xi32, #tpu.memory_space<hbm>>
        tpu.enqueue_dma source(%dma_start3A_141 : memref<3072xi32, #tpu.memory_space<hbm>>) target(%arg6 : memref<3072xi32, #tpu.memory_space<vmem>>) target_semaphore(%arg14 : memref<!tpu.dma_semaphore, #tpu.memory_space<semaphore_mem>>)
      } else {
      }
      %dma_start3A_105 = tpu.memref_slice %arg4[%mul3A_91] : memref<1600512xf32, #tpu.memory_space<hbm>> -> memref<3072xf32, #tpu.memory_space<hbm>>
      %dma_start3A_106 = tpu.memref_slice %arg4[%mul3A_91] : memref<1600512xf32, #tpu.memory_space<hbm>> -> memref<3072xf32, #tpu.memory_space<hbm>>
      tpu.enqueue_dma source(%arg8 : memref<3072xf32, #tpu.memory_space<vmem>>) target(%dma_start3A_106 : memref<3072xf32, #tpu.memory_space<hbm>>) target_semaphore(%arg12 : memref<!tpu.dma_semaphore, #tpu.memory_space<semaphore_mem>>)
      %mul3A_107 = arith.constant 2 : i32
      %mul3A_108 = arith.muli %mul3A_107, %while3A_82 : i32
      %add3A_109 = arith.constant 1 : i32
      %add3A_110 = arith.addi %mul3A_108, %add3A_109 : i32
      %mul3A_111 = arith.constant 32 : i32
      %mul3A_112 = arith.muli %add3A_110, %mul3A_111 : i32
      %add3A_113 = arith.addi %add3A, %mul3A_112 : i32
      %mul3A_114 = arith.constant 3072 : i32
      %mul3A_115 = arith.muli %add3A_113, %mul3A_114 : i32
      %gt3A_116 = arith.constant 0 : i32
      %gt3A_117 = arith.cmpi sgt, %while3A_82, %gt3A_116 : i32
      %convert_element_type3A_118 = arith.extui %gt3A_117 : i1 to i32
      %cond3A_119 = arith.constant 0 : i32
      %cond3A_120 = arith.cmpi ne, %convert_element_type3A_118, %cond3A_119 : i32
      scf.if %cond3A_120 {
        %dma_wait3A_133 = tpu.memref_slice %arg4[%mul3A_115] : memref<1600512xf32, #tpu.memory_space<hbm>> -> memref<3072xf32, #tpu.memory_space<hbm>>
        %dma_wait3A_134 = tpu.memref_slice %arg4[%mul3A_115] : memref<1600512xf32, #tpu.memory_space<hbm>> -> memref<3072xf32, #tpu.memory_space<hbm>>
        tpu.wait_dma2 semaphore(%arg13 : memref<!tpu.dma_semaphore, #tpu.memory_space<semaphore_mem>>) src(%arg9 : memref<3072xf32, #tpu.memory_space<vmem>>) dst(%dma_wait3A_134 : memref<3072xf32, #tpu.memory_space<hbm>>)
        %dma_wait3A_135 = tpu.memref_slice %arg3[%mul3A_115] : memref<1600512xi32, #tpu.memory_space<hbm>> -> memref<3072xi32, #tpu.memory_space<hbm>>
        %dma_wait3A_136 = tpu.memref_slice %arg3[%mul3A_115] : memref<1600512xi32, #tpu.memory_space<hbm>> -> memref<3072xi32, #tpu.memory_space<hbm>>
        tpu.wait_dma2 semaphore(%arg15 : memref<!tpu.dma_semaphore, #tpu.memory_space<semaphore_mem>>) src(%dma_wait3A_136 : memref<3072xi32, #tpu.memory_space<hbm>>) dst(%arg7 : memref<3072xi32, #tpu.memory_space<vmem>>)
      } else {
      }
      %dma_start3A_121 = arith.constant 0 : i32
      %dma_start3A_122 = tpu.memref_slice %arg5[%dma_start3A_121] : memref<102400xf32, #tpu.memory_space<vmem_shared>> -> memref<102400xf32, #tpu.memory_space<vmem_shared>>
      tpu.enqueue_indirect_dma source(%dma_start3A_122 : memref<102400xf32, #tpu.memory_space<vmem_shared>>) target(%arg9 : memref<3072xf32, #tpu.memory_space<vmem>>) offsets(%arg7 : memref<3072xi32, #tpu.memory_space<vmem>>) semaphore(%arg11 : memref<!tpu.dma_semaphore, #tpu.memory_space<semaphore_mem>>)
      %dma_wait3A_123 = arith.constant 0 : i32
      %dma_wait3A_124 = tpu.memref_slice %arg5[%dma_wait3A_123] : memref<102400xf32, #tpu.memory_space<vmem_shared>> -> memref<102400xf32, #tpu.memory_space<vmem_shared>>
      tpu.wait_indirect_dma semaphore(%arg11 : memref<!tpu.dma_semaphore, #tpu.memory_space<semaphore_mem>>) src(%dma_wait3A_124 : memref<102400xf32, #tpu.memory_space<vmem_shared>>) dst(%arg9 : memref<3072xf32, #tpu.memory_space<vmem>>)
      %add3A_125 = arith.constant 2 : i32
      %add3A_126 = arith.addi %add3A_110, %add3A_125 : i32
      %lt3A_127 = arith.cmpi slt, %add3A_126, %select_n3A : i32
      %convert_element_type3A_128 = arith.extui %lt3A_127 : i1 to i32
      %cond3A_129 = arith.constant 0 : i32
      %cond3A_130 = arith.cmpi ne, %convert_element_type3A_128, %cond3A_129 : i32
      scf.if %cond3A_130 {
        %add3A_133 = arith.constant 2 : i32
        %add3A_134 = arith.addi %add3A_110, %add3A_133 : i32
        %mul3A_135 = arith.constant 32 : i32
        %mul3A_136 = arith.muli %add3A_134, %mul3A_135 : i32
        %add3A_137 = arith.addi %add3A, %mul3A_136 : i32
        %mul3A_138 = arith.constant 3072 : i32
        %mul3A_139 = arith.muli %add3A_137, %mul3A_138 : i32
        %dma_start3A_140 = tpu.memref_slice %arg3[%mul3A_139] : memref<1600512xi32, #tpu.memory_space<hbm>> -> memref<3072xi32, #tpu.memory_space<hbm>>
        %dma_start3A_141 = tpu.memref_slice %arg3[%mul3A_139] : memref<1600512xi32, #tpu.memory_space<hbm>> -> memref<3072xi32, #tpu.memory_space<hbm>>
        tpu.enqueue_dma source(%dma_start3A_141 : memref<3072xi32, #tpu.memory_space<hbm>>) target(%arg7 : memref<3072xi32, #tpu.memory_space<vmem>>) target_semaphore(%arg15 : memref<!tpu.dma_semaphore, #tpu.memory_space<semaphore_mem>>)
      } else {
      }
      %dma_start3A_131 = tpu.memref_slice %arg4[%mul3A_115] : memref<1600512xf32, #tpu.memory_space<hbm>> -> memref<3072xf32, #tpu.memory_space<hbm>>
      %dma_start3A_132 = tpu.memref_slice %arg4[%mul3A_115] : memref<1600512xf32, #tpu.memory_space<hbm>> -> memref<3072xf32, #tpu.memory_space<hbm>>
      tpu.enqueue_dma source(%arg9 : memref<3072xf32, #tpu.memory_space<vmem>>) target(%dma_start3A_132 : memref<3072xf32, #tpu.memory_space<hbm>>) target_semaphore(%arg13 : memref<!tpu.dma_semaphore, #tpu.memory_space<semaphore_mem>>)
    }
    %eq3A = arith.constant 1 : i32
    %eq3A_71 = arith.cmpi eq, %sub3A_55, %eq3A : i32
    %convert_element_type3A = arith.extui %eq3A_71 : i1 to i32
    %cond3A = arith.constant 0 : i32
    %cond3A_72 = arith.cmpi ne, %convert_element_type3A, %cond3A : i32
    scf.if %cond3A_72 {
      %sub3A_82 = arith.constant 1 : i32
      %sub3A_83 = arith.subi %select_n3A, %sub3A_82 : i32
      %mul3A_84 = arith.constant 32 : i32
      %mul3A_85 = arith.muli %sub3A_83, %mul3A_84 : i32
      %add3A_86 = arith.addi %add3A, %mul3A_85 : i32
      %mul3A_87 = arith.constant 3072 : i32
      %mul3A_88 = arith.muli %add3A_86, %mul3A_87 : i32
      %dma_wait3A_89 = tpu.memref_slice %arg4[%mul3A_88] : memref<1600512xf32, #tpu.memory_space<hbm>> -> memref<3072xf32, #tpu.memory_space<hbm>>
      %dma_wait3A_90 = tpu.memref_slice %arg4[%mul3A_88] : memref<1600512xf32, #tpu.memory_space<hbm>> -> memref<3072xf32, #tpu.memory_space<hbm>>
      tpu.wait_dma2 semaphore(%arg12 : memref<!tpu.dma_semaphore, #tpu.memory_space<semaphore_mem>>) src(%arg8 : memref<3072xf32, #tpu.memory_space<vmem>>) dst(%dma_wait3A_90 : memref<3072xf32, #tpu.memory_space<hbm>>)
      %dma_wait3A_91 = tpu.memref_slice %arg3[%mul3A_88] : memref<1600512xi32, #tpu.memory_space<hbm>> -> memref<3072xi32, #tpu.memory_space<hbm>>
      %dma_wait3A_92 = tpu.memref_slice %arg3[%mul3A_88] : memref<1600512xi32, #tpu.memory_space<hbm>> -> memref<3072xi32, #tpu.memory_space<hbm>>
      tpu.wait_dma2 semaphore(%arg14 : memref<!tpu.dma_semaphore, #tpu.memory_space<semaphore_mem>>) src(%dma_wait3A_92 : memref<3072xi32, #tpu.memory_space<hbm>>) dst(%arg6 : memref<3072xi32, #tpu.memory_space<vmem>>)
      %dma_start3A_93 = arith.constant 0 : i32
      %dma_start3A_94 = tpu.memref_slice %arg5[%dma_start3A_93] : memref<102400xf32, #tpu.memory_space<vmem_shared>> -> memref<102400xf32, #tpu.memory_space<vmem_shared>>
      tpu.enqueue_indirect_dma source(%dma_start3A_94 : memref<102400xf32, #tpu.memory_space<vmem_shared>>) target(%arg8 : memref<3072xf32, #tpu.memory_space<vmem>>) offsets(%arg6 : memref<3072xi32, #tpu.memory_space<vmem>>) semaphore(%arg11 : memref<!tpu.dma_semaphore, #tpu.memory_space<semaphore_mem>>)
      %dma_wait3A_95 = arith.constant 0 : i32
      %dma_wait3A_96 = tpu.memref_slice %arg5[%dma_wait3A_95] : memref<102400xf32, #tpu.memory_space<vmem_shared>> -> memref<102400xf32, #tpu.memory_space<vmem_shared>>
      tpu.wait_indirect_dma semaphore(%arg11 : memref<!tpu.dma_semaphore, #tpu.memory_space<semaphore_mem>>) src(%dma_wait3A_96 : memref<102400xf32, #tpu.memory_space<vmem_shared>>) dst(%arg8 : memref<3072xf32, #tpu.memory_space<vmem>>)
      "tpu.region"() ({
        %run_scoped3A = tpu.sem_alloc : memref<!tpu.dma_semaphore, #tpu.memory_space<semaphore_mem>>
        %dma_start3A_97 = tpu.memref_slice %arg4[%mul3A_88] : memref<1600512xf32, #tpu.memory_space<hbm>> -> memref<3072xf32, #tpu.memory_space<hbm>>
        %dma_start3A_98 = tpu.memref_slice %arg4[%mul3A_88] : memref<1600512xf32, #tpu.memory_space<hbm>> -> memref<3072xf32, #tpu.memory_space<hbm>>
        tpu.enqueue_dma source(%arg8 : memref<3072xf32, #tpu.memory_space<vmem>>) target(%dma_start3A_98 : memref<3072xf32, #tpu.memory_space<hbm>>) target_semaphore(%run_scoped3A : memref<!tpu.dma_semaphore, #tpu.memory_space<semaphore_mem>>)
        %dma_wait3A_99 = tpu.memref_slice %arg4[%mul3A_88] : memref<1600512xf32, #tpu.memory_space<hbm>> -> memref<3072xf32, #tpu.memory_space<hbm>>
        %dma_wait3A_100 = tpu.memref_slice %arg4[%mul3A_88] : memref<1600512xf32, #tpu.memory_space<hbm>> -> memref<3072xf32, #tpu.memory_space<hbm>>
        tpu.wait_dma2 semaphore(%run_scoped3A : memref<!tpu.dma_semaphore, #tpu.memory_space<semaphore_mem>>) src(%arg8 : memref<3072xf32, #tpu.memory_space<vmem>>) dst(%dma_wait3A_100 : memref<3072xf32, #tpu.memory_space<hbm>>)
        tpu.yield
      }) : () -> ()
    } else {
    }
    %eq3A_73 = arith.constant 0 : i32
    %eq3A_74 = arith.cmpi eq, %sub3A_55, %eq3A_73 : i32
    %convert_element_type3A_75 = arith.extui %eq3A_74 : i1 to i32
    %cond3A_76 = arith.constant 0 : i32
    %cond3A_77 = arith.cmpi ne, %convert_element_type3A_75, %cond3A_76 : i32
    scf.if %cond3A_77 {
      %dma_wait3A_82 = arith.constant 0 : i32
      %dma_wait3A_83 = tpu.memref_slice %arg4[%dma_wait3A_82] : memref<1600512xf32, #tpu.memory_space<hbm>> -> memref<3072xf32, #tpu.memory_space<hbm>>
      %dma_wait3A_84 = arith.constant 0 : i32
      %dma_wait3A_85 = tpu.memref_slice %arg4[%dma_wait3A_84] : memref<1600512xf32, #tpu.memory_space<hbm>> -> memref<3072xf32, #tpu.memory_space<hbm>>
      tpu.wait_dma2 semaphore(%arg12 : memref<!tpu.dma_semaphore, #tpu.memory_space<semaphore_mem>>) src(%arg8 : memref<3072xf32, #tpu.memory_space<vmem>>) dst(%dma_wait3A_85 : memref<3072xf32, #tpu.memory_space<hbm>>)
    } else {
    }
    %dma_wait3A_78 = arith.constant 0 : i32
    %dma_wait3A_79 = tpu.memref_slice %arg4[%dma_wait3A_78] : memref<1600512xf32, #tpu.memory_space<hbm>> -> memref<3072xf32, #tpu.memory_space<hbm>>
    %dma_wait3A_80 = arith.constant 0 : i32
    %dma_wait3A_81 = tpu.memref_slice %arg4[%dma_wait3A_80] : memref<1600512xf32, #tpu.memory_space<hbm>> -> memref<3072xf32, #tpu.memory_space<hbm>>
    tpu.wait_dma2 semaphore(%arg13 : memref<!tpu.dma_semaphore, #tpu.memory_space<semaphore_mem>>) src(%arg9 : memref<3072xf32, #tpu.memory_space<vmem>>) dst(%dma_wait3A_81 : memref<3072xf32, #tpu.memory_space<hbm>>)
    return
  }
}

#map = affine_map<(d0, d1) -> (0)>
module attributes {stable_mosaic.version = 14 : i64} {
  func.func @_seg_sums_body(%arg0: i32, %arg1: i32, %arg2: memref<1600512xi32, #tpu.memory_space<hbm>>, %arg3: memref<1600512xi32, #tpu.memory_space<hbm>>, %arg4: memref<1600512xf32, #tpu.memory_space<hbm>>, %arg5: memref<409600xf32, #tpu.memory_space<hbm>>, %arg6: memref<204800xf32, #tpu.memory_space<vmem_shared>>, %arg7: memref<3072xi32, #tpu.memory_space<vmem>>, %arg8: memref<3072xi32, #tpu.memory_space<vmem>>, %arg9: memref<1536xf32, #tpu.memory_space<vmem>>, %arg10: memref<1536xf32, #tpu.memory_space<vmem>>, %arg11: memref<1536xi32, #tpu.memory_space<vmem>>, %arg12: memref<1536xi32, #tpu.memory_space<vmem>>, %arg13: memref<12800xf32, #tpu.memory_space<vmem>>, %arg14: memref<!tpu.dma_semaphore, #tpu.memory_space<semaphore_mem>>, %arg15: memref<!tpu.dma_semaphore, #tpu.memory_space<semaphore_mem>>) attributes {dimension_semantics = [#tpu.dimension_semantics<core_parallel>, #tpu.dimension_semantics<subcore_parallel>], iteration_bounds = array<i64: 2, 16>, scalar_prefetch = 0 : i64, scratch_operands = 10 : i64, tpu.core_type = #tpu.core_type<sc_vector_subcore>, window_params = [{transform_indices = #map}, {transform_indices = #map}, {transform_indices = #map}, {transform_indices = #map}]} {
    %mul3A = arith.constant 2 : i32
    %mul3A_0 = arith.muli %arg1, %mul3A : i32
    %add3A = arith.addi %mul3A_0, %arg0 : i32
    %sub3A = arith.constant 521 : i32
    %sub3A_1 = arith.subi %sub3A, %add3A : i32
    %add3A_2 = arith.constant 32 : i32
    %add3A_3 = arith.addi %sub3A_1, %add3A_2 : i32
    %sub3A_4 = arith.constant 1 : i32
    %sub3A_5 = arith.subi %add3A_3, %sub3A_4 : i32
    %jit3A = arith.constant 32 : i32
    %div3A = arith.divsi %sub3A_5, %jit3A : i32
    %sign3A = arith.constant 0 : i32
    %sign3A_6 = arith.cmpi sgt, %sub3A_5, %sign3A : i32
    %sign3A_7 = arith.extui %sign3A_6 : i1 to i32
    %sign3A_8 = arith.constant 0 : i32
    %sign3A_9 = arith.cmpi slt, %sub3A_5, %sign3A_8 : i32
    %sign3A_10 = arith.extui %sign3A_9 : i1 to i32
    %sign3A_11 = arith.subi %sign3A_7, %sign3A_10 : i32
    %sign3A_12 = arith.constant 0 : i32
    %sign3A_13 = arith.cmpi sgt, %jit3A, %sign3A_12 : i32
    %sign3A_14 = arith.extui %sign3A_13 : i1 to i32
    %sign3A_15 = arith.constant 0 : i32
    %sign3A_16 = arith.cmpi slt, %jit3A, %sign3A_15 : i32
    %sign3A_17 = arith.extui %sign3A_16 : i1 to i32
    %sign3A_18 = arith.subi %sign3A_14, %sign3A_17 : i32
    %ne3A = arith.cmpi ne, %sign3A_11, %sign3A_18 : i32
    %rem3A = arith.remsi %sub3A_5, %jit3A : i32
    %ne3A_19 = arith.constant 0 : i32
    %ne3A_20 = arith.cmpi ne, %rem3A, %ne3A_19 : i32
    %and3A = arith.andi %ne3A, %ne3A_20 : i1
    %sub3A_21 = arith.constant 1 : i32
    %sub3A_22 = arith.subi %div3A, %sub3A_21 : i32
    %select_n3A = arith.select %and3A, %sub3A_22, %div3A : i32
    %scan3A = arith.constant 0 : i32
    %scan3A_23 = arith.constant 0 : i32
    %scan3A_24 = arith.constant 800 : i32
    %scan3A_25 = arith.addi %scan3A_23, %scan3A_24 : i32
    %scan3A_26 = arith.constant 1 : i32
    scf.for %scan3A_51 = %scan3A_23 to %scan3A_25 step %scan3A_26  : i32 {
      %broadcast_in_dim3A = arith.constant 0.000000e+00 : f32
      %broadcast_in_dim3A_52 = vector.broadcast %broadcast_in_dim3A : f32 to vector<16xf32>
      %mul3A_53 = arith.constant 16 : i32
      %mul3A_54 = arith.muli %scan3A_51, %mul3A_53 : i32
      %swap3A = arith.index_cast %mul3A_54 : i32 to index
      %swap3A_55 = tpu.vector_load %arg13[%swap3A] {strides = array<i32>} : memref<12800xf32, #tpu.memory_space<vmem>>, vector<16xf32>,
      %swap3A_56 = vector.shape_cast %swap3A_55 : vector<16xf32> to vector<16xf32>
      %swap3A_57 = vector.shape_cast %broadcast_in_dim3A_52 : vector<16xf32> to vector<16xf32>
      tpu.vector_store %arg13[%swap3A], %swap3A_57 {strides = array<i32>} : memref<12800xf32, #tpu.memory_space<vmem>>, vector<16xf32>,
    }
    %scan3A_27 = arith.constant 800 : i32
    %mul3A_28 = arith.constant 12800 : i32
    %mul3A_29 = arith.muli %arg1, %mul3A_28 : i32
    "tpu.region"() ({
      %run_scoped3A = tpu.sem_alloc : memref<!tpu.dma_semaphore, #tpu.memory_space<semaphore_mem>>
      %dma_start3A = tpu.memref_slice %arg6[%mul3A_29] : memref<204800xf32, #tpu.memory_space<vmem_shared>> -> memref<12800xf32, #tpu.memory_space<vmem_shared>>
      %dma_start3A_51 = tpu.memref_slice %arg6[%mul3A_29] : memref<204800xf32, #tpu.memory_space<vmem_shared>> -> memref<12800xf32, #tpu.memory_space<vmem_shared>>
      tpu.enqueue_dma source(%arg13 : memref<12800xf32, #tpu.memory_space<vmem>>) target(%dma_start3A_51 : memref<12800xf32, #tpu.memory_space<vmem_shared>>) target_semaphore(%run_scoped3A : memref<!tpu.dma_semaphore, #tpu.memory_space<semaphore_mem>>)
      %dma_wait3A = tpu.memref_slice %arg6[%mul3A_29] : memref<204800xf32, #tpu.memory_space<vmem_shared>> -> memref<12800xf32, #tpu.memory_space<vmem_shared>>
      %dma_wait3A_52 = tpu.memref_slice %arg6[%mul3A_29] : memref<204800xf32, #tpu.memory_space<vmem_shared>> -> memref<12800xf32, #tpu.memory_space<vmem_shared>>
      tpu.wait_dma2 semaphore(%run_scoped3A : memref<!tpu.dma_semaphore, #tpu.memory_space<semaphore_mem>>) src(%arg13 : memref<12800xf32, #tpu.memory_space<vmem>>) dst(%dma_wait3A_52 : memref<12800xf32, #tpu.memory_space<vmem_shared>>)
      tpu.yield
    }) : () -> ()
    %barrier3A = arith.constant 0 : index
    tpu.barrier barrier_id(%barrier3A)
    %mul3A_30 = arith.constant 3072 : i32
    %mul3A_31 = arith.muli %add3A, %mul3A_30 : i32
    "tpu.region"() ({
      %run_scoped3A = tpu.sem_alloc : memref<!tpu.dma_semaphore, #tpu.memory_space<semaphore_mem>>
      %dma_start3A = tpu.memref_slice %arg2[%mul3A_31] : memref<1600512xi32, #tpu.memory_space<hbm>> -> memref<3072xi32, #tpu.memory_space<hbm>>
      %dma_start3A_51 = tpu.memref_slice %arg2[%mul3A_31] : memref<1600512xi32, #tpu.memory_space<hbm>> -> memref<3072xi32, #tpu.memory_space<hbm>>
      tpu.enqueue_dma source(%dma_start3A_51 : memref<3072xi32, #tpu.memory_space<hbm>>) target(%arg7 : memref<3072xi32, #tpu.memory_space<vmem>>) target_semaphore(%run_scoped3A : memref<!tpu.dma_semaphore, #tpu.memory_space<semaphore_mem>>)
      %dma_wait3A = tpu.memref_slice %arg2[%mul3A_31] : memref<1600512xi32, #tpu.memory_space<hbm>> -> memref<3072xi32, #tpu.memory_space<hbm>>
      %dma_wait3A_52 = tpu.memref_slice %arg2[%mul3A_31] : memref<1600512xi32, #tpu.memory_space<hbm>> -> memref<3072xi32, #tpu.memory_space<hbm>>
      tpu.wait_dma2 semaphore(%run_scoped3A : memref<!tpu.dma_semaphore, #tpu.memory_space<semaphore_mem>>) src(%dma_wait3A_52 : memref<3072xi32, #tpu.memory_space<hbm>>) dst(%arg7 : memref<3072xi32, #tpu.memory_space<vmem>>)
      tpu.yield
    }) : () -> ()
    %mul3A_32 = arith.constant 3072 : i32
    %mul3A_33 = arith.muli %add3A, %mul3A_32 : i32
    "tpu.region"() ({
      %run_scoped3A = tpu.sem_alloc : memref<!tpu.dma_semaphore, #tpu.memory_space<semaphore_mem>>
      %dma_start3A = tpu.memref_slice %arg3[%mul3A_33] : memref<1600512xi32, #tpu.memory_space<hbm>> -> memref<3072xi32, #tpu.memory_space<hbm>>
      %dma_start3A_51 = tpu.memref_slice %arg3[%mul3A_33] : memref<1600512xi32, #tpu.memory_space<hbm>> -> memref<3072xi32, #tpu.memory_space<hbm>>
      tpu.enqueue_dma source(%dma_start3A_51 : memref<3072xi32, #tpu.memory_space<hbm>>) target(%arg8 : memref<3072xi32, #tpu.memory_space<vmem>>) target_semaphore(%run_scoped3A : memref<!tpu.dma_semaphore, #tpu.memory_space<semaphore_mem>>)
      %dma_wait3A = tpu.memref_slice %arg3[%mul3A_33] : memref<1600512xi32, #tpu.memory_space<hbm>> -> memref<3072xi32, #tpu.memory_space<hbm>>
      %dma_wait3A_52 = tpu.memref_slice %arg3[%mul3A_33] : memref<1600512xi32, #tpu.memory_space<hbm>> -> memref<3072xi32, #tpu.memory_space<hbm>>
      tpu.wait_dma2 semaphore(%run_scoped3A : memref<!tpu.dma_semaphore, #tpu.memory_space<semaphore_mem>>) src(%dma_wait3A_52 : memref<3072xi32, #tpu.memory_space<hbm>>) dst(%arg8 : memref<3072xi32, #tpu.memory_space<vmem>>)
      tpu.yield
    }) : () -> ()
    %while3A = arith.constant 0 : i32
    %while3A_34 = arith.constant 0 : i32
    %while3A_35 = arith.subi %select_n3A, %while3A_34 : i32
    %while3A_36 = arith.addi %while3A_34, %while3A_35 : i32
    %while3A_37 = arith.constant 1 : i32
    %while3A_38 = arith.divsi %while3A_35, %while3A_37 : i32
    %while3A_39 = arith.muli %while3A_38, %while3A_37 : i32
    %while3A_40 = arith.addi %while3A_34, %while3A_39 : i32
    %while3A_41 = arith.constant 1 : i32
    scf.for %while3A_51 = %while3A_34 to %while3A_40 step %while3A_41  : i32 {
      %mul3A_52 = arith.constant 32 : i32
      %mul3A_53 = arith.muli %while3A_51, %mul3A_52 : i32
      %add3A_54 = arith.addi %add3A, %mul3A_53 : i32
      %mul3A_55 = arith.constant 3072 : i32
      %mul3A_56 = arith.muli %add3A_54, %mul3A_55 : i32
      %gt3A = arith.constant 0 : i32
      %gt3A_57 = arith.cmpi sgt, %while3A_51, %gt3A : i32
      %convert_element_type3A = arith.extui %gt3A_57 : i1 to i32
      %cond3A = arith.constant 0 : i32
      %cond3A_58 = arith.cmpi ne, %convert_element_type3A, %cond3A : i32
      scf.if %cond3A_58 {
        %dma_wait3A_92 = tpu.memref_slice %arg2[%mul3A_56] : memref<1600512xi32, #tpu.memory_space<hbm>> -> memref<3072xi32, #tpu.memory_space<hbm>>
        %dma_wait3A_93 = tpu.memref_slice %arg2[%mul3A_56] : memref<1600512xi32, #tpu.memory_space<hbm>> -> memref<3072xi32, #tpu.memory_space<hbm>>
        tpu.wait_dma2 semaphore(%arg14 : memref<!tpu.dma_semaphore, #tpu.memory_space<semaphore_mem>>) src(%dma_wait3A_93 : memref<3072xi32, #tpu.memory_space<hbm>>) dst(%arg7 : memref<3072xi32, #tpu.memory_space<vmem>>)
        %dma_wait3A_94 = tpu.memref_slice %arg3[%mul3A_56] : memref<1600512xi32, #tpu.memory_space<hbm>> -> memref<3072xi32, #tpu.memory_space<hbm>>
        %dma_wait3A_95 = tpu.memref_slice %arg3[%mul3A_56] : memref<1600512xi32, #tpu.memory_space<hbm>> -> memref<3072xi32, #tpu.memory_space<hbm>>
        tpu.wait_dma2 semaphore(%arg14 : memref<!tpu.dma_semaphore, #tpu.memory_space<semaphore_mem>>) src(%dma_wait3A_95 : memref<3072xi32, #tpu.memory_space<hbm>>) dst(%arg8 : memref<3072xi32, #tpu.memory_space<vmem>>)
      } else {
      }
      %dma_start3A = tpu.memref_slice %arg4[%mul3A_56] : memref<1600512xf32, #tpu.memory_space<hbm>> -> memref<1536xf32, #tpu.memory_space<hbm>>
      %dma_start3A_59 = tpu.memref_slice %arg4[%mul3A_56] : memref<1600512xf32, #tpu.memory_space<hbm>> -> memref<1536xf32, #tpu.memory_space<hbm>>
      tpu.enqueue_dma source(%dma_start3A_59 : memref<1536xf32, #tpu.memory_space<hbm>>) target(%arg9 : memref<1536xf32, #tpu.memory_space<vmem>>) target_semaphore(%arg14 : memref<!tpu.dma_semaphore, #tpu.memory_space<semaphore_mem>>)
      %add3A_60 = arith.constant 1536 : i32
      %add3A_61 = arith.addi %mul3A_56, %add3A_60 : i32
      %dma_start3A_62 = tpu.memref_slice %arg4[%add3A_61] : memref<1600512xf32, #tpu.memory_space<hbm>> -> memref<1536xf32, #tpu.memory_space<hbm>>
      %dma_start3A_63 = tpu.memref_slice %arg4[%add3A_61] : memref<1600512xf32, #tpu.memory_space<hbm>> -> memref<1536xf32, #tpu.memory_space<hbm>>
      tpu.enqueue_dma source(%dma_start3A_63 : memref<1536xf32, #tpu.memory_space<hbm>>) target(%arg10 : memref<1536xf32, #tpu.memory_space<vmem>>) target_semaphore(%arg14 : memref<!tpu.dma_semaphore, #tpu.memory_space<semaphore_mem>>)
      %scan3A_64 = arith.constant 0 : i32
      %scan3A_65 = arith.constant 0 : i32
      %scan3A_66 = arith.constant 12 : i32
      %scan3A_67 = arith.addi %scan3A_65, %scan3A_66 : i32
      %scan3A_68 = arith.constant 1 : i32
      scf.for %scan3A_92 = %scan3A_65 to %scan3A_67 step %scan3A_68  : i32 {
        %mul3A_93 = arith.constant 128 : i32
        %mul3A_94 = arith.muli %scan3A_92, %mul3A_93 : i32
        %add3A_95 = arith.constant 0 : i32
        %add3A_96 = arith.addi %add3A_95, %mul3A_94 : i32
        %add3A_97 = arith.constant 0 : i32
        %add3A_98 = arith.addi %add3A_96, %add3A_97 : i32
        %get3A = arith.index_cast %add3A_98 : i32 to index
        %get3A_99 = tpu.vector_load %arg7[%get3A] {strides = array<i32>} : memref<3072xi32, #tpu.memory_space<vmem>>, vector<16xi32>,
        %get3A_100 = vector.shape_cast %get3A_99 : vector<16xi32> to vector<16xi32>
        %get3A_101 = arith.index_cast %add3A_98 : i32 to index
        %get3A_102 = tpu.vector_load %arg8[%get3A_101] {strides = array<i32>} : memref<3072xi32, #tpu.memory_space<vmem>>, vector<16xi32>,
        %get3A_103 = vector.shape_cast %get3A_102 : vector<16xi32> to vector<16xi32>
        %mul3A_104 = arith.constant 102400 : i32
        %mul3A_105 = vector.broadcast %mul3A_104 : i32 to vector<16xi32>
        %mul3A_106 = arith.muli %get3A_103, %mul3A_105 : vector<16xi32>
        %add3A_107 = arith.addi %get3A_100, %mul3A_106 : vector<16xi32>
        %mul3A_108 = arith.constant 128 : i32
        %mul3A_109 = arith.muli %scan3A_92, %mul3A_108 : i32
        %add3A_110 = arith.constant 0 : i32
        %add3A_111 = arith.addi %mul3A_109, %add3A_110 : i32
        %swap3A = arith.index_cast %add3A_111 : i32 to index
        %swap3A_112 = tpu.vector_load %arg11[%swap3A] {strides = array<i32>} : memref<1536xi32, #tpu.memory_space<vmem>>, vector<16xi32>,
        %swap3A_113 = vector.shape_cast %swap3A_112 : vector<16xi32> to vector<16xi32>
        %swap3A_114 = vector.shape_cast %add3A_107 : vector<16xi32> to vector<16xi32>
        tpu.vector_store %arg11[%swap3A], %swap3A_114 {strides = array<i32>} : memref<1536xi32, #tpu.memory_space<vmem>>, vector<16xi32>,
        %mul3A_115 = arith.constant 128 : i32
        %mul3A_116 = arith.muli %scan3A_92, %mul3A_115 : i32
        %add3A_117 = arith.constant 0 : i32
        %add3A_118 = arith.addi %add3A_117, %mul3A_116 : i32
        %add3A_119 = arith.constant 16 : i32
        %add3A_120 = arith.addi %add3A_118, %add3A_119 : i32
        %get3A_121 = arith.index_cast %add3A_120 : i32 to index
        %get3A_122 = tpu.vector_load %arg7[%get3A_121] {strides = array<i32>} : memref<3072xi32, #tpu.memory_space<vmem>>, vector<16xi32>,
        %get3A_123 = vector.shape_cast %get3A_122 : vector<16xi32> to vector<16xi32>
        %get3A_124 = arith.index_cast %add3A_120 : i32 to index
        %get3A_125 = tpu.vector_load %arg8[%get3A_124] {strides = array<i32>} : memref<3072xi32, #tpu.memory_space<vmem>>, vector<16xi32>,
        %get3A_126 = vector.shape_cast %get3A_125 : vector<16xi32> to vector<16xi32>
        %mul3A_127 = arith.constant 102400 : i32
        %mul3A_128 = vector.broadcast %mul3A_127 : i32 to vector<16xi32>
        %mul3A_129 = arith.muli %get3A_126, %mul3A_128 : vector<16xi32>
        %add3A_130 = arith.addi %get3A_123, %mul3A_129 : vector<16xi32>
        %mul3A_131 = arith.constant 128 : i32
        %mul3A_132 = arith.muli %scan3A_92, %mul3A_131 : i32
        %add3A_133 = arith.constant 16 : i32
        %add3A_134 = arith.addi %mul3A_132, %add3A_133 : i32
        %swap3A_135 = arith.index_cast %add3A_134 : i32 to index
        %swap3A_136 = tpu.vector_load %arg11[%swap3A_135] {strides = array<i32>} : memref<1536xi32, #tpu.memory_space<vmem>>, vector<16xi32>,
        %swap3A_137 = vector.shape_cast %swap3A_136 : vector<16xi32> to vector<16xi32>
        %swap3A_138 = vector.shape_cast %add3A_130 : vector<16xi32> to vector<16xi32>
        tpu.vector_store %arg11[%swap3A_135], %swap3A_138 {strides = array<i32>} : memref<1536xi32, #tpu.memory_space<vmem>>, vector<16xi32>,
        %mul3A_139 = arith.constant 128 : i32
        %mul3A_140 = arith.muli %scan3A_92, %mul3A_139 : i32
        %add3A_141 = arith.constant 0 : i32
        %add3A_142 = arith.addi %add3A_141, %mul3A_140 : i32
        %add3A_143 = arith.constant 32 : i32
        %add3A_144 = arith.addi %add3A_142, %add3A_143 : i32
        %get3A_145 = arith.index_cast %add3A_144 : i32 to index
        %get3A_146 = tpu.vector_load %arg7[%get3A_145] {strides = array<i32>} : memref<3072xi32, #tpu.memory_space<vmem>>, vector<16xi32>,
        %get3A_147 = vector.shape_cast %get3A_146 : vector<16xi32> to vector<16xi32>
        %get3A_148 = arith.index_cast %add3A_144 : i32 to index
        %get3A_149 = tpu.vector_load %arg8[%get3A_148] {strides = array<i32>} : memref<3072xi32, #tpu.memory_space<vmem>>, vector<16xi32>,
        %get3A_150 = vector.shape_cast %get3A_149 : vector<16xi32> to vector<16xi32>
        %mul3A_151 = arith.constant 102400 : i32
        %mul3A_152 = vector.broadcast %mul3A_151 : i32 to vector<16xi32>
        %mul3A_153 = arith.muli %get3A_150, %mul3A_152 : vector<16xi32>
        %add3A_154 = arith.addi %get3A_147, %mul3A_153 : vector<16xi32>
        %mul3A_155 = arith.constant 128 : i32
        %mul3A_156 = arith.muli %scan3A_92, %mul3A_155 : i32
        %add3A_157 = arith.constant 32 : i32
        %add3A_158 = arith.addi %mul3A_156, %add3A_157 : i32
        %swap3A_159 = arith.index_cast %add3A_158 : i32 to index
        %swap3A_160 = tpu.vector_load %arg11[%swap3A_159] {strides = array<i32>} : memref<1536xi32, #tpu.memory_space<vmem>>, vector<16xi32>,
        %swap3A_161 = vector.shape_cast %swap3A_160 : vector<16xi32> to vector<16xi32>
        %swap3A_162 = vector.shape_cast %add3A_154 : vector<16xi32> to vector<16xi32>
        tpu.vector_store %arg11[%swap3A_159], %swap3A_162 {strides = array<i32>} : memref<1536xi32, #tpu.memory_space<vmem>>, vector<16xi32>,
        %mul3A_163 = arith.constant 128 : i32
        %mul3A_164 = arith.muli %scan3A_92, %mul3A_163 : i32
        %add3A_165 = arith.constant 0 : i32
        %add3A_166 = arith.addi %add3A_165, %mul3A_164 : i32
        %add3A_167 = arith.constant 48 : i32
        %add3A_168 = arith.addi %add3A_166, %add3A_167 : i32
        %get3A_169 = arith.index_cast %add3A_168 : i32 to index
        %get3A_170 = tpu.vector_load %arg7[%get3A_169] {strides = array<i32>} : memref<3072xi32, #tpu.memory_space<vmem>>, vector<16xi32>,
        %get3A_171 = vector.shape_cast %get3A_170 : vector<16xi32> to vector<16xi32>
        %get3A_172 = arith.index_cast %add3A_168 : i32 to index
        %get3A_173 = tpu.vector_load %arg8[%get3A_172] {strides = array<i32>} : memref<3072xi32, #tpu.memory_space<vmem>>, vector<16xi32>,
        %get3A_174 = vector.shape_cast %get3A_173 : vector<16xi32> to vector<16xi32>
        %mul3A_175 = arith.constant 102400 : i32
        %mul3A_176 = vector.broadcast %mul3A_175 : i32 to vector<16xi32>
        %mul3A_177 = arith.muli %get3A_174, %mul3A_176 : vector<16xi32>
        %add3A_178 = arith.addi %get3A_171, %mul3A_177 : vector<16xi32>
        %mul3A_179 = arith.constant 128 : i32
        %mul3A_180 = arith.muli %scan3A_92, %mul3A_179 : i32
        %add3A_181 = arith.constant 48 : i32
        %add3A_182 = arith.addi %mul3A_180, %add3A_181 : i32
        %swap3A_183 = arith.index_cast %add3A_182 : i32 to index
        %swap3A_184 = tpu.vector_load %arg11[%swap3A_183] {strides = array<i32>} : memref<1536xi32, #tpu.memory_space<vmem>>, vector<16xi32>,
        %swap3A_185 = vector.shape_cast %swap3A_184 : vector<16xi32> to vector<16xi32>
        %swap3A_186 = vector.shape_cast %add3A_178 : vector<16xi32> to vector<16xi32>
        tpu.vector_store %arg11[%swap3A_183], %swap3A_186 {strides = array<i32>} : memref<1536xi32, #tpu.memory_space<vmem>>, vector<16xi32>,
        %mul3A_187 = arith.constant 128 : i32
        %mul3A_188 = arith.muli %scan3A_92, %mul3A_187 : i32
        %add3A_189 = arith.constant 0 : i32
        %add3A_190 = arith.addi %add3A_189, %mul3A_188 : i32
        %add3A_191 = arith.constant 64 : i32
        %add3A_192 = arith.addi %add3A_190, %add3A_191 : i32
        %get3A_193 = arith.index_cast %add3A_192 : i32 to index
        %get3A_194 = tpu.vector_load %arg7[%get3A_193] {strides = array<i32>} : memref<3072xi32, #tpu.memory_space<vmem>>, vector<16xi32>,
        %get3A_195 = vector.shape_cast %get3A_194 : vector<16xi32> to vector<16xi32>
        %get3A_196 = arith.index_cast %add3A_192 : i32 to index
        %get3A_197 = tpu.vector_load %arg8[%get3A_196] {strides = array<i32>} : memref<3072xi32, #tpu.memory_space<vmem>>, vector<16xi32>,
        %get3A_198 = vector.shape_cast %get3A_197 : vector<16xi32> to vector<16xi32>
        %mul3A_199 = arith.constant 102400 : i32
        %mul3A_200 = vector.broadcast %mul3A_199 : i32 to vector<16xi32>
        %mul3A_201 = arith.muli %get3A_198, %mul3A_200 : vector<16xi32>
        %add3A_202 = arith.addi %get3A_195, %mul3A_201 : vector<16xi32>
        %mul3A_203 = arith.constant 128 : i32
        %mul3A_204 = arith.muli %scan3A_92, %mul3A_203 : i32
        %add3A_205 = arith.constant 64 : i32
        %add3A_206 = arith.addi %mul3A_204, %add3A_205 : i32
        %swap3A_207 = arith.index_cast %add3A_206 : i32 to index
        %swap3A_208 = tpu.vector_load %arg11[%swap3A_207] {strides = array<i32>} : memref<1536xi32, #tpu.memory_space<vmem>>, vector<16xi32>,
        %swap3A_209 = vector.shape_cast %swap3A_208 : vector<16xi32> to vector<16xi32>
        %swap3A_210 = vector.shape_cast %add3A_202 : vector<16xi32> to vector<16xi32>
        tpu.vector_store %arg11[%swap3A_207], %swap3A_210 {strides = array<i32>} : memref<1536xi32, #tpu.memory_space<vmem>>, vector<16xi32>,
        %mul3A_211 = arith.constant 128 : i32
        %mul3A_212 = arith.muli %scan3A_92, %mul3A_211 : i32
        %add3A_213 = arith.constant 0 : i32
        %add3A_214 = arith.addi %add3A_213, %mul3A_212 : i32
        %add3A_215 = arith.constant 80 : i32
        %add3A_216 = arith.addi %add3A_214, %add3A_215 : i32
        %get3A_217 = arith.index_cast %add3A_216 : i32 to index
        %get3A_218 = tpu.vector_load %arg7[%get3A_217] {strides = array<i32>} : memref<3072xi32, #tpu.memory_space<vmem>>, vector<16xi32>,
        %get3A_219 = vector.shape_cast %get3A_218 : vector<16xi32> to vector<16xi32>
        %get3A_220 = arith.index_cast %add3A_216 : i32 to index
        %get3A_221 = tpu.vector_load %arg8[%get3A_220] {strides = array<i32>} : memref<3072xi32, #tpu.memory_space<vmem>>, vector<16xi32>,
        %get3A_222 = vector.shape_cast %get3A_221 : vector<16xi32> to vector<16xi32>
        %mul3A_223 = arith.constant 102400 : i32
        %mul3A_224 = vector.broadcast %mul3A_223 : i32 to vector<16xi32>
        %mul3A_225 = arith.muli %get3A_222, %mul3A_224 : vector<16xi32>
        %add3A_226 = arith.addi %get3A_219, %mul3A_225 : vector<16xi32>
        %mul3A_227 = arith.constant 128 : i32
        %mul3A_228 = arith.muli %scan3A_92, %mul3A_227 : i32
        %add3A_229 = arith.constant 80 : i32
        %add3A_230 = arith.addi %mul3A_228, %add3A_229 : i32
        %swap3A_231 = arith.index_cast %add3A_230 : i32 to index
        %swap3A_232 = tpu.vector_load %arg11[%swap3A_231] {strides = array<i32>} : memref<1536xi32, #tpu.memory_space<vmem>>, vector<16xi32>,
        %swap3A_233 = vector.shape_cast %swap3A_232 : vector<16xi32> to vector<16xi32>
        %swap3A_234 = vector.shape_cast %add3A_226 : vector<16xi32> to vector<16xi32>
        tpu.vector_store %arg11[%swap3A_231], %swap3A_234 {strides = array<i32>} : memref<1536xi32, #tpu.memory_space<vmem>>, vector<16xi32>,
        %mul3A_235 = arith.constant 128 : i32
        %mul3A_236 = arith.muli %scan3A_92, %mul3A_235 : i32
        %add3A_237 = arith.constant 0 : i32
        %add3A_238 = arith.addi %add3A_237, %mul3A_236 : i32
        %add3A_239 = arith.constant 96 : i32
        %add3A_240 = arith.addi %add3A_238, %add3A_239 : i32
        %get3A_241 = arith.index_cast %add3A_240 : i32 to index
        %get3A_242 = tpu.vector_load %arg7[%get3A_241] {strides = array<i32>} : memref<3072xi32, #tpu.memory_space<vmem>>, vector<16xi32>,
        %get3A_243 = vector.shape_cast %get3A_242 : vector<16xi32> to vector<16xi32>
        %get3A_244 = arith.index_cast %add3A_240 : i32 to index
        %get3A_245 = tpu.vector_load %arg8[%get3A_244] {strides = array<i32>} : memref<3072xi32, #tpu.memory_space<vmem>>, vector<16xi32>,
        %get3A_246 = vector.shape_cast %get3A_245 : vector<16xi32> to vector<16xi32>
        %mul3A_247 = arith.constant 102400 : i32
        %mul3A_248 = vector.broadcast %mul3A_247 : i32 to vector<16xi32>
        %mul3A_249 = arith.muli %get3A_246, %mul3A_248 : vector<16xi32>
        %add3A_250 = arith.addi %get3A_243, %mul3A_249 : vector<16xi32>
        %mul3A_251 = arith.constant 128 : i32
        %mul3A_252 = arith.muli %scan3A_92, %mul3A_251 : i32
        %add3A_253 = arith.constant 96 : i32
        %add3A_254 = arith.addi %mul3A_252, %add3A_253 : i32
        %swap3A_255 = arith.index_cast %add3A_254 : i32 to index
        %swap3A_256 = tpu.vector_load %arg11[%swap3A_255] {strides = array<i32>} : memref<1536xi32, #tpu.memory_space<vmem>>, vector<16xi32>,
        %swap3A_257 = vector.shape_cast %swap3A_256 : vector<16xi32> to vector<16xi32>
        %swap3A_258 = vector.shape_cast %add3A_250 : vector<16xi32> to vector<16xi32>
        tpu.vector_store %arg11[%swap3A_255], %swap3A_258 {strides = array<i32>} : memref<1536xi32, #tpu.memory_space<vmem>>, vector<16xi32>,
        %mul3A_259 = arith.constant 128 : i32
        %mul3A_260 = arith.muli %scan3A_92, %mul3A_259 : i32
        %add3A_261 = arith.constant 0 : i32
        %add3A_262 = arith.addi %add3A_261, %mul3A_260 : i32
        %add3A_263 = arith.constant 112 : i32
        %add3A_264 = arith.addi %add3A_262, %add3A_263 : i32
        %get3A_265 = arith.index_cast %add3A_264 : i32 to index
        %get3A_266 = tpu.vector_load %arg7[%get3A_265] {strides = array<i32>} : memref<3072xi32, #tpu.memory_space<vmem>>, vector<16xi32>,
        %get3A_267 = vector.shape_cast %get3A_266 : vector<16xi32> to vector<16xi32>
        %get3A_268 = arith.index_cast %add3A_264 : i32 to index
        %get3A_269 = tpu.vector_load %arg8[%get3A_268] {strides = array<i32>} : memref<3072xi32, #tpu.memory_space<vmem>>, vector<16xi32>,
        %get3A_270 = vector.shape_cast %get3A_269 : vector<16xi32> to vector<16xi32>
        %mul3A_271 = arith.constant 102400 : i32
        %mul3A_272 = vector.broadcast %mul3A_271 : i32 to vector<16xi32>
        %mul3A_273 = arith.muli %get3A_270, %mul3A_272 : vector<16xi32>
        %add3A_274 = arith.addi %get3A_267, %mul3A_273 : vector<16xi32>
        %mul3A_275 = arith.constant 128 : i32
        %mul3A_276 = arith.muli %scan3A_92, %mul3A_275 : i32
        %add3A_277 = arith.constant 112 : i32
        %add3A_278 = arith.addi %mul3A_276, %add3A_277 : i32
        %swap3A_279 = arith.index_cast %add3A_278 : i32 to index
        %swap3A_280 = tpu.vector_load %arg11[%swap3A_279] {strides = array<i32>} : memref<1536xi32, #tpu.memory_space<vmem>>, vector<16xi32>,
        %swap3A_281 = vector.shape_cast %swap3A_280 : vector<16xi32> to vector<16xi32>
        %swap3A_282 = vector.shape_cast %add3A_274 : vector<16xi32> to vector<16xi32>
        tpu.vector_store %arg11[%swap3A_279], %swap3A_282 {strides = array<i32>} : memref<1536xi32, #tpu.memory_space<vmem>>, vector<16xi32>,
      }
      %scan3A_69 = arith.constant 12 : i32
      %dma_wait3A = tpu.memref_slice %arg4[%mul3A_56] : memref<1600512xf32, #tpu.memory_space<hbm>> -> memref<1536xf32, #tpu.memory_space<hbm>>
      %dma_wait3A_70 = tpu.memref_slice %arg4[%mul3A_56] : memref<1600512xf32, #tpu.memory_space<hbm>> -> memref<1536xf32, #tpu.memory_space<hbm>>
      tpu.wait_dma2 semaphore(%arg14 : memref<!tpu.dma_semaphore, #tpu.memory_space<semaphore_mem>>) src(%dma_wait3A_70 : memref<1536xf32, #tpu.memory_space<hbm>>) dst(%arg9 : memref<1536xf32, #tpu.memory_space<vmem>>)
      %dma_wait3A_71 = tpu.memref_slice %arg4[%add3A_61] : memref<1600512xf32, #tpu.memory_space<hbm>> -> memref<1536xf32, #tpu.memory_space<hbm>>
      %dma_wait3A_72 = tpu.memref_slice %arg4[%add3A_61] : memref<1600512xf32, #tpu.memory_space<hbm>> -> memref<1536xf32, #tpu.memory_space<hbm>>
      tpu.wait_dma2 semaphore(%arg14 : memref<!tpu.dma_semaphore, #tpu.memory_space<semaphore_mem>>) src(%dma_wait3A_72 : memref<1536xf32, #tpu.memory_space<hbm>>) dst(%arg10 : memref<1536xf32, #tpu.memory_space<vmem>>)
      %dma_start3A_73 = arith.constant 0 : i32
      %dma_start3A_74 = tpu.memref_slice %arg6[%dma_start3A_73] : memref<204800xf32, #tpu.memory_space<vmem_shared>> -> memref<204800xf32, #tpu.memory_space<vmem_shared>>
      tpu.enqueue_indirect_dma source(%arg9 : memref<1536xf32, #tpu.memory_space<vmem>>) target(%dma_start3A_74 : memref<204800xf32, #tpu.memory_space<vmem_shared>>) offsets(%arg11 : memref<1536xi32, #tpu.memory_space<vmem>>) semaphore(%arg15 : memref<!tpu.dma_semaphore, #tpu.memory_space<semaphore_mem>>) {add = true}
      %scan3A_75 = arith.constant 0 : i32
      %scan3A_76 = arith.constant 0 : i32
      %scan3A_77 = arith.constant 12 : i32
      %scan3A_78 = arith.addi %scan3A_76, %scan3A_77 : i32
      %scan3A_79 = arith.constant 1 : i32
      scf.for %scan3A_92 = %scan3A_76 to %scan3A_78 step %scan3A_79  : i32 {
        %mul3A_93 = arith.constant 128 : i32
        %mul3A_94 = arith.muli %scan3A_92, %mul3A_93 : i32
        %add3A_95 = arith.constant 1536 : i32
        %add3A_96 = arith.addi %add3A_95, %mul3A_94 : i32
        %add3A_97 = arith.constant 0 : i32
        %add3A_98 = arith.addi %add3A_96, %add3A_97 : i32
        %get3A = arith.index_cast %add3A_98 : i32 to index
        %get3A_99 = tpu.vector_load %arg7[%get3A] {strides = array<i32>} : memref<3072xi32, #tpu.memory_space<vmem>>, vector<16xi32>,
        %get3A_100 = vector.shape_cast %get3A_99 : vector<16xi32> to vector<16xi32>
        %get3A_101 = arith.index_cast %add3A_98 : i32 to index
        %get3A_102 = tpu.vector_load %arg8[%get3A_101] {strides = array<i32>} : memref<3072xi32, #tpu.memory_space<vmem>>, vector<16xi32>,
        %get3A_103 = vector.shape_cast %get3A_102 : vector<16xi32> to vector<16xi32>
        %mul3A_104 = arith.constant 102400 : i32
        %mul3A_105 = vector.broadcast %mul3A_104 : i32 to vector<16xi32>
        %mul3A_106 = arith.muli %get3A_103, %mul3A_105 : vector<16xi32>
        %add3A_107 = arith.addi %get3A_100, %mul3A_106 : vector<16xi32>
        %mul3A_108 = arith.constant 128 : i32
        %mul3A_109 = arith.muli %scan3A_92, %mul3A_108 : i32
        %add3A_110 = arith.constant 0 : i32
        %add3A_111 = arith.addi %mul3A_109, %add3A_110 : i32
        %swap3A = arith.index_cast %add3A_111 : i32 to index
        %swap3A_112 = tpu.vector_load %arg12[%swap3A] {strides = array<i32>} : memref<1536xi32, #tpu.memory_space<vmem>>, vector<16xi32>,
        %swap3A_113 = vector.shape_cast %swap3A_112 : vector<16xi32> to vector<16xi32>
        %swap3A_114 = vector.shape_cast %add3A_107 : vector<16xi32> to vector<16xi32>
        tpu.vector_store %arg12[%swap3A], %swap3A_114 {strides = array<i32>} : memref<1536xi32, #tpu.memory_space<vmem>>, vector<16xi32>,
        %mul3A_115 = arith.constant 128 : i32
        %mul3A_116 = arith.muli %scan3A_92, %mul3A_115 : i32
        %add3A_117 = arith.constant 1536 : i32
        %add3A_118 = arith.addi %add3A_117, %mul3A_116 : i32
        %add3A_119 = arith.constant 16 : i32
        %add3A_120 = arith.addi %add3A_118, %add3A_119 : i32
        %get3A_121 = arith.index_cast %add3A_120 : i32 to index
        %get3A_122 = tpu.vector_load %arg7[%get3A_121] {strides = array<i32>} : memref<3072xi32, #tpu.memory_space<vmem>>, vector<16xi32>,
        %get3A_123 = vector.shape_cast %get3A_122 : vector<16xi32> to vector<16xi32>
        %get3A_124 = arith.index_cast %add3A_120 : i32 to index
        %get3A_125 = tpu.vector_load %arg8[%get3A_124] {strides = array<i32>} : memref<3072xi32, #tpu.memory_space<vmem>>, vector<16xi32>,
        %get3A_126 = vector.shape_cast %get3A_125 : vector<16xi32> to vector<16xi32>
        %mul3A_127 = arith.constant 102400 : i32
        %mul3A_128 = vector.broadcast %mul3A_127 : i32 to vector<16xi32>
        %mul3A_129 = arith.muli %get3A_126, %mul3A_128 : vector<16xi32>
        %add3A_130 = arith.addi %get3A_123, %mul3A_129 : vector<16xi32>
        %mul3A_131 = arith.constant 128 : i32
        %mul3A_132 = arith.muli %scan3A_92, %mul3A_131 : i32
        %add3A_133 = arith.constant 16 : i32
        %add3A_134 = arith.addi %mul3A_132, %add3A_133 : i32
        %swap3A_135 = arith.index_cast %add3A_134 : i32 to index
        %swap3A_136 = tpu.vector_load %arg12[%swap3A_135] {strides = array<i32>} : memref<1536xi32, #tpu.memory_space<vmem>>, vector<16xi32>,
        %swap3A_137 = vector.shape_cast %swap3A_136 : vector<16xi32> to vector<16xi32>
        %swap3A_138 = vector.shape_cast %add3A_130 : vector<16xi32> to vector<16xi32>
        tpu.vector_store %arg12[%swap3A_135], %swap3A_138 {strides = array<i32>} : memref<1536xi32, #tpu.memory_space<vmem>>, vector<16xi32>,
        %mul3A_139 = arith.constant 128 : i32
        %mul3A_140 = arith.muli %scan3A_92, %mul3A_139 : i32
        %add3A_141 = arith.constant 1536 : i32
        %add3A_142 = arith.addi %add3A_141, %mul3A_140 : i32
        %add3A_143 = arith.constant 32 : i32
        %add3A_144 = arith.addi %add3A_142, %add3A_143 : i32
        %get3A_145 = arith.index_cast %add3A_144 : i32 to index
        %get3A_146 = tpu.vector_load %arg7[%get3A_145] {strides = array<i32>} : memref<3072xi32, #tpu.memory_space<vmem>>, vector<16xi32>,
        %get3A_147 = vector.shape_cast %get3A_146 : vector<16xi32> to vector<16xi32>
        %get3A_148 = arith.index_cast %add3A_144 : i32 to index
        %get3A_149 = tpu.vector_load %arg8[%get3A_148] {strides = array<i32>} : memref<3072xi32, #tpu.memory_space<vmem>>, vector<16xi32>,
        %get3A_150 = vector.shape_cast %get3A_149 : vector<16xi32> to vector<16xi32>
        %mul3A_151 = arith.constant 102400 : i32
        %mul3A_152 = vector.broadcast %mul3A_151 : i32 to vector<16xi32>
        %mul3A_153 = arith.muli %get3A_150, %mul3A_152 : vector<16xi32>
        %add3A_154 = arith.addi %get3A_147, %mul3A_153 : vector<16xi32>
        %mul3A_155 = arith.constant 128 : i32
        %mul3A_156 = arith.muli %scan3A_92, %mul3A_155 : i32
        %add3A_157 = arith.constant 32 : i32
        %add3A_158 = arith.addi %mul3A_156, %add3A_157 : i32
        %swap3A_159 = arith.index_cast %add3A_158 : i32 to index
        %swap3A_160 = tpu.vector_load %arg12[%swap3A_159] {strides = array<i32>} : memref<1536xi32, #tpu.memory_space<vmem>>, vector<16xi32>,
        %swap3A_161 = vector.shape_cast %swap3A_160 : vector<16xi32> to vector<16xi32>
        %swap3A_162 = vector.shape_cast %add3A_154 : vector<16xi32> to vector<16xi32>
        tpu.vector_store %arg12[%swap3A_159], %swap3A_162 {strides = array<i32>} : memref<1536xi32, #tpu.memory_space<vmem>>, vector<16xi32>,
        %mul3A_163 = arith.constant 128 : i32
        %mul3A_164 = arith.muli %scan3A_92, %mul3A_163 : i32
        %add3A_165 = arith.constant 1536 : i32
        %add3A_166 = arith.addi %add3A_165, %mul3A_164 : i32
        %add3A_167 = arith.constant 48 : i32
        %add3A_168 = arith.addi %add3A_166, %add3A_167 : i32
        %get3A_169 = arith.index_cast %add3A_168 : i32 to index
        %get3A_170 = tpu.vector_load %arg7[%get3A_169] {strides = array<i32>} : memref<3072xi32, #tpu.memory_space<vmem>>, vector<16xi32>,
        %get3A_171 = vector.shape_cast %get3A_170 : vector<16xi32> to vector<16xi32>
        %get3A_172 = arith.index_cast %add3A_168 : i32 to index
        %get3A_173 = tpu.vector_load %arg8[%get3A_172] {strides = array<i32>} : memref<3072xi32, #tpu.memory_space<vmem>>, vector<16xi32>,
        %get3A_174 = vector.shape_cast %get3A_173 : vector<16xi32> to vector<16xi32>
        %mul3A_175 = arith.constant 102400 : i32
        %mul3A_176 = vector.broadcast %mul3A_175 : i32 to vector<16xi32>
        %mul3A_177 = arith.muli %get3A_174, %mul3A_176 : vector<16xi32>
        %add3A_178 = arith.addi %get3A_171, %mul3A_177 : vector<16xi32>
        %mul3A_179 = arith.constant 128 : i32
        %mul3A_180 = arith.muli %scan3A_92, %mul3A_179 : i32
        %add3A_181 = arith.constant 48 : i32
        %add3A_182 = arith.addi %mul3A_180, %add3A_181 : i32
        %swap3A_183 = arith.index_cast %add3A_182 : i32 to index
        %swap3A_184 = tpu.vector_load %arg12[%swap3A_183] {strides = array<i32>} : memref<1536xi32, #tpu.memory_space<vmem>>, vector<16xi32>,
        %swap3A_185 = vector.shape_cast %swap3A_184 : vector<16xi32> to vector<16xi32>
        %swap3A_186 = vector.shape_cast %add3A_178 : vector<16xi32> to vector<16xi32>
        tpu.vector_store %arg12[%swap3A_183], %swap3A_186 {strides = array<i32>} : memref<1536xi32, #tpu.memory_space<vmem>>, vector<16xi32>,
        %mul3A_187 = arith.constant 128 : i32
        %mul3A_188 = arith.muli %scan3A_92, %mul3A_187 : i32
        %add3A_189 = arith.constant 1536 : i32
        %add3A_190 = arith.addi %add3A_189, %mul3A_188 : i32
        %add3A_191 = arith.constant 64 : i32
        %add3A_192 = arith.addi %add3A_190, %add3A_191 : i32
        %get3A_193 = arith.index_cast %add3A_192 : i32 to index
        %get3A_194 = tpu.vector_load %arg7[%get3A_193] {strides = array<i32>} : memref<3072xi32, #tpu.memory_space<vmem>>, vector<16xi32>,
        %get3A_195 = vector.shape_cast %get3A_194 : vector<16xi32> to vector<16xi32>
        %get3A_196 = arith.index_cast %add3A_192 : i32 to index
        %get3A_197 = tpu.vector_load %arg8[%get3A_196] {strides = array<i32>} : memref<3072xi32, #tpu.memory_space<vmem>>, vector<16xi32>,
        %get3A_198 = vector.shape_cast %get3A_197 : vector<16xi32> to vector<16xi32>
        %mul3A_199 = arith.constant 102400 : i32
        %mul3A_200 = vector.broadcast %mul3A_199 : i32 to vector<16xi32>
        %mul3A_201 = arith.muli %get3A_198, %mul3A_200 : vector<16xi32>
        %add3A_202 = arith.addi %get3A_195, %mul3A_201 : vector<16xi32>
        %mul3A_203 = arith.constant 128 : i32
        %mul3A_204 = arith.muli %scan3A_92, %mul3A_203 : i32
        %add3A_205 = arith.constant 64 : i32
        %add3A_206 = arith.addi %mul3A_204, %add3A_205 : i32
        %swap3A_207 = arith.index_cast %add3A_206 : i32 to index
        %swap3A_208 = tpu.vector_load %arg12[%swap3A_207] {strides = array<i32>} : memref<1536xi32, #tpu.memory_space<vmem>>, vector<16xi32>,
        %swap3A_209 = vector.shape_cast %swap3A_208 : vector<16xi32> to vector<16xi32>
        %swap3A_210 = vector.shape_cast %add3A_202 : vector<16xi32> to vector<16xi32>
        tpu.vector_store %arg12[%swap3A_207], %swap3A_210 {strides = array<i32>} : memref<1536xi32, #tpu.memory_space<vmem>>, vector<16xi32>,
        %mul3A_211 = arith.constant 128 : i32
        %mul3A_212 = arith.muli %scan3A_92, %mul3A_211 : i32
        %add3A_213 = arith.constant 1536 : i32
        %add3A_214 = arith.addi %add3A_213, %mul3A_212 : i32
        %add3A_215 = arith.constant 80 : i32
        %add3A_216 = arith.addi %add3A_214, %add3A_215 : i32
        %get3A_217 = arith.index_cast %add3A_216 : i32 to index
        %get3A_218 = tpu.vector_load %arg7[%get3A_217] {strides = array<i32>} : memref<3072xi32, #tpu.memory_space<vmem>>, vector<16xi32>,
        %get3A_219 = vector.shape_cast %get3A_218 : vector<16xi32> to vector<16xi32>
        %get3A_220 = arith.index_cast %add3A_216 : i32 to index
        %get3A_221 = tpu.vector_load %arg8[%get3A_220] {strides = array<i32>} : memref<3072xi32, #tpu.memory_space<vmem>>, vector<16xi32>,
        %get3A_222 = vector.shape_cast %get3A_221 : vector<16xi32> to vector<16xi32>
        %mul3A_223 = arith.constant 102400 : i32
        %mul3A_224 = vector.broadcast %mul3A_223 : i32 to vector<16xi32>
        %mul3A_225 = arith.muli %get3A_222, %mul3A_224 : vector<16xi32>
        %add3A_226 = arith.addi %get3A_219, %mul3A_225 : vector<16xi32>
        %mul3A_227 = arith.constant 128 : i32
        %mul3A_228 = arith.muli %scan3A_92, %mul3A_227 : i32
        %add3A_229 = arith.constant 80 : i32
        %add3A_230 = arith.addi %mul3A_228, %add3A_229 : i32
        %swap3A_231 = arith.index_cast %add3A_230 : i32 to index
        %swap3A_232 = tpu.vector_load %arg12[%swap3A_231] {strides = array<i32>} : memref<1536xi32, #tpu.memory_space<vmem>>, vector<16xi32>,
        %swap3A_233 = vector.shape_cast %swap3A_232 : vector<16xi32> to vector<16xi32>
        %swap3A_234 = vector.shape_cast %add3A_226 : vector<16xi32> to vector<16xi32>
        tpu.vector_store %arg12[%swap3A_231], %swap3A_234 {strides = array<i32>} : memref<1536xi32, #tpu.memory_space<vmem>>, vector<16xi32>,
        %mul3A_235 = arith.constant 128 : i32
        %mul3A_236 = arith.muli %scan3A_92, %mul3A_235 : i32
        %add3A_237 = arith.constant 1536 : i32
        %add3A_238 = arith.addi %add3A_237, %mul3A_236 : i32
        %add3A_239 = arith.constant 96 : i32
        %add3A_240 = arith.addi %add3A_238, %add3A_239 : i32
        %get3A_241 = arith.index_cast %add3A_240 : i32 to index
        %get3A_242 = tpu.vector_load %arg7[%get3A_241] {strides = array<i32>} : memref<3072xi32, #tpu.memory_space<vmem>>, vector<16xi32>,
        %get3A_243 = vector.shape_cast %get3A_242 : vector<16xi32> to vector<16xi32>
        %get3A_244 = arith.index_cast %add3A_240 : i32 to index
        %get3A_245 = tpu.vector_load %arg8[%get3A_244] {strides = array<i32>} : memref<3072xi32, #tpu.memory_space<vmem>>, vector<16xi32>,
        %get3A_246 = vector.shape_cast %get3A_245 : vector<16xi32> to vector<16xi32>
        %mul3A_247 = arith.constant 102400 : i32
        %mul3A_248 = vector.broadcast %mul3A_247 : i32 to vector<16xi32>
        %mul3A_249 = arith.muli %get3A_246, %mul3A_248 : vector<16xi32>
        %add3A_250 = arith.addi %get3A_243, %mul3A_249 : vector<16xi32>
        %mul3A_251 = arith.constant 128 : i32
        %mul3A_252 = arith.muli %scan3A_92, %mul3A_251 : i32
        %add3A_253 = arith.constant 96 : i32
        %add3A_254 = arith.addi %mul3A_252, %add3A_253 : i32
        %swap3A_255 = arith.index_cast %add3A_254 : i32 to index
        %swap3A_256 = tpu.vector_load %arg12[%swap3A_255] {strides = array<i32>} : memref<1536xi32, #tpu.memory_space<vmem>>, vector<16xi32>,
        %swap3A_257 = vector.shape_cast %swap3A_256 : vector<16xi32> to vector<16xi32>
        %swap3A_258 = vector.shape_cast %add3A_250 : vector<16xi32> to vector<16xi32>
        tpu.vector_store %arg12[%swap3A_255], %swap3A_258 {strides = array<i32>} : memref<1536xi32, #tpu.memory_space<vmem>>, vector<16xi32>,
        %mul3A_259 = arith.constant 128 : i32
        %mul3A_260 = arith.muli %scan3A_92, %mul3A_259 : i32
        %add3A_261 = arith.constant 1536 : i32
        %add3A_262 = arith.addi %add3A_261, %mul3A_260 : i32
        %add3A_263 = arith.constant 112 : i32
        %add3A_264 = arith.addi %add3A_262, %add3A_263 : i32
        %get3A_265 = arith.index_cast %add3A_264 : i32 to index
        %get3A_266 = tpu.vector_load %arg7[%get3A_265] {strides = array<i32>} : memref<3072xi32, #tpu.memory_space<vmem>>, vector<16xi32>,
        %get3A_267 = vector.shape_cast %get3A_266 : vector<16xi32> to vector<16xi32>
        %get3A_268 = arith.index_cast %add3A_264 : i32 to index
        %get3A_269 = tpu.vector_load %arg8[%get3A_268] {strides = array<i32>} : memref<3072xi32, #tpu.memory_space<vmem>>, vector<16xi32>,
        %get3A_270 = vector.shape_cast %get3A_269 : vector<16xi32> to vector<16xi32>
        %mul3A_271 = arith.constant 102400 : i32
        %mul3A_272 = vector.broadcast %mul3A_271 : i32 to vector<16xi32>
        %mul3A_273 = arith.muli %get3A_270, %mul3A_272 : vector<16xi32>
        %add3A_274 = arith.addi %get3A_267, %mul3A_273 : vector<16xi32>
        %mul3A_275 = arith.constant 128 : i32
        %mul3A_276 = arith.muli %scan3A_92, %mul3A_275 : i32
        %add3A_277 = arith.constant 112 : i32
        %add3A_278 = arith.addi %mul3A_276, %add3A_277 : i32
        %swap3A_279 = arith.index_cast %add3A_278 : i32 to index
        %swap3A_280 = tpu.vector_load %arg12[%swap3A_279] {strides = array<i32>} : memref<1536xi32, #tpu.memory_space<vmem>>, vector<16xi32>,
        %swap3A_281 = vector.shape_cast %swap3A_280 : vector<16xi32> to vector<16xi32>
        %swap3A_282 = vector.shape_cast %add3A_274 : vector<16xi32> to vector<16xi32>
        tpu.vector_store %arg12[%swap3A_279], %swap3A_282 {strides = array<i32>} : memref<1536xi32, #tpu.memory_space<vmem>>, vector<16xi32>,
      }
      %scan3A_80 = arith.constant 12 : i32
      %dma_start3A_81 = arith.constant 0 : i32
      %dma_start3A_82 = tpu.memref_slice %arg6[%dma_start3A_81] : memref<204800xf32, #tpu.memory_space<vmem_shared>> -> memref<204800xf32, #tpu.memory_space<vmem_shared>>
      tpu.enqueue_indirect_dma source(%arg10 : memref<1536xf32, #tpu.memory_space<vmem>>) target(%dma_start3A_82 : memref<204800xf32, #tpu.memory_space<vmem_shared>>) offsets(%arg12 : memref<1536xi32, #tpu.memory_space<vmem>>) semaphore(%arg15 : memref<!tpu.dma_semaphore, #tpu.memory_space<semaphore_mem>>) {add = true}
      %add3A_83 = arith.constant 1 : i32
      %add3A_84 = arith.addi %while3A_51, %add3A_83 : i32
      %lt3A = arith.cmpi slt, %add3A_84, %select_n3A : i32
      %convert_element_type3A_85 = arith.extui %lt3A : i1 to i32
      %cond3A_86 = arith.constant 0 : i32
      %cond3A_87 = arith.cmpi ne, %convert_element_type3A_85, %cond3A_86 : i32
      scf.if %cond3A_87 {
        %add3A_92 = arith.constant 1 : i32
        %add3A_93 = arith.addi %while3A_51, %add3A_92 : i32
        %mul3A_94 = arith.constant 32 : i32
        %mul3A_95 = arith.muli %add3A_93, %mul3A_94 : i32
        %add3A_96 = arith.addi %add3A, %mul3A_95 : i32
        %mul3A_97 = arith.constant 3072 : i32
        %mul3A_98 = arith.muli %add3A_96, %mul3A_97 : i32
        %dma_start3A_99 = tpu.memref_slice %arg2[%mul3A_98] : memref<1600512xi32, #tpu.memory_space<hbm>> -> memref<3072xi32, #tpu.memory_space<hbm>>
        %dma_start3A_100 = tpu.memref_slice %arg2[%mul3A_98] : memref<1600512xi32, #tpu.memory_space<hbm>> -> memref<3072xi32, #tpu.memory_space<hbm>>
        tpu.enqueue_dma source(%dma_start3A_100 : memref<3072xi32, #tpu.memory_space<hbm>>) target(%arg7 : memref<3072xi32, #tpu.memory_space<vmem>>) target_semaphore(%arg14 : memref<!tpu.dma_semaphore, #tpu.memory_space<semaphore_mem>>)
        %dma_start3A_101 = tpu.memref_slice %arg3[%mul3A_98] : memref<1600512xi32, #tpu.memory_space<hbm>> -> memref<3072xi32, #tpu.memory_space<hbm>>
        %dma_start3A_102 = tpu.memref_slice %arg3[%mul3A_98] : memref<1600512xi32, #tpu.memory_space<hbm>> -> memref<3072xi32, #tpu.memory_space<hbm>>
        tpu.enqueue_dma source(%dma_start3A_102 : memref<3072xi32, #tpu.memory_space<hbm>>) target(%arg8 : memref<3072xi32, #tpu.memory_space<vmem>>) target_semaphore(%arg14 : memref<!tpu.dma_semaphore, #tpu.memory_space<semaphore_mem>>)
      } else {
      }
      %dma_wait3A_88 = arith.constant 0 : i32
      %dma_wait3A_89 = tpu.memref_slice %arg6[%dma_wait3A_88] : memref<204800xf32, #tpu.memory_space<vmem_shared>> -> memref<204800xf32, #tpu.memory_space<vmem_shared>>
      tpu.wait_indirect_dma semaphore(%arg15 : memref<!tpu.dma_semaphore, #tpu.memory_space<semaphore_mem>>) src(%arg9 : memref<1536xf32, #tpu.memory_space<vmem>>) dst(%dma_wait3A_89 : memref<204800xf32, #tpu.memory_space<vmem_shared>>)
      %dma_wait3A_90 = arith.constant 0 : i32
      %dma_wait3A_91 = tpu.memref_slice %arg6[%dma_wait3A_90] : memref<204800xf32, #tpu.memory_space<vmem_shared>> -> memref<204800xf32, #tpu.memory_space<vmem_shared>>
      tpu.wait_indirect_dma semaphore(%arg15 : memref<!tpu.dma_semaphore, #tpu.memory_space<semaphore_mem>>) src(%arg10 : memref<1536xf32, #tpu.memory_space<vmem>>) dst(%dma_wait3A_91 : memref<204800xf32, #tpu.memory_space<vmem_shared>>)
    }
    %while3A_42 = arith.constant 1 : i32
    scf.for %while3A_51 = %while3A_40 to %while3A_36 step %while3A_42  : i32 {
      %mul3A_52 = arith.constant 32 : i32
      %mul3A_53 = arith.muli %while3A_51, %mul3A_52 : i32
      %add3A_54 = arith.addi %add3A, %mul3A_53 : i32
      %mul3A_55 = arith.constant 3072 : i32
      %mul3A_56 = arith.muli %add3A_54, %mul3A_55 : i32
      %gt3A = arith.constant 0 : i32
      %gt3A_57 = arith.cmpi sgt, %while3A_51, %gt3A : i32
      %convert_element_type3A = arith.extui %gt3A_57 : i1 to i32
      %cond3A = arith.constant 0 : i32
      %cond3A_58 = arith.cmpi ne, %convert_element_type3A, %cond3A : i32
      scf.if %cond3A_58 {
        %dma_wait3A_92 = tpu.memref_slice %arg2[%mul3A_56] : memref<1600512xi32, #tpu.memory_space<hbm>> -> memref<3072xi32, #tpu.memory_space<hbm>>
        %dma_wait3A_93 = tpu.memref_slice %arg2[%mul3A_56] : memref<1600512xi32, #tpu.memory_space<hbm>> -> memref<3072xi32, #tpu.memory_space<hbm>>
        tpu.wait_dma2 semaphore(%arg14 : memref<!tpu.dma_semaphore, #tpu.memory_space<semaphore_mem>>) src(%dma_wait3A_93 : memref<3072xi32, #tpu.memory_space<hbm>>) dst(%arg7 : memref<3072xi32, #tpu.memory_space<vmem>>)
        %dma_wait3A_94 = tpu.memref_slice %arg3[%mul3A_56] : memref<1600512xi32, #tpu.memory_space<hbm>> -> memref<3072xi32, #tpu.memory_space<hbm>>
        %dma_wait3A_95 = tpu.memref_slice %arg3[%mul3A_56] : memref<1600512xi32, #tpu.memory_space<hbm>> -> memref<3072xi32, #tpu.memory_space<hbm>>
        tpu.wait_dma2 semaphore(%arg14 : memref<!tpu.dma_semaphore, #tpu.memory_space<semaphore_mem>>) src(%dma_wait3A_95 : memref<3072xi32, #tpu.memory_space<hbm>>) dst(%arg8 : memref<3072xi32, #tpu.memory_space<vmem>>)
      } else {
      }
      %dma_start3A = tpu.memref_slice %arg4[%mul3A_56] : memref<1600512xf32, #tpu.memory_space<hbm>> -> memref<1536xf32, #tpu.memory_space<hbm>>
      %dma_start3A_59 = tpu.memref_slice %arg4[%mul3A_56] : memref<1600512xf32, #tpu.memory_space<hbm>> -> memref<1536xf32, #tpu.memory_space<hbm>>
      tpu.enqueue_dma source(%dma_start3A_59 : memref<1536xf32, #tpu.memory_space<hbm>>) target(%arg9 : memref<1536xf32, #tpu.memory_space<vmem>>) target_semaphore(%arg14 : memref<!tpu.dma_semaphore, #tpu.memory_space<semaphore_mem>>)
      %add3A_60 = arith.constant 1536 : i32
      %add3A_61 = arith.addi %mul3A_56, %add3A_60 : i32
      %dma_start3A_62 = tpu.memref_slice %arg4[%add3A_61] : memref<1600512xf32, #tpu.memory_space<hbm>> -> memref<1536xf32, #tpu.memory_space<hbm>>
      %dma_start3A_63 = tpu.memref_slice %arg4[%add3A_61] : memref<1600512xf32, #tpu.memory_space<hbm>> -> memref<1536xf32, #tpu.memory_space<hbm>>
      tpu.enqueue_dma source(%dma_start3A_63 : memref<1536xf32, #tpu.memory_space<hbm>>) target(%arg10 : memref<1536xf32, #tpu.memory_space<vmem>>) target_semaphore(%arg14 : memref<!tpu.dma_semaphore, #tpu.memory_space<semaphore_mem>>)
      %scan3A_64 = arith.constant 0 : i32
      %scan3A_65 = arith.constant 0 : i32
      %scan3A_66 = arith.constant 12 : i32
      %scan3A_67 = arith.addi %scan3A_65, %scan3A_66 : i32
      %scan3A_68 = arith.constant 1 : i32
      scf.for %scan3A_92 = %scan3A_65 to %scan3A_67 step %scan3A_68  : i32 {
        %mul3A_93 = arith.constant 128 : i32
        %mul3A_94 = arith.muli %scan3A_92, %mul3A_93 : i32
        %add3A_95 = arith.constant 0 : i32
        %add3A_96 = arith.addi %add3A_95, %mul3A_94 : i32
        %add3A_97 = arith.constant 0 : i32
        %add3A_98 = arith.addi %add3A_96, %add3A_97 : i32
        %get3A = arith.index_cast %add3A_98 : i32 to index
        %get3A_99 = tpu.vector_load %arg7[%get3A] {strides = array<i32>} : memref<3072xi32, #tpu.memory_space<vmem>>, vector<16xi32>,
        %get3A_100 = vector.shape_cast %get3A_99 : vector<16xi32> to vector<16xi32>
        %get3A_101 = arith.index_cast %add3A_98 : i32 to index
        %get3A_102 = tpu.vector_load %arg8[%get3A_101] {strides = array<i32>} : memref<3072xi32, #tpu.memory_space<vmem>>, vector<16xi32>,
        %get3A_103 = vector.shape_cast %get3A_102 : vector<16xi32> to vector<16xi32>
        %mul3A_104 = arith.constant 102400 : i32
        %mul3A_105 = vector.broadcast %mul3A_104 : i32 to vector<16xi32>
        %mul3A_106 = arith.muli %get3A_103, %mul3A_105 : vector<16xi32>
        %add3A_107 = arith.addi %get3A_100, %mul3A_106 : vector<16xi32>
        %mul3A_108 = arith.constant 128 : i32
        %mul3A_109 = arith.muli %scan3A_92, %mul3A_108 : i32
        %add3A_110 = arith.constant 0 : i32
        %add3A_111 = arith.addi %mul3A_109, %add3A_110 : i32
        %swap3A = arith.index_cast %add3A_111 : i32 to index
        %swap3A_112 = tpu.vector_load %arg11[%swap3A] {strides = array<i32>} : memref<1536xi32, #tpu.memory_space<vmem>>, vector<16xi32>,
        %swap3A_113 = vector.shape_cast %swap3A_112 : vector<16xi32> to vector<16xi32>
        %swap3A_114 = vector.shape_cast %add3A_107 : vector<16xi32> to vector<16xi32>
        tpu.vector_store %arg11[%swap3A], %swap3A_114 {strides = array<i32>} : memref<1536xi32, #tpu.memory_space<vmem>>, vector<16xi32>,
        %mul3A_115 = arith.constant 128 : i32
        %mul3A_116 = arith.muli %scan3A_92, %mul3A_115 : i32
        %add3A_117 = arith.constant 0 : i32
        %add3A_118 = arith.addi %add3A_117, %mul3A_116 : i32
        %add3A_119 = arith.constant 16 : i32
        %add3A_120 = arith.addi %add3A_118, %add3A_119 : i32
        %get3A_121 = arith.index_cast %add3A_120 : i32 to index
        %get3A_122 = tpu.vector_load %arg7[%get3A_121] {strides = array<i32>} : memref<3072xi32, #tpu.memory_space<vmem>>, vector<16xi32>,
        %get3A_123 = vector.shape_cast %get3A_122 : vector<16xi32> to vector<16xi32>
        %get3A_124 = arith.index_cast %add3A_120 : i32 to index
        %get3A_125 = tpu.vector_load %arg8[%get3A_124] {strides = array<i32>} : memref<3072xi32, #tpu.memory_space<vmem>>, vector<16xi32>,
        %get3A_126 = vector.shape_cast %get3A_125 : vector<16xi32> to vector<16xi32>
        %mul3A_127 = arith.constant 102400 : i32
        %mul3A_128 = vector.broadcast %mul3A_127 : i32 to vector<16xi32>
        %mul3A_129 = arith.muli %get3A_126, %mul3A_128 : vector<16xi32>
        %add3A_130 = arith.addi %get3A_123, %mul3A_129 : vector<16xi32>
        %mul3A_131 = arith.constant 128 : i32
        %mul3A_132 = arith.muli %scan3A_92, %mul3A_131 : i32
        %add3A_133 = arith.constant 16 : i32
        %add3A_134 = arith.addi %mul3A_132, %add3A_133 : i32
        %swap3A_135 = arith.index_cast %add3A_134 : i32 to index
        %swap3A_136 = tpu.vector_load %arg11[%swap3A_135] {strides = array<i32>} : memref<1536xi32, #tpu.memory_space<vmem>>, vector<16xi32>,
        %swap3A_137 = vector.shape_cast %swap3A_136 : vector<16xi32> to vector<16xi32>
        %swap3A_138 = vector.shape_cast %add3A_130 : vector<16xi32> to vector<16xi32>
        tpu.vector_store %arg11[%swap3A_135], %swap3A_138 {strides = array<i32>} : memref<1536xi32, #tpu.memory_space<vmem>>, vector<16xi32>,
        %mul3A_139 = arith.constant 128 : i32
        %mul3A_140 = arith.muli %scan3A_92, %mul3A_139 : i32
        %add3A_141 = arith.constant 0 : i32
        %add3A_142 = arith.addi %add3A_141, %mul3A_140 : i32
        %add3A_143 = arith.constant 32 : i32
        %add3A_144 = arith.addi %add3A_142, %add3A_143 : i32
        %get3A_145 = arith.index_cast %add3A_144 : i32 to index
        %get3A_146 = tpu.vector_load %arg7[%get3A_145] {strides = array<i32>} : memref<3072xi32, #tpu.memory_space<vmem>>, vector<16xi32>,
        %get3A_147 = vector.shape_cast %get3A_146 : vector<16xi32> to vector<16xi32>
        %get3A_148 = arith.index_cast %add3A_144 : i32 to index
        %get3A_149 = tpu.vector_load %arg8[%get3A_148] {strides = array<i32>} : memref<3072xi32, #tpu.memory_space<vmem>>, vector<16xi32>,
        %get3A_150 = vector.shape_cast %get3A_149 : vector<16xi32> to vector<16xi32>
        %mul3A_151 = arith.constant 102400 : i32
        %mul3A_152 = vector.broadcast %mul3A_151 : i32 to vector<16xi32>
        %mul3A_153 = arith.muli %get3A_150, %mul3A_152 : vector<16xi32>
        %add3A_154 = arith.addi %get3A_147, %mul3A_153 : vector<16xi32>
        %mul3A_155 = arith.constant 128 : i32
        %mul3A_156 = arith.muli %scan3A_92, %mul3A_155 : i32
        %add3A_157 = arith.constant 32 : i32
        %add3A_158 = arith.addi %mul3A_156, %add3A_157 : i32
        %swap3A_159 = arith.index_cast %add3A_158 : i32 to index
        %swap3A_160 = tpu.vector_load %arg11[%swap3A_159] {strides = array<i32>} : memref<1536xi32, #tpu.memory_space<vmem>>, vector<16xi32>,
        %swap3A_161 = vector.shape_cast %swap3A_160 : vector<16xi32> to vector<16xi32>
        %swap3A_162 = vector.shape_cast %add3A_154 : vector<16xi32> to vector<16xi32>
        tpu.vector_store %arg11[%swap3A_159], %swap3A_162 {strides = array<i32>} : memref<1536xi32, #tpu.memory_space<vmem>>, vector<16xi32>,
        %mul3A_163 = arith.constant 128 : i32
        %mul3A_164 = arith.muli %scan3A_92, %mul3A_163 : i32
        %add3A_165 = arith.constant 0 : i32
        %add3A_166 = arith.addi %add3A_165, %mul3A_164 : i32
        %add3A_167 = arith.constant 48 : i32
        %add3A_168 = arith.addi %add3A_166, %add3A_167 : i32
        %get3A_169 = arith.index_cast %add3A_168 : i32 to index
        %get3A_170 = tpu.vector_load %arg7[%get3A_169] {strides = array<i32>} : memref<3072xi32, #tpu.memory_space<vmem>>, vector<16xi32>,
        %get3A_171 = vector.shape_cast %get3A_170 : vector<16xi32> to vector<16xi32>
        %get3A_172 = arith.index_cast %add3A_168 : i32 to index
        %get3A_173 = tpu.vector_load %arg8[%get3A_172] {strides = array<i32>} : memref<3072xi32, #tpu.memory_space<vmem>>, vector<16xi32>,
        %get3A_174 = vector.shape_cast %get3A_173 : vector<16xi32> to vector<16xi32>
        %mul3A_175 = arith.constant 102400 : i32
        %mul3A_176 = vector.broadcast %mul3A_175 : i32 to vector<16xi32>
        %mul3A_177 = arith.muli %get3A_174, %mul3A_176 : vector<16xi32>
        %add3A_178 = arith.addi %get3A_171, %mul3A_177 : vector<16xi32>
        %mul3A_179 = arith.constant 128 : i32
        %mul3A_180 = arith.muli %scan3A_92, %mul3A_179 : i32
        %add3A_181 = arith.constant 48 : i32
        %add3A_182 = arith.addi %mul3A_180, %add3A_181 : i32
        %swap3A_183 = arith.index_cast %add3A_182 : i32 to index
        %swap3A_184 = tpu.vector_load %arg11[%swap3A_183] {strides = array<i32>} : memref<1536xi32, #tpu.memory_space<vmem>>, vector<16xi32>,
        %swap3A_185 = vector.shape_cast %swap3A_184 : vector<16xi32> to vector<16xi32>
        %swap3A_186 = vector.shape_cast %add3A_178 : vector<16xi32> to vector<16xi32>
        tpu.vector_store %arg11[%swap3A_183], %swap3A_186 {strides = array<i32>} : memref<1536xi32, #tpu.memory_space<vmem>>, vector<16xi32>,
        %mul3A_187 = arith.constant 128 : i32
        %mul3A_188 = arith.muli %scan3A_92, %mul3A_187 : i32
        %add3A_189 = arith.constant 0 : i32
        %add3A_190 = arith.addi %add3A_189, %mul3A_188 : i32
        %add3A_191 = arith.constant 64 : i32
        %add3A_192 = arith.addi %add3A_190, %add3A_191 : i32
        %get3A_193 = arith.index_cast %add3A_192 : i32 to index
        %get3A_194 = tpu.vector_load %arg7[%get3A_193] {strides = array<i32>} : memref<3072xi32, #tpu.memory_space<vmem>>, vector<16xi32>,
        %get3A_195 = vector.shape_cast %get3A_194 : vector<16xi32> to vector<16xi32>
        %get3A_196 = arith.index_cast %add3A_192 : i32 to index
        %get3A_197 = tpu.vector_load %arg8[%get3A_196] {strides = array<i32>} : memref<3072xi32, #tpu.memory_space<vmem>>, vector<16xi32>,
        %get3A_198 = vector.shape_cast %get3A_197 : vector<16xi32> to vector<16xi32>
        %mul3A_199 = arith.constant 102400 : i32
        %mul3A_200 = vector.broadcast %mul3A_199 : i32 to vector<16xi32>
        %mul3A_201 = arith.muli %get3A_198, %mul3A_200 : vector<16xi32>
        %add3A_202 = arith.addi %get3A_195, %mul3A_201 : vector<16xi32>
        %mul3A_203 = arith.constant 128 : i32
        %mul3A_204 = arith.muli %scan3A_92, %mul3A_203 : i32
        %add3A_205 = arith.constant 64 : i32
        %add3A_206 = arith.addi %mul3A_204, %add3A_205 : i32
        %swap3A_207 = arith.index_cast %add3A_206 : i32 to index
        %swap3A_208 = tpu.vector_load %arg11[%swap3A_207] {strides = array<i32>} : memref<1536xi32, #tpu.memory_space<vmem>>, vector<16xi32>,
        %swap3A_209 = vector.shape_cast %swap3A_208 : vector<16xi32> to vector<16xi32>
        %swap3A_210 = vector.shape_cast %add3A_202 : vector<16xi32> to vector<16xi32>
        tpu.vector_store %arg11[%swap3A_207], %swap3A_210 {strides = array<i32>} : memref<1536xi32, #tpu.memory_space<vmem>>, vector<16xi32>,
        %mul3A_211 = arith.constant 128 : i32
        %mul3A_212 = arith.muli %scan3A_92, %mul3A_211 : i32
        %add3A_213 = arith.constant 0 : i32
        %add3A_214 = arith.addi %add3A_213, %mul3A_212 : i32
        %add3A_215 = arith.constant 80 : i32
        %add3A_216 = arith.addi %add3A_214, %add3A_215 : i32
        %get3A_217 = arith.index_cast %add3A_216 : i32 to index
        %get3A_218 = tpu.vector_load %arg7[%get3A_217] {strides = array<i32>} : memref<3072xi32, #tpu.memory_space<vmem>>, vector<16xi32>,
        %get3A_219 = vector.shape_cast %get3A_218 : vector<16xi32> to vector<16xi32>
        %get3A_220 = arith.index_cast %add3A_216 : i32 to index
        %get3A_221 = tpu.vector_load %arg8[%get3A_220] {strides = array<i32>} : memref<3072xi32, #tpu.memory_space<vmem>>, vector<16xi32>,
        %get3A_222 = vector.shape_cast %get3A_221 : vector<16xi32> to vector<16xi32>
        %mul3A_223 = arith.constant 102400 : i32
        %mul3A_224 = vector.broadcast %mul3A_223 : i32 to vector<16xi32>
        %mul3A_225 = arith.muli %get3A_222, %mul3A_224 : vector<16xi32>
        %add3A_226 = arith.addi %get3A_219, %mul3A_225 : vector<16xi32>
        %mul3A_227 = arith.constant 128 : i32
        %mul3A_228 = arith.muli %scan3A_92, %mul3A_227 : i32
        %add3A_229 = arith.constant 80 : i32
        %add3A_230 = arith.addi %mul3A_228, %add3A_229 : i32
        %swap3A_231 = arith.index_cast %add3A_230 : i32 to index
        %swap3A_232 = tpu.vector_load %arg11[%swap3A_231] {strides = array<i32>} : memref<1536xi32, #tpu.memory_space<vmem>>, vector<16xi32>,
        %swap3A_233 = vector.shape_cast %swap3A_232 : vector<16xi32> to vector<16xi32>
        %swap3A_234 = vector.shape_cast %add3A_226 : vector<16xi32> to vector<16xi32>
        tpu.vector_store %arg11[%swap3A_231], %swap3A_234 {strides = array<i32>} : memref<1536xi32, #tpu.memory_space<vmem>>, vector<16xi32>,
        %mul3A_235 = arith.constant 128 : i32
        %mul3A_236 = arith.muli %scan3A_92, %mul3A_235 : i32
        %add3A_237 = arith.constant 0 : i32
        %add3A_238 = arith.addi %add3A_237, %mul3A_236 : i32
        %add3A_239 = arith.constant 96 : i32
        %add3A_240 = arith.addi %add3A_238, %add3A_239 : i32
        %get3A_241 = arith.index_cast %add3A_240 : i32 to index
        %get3A_242 = tpu.vector_load %arg7[%get3A_241] {strides = array<i32>} : memref<3072xi32, #tpu.memory_space<vmem>>, vector<16xi32>,
        %get3A_243 = vector.shape_cast %get3A_242 : vector<16xi32> to vector<16xi32>
        %get3A_244 = arith.index_cast %add3A_240 : i32 to index
        %get3A_245 = tpu.vector_load %arg8[%get3A_244] {strides = array<i32>} : memref<3072xi32, #tpu.memory_space<vmem>>, vector<16xi32>,
        %get3A_246 = vector.shape_cast %get3A_245 : vector<16xi32> to vector<16xi32>
        %mul3A_247 = arith.constant 102400 : i32
        %mul3A_248 = vector.broadcast %mul3A_247 : i32 to vector<16xi32>
        %mul3A_249 = arith.muli %get3A_246, %mul3A_248 : vector<16xi32>
        %add3A_250 = arith.addi %get3A_243, %mul3A_249 : vector<16xi32>
        %mul3A_251 = arith.constant 128 : i32
        %mul3A_252 = arith.muli %scan3A_92, %mul3A_251 : i32
        %add3A_253 = arith.constant 96 : i32
        %add3A_254 = arith.addi %mul3A_252, %add3A_253 : i32
        %swap3A_255 = arith.index_cast %add3A_254 : i32 to index
        %swap3A_256 = tpu.vector_load %arg11[%swap3A_255] {strides = array<i32>} : memref<1536xi32, #tpu.memory_space<vmem>>, vector<16xi32>,
        %swap3A_257 = vector.shape_cast %swap3A_256 : vector<16xi32> to vector<16xi32>
        %swap3A_258 = vector.shape_cast %add3A_250 : vector<16xi32> to vector<16xi32>
        tpu.vector_store %arg11[%swap3A_255], %swap3A_258 {strides = array<i32>} : memref<1536xi32, #tpu.memory_space<vmem>>, vector<16xi32>,
        %mul3A_259 = arith.constant 128 : i32
        %mul3A_260 = arith.muli %scan3A_92, %mul3A_259 : i32
        %add3A_261 = arith.constant 0 : i32
        %add3A_262 = arith.addi %add3A_261, %mul3A_260 : i32
        %add3A_263 = arith.constant 112 : i32
        %add3A_264 = arith.addi %add3A_262, %add3A_263 : i32
        %get3A_265 = arith.index_cast %add3A_264 : i32 to index
        %get3A_266 = tpu.vector_load %arg7[%get3A_265] {strides = array<i32>} : memref<3072xi32, #tpu.memory_space<vmem>>, vector<16xi32>,
        %get3A_267 = vector.shape_cast %get3A_266 : vector<16xi32> to vector<16xi32>
        %get3A_268 = arith.index_cast %add3A_264 : i32 to index
        %get3A_269 = tpu.vector_load %arg8[%get3A_268] {strides = array<i32>} : memref<3072xi32, #tpu.memory_space<vmem>>, vector<16xi32>,
        %get3A_270 = vector.shape_cast %get3A_269 : vector<16xi32> to vector<16xi32>
        %mul3A_271 = arith.constant 102400 : i32
        %mul3A_272 = vector.broadcast %mul3A_271 : i32 to vector<16xi32>
        %mul3A_273 = arith.muli %get3A_270, %mul3A_272 : vector<16xi32>
        %add3A_274 = arith.addi %get3A_267, %mul3A_273 : vector<16xi32>
        %mul3A_275 = arith.constant 128 : i32
        %mul3A_276 = arith.muli %scan3A_92, %mul3A_275 : i32
        %add3A_277 = arith.constant 112 : i32
        %add3A_278 = arith.addi %mul3A_276, %add3A_277 : i32
        %swap3A_279 = arith.index_cast %add3A_278 : i32 to index
        %swap3A_280 = tpu.vector_load %arg11[%swap3A_279] {strides = array<i32>} : memref<1536xi32, #tpu.memory_space<vmem>>, vector<16xi32>,
        %swap3A_281 = vector.shape_cast %swap3A_280 : vector<16xi32> to vector<16xi32>
        %swap3A_282 = vector.shape_cast %add3A_274 : vector<16xi32> to vector<16xi32>
        tpu.vector_store %arg11[%swap3A_279], %swap3A_282 {strides = array<i32>} : memref<1536xi32, #tpu.memory_space<vmem>>, vector<16xi32>,
      }
      %scan3A_69 = arith.constant 12 : i32
      %dma_wait3A = tpu.memref_slice %arg4[%mul3A_56] : memref<1600512xf32, #tpu.memory_space<hbm>> -> memref<1536xf32, #tpu.memory_space<hbm>>
      %dma_wait3A_70 = tpu.memref_slice %arg4[%mul3A_56] : memref<1600512xf32, #tpu.memory_space<hbm>> -> memref<1536xf32, #tpu.memory_space<hbm>>
      tpu.wait_dma2 semaphore(%arg14 : memref<!tpu.dma_semaphore, #tpu.memory_space<semaphore_mem>>) src(%dma_wait3A_70 : memref<1536xf32, #tpu.memory_space<hbm>>) dst(%arg9 : memref<1536xf32, #tpu.memory_space<vmem>>)
      %dma_wait3A_71 = tpu.memref_slice %arg4[%add3A_61] : memref<1600512xf32, #tpu.memory_space<hbm>> -> memref<1536xf32, #tpu.memory_space<hbm>>
      %dma_wait3A_72 = tpu.memref_slice %arg4[%add3A_61] : memref<1600512xf32, #tpu.memory_space<hbm>> -> memref<1536xf32, #tpu.memory_space<hbm>>
      tpu.wait_dma2 semaphore(%arg14 : memref<!tpu.dma_semaphore, #tpu.memory_space<semaphore_mem>>) src(%dma_wait3A_72 : memref<1536xf32, #tpu.memory_space<hbm>>) dst(%arg10 : memref<1536xf32, #tpu.memory_space<vmem>>)
      %dma_start3A_73 = arith.constant 0 : i32
      %dma_start3A_74 = tpu.memref_slice %arg6[%dma_start3A_73] : memref<204800xf32, #tpu.memory_space<vmem_shared>> -> memref<204800xf32, #tpu.memory_space<vmem_shared>>
      tpu.enqueue_indirect_dma source(%arg9 : memref<1536xf32, #tpu.memory_space<vmem>>) target(%dma_start3A_74 : memref<204800xf32, #tpu.memory_space<vmem_shared>>) offsets(%arg11 : memref<1536xi32, #tpu.memory_space<vmem>>) semaphore(%arg15 : memref<!tpu.dma_semaphore, #tpu.memory_space<semaphore_mem>>) {add = true}
      %scan3A_75 = arith.constant 0 : i32
      %scan3A_76 = arith.constant 0 : i32
      %scan3A_77 = arith.constant 12 : i32
      %scan3A_78 = arith.addi %scan3A_76, %scan3A_77 : i32
      %scan3A_79 = arith.constant 1 : i32
      scf.for %scan3A_92 = %scan3A_76 to %scan3A_78 step %scan3A_79  : i32 {
        %mul3A_93 = arith.constant 128 : i32
        %mul3A_94 = arith.muli %scan3A_92, %mul3A_93 : i32
        %add3A_95 = arith.constant 1536 : i32
        %add3A_96 = arith.addi %add3A_95, %mul3A_94 : i32
        %add3A_97 = arith.constant 0 : i32
        %add3A_98 = arith.addi %add3A_96, %add3A_97 : i32
        %get3A = arith.index_cast %add3A_98 : i32 to index
        %get3A_99 = tpu.vector_load %arg7[%get3A] {strides = array<i32>} : memref<3072xi32, #tpu.memory_space<vmem>>, vector<16xi32>,
        %get3A_100 = vector.shape_cast %get3A_99 : vector<16xi32> to vector<16xi32>
        %get3A_101 = arith.index_cast %add3A_98 : i32 to index
        %get3A_102 = tpu.vector_load %arg8[%get3A_101] {strides = array<i32>} : memref<3072xi32, #tpu.memory_space<vmem>>, vector<16xi32>,
        %get3A_103 = vector.shape_cast %get3A_102 : vector<16xi32> to vector<16xi32>
        %mul3A_104 = arith.constant 102400 : i32
        %mul3A_105 = vector.broadcast %mul3A_104 : i32 to vector<16xi32>
        %mul3A_106 = arith.muli %get3A_103, %mul3A_105 : vector<16xi32>
        %add3A_107 = arith.addi %get3A_100, %mul3A_106 : vector<16xi32>
        %mul3A_108 = arith.constant 128 : i32
        %mul3A_109 = arith.muli %scan3A_92, %mul3A_108 : i32
        %add3A_110 = arith.constant 0 : i32
        %add3A_111 = arith.addi %mul3A_109, %add3A_110 : i32
        %swap3A = arith.index_cast %add3A_111 : i32 to index
        %swap3A_112 = tpu.vector_load %arg12[%swap3A] {strides = array<i32>} : memref<1536xi32, #tpu.memory_space<vmem>>, vector<16xi32>,
        %swap3A_113 = vector.shape_cast %swap3A_112 : vector<16xi32> to vector<16xi32>
        %swap3A_114 = vector.shape_cast %add3A_107 : vector<16xi32> to vector<16xi32>
        tpu.vector_store %arg12[%swap3A], %swap3A_114 {strides = array<i32>} : memref<1536xi32, #tpu.memory_space<vmem>>, vector<16xi32>,
        %mul3A_115 = arith.constant 128 : i32
        %mul3A_116 = arith.muli %scan3A_92, %mul3A_115 : i32
        %add3A_117 = arith.constant 1536 : i32
        %add3A_118 = arith.addi %add3A_117, %mul3A_116 : i32
        %add3A_119 = arith.constant 16 : i32
        %add3A_120 = arith.addi %add3A_118, %add3A_119 : i32
        %get3A_121 = arith.index_cast %add3A_120 : i32 to index
        %get3A_122 = tpu.vector_load %arg7[%get3A_121] {strides = array<i32>} : memref<3072xi32, #tpu.memory_space<vmem>>, vector<16xi32>,
        %get3A_123 = vector.shape_cast %get3A_122 : vector<16xi32> to vector<16xi32>
        %get3A_124 = arith.index_cast %add3A_120 : i32 to index
        %get3A_125 = tpu.vector_load %arg8[%get3A_124] {strides = array<i32>} : memref<3072xi32, #tpu.memory_space<vmem>>, vector<16xi32>,
        %get3A_126 = vector.shape_cast %get3A_125 : vector<16xi32> to vector<16xi32>
        %mul3A_127 = arith.constant 102400 : i32
        %mul3A_128 = vector.broadcast %mul3A_127 : i32 to vector<16xi32>
        %mul3A_129 = arith.muli %get3A_126, %mul3A_128 : vector<16xi32>
        %add3A_130 = arith.addi %get3A_123, %mul3A_129 : vector<16xi32>
        %mul3A_131 = arith.constant 128 : i32
        %mul3A_132 = arith.muli %scan3A_92, %mul3A_131 : i32
        %add3A_133 = arith.constant 16 : i32
        %add3A_134 = arith.addi %mul3A_132, %add3A_133 : i32
        %swap3A_135 = arith.index_cast %add3A_134 : i32 to index
        %swap3A_136 = tpu.vector_load %arg12[%swap3A_135] {strides = array<i32>} : memref<1536xi32, #tpu.memory_space<vmem>>, vector<16xi32>,
        %swap3A_137 = vector.shape_cast %swap3A_136 : vector<16xi32> to vector<16xi32>
        %swap3A_138 = vector.shape_cast %add3A_130 : vector<16xi32> to vector<16xi32>
        tpu.vector_store %arg12[%swap3A_135], %swap3A_138 {strides = array<i32>} : memref<1536xi32, #tpu.memory_space<vmem>>, vector<16xi32>,
        %mul3A_139 = arith.constant 128 : i32
        %mul3A_140 = arith.muli %scan3A_92, %mul3A_139 : i32
        %add3A_141 = arith.constant 1536 : i32
        %add3A_142 = arith.addi %add3A_141, %mul3A_140 : i32
        %add3A_143 = arith.constant 32 : i32
        %add3A_144 = arith.addi %add3A_142, %add3A_143 : i32
        %get3A_145 = arith.index_cast %add3A_144 : i32 to index
        %get3A_146 = tpu.vector_load %arg7[%get3A_145] {strides = array<i32>} : memref<3072xi32, #tpu.memory_space<vmem>>, vector<16xi32>,
        %get3A_147 = vector.shape_cast %get3A_146 : vector<16xi32> to vector<16xi32>
        %get3A_148 = arith.index_cast %add3A_144 : i32 to index
        %get3A_149 = tpu.vector_load %arg8[%get3A_148] {strides = array<i32>} : memref<3072xi32, #tpu.memory_space<vmem>>, vector<16xi32>,
        %get3A_150 = vector.shape_cast %get3A_149 : vector<16xi32> to vector<16xi32>
        %mul3A_151 = arith.constant 102400 : i32
        %mul3A_152 = vector.broadcast %mul3A_151 : i32 to vector<16xi32>
        %mul3A_153 = arith.muli %get3A_150, %mul3A_152 : vector<16xi32>
        %add3A_154 = arith.addi %get3A_147, %mul3A_153 : vector<16xi32>
        %mul3A_155 = arith.constant 128 : i32
        %mul3A_156 = arith.muli %scan3A_92, %mul3A_155 : i32
        %add3A_157 = arith.constant 32 : i32
        %add3A_158 = arith.addi %mul3A_156, %add3A_157 : i32
        %swap3A_159 = arith.index_cast %add3A_158 : i32 to index
        %swap3A_160 = tpu.vector_load %arg12[%swap3A_159] {strides = array<i32>} : memref<1536xi32, #tpu.memory_space<vmem>>, vector<16xi32>,
        %swap3A_161 = vector.shape_cast %swap3A_160 : vector<16xi32> to vector<16xi32>
        %swap3A_162 = vector.shape_cast %add3A_154 : vector<16xi32> to vector<16xi32>
        tpu.vector_store %arg12[%swap3A_159], %swap3A_162 {strides = array<i32>} : memref<1536xi32, #tpu.memory_space<vmem>>, vector<16xi32>,
        %mul3A_163 = arith.constant 128 : i32
        %mul3A_164 = arith.muli %scan3A_92, %mul3A_163 : i32
        %add3A_165 = arith.constant 1536 : i32
        %add3A_166 = arith.addi %add3A_165, %mul3A_164 : i32
        %add3A_167 = arith.constant 48 : i32
        %add3A_168 = arith.addi %add3A_166, %add3A_167 : i32
        %get3A_169 = arith.index_cast %add3A_168 : i32 to index
        %get3A_170 = tpu.vector_load %arg7[%get3A_169] {strides = array<i32>} : memref<3072xi32, #tpu.memory_space<vmem>>, vector<16xi32>,
        %get3A_171 = vector.shape_cast %get3A_170 : vector<16xi32> to vector<16xi32>
        %get3A_172 = arith.index_cast %add3A_168 : i32 to index
        %get3A_173 = tpu.vector_load %arg8[%get3A_172] {strides = array<i32>} : memref<3072xi32, #tpu.memory_space<vmem>>, vector<16xi32>,
        %get3A_174 = vector.shape_cast %get3A_173 : vector<16xi32> to vector<16xi32>
        %mul3A_175 = arith.constant 102400 : i32
        %mul3A_176 = vector.broadcast %mul3A_175 : i32 to vector<16xi32>
        %mul3A_177 = arith.muli %get3A_174, %mul3A_176 : vector<16xi32>
        %add3A_178 = arith.addi %get3A_171, %mul3A_177 : vector<16xi32>
        %mul3A_179 = arith.constant 128 : i32
        %mul3A_180 = arith.muli %scan3A_92, %mul3A_179 : i32
        %add3A_181 = arith.constant 48 : i32
        %add3A_182 = arith.addi %mul3A_180, %add3A_181 : i32
        %swap3A_183 = arith.index_cast %add3A_182 : i32 to index
        %swap3A_184 = tpu.vector_load %arg12[%swap3A_183] {strides = array<i32>} : memref<1536xi32, #tpu.memory_space<vmem>>, vector<16xi32>,
        %swap3A_185 = vector.shape_cast %swap3A_184 : vector<16xi32> to vector<16xi32>
        %swap3A_186 = vector.shape_cast %add3A_178 : vector<16xi32> to vector<16xi32>
        tpu.vector_store %arg12[%swap3A_183], %swap3A_186 {strides = array<i32>} : memref<1536xi32, #tpu.memory_space<vmem>>, vector<16xi32>,
        %mul3A_187 = arith.constant 128 : i32
        %mul3A_188 = arith.muli %scan3A_92, %mul3A_187 : i32
        %add3A_189 = arith.constant 1536 : i32
        %add3A_190 = arith.addi %add3A_189, %mul3A_188 : i32
        %add3A_191 = arith.constant 64 : i32
        %add3A_192 = arith.addi %add3A_190, %add3A_191 : i32
        %get3A_193 = arith.index_cast %add3A_192 : i32 to index
        %get3A_194 = tpu.vector_load %arg7[%get3A_193] {strides = array<i32>} : memref<3072xi32, #tpu.memory_space<vmem>>, vector<16xi32>,
        %get3A_195 = vector.shape_cast %get3A_194 : vector<16xi32> to vector<16xi32>
        %get3A_196 = arith.index_cast %add3A_192 : i32 to index
        %get3A_197 = tpu.vector_load %arg8[%get3A_196] {strides = array<i32>} : memref<3072xi32, #tpu.memory_space<vmem>>, vector<16xi32>,
        %get3A_198 = vector.shape_cast %get3A_197 : vector<16xi32> to vector<16xi32>
        %mul3A_199 = arith.constant 102400 : i32
        %mul3A_200 = vector.broadcast %mul3A_199 : i32 to vector<16xi32>
        %mul3A_201 = arith.muli %get3A_198, %mul3A_200 : vector<16xi32>
        %add3A_202 = arith.addi %get3A_195, %mul3A_201 : vector<16xi32>
        %mul3A_203 = arith.constant 128 : i32
        %mul3A_204 = arith.muli %scan3A_92, %mul3A_203 : i32
        %add3A_205 = arith.constant 64 : i32
        %add3A_206 = arith.addi %mul3A_204, %add3A_205 : i32
        %swap3A_207 = arith.index_cast %add3A_206 : i32 to index
        %swap3A_208 = tpu.vector_load %arg12[%swap3A_207] {strides = array<i32>} : memref<1536xi32, #tpu.memory_space<vmem>>, vector<16xi32>,
        %swap3A_209 = vector.shape_cast %swap3A_208 : vector<16xi32> to vector<16xi32>
        %swap3A_210 = vector.shape_cast %add3A_202 : vector<16xi32> to vector<16xi32>
        tpu.vector_store %arg12[%swap3A_207], %swap3A_210 {strides = array<i32>} : memref<1536xi32, #tpu.memory_space<vmem>>, vector<16xi32>,
        %mul3A_211 = arith.constant 128 : i32
        %mul3A_212 = arith.muli %scan3A_92, %mul3A_211 : i32
        %add3A_213 = arith.constant 1536 : i32
        %add3A_214 = arith.addi %add3A_213, %mul3A_212 : i32
        %add3A_215 = arith.constant 80 : i32
        %add3A_216 = arith.addi %add3A_214, %add3A_215 : i32
        %get3A_217 = arith.index_cast %add3A_216 : i32 to index
        %get3A_218 = tpu.vector_load %arg7[%get3A_217] {strides = array<i32>} : memref<3072xi32, #tpu.memory_space<vmem>>, vector<16xi32>,
        %get3A_219 = vector.shape_cast %get3A_218 : vector<16xi32> to vector<16xi32>
        %get3A_220 = arith.index_cast %add3A_216 : i32 to index
        %get3A_221 = tpu.vector_load %arg8[%get3A_220] {strides = array<i32>} : memref<3072xi32, #tpu.memory_space<vmem>>, vector<16xi32>,
        %get3A_222 = vector.shape_cast %get3A_221 : vector<16xi32> to vector<16xi32>
        %mul3A_223 = arith.constant 102400 : i32
        %mul3A_224 = vector.broadcast %mul3A_223 : i32 to vector<16xi32>
        %mul3A_225 = arith.muli %get3A_222, %mul3A_224 : vector<16xi32>
        %add3A_226 = arith.addi %get3A_219, %mul3A_225 : vector<16xi32>
        %mul3A_227 = arith.constant 128 : i32
        %mul3A_228 = arith.muli %scan3A_92, %mul3A_227 : i32
        %add3A_229 = arith.constant 80 : i32
        %add3A_230 = arith.addi %mul3A_228, %add3A_229 : i32
        %swap3A_231 = arith.index_cast %add3A_230 : i32 to index
        %swap3A_232 = tpu.vector_load %arg12[%swap3A_231] {strides = array<i32>} : memref<1536xi32, #tpu.memory_space<vmem>>, vector<16xi32>,
        %swap3A_233 = vector.shape_cast %swap3A_232 : vector<16xi32> to vector<16xi32>
        %swap3A_234 = vector.shape_cast %add3A_226 : vector<16xi32> to vector<16xi32>
        tpu.vector_store %arg12[%swap3A_231], %swap3A_234 {strides = array<i32>} : memref<1536xi32, #tpu.memory_space<vmem>>, vector<16xi32>,
        %mul3A_235 = arith.constant 128 : i32
        %mul3A_236 = arith.muli %scan3A_92, %mul3A_235 : i32
        %add3A_237 = arith.constant 1536 : i32
        %add3A_238 = arith.addi %add3A_237, %mul3A_236 : i32
        %add3A_239 = arith.constant 96 : i32
        %add3A_240 = arith.addi %add3A_238, %add3A_239 : i32
        %get3A_241 = arith.index_cast %add3A_240 : i32 to index
        %get3A_242 = tpu.vector_load %arg7[%get3A_241] {strides = array<i32>} : memref<3072xi32, #tpu.memory_space<vmem>>, vector<16xi32>,
        %get3A_243 = vector.shape_cast %get3A_242 : vector<16xi32> to vector<16xi32>
        %get3A_244 = arith.index_cast %add3A_240 : i32 to index
        %get3A_245 = tpu.vector_load %arg8[%get3A_244] {strides = array<i32>} : memref<3072xi32, #tpu.memory_space<vmem>>, vector<16xi32>,
        %get3A_246 = vector.shape_cast %get3A_245 : vector<16xi32> to vector<16xi32>
        %mul3A_247 = arith.constant 102400 : i32
        %mul3A_248 = vector.broadcast %mul3A_247 : i32 to vector<16xi32>
        %mul3A_249 = arith.muli %get3A_246, %mul3A_248 : vector<16xi32>
        %add3A_250 = arith.addi %get3A_243, %mul3A_249 : vector<16xi32>
        %mul3A_251 = arith.constant 128 : i32
        %mul3A_252 = arith.muli %scan3A_92, %mul3A_251 : i32
        %add3A_253 = arith.constant 96 : i32
        %add3A_254 = arith.addi %mul3A_252, %add3A_253 : i32
        %swap3A_255 = arith.index_cast %add3A_254 : i32 to index
        %swap3A_256 = tpu.vector_load %arg12[%swap3A_255] {strides = array<i32>} : memref<1536xi32, #tpu.memory_space<vmem>>, vector<16xi32>,
        %swap3A_257 = vector.shape_cast %swap3A_256 : vector<16xi32> to vector<16xi32>
        %swap3A_258 = vector.shape_cast %add3A_250 : vector<16xi32> to vector<16xi32>
        tpu.vector_store %arg12[%swap3A_255], %swap3A_258 {strides = array<i32>} : memref<1536xi32, #tpu.memory_space<vmem>>, vector<16xi32>,
        %mul3A_259 = arith.constant 128 : i32
        %mul3A_260 = arith.muli %scan3A_92, %mul3A_259 : i32
        %add3A_261 = arith.constant 1536 : i32
        %add3A_262 = arith.addi %add3A_261, %mul3A_260 : i32
        %add3A_263 = arith.constant 112 : i32
        %add3A_264 = arith.addi %add3A_262, %add3A_263 : i32
        %get3A_265 = arith.index_cast %add3A_264 : i32 to index
        %get3A_266 = tpu.vector_load %arg7[%get3A_265] {strides = array<i32>} : memref<3072xi32, #tpu.memory_space<vmem>>, vector<16xi32>,
        %get3A_267 = vector.shape_cast %get3A_266 : vector<16xi32> to vector<16xi32>
        %get3A_268 = arith.index_cast %add3A_264 : i32 to index
        %get3A_269 = tpu.vector_load %arg8[%get3A_268] {strides = array<i32>} : memref<3072xi32, #tpu.memory_space<vmem>>, vector<16xi32>,
        %get3A_270 = vector.shape_cast %get3A_269 : vector<16xi32> to vector<16xi32>
        %mul3A_271 = arith.constant 102400 : i32
        %mul3A_272 = vector.broadcast %mul3A_271 : i32 to vector<16xi32>
        %mul3A_273 = arith.muli %get3A_270, %mul3A_272 : vector<16xi32>
        %add3A_274 = arith.addi %get3A_267, %mul3A_273 : vector<16xi32>
        %mul3A_275 = arith.constant 128 : i32
        %mul3A_276 = arith.muli %scan3A_92, %mul3A_275 : i32
        %add3A_277 = arith.constant 112 : i32
        %add3A_278 = arith.addi %mul3A_276, %add3A_277 : i32
        %swap3A_279 = arith.index_cast %add3A_278 : i32 to index
        %swap3A_280 = tpu.vector_load %arg12[%swap3A_279] {strides = array<i32>} : memref<1536xi32, #tpu.memory_space<vmem>>, vector<16xi32>,
        %swap3A_281 = vector.shape_cast %swap3A_280 : vector<16xi32> to vector<16xi32>
        %swap3A_282 = vector.shape_cast %add3A_274 : vector<16xi32> to vector<16xi32>
        tpu.vector_store %arg12[%swap3A_279], %swap3A_282 {strides = array<i32>} : memref<1536xi32, #tpu.memory_space<vmem>>, vector<16xi32>,
      }
      %scan3A_80 = arith.constant 12 : i32
      %dma_start3A_81 = arith.constant 0 : i32
      %dma_start3A_82 = tpu.memref_slice %arg6[%dma_start3A_81] : memref<204800xf32, #tpu.memory_space<vmem_shared>> -> memref<204800xf32, #tpu.memory_space<vmem_shared>>
      tpu.enqueue_indirect_dma source(%arg10 : memref<1536xf32, #tpu.memory_space<vmem>>) target(%dma_start3A_82 : memref<204800xf32, #tpu.memory_space<vmem_shared>>) offsets(%arg12 : memref<1536xi32, #tpu.memory_space<vmem>>) semaphore(%arg15 : memref<!tpu.dma_semaphore, #tpu.memory_space<semaphore_mem>>) {add = true}
      %add3A_83 = arith.constant 1 : i32
      %add3A_84 = arith.addi %while3A_51, %add3A_83 : i32
      %lt3A = arith.cmpi slt, %add3A_84, %select_n3A : i32
      %convert_element_type3A_85 = arith.extui %lt3A : i1 to i32
      %cond3A_86 = arith.constant 0 : i32
      %cond3A_87 = arith.cmpi ne, %convert_element_type3A_85, %cond3A_86 : i32
      scf.if %cond3A_87 {
        %add3A_92 = arith.constant 1 : i32
        %add3A_93 = arith.addi %while3A_51, %add3A_92 : i32
        %mul3A_94 = arith.constant 32 : i32
        %mul3A_95 = arith.muli %add3A_93, %mul3A_94 : i32
        %add3A_96 = arith.addi %add3A, %mul3A_95 : i32
        %mul3A_97 = arith.constant 3072 : i32
        %mul3A_98 = arith.muli %add3A_96, %mul3A_97 : i32
        %dma_start3A_99 = tpu.memref_slice %arg2[%mul3A_98] : memref<1600512xi32, #tpu.memory_space<hbm>> -> memref<3072xi32, #tpu.memory_space<hbm>>
        %dma_start3A_100 = tpu.memref_slice %arg2[%mul3A_98] : memref<1600512xi32, #tpu.memory_space<hbm>> -> memref<3072xi32, #tpu.memory_space<hbm>>
        tpu.enqueue_dma source(%dma_start3A_100 : memref<3072xi32, #tpu.memory_space<hbm>>) target(%arg7 : memref<3072xi32, #tpu.memory_space<vmem>>) target_semaphore(%arg14 : memref<!tpu.dma_semaphore, #tpu.memory_space<semaphore_mem>>)
        %dma_start3A_101 = tpu.memref_slice %arg3[%mul3A_98] : memref<1600512xi32, #tpu.memory_space<hbm>> -> memref<3072xi32, #tpu.memory_space<hbm>>
        %dma_start3A_102 = tpu.memref_slice %arg3[%mul3A_98] : memref<1600512xi32, #tpu.memory_space<hbm>> -> memref<3072xi32, #tpu.memory_space<hbm>>
        tpu.enqueue_dma source(%dma_start3A_102 : memref<3072xi32, #tpu.memory_space<hbm>>) target(%arg8 : memref<3072xi32, #tpu.memory_space<vmem>>) target_semaphore(%arg14 : memref<!tpu.dma_semaphore, #tpu.memory_space<semaphore_mem>>)
      } else {
      }
      %dma_wait3A_88 = arith.constant 0 : i32
      %dma_wait3A_89 = tpu.memref_slice %arg6[%dma_wait3A_88] : memref<204800xf32, #tpu.memory_space<vmem_shared>> -> memref<204800xf32, #tpu.memory_space<vmem_shared>>
      tpu.wait_indirect_dma semaphore(%arg15 : memref<!tpu.dma_semaphore, #tpu.memory_space<semaphore_mem>>) src(%arg9 : memref<1536xf32, #tpu.memory_space<vmem>>) dst(%dma_wait3A_89 : memref<204800xf32, #tpu.memory_space<vmem_shared>>)
      %dma_wait3A_90 = arith.constant 0 : i32
      %dma_wait3A_91 = tpu.memref_slice %arg6[%dma_wait3A_90] : memref<204800xf32, #tpu.memory_space<vmem_shared>> -> memref<204800xf32, #tpu.memory_space<vmem_shared>>
      tpu.wait_indirect_dma semaphore(%arg15 : memref<!tpu.dma_semaphore, #tpu.memory_space<semaphore_mem>>) src(%arg10 : memref<1536xf32, #tpu.memory_space<vmem>>) dst(%dma_wait3A_91 : memref<204800xf32, #tpu.memory_space<vmem_shared>>)
    }
    %barrier3A_43 = arith.constant 0 : index
    tpu.barrier barrier_id(%barrier3A_43)
    %mul3A_44 = arith.constant 12800 : i32
    %mul3A_45 = arith.muli %arg1, %mul3A_44 : i32
    %mul3A_46 = arith.constant 204800 : i32
    %mul3A_47 = arith.muli %arg0, %mul3A_46 : i32
    %mul3A_48 = arith.constant 12800 : i32
    %mul3A_49 = arith.muli %arg1, %mul3A_48 : i32
    %add3A_50 = arith.addi %mul3A_47, %mul3A_49 : i32
    "tpu.region"() ({
      %run_scoped3A = tpu.sem_alloc : memref<!tpu.dma_semaphore, #tpu.memory_space<semaphore_mem>>
      %dma_start3A = tpu.memref_slice %arg5[%add3A_50] : memref<409600xf32, #tpu.memory_space<hbm>> -> memref<12800xf32, #tpu.memory_space<hbm>>
      %dma_start3A_51 = tpu.memref_slice %arg6[%mul3A_45] : memref<204800xf32, #tpu.memory_space<vmem_shared>> -> memref<12800xf32, #tpu.memory_space<vmem_shared>>
      tpu.enqueue_dma source(%dma_start3A_51 : memref<12800xf32, #tpu.memory_space<vmem_shared>>) target(%dma_start3A : memref<12800xf32, #tpu.memory_space<hbm>>) target_semaphore(%run_scoped3A : memref<!tpu.dma_semaphore, #tpu.memory_space<semaphore_mem>>)
      %dma_wait3A = tpu.memref_slice %arg5[%add3A_50] : memref<409600xf32, #tpu.memory_space<hbm>> -> memref<12800xf32, #tpu.memory_space<hbm>>
      %dma_wait3A_52 = tpu.memref_slice %arg6[%mul3A_45] : memref<204800xf32, #tpu.memory_space<vmem_shared>> -> memref<12800xf32, #tpu.memory_space<vmem_shared>>
      tpu.wait_dma2 semaphore(%run_scoped3A : memref<!tpu.dma_semaphore, #tpu.memory_space<semaphore_mem>>) src(%dma_wait3A_52 : memref<12800xf32, #tpu.memory_space<vmem_shared>>) dst(%dma_wait3A : memref<12800xf32, #tpu.memory_space<hbm>>)
      tpu.yield
    }) : () -> ()
    return
  }
}

#map = affine_map<(d0, d1) -> (0)>
module attributes {stable_mosaic.version = 14 : i64} {
  func.func @_tables_body(%arg0: i32, %arg1: i32, %arg2: memref<409600xf32, #tpu.memory_space<hbm>>, %arg3: memref<1600512xf32, #tpu.memory_space<hbm>>, %arg4: memref<102400xf32, #tpu.memory_space<hbm>>, %arg5: memref<102400xf32, #tpu.memory_space<hbm>>, %arg6: memref<409600xf32, #tpu.memory_space<hbm>>, %arg7: memref<3200xf32, #tpu.memory_space<vmem>>, %arg8: memref<3200xf32, #tpu.memory_space<vmem>>, %arg9: memref<3200xf32, #tpu.memory_space<vmem>>, %arg10: memref<3200xf32, #tpu.memory_space<vmem>>, %arg11: memref<3200xi32, #tpu.memory_space<vmem>>, %arg12: memref<3200xi32, #tpu.memory_space<vmem>>, %arg13: memref<3200xf32, #tpu.memory_space<vmem>>, %arg14: memref<3200xf32, #tpu.memory_space<vmem>>, %arg15: memref<3200xf32, #tpu.memory_space<vmem>>, %arg16: memref<3200xf32, #tpu.memory_space<vmem>>, %arg17: memref<3200xf32, #tpu.memory_space<vmem>>, %arg18: memref<3200xf32, #tpu.memory_space<vmem>>, %arg19: memref<!tpu.dma_semaphore, #tpu.memory_space<semaphore_mem>>, %arg20: memref<!tpu.dma_semaphore, #tpu.memory_space<semaphore_mem>>, %arg21: memref<!tpu.dma_semaphore, #tpu.memory_space<semaphore_mem>>) attributes {dimension_semantics = [#tpu.dimension_semantics<core_parallel>, #tpu.dimension_semantics<subcore_parallel>], iteration_bounds = array<i64: 2, 16>, scalar_prefetch = 0 : i64, scratch_operands = 15 : i64, tpu.core_type = #tpu.core_type<sc_vector_subcore>, window_params = [{transform_indices = #map}, {transform_indices = #map}, {transform_indices = #map}, {transform_indices = #map}, {transform_indices = #map}]} {
    %mul3A = arith.constant 2 : i32
    %mul3A_0 = arith.muli %arg1, %mul3A : i32
    %add3A = arith.addi %mul3A_0, %arg0 : i32
    %mul3A_1 = arith.constant 3200 : i32
    %mul3A_2 = arith.muli %add3A, %mul3A_1 : i32
    %add3A_3 = arith.constant 0 : i32
    %add3A_4 = arith.addi %add3A_3, %mul3A_2 : i32
    %dma_start3A = tpu.memref_slice %arg2[%add3A_4] : memref<409600xf32, #tpu.memory_space<hbm>> -> memref<3200xf32, #tpu.memory_space<hbm>>
    %dma_start3A_5 = tpu.memref_slice %arg2[%add3A_4] : memref<409600xf32, #tpu.memory_space<hbm>> -> memref<3200xf32, #tpu.memory_space<hbm>>
    tpu.enqueue_dma source(%dma_start3A_5 : memref<3200xf32, #tpu.memory_space<hbm>>) target(%arg7 : memref<3200xf32, #tpu.memory_space<vmem>>) target_semaphore(%arg19 : memref<!tpu.dma_semaphore, #tpu.memory_space<semaphore_mem>>)
    %add3A_6 = arith.constant 204800 : i32
    %add3A_7 = arith.addi %add3A_6, %mul3A_2 : i32
    %dma_start3A_8 = tpu.memref_slice %arg2[%add3A_7] : memref<409600xf32, #tpu.memory_space<hbm>> -> memref<3200xf32, #tpu.memory_space<hbm>>
    %dma_start3A_9 = tpu.memref_slice %arg2[%add3A_7] : memref<409600xf32, #tpu.memory_space<hbm>> -> memref<3200xf32, #tpu.memory_space<hbm>>
    tpu.enqueue_dma source(%dma_start3A_9 : memref<3200xf32, #tpu.memory_space<hbm>>) target(%arg8 : memref<3200xf32, #tpu.memory_space<vmem>>) target_semaphore(%arg19 : memref<!tpu.dma_semaphore, #tpu.memory_space<semaphore_mem>>)
    %dma_start3A_10 = tpu.memref_slice %arg4[%mul3A_2] : memref<102400xf32, #tpu.memory_space<hbm>> -> memref<3200xf32, #tpu.memory_space<hbm>>
    %dma_start3A_11 = tpu.memref_slice %arg4[%mul3A_2] : memref<102400xf32, #tpu.memory_space<hbm>> -> memref<3200xf32, #tpu.memory_space<hbm>>
    tpu.enqueue_dma source(%dma_start3A_11 : memref<3200xf32, #tpu.memory_space<hbm>>) target(%arg13 : memref<3200xf32, #tpu.memory_space<vmem>>) target_semaphore(%arg19 : memref<!tpu.dma_semaphore, #tpu.memory_space<semaphore_mem>>)
    %add3A_12 = arith.constant 102400 : i32
    %add3A_13 = arith.addi %add3A_12, %mul3A_2 : i32
    %dma_start3A_14 = tpu.memref_slice %arg2[%add3A_13] : memref<409600xf32, #tpu.memory_space<hbm>> -> memref<3200xf32, #tpu.memory_space<hbm>>
    %dma_start3A_15 = tpu.memref_slice %arg2[%add3A_13] : memref<409600xf32, #tpu.memory_space<hbm>> -> memref<3200xf32, #tpu.memory_space<hbm>>
    tpu.enqueue_dma source(%dma_start3A_15 : memref<3200xf32, #tpu.memory_space<hbm>>) target(%arg9 : memref<3200xf32, #tpu.memory_space<vmem>>) target_semaphore(%arg19 : memref<!tpu.dma_semaphore, #tpu.memory_space<semaphore_mem>>)
    %add3A_16 = arith.constant 307200 : i32
    %add3A_17 = arith.addi %add3A_16, %mul3A_2 : i32
    %dma_start3A_18 = tpu.memref_slice %arg2[%add3A_17] : memref<409600xf32, #tpu.memory_space<hbm>> -> memref<3200xf32, #tpu.memory_space<hbm>>
    %dma_start3A_19 = tpu.memref_slice %arg2[%add3A_17] : memref<409600xf32, #tpu.memory_space<hbm>> -> memref<3200xf32, #tpu.memory_space<hbm>>
    tpu.enqueue_dma source(%dma_start3A_19 : memref<3200xf32, #tpu.memory_space<hbm>>) target(%arg10 : memref<3200xf32, #tpu.memory_space<vmem>>) target_semaphore(%arg19 : memref<!tpu.dma_semaphore, #tpu.memory_space<semaphore_mem>>)
    %dma_start3A_20 = tpu.memref_slice %arg5[%mul3A_2] : memref<102400xf32, #tpu.memory_space<hbm>> -> memref<3200xf32, #tpu.memory_space<hbm>>
    %dma_start3A_21 = tpu.memref_slice %arg5[%mul3A_2] : memref<102400xf32, #tpu.memory_space<hbm>> -> memref<3200xf32, #tpu.memory_space<hbm>>
    tpu.enqueue_dma source(%dma_start3A_21 : memref<3200xf32, #tpu.memory_space<hbm>>) target(%arg14 : memref<3200xf32, #tpu.memory_space<vmem>>) target_semaphore(%arg19 : memref<!tpu.dma_semaphore, #tpu.memory_space<semaphore_mem>>)
    %dma_wait3A = tpu.memref_slice %arg2[%add3A_4] : memref<409600xf32, #tpu.memory_space<hbm>> -> memref<3200xf32, #tpu.memory_space<hbm>>
    %dma_wait3A_22 = tpu.memref_slice %arg2[%add3A_4] : memref<409600xf32, #tpu.memory_space<hbm>> -> memref<3200xf32, #tpu.memory_space<hbm>>
    tpu.wait_dma2 semaphore(%arg19 : memref<!tpu.dma_semaphore, #tpu.memory_space<semaphore_mem>>) src(%dma_wait3A_22 : memref<3200xf32, #tpu.memory_space<hbm>>) dst(%arg7 : memref<3200xf32, #tpu.memory_space<vmem>>)
    %dma_wait3A_23 = tpu.memref_slice %arg2[%add3A_7] : memref<409600xf32, #tpu.memory_space<hbm>> -> memref<3200xf32, #tpu.memory_space<hbm>>
    %dma_wait3A_24 = tpu.memref_slice %arg2[%add3A_7] : memref<409600xf32, #tpu.memory_space<hbm>> -> memref<3200xf32, #tpu.memory_space<hbm>>
    tpu.wait_dma2 semaphore(%arg19 : memref<!tpu.dma_semaphore, #tpu.memory_space<semaphore_mem>>) src(%dma_wait3A_24 : memref<3200xf32, #tpu.memory_space<hbm>>) dst(%arg8 : memref<3200xf32, #tpu.memory_space<vmem>>)
    %dma_wait3A_25 = tpu.memref_slice %arg4[%mul3A_2] : memref<102400xf32, #tpu.memory_space<hbm>> -> memref<3200xf32, #tpu.memory_space<hbm>>
    %dma_wait3A_26 = tpu.memref_slice %arg4[%mul3A_2] : memref<102400xf32, #tpu.memory_space<hbm>> -> memref<3200xf32, #tpu.memory_space<hbm>>
    tpu.wait_dma2 semaphore(%arg19 : memref<!tpu.dma_semaphore, #tpu.memory_space<semaphore_mem>>) src(%dma_wait3A_26 : memref<3200xf32, #tpu.memory_space<hbm>>) dst(%arg13 : memref<3200xf32, #tpu.memory_space<vmem>>)
    %dma_wait3A_27 = tpu.memref_slice %arg2[%add3A_13] : memref<409600xf32, #tpu.memory_space<hbm>> -> memref<3200xf32, #tpu.memory_space<hbm>>
    %dma_wait3A_28 = tpu.memref_slice %arg2[%add3A_13] : memref<409600xf32, #tpu.memory_space<hbm>> -> memref<3200xf32, #tpu.memory_space<hbm>>
    tpu.wait_dma2 semaphore(%arg19 : memref<!tpu.dma_semaphore, #tpu.memory_space<semaphore_mem>>) src(%dma_wait3A_28 : memref<3200xf32, #tpu.memory_space<hbm>>) dst(%arg9 : memref<3200xf32, #tpu.memory_space<vmem>>)
    %dma_wait3A_29 = tpu.memref_slice %arg2[%add3A_17] : memref<409600xf32, #tpu.memory_space<hbm>> -> memref<3200xf32, #tpu.memory_space<hbm>>
    %dma_wait3A_30 = tpu.memref_slice %arg2[%add3A_17] : memref<409600xf32, #tpu.memory_space<hbm>> -> memref<3200xf32, #tpu.memory_space<hbm>>
    tpu.wait_dma2 semaphore(%arg19 : memref<!tpu.dma_semaphore, #tpu.memory_space<semaphore_mem>>) src(%dma_wait3A_30 : memref<3200xf32, #tpu.memory_space<hbm>>) dst(%arg10 : memref<3200xf32, #tpu.memory_space<vmem>>)
    %dma_wait3A_31 = tpu.memref_slice %arg5[%mul3A_2] : memref<102400xf32, #tpu.memory_space<hbm>> -> memref<3200xf32, #tpu.memory_space<hbm>>
    %dma_wait3A_32 = tpu.memref_slice %arg5[%mul3A_2] : memref<102400xf32, #tpu.memory_space<hbm>> -> memref<3200xf32, #tpu.memory_space<hbm>>
    tpu.wait_dma2 semaphore(%arg19 : memref<!tpu.dma_semaphore, #tpu.memory_space<semaphore_mem>>) src(%dma_wait3A_32 : memref<3200xf32, #tpu.memory_space<hbm>>) dst(%arg14 : memref<3200xf32, #tpu.memory_space<vmem>>)
    %scan3A = arith.constant 0 : i32
    %scan3A_33 = arith.constant 0 : i32
    %scan3A_34 = arith.constant 200 : i32
    %scan3A_35 = arith.addi %scan3A_33, %scan3A_34 : i32
    %scan3A_36 = arith.constant 1 : i32
    scf.for %scan3A_88 = %scan3A_33 to %scan3A_35 step %scan3A_36  : i32 {
      %mul3A_89 = arith.constant 16 : i32
      %mul3A_90 = arith.muli %scan3A_88, %mul3A_89 : i32
      %get3A = arith.index_cast %mul3A_90 : i32 to index
      %get3A_91 = tpu.vector_load %arg13[%get3A] {strides = array<i32>} : memref<3200xf32, #tpu.memory_space<vmem>>, vector<16xf32>,
      %get3A_92 = vector.shape_cast %get3A_91 : vector<16xf32> to vector<16xf32>
      %convert_element_type3A = arith.fptosi %get3A_92 : vector<16xf32> to vector<16xi32>
      %swap3A = arith.index_cast %mul3A_90 : i32 to index
      %swap3A_93 = tpu.vector_load %arg11[%swap3A] {strides = array<i32>} : memref<3200xi32, #tpu.memory_space<vmem>>, vector<16xi32>,
      %swap3A_94 = vector.shape_cast %swap3A_93 : vector<16xi32> to vector<16xi32>
      %swap3A_95 = vector.shape_cast %convert_element_type3A : vector<16xi32> to vector<16xi32>
      tpu.vector_store %arg11[%swap3A], %swap3A_95 {strides = array<i32>} : memref<3200xi32, #tpu.memory_space<vmem>>, vector<16xi32>,
    }
    %scan3A_37 = arith.constant 200 : i32
    %dma_start3A_38 = arith.constant 0 : i32
    %dma_start3A_39 = tpu.memref_slice %arg3[%dma_start3A_38] : memref<1600512xf32, #tpu.memory_space<hbm>> -> memref<1600512xf32, #tpu.memory_space<hbm>>
    tpu.enqueue_indirect_dma source(%dma_start3A_39 : memref<1600512xf32, #tpu.memory_space<hbm>>) target(%arg13 : memref<3200xf32, #tpu.memory_space<vmem>>) offsets(%arg11 : memref<3200xi32, #tpu.memory_space<vmem>>) semaphore(%arg20 : memref<!tpu.dma_semaphore, #tpu.memory_space<semaphore_mem>>)
    %scan3A_40 = arith.constant 0 : i32
    %scan3A_41 = arith.constant 0 : i32
    %scan3A_42 = arith.constant 200 : i32
    %scan3A_43 = arith.addi %scan3A_41, %scan3A_42 : i32
    %scan3A_44 = arith.constant 1 : i32
    scf.for %scan3A_88 = %scan3A_41 to %scan3A_43 step %scan3A_44  : i32 {
      %mul3A_89 = arith.constant 16 : i32
      %mul3A_90 = arith.muli %scan3A_88, %mul3A_89 : i32
      %get3A = arith.index_cast %mul3A_90 : i32 to index
      %get3A_91 = tpu.vector_load %arg14[%get3A] {strides = array<i32>} : memref<3200xf32, #tpu.memory_space<vmem>>, vector<16xf32>,
      %get3A_92 = vector.shape_cast %get3A_91 : vector<16xf32> to vector<16xf32>
      %convert_element_type3A = arith.fptosi %get3A_92 : vector<16xf32> to vector<16xi32>
      %swap3A = arith.index_cast %mul3A_90 : i32 to index
      %swap3A_93 = tpu.vector_load %arg12[%swap3A] {strides = array<i32>} : memref<3200xi32, #tpu.memory_space<vmem>>, vector<16xi32>,
      %swap3A_94 = vector.shape_cast %swap3A_93 : vector<16xi32> to vector<16xi32>
      %swap3A_95 = vector.shape_cast %convert_element_type3A : vector<16xi32> to vector<16xi32>
      tpu.vector_store %arg12[%swap3A], %swap3A_95 {strides = array<i32>} : memref<3200xi32, #tpu.memory_space<vmem>>, vector<16xi32>,
    }
    %scan3A_45 = arith.constant 200 : i32
    %dma_start3A_46 = arith.constant 0 : i32
    %dma_start3A_47 = tpu.memref_slice %arg3[%dma_start3A_46] : memref<1600512xf32, #tpu.memory_space<hbm>> -> memref<1600512xf32, #tpu.memory_space<hbm>>
    tpu.enqueue_indirect_dma source(%dma_start3A_47 : memref<1600512xf32, #tpu.memory_space<hbm>>) target(%arg14 : memref<3200xf32, #tpu.memory_space<vmem>>) offsets(%arg12 : memref<3200xi32, #tpu.memory_space<vmem>>) semaphore(%arg20 : memref<!tpu.dma_semaphore, #tpu.memory_space<semaphore_mem>>)
    %dma_wait3A_48 = arith.constant 0 : i32
    %dma_wait3A_49 = tpu.memref_slice %arg3[%dma_wait3A_48] : memref<1600512xf32, #tpu.memory_space<hbm>> -> memref<1600512xf32, #tpu.memory_space<hbm>>
    tpu.wait_indirect_dma semaphore(%arg20 : memref<!tpu.dma_semaphore, #tpu.memory_space<semaphore_mem>>) src(%dma_wait3A_49 : memref<1600512xf32, #tpu.memory_space<hbm>>) dst(%arg13 : memref<3200xf32, #tpu.memory_space<vmem>>)
    %dma_wait3A_50 = arith.constant 0 : i32
    %dma_wait3A_51 = tpu.memref_slice %arg3[%dma_wait3A_50] : memref<1600512xf32, #tpu.memory_space<hbm>> -> memref<1600512xf32, #tpu.memory_space<hbm>>
    tpu.wait_indirect_dma semaphore(%arg20 : memref<!tpu.dma_semaphore, #tpu.memory_space<semaphore_mem>>) src(%dma_wait3A_51 : memref<1600512xf32, #tpu.memory_space<hbm>>) dst(%arg14 : memref<3200xf32, #tpu.memory_space<vmem>>)
    %scan3A_52 = arith.constant 0 : i32
    %scan3A_53 = arith.constant 0 : i32
    %scan3A_54 = arith.constant 200 : i32
    %scan3A_55 = arith.addi %scan3A_53, %scan3A_54 : i32
    %scan3A_56 = arith.constant 1 : i32
    scf.for %scan3A_88 = %scan3A_53 to %scan3A_55 step %scan3A_56  : i32 {
      %mul3A_89 = arith.constant 16 : i32
      %mul3A_90 = arith.muli %scan3A_88, %mul3A_89 : i32
      %get3A = arith.index_cast %mul3A_90 : i32 to index
      %get3A_91 = tpu.vector_load %arg7[%get3A] {strides = array<i32>} : memref<3200xf32, #tpu.memory_space<vmem>>, vector<16xf32>,
      %get3A_92 = vector.shape_cast %get3A_91 : vector<16xf32> to vector<16xf32>
      %get3A_93 = arith.index_cast %mul3A_90 : i32 to index
      %get3A_94 = tpu.vector_load %arg8[%get3A_93] {strides = array<i32>} : memref<3200xf32, #tpu.memory_space<vmem>>, vector<16xf32>,
      %get3A_95 = vector.shape_cast %get3A_94 : vector<16xf32> to vector<16xf32>
      %add3A_96 = arith.addf %get3A_92, %get3A_95 : vector<16xf32>
      %swap3A = arith.index_cast %mul3A_90 : i32 to index
      %swap3A_97 = tpu.vector_load %arg15[%swap3A] {strides = array<i32>} : memref<3200xf32, #tpu.memory_space<vmem>>, vector<16xf32>,
      %swap3A_98 = vector.shape_cast %swap3A_97 : vector<16xf32> to vector<16xf32>
      %swap3A_99 = vector.shape_cast %add3A_96 : vector<16xf32> to vector<16xf32>
      tpu.vector_store %arg15[%swap3A], %swap3A_99 {strides = array<i32>} : memref<3200xf32, #tpu.memory_space<vmem>>, vector<16xf32>,
      %get3A_100 = arith.index_cast %mul3A_90 : i32 to index
      %get3A_101 = tpu.vector_load %arg13[%get3A_100] {strides = array<i32>} : memref<3200xf32, #tpu.memory_space<vmem>>, vector<16xf32>,
      %get3A_102 = vector.shape_cast %get3A_101 : vector<16xf32> to vector<16xf32>
      %mul3A_103 = arith.mulf %add3A_96, %get3A_102 : vector<16xf32>
      %swap3A_104 = arith.index_cast %mul3A_90 : i32 to index
      %swap3A_105 = tpu.vector_load %arg16[%swap3A_104] {strides = array<i32>} : memref<3200xf32, #tpu.memory_space<vmem>>, vector<16xf32>,
      %swap3A_106 = vector.shape_cast %swap3A_105 : vector<16xf32> to vector<16xf32>
      %swap3A_107 = vector.shape_cast %mul3A_103 : vector<16xf32> to vector<16xf32>
      tpu.vector_store %arg16[%swap3A_104], %swap3A_107 {strides = array<i32>} : memref<3200xf32, #tpu.memory_space<vmem>>, vector<16xf32>,
    }
    %scan3A_57 = arith.constant 200 : i32
    %add3A_58 = arith.constant 204800 : i32
    %add3A_59 = arith.addi %add3A_58, %mul3A_2 : i32
    %dma_start3A_60 = tpu.memref_slice %arg6[%add3A_59] : memref<409600xf32, #tpu.memory_space<hbm>> -> memref<3200xf32, #tpu.memory_space<hbm>>
    %dma_start3A_61 = tpu.memref_slice %arg6[%add3A_59] : memref<409600xf32, #tpu.memory_space<hbm>> -> memref<3200xf32, #tpu.memory_space<hbm>>
    tpu.enqueue_dma source(%arg15 : memref<3200xf32, #tpu.memory_space<vmem>>) target(%dma_start3A_61 : memref<3200xf32, #tpu.memory_space<hbm>>) target_semaphore(%arg21 : memref<!tpu.dma_semaphore, #tpu.memory_space<semaphore_mem>>)
    %add3A_62 = arith.constant 307200 : i32
    %add3A_63 = arith.addi %add3A_62, %mul3A_2 : i32
    %dma_start3A_64 = tpu.memref_slice %arg6[%add3A_63] : memref<409600xf32, #tpu.memory_space<hbm>> -> memref<3200xf32, #tpu.memory_space<hbm>>
    %dma_start3A_65 = tpu.memref_slice %arg6[%add3A_63] : memref<409600xf32, #tpu.memory_space<hbm>> -> memref<3200xf32, #tpu.memory_space<hbm>>
    tpu.enqueue_dma source(%arg16 : memref<3200xf32, #tpu.memory_space<vmem>>) target(%dma_start3A_65 : memref<3200xf32, #tpu.memory_space<hbm>>) target_semaphore(%arg21 : memref<!tpu.dma_semaphore, #tpu.memory_space<semaphore_mem>>)
    %scan3A_66 = arith.constant 0 : i32
    %scan3A_67 = arith.constant 0 : i32
    %scan3A_68 = arith.constant 200 : i32
    %scan3A_69 = arith.addi %scan3A_67, %scan3A_68 : i32
    %scan3A_70 = arith.constant 1 : i32
    scf.for %scan3A_88 = %scan3A_67 to %scan3A_69 step %scan3A_70  : i32 {
      %mul3A_89 = arith.constant 16 : i32
      %mul3A_90 = arith.muli %scan3A_88, %mul3A_89 : i32
      %get3A = arith.index_cast %mul3A_90 : i32 to index
      %get3A_91 = tpu.vector_load %arg9[%get3A] {strides = array<i32>} : memref<3200xf32, #tpu.memory_space<vmem>>, vector<16xf32>,
      %get3A_92 = vector.shape_cast %get3A_91 : vector<16xf32> to vector<16xf32>
      %get3A_93 = arith.index_cast %mul3A_90 : i32 to index
      %get3A_94 = tpu.vector_load %arg10[%get3A_93] {strides = array<i32>} : memref<3200xf32, #tpu.memory_space<vmem>>, vector<16xf32>,
      %get3A_95 = vector.shape_cast %get3A_94 : vector<16xf32> to vector<16xf32>
      %add3A_96 = arith.addf %get3A_92, %get3A_95 : vector<16xf32>
      %swap3A = arith.index_cast %mul3A_90 : i32 to index
      %swap3A_97 = tpu.vector_load %arg17[%swap3A] {strides = array<i32>} : memref<3200xf32, #tpu.memory_space<vmem>>, vector<16xf32>,
      %swap3A_98 = vector.shape_cast %swap3A_97 : vector<16xf32> to vector<16xf32>
      %swap3A_99 = vector.shape_cast %add3A_96 : vector<16xf32> to vector<16xf32>
      tpu.vector_store %arg17[%swap3A], %swap3A_99 {strides = array<i32>} : memref<3200xf32, #tpu.memory_space<vmem>>, vector<16xf32>,
      %get3A_100 = arith.index_cast %mul3A_90 : i32 to index
      %get3A_101 = tpu.vector_load %arg14[%get3A_100] {strides = array<i32>} : memref<3200xf32, #tpu.memory_space<vmem>>, vector<16xf32>,
      %get3A_102 = vector.shape_cast %get3A_101 : vector<16xf32> to vector<16xf32>
      %mul3A_103 = arith.mulf %add3A_96, %get3A_102 : vector<16xf32>
      %swap3A_104 = arith.index_cast %mul3A_90 : i32 to index
      %swap3A_105 = tpu.vector_load %arg18[%swap3A_104] {strides = array<i32>} : memref<3200xf32, #tpu.memory_space<vmem>>, vector<16xf32>,
      %swap3A_106 = vector.shape_cast %swap3A_105 : vector<16xf32> to vector<16xf32>
      %swap3A_107 = vector.shape_cast %mul3A_103 : vector<16xf32> to vector<16xf32>
      tpu.vector_store %arg18[%swap3A_104], %swap3A_107 {strides = array<i32>} : memref<3200xf32, #tpu.memory_space<vmem>>, vector<16xf32>,
    }
    %scan3A_71 = arith.constant 200 : i32
    %add3A_72 = arith.constant 0 : i32
    %add3A_73 = arith.addi %add3A_72, %mul3A_2 : i32
    %dma_start3A_74 = tpu.memref_slice %arg6[%add3A_73] : memref<409600xf32, #tpu.memory_space<hbm>> -> memref<3200xf32, #tpu.memory_space<hbm>>
    %dma_start3A_75 = tpu.memref_slice %arg6[%add3A_73] : memref<409600xf32, #tpu.memory_space<hbm>> -> memref<3200xf32, #tpu.memory_space<hbm>>
    tpu.enqueue_dma source(%arg17 : memref<3200xf32, #tpu.memory_space<vmem>>) target(%dma_start3A_75 : memref<3200xf32, #tpu.memory_space<hbm>>) target_semaphore(%arg21 : memref<!tpu.dma_semaphore, #tpu.memory_space<semaphore_mem>>)
    %add3A_76 = arith.constant 102400 : i32
    %add3A_77 = arith.addi %add3A_76, %mul3A_2 : i32
    %dma_start3A_78 = tpu.memref_slice %arg6[%add3A_77] : memref<409600xf32, #tpu.memory_space<hbm>> -> memref<3200xf32, #tpu.memory_space<hbm>>
    %dma_start3A_79 = tpu.memref_slice %arg6[%add3A_77] : memref<409600xf32, #tpu.memory_space<hbm>> -> memref<3200xf32, #tpu.memory_space<hbm>>
    tpu.enqueue_dma source(%arg18 : memref<3200xf32, #tpu.memory_space<vmem>>) target(%dma_start3A_79 : memref<3200xf32, #tpu.memory_space<hbm>>) target_semaphore(%arg21 : memref<!tpu.dma_semaphore, #tpu.memory_space<semaphore_mem>>)
    %dma_wait3A_80 = tpu.memref_slice %arg6[%add3A_59] : memref<409600xf32, #tpu.memory_space<hbm>> -> memref<3200xf32, #tpu.memory_space<hbm>>
    %dma_wait3A_81 = tpu.memref_slice %arg6[%add3A_59] : memref<409600xf32, #tpu.memory_space<hbm>> -> memref<3200xf32, #tpu.memory_space<hbm>>
    tpu.wait_dma2 semaphore(%arg21 : memref<!tpu.dma_semaphore, #tpu.memory_space<semaphore_mem>>) src(%arg15 : memref<3200xf32, #tpu.memory_space<vmem>>) dst(%dma_wait3A_81 : memref<3200xf32, #tpu.memory_space<hbm>>)
    %dma_wait3A_82 = tpu.memref_slice %arg6[%add3A_63] : memref<409600xf32, #tpu.memory_space<hbm>> -> memref<3200xf32, #tpu.memory_space<hbm>>
    %dma_wait3A_83 = tpu.memref_slice %arg6[%add3A_63] : memref<409600xf32, #tpu.memory_space<hbm>> -> memref<3200xf32, #tpu.memory_space<hbm>>
    tpu.wait_dma2 semaphore(%arg21 : memref<!tpu.dma_semaphore, #tpu.memory_space<semaphore_mem>>) src(%arg16 : memref<3200xf32, #tpu.memory_space<vmem>>) dst(%dma_wait3A_83 : memref<3200xf32, #tpu.memory_space<hbm>>)
    %dma_wait3A_84 = tpu.memref_slice %arg6[%add3A_73] : memref<409600xf32, #tpu.memory_space<hbm>> -> memref<3200xf32, #tpu.memory_space<hbm>>
    %dma_wait3A_85 = tpu.memref_slice %arg6[%add3A_73] : memref<409600xf32, #tpu.memory_space<hbm>> -> memref<3200xf32, #tpu.memory_space<hbm>>
    tpu.wait_dma2 semaphore(%arg21 : memref<!tpu.dma_semaphore, #tpu.memory_space<semaphore_mem>>) src(%arg17 : memref<3200xf32, #tpu.memory_space<vmem>>) dst(%dma_wait3A_85 : memref<3200xf32, #tpu.memory_space<hbm>>)
    %dma_wait3A_86 = tpu.memref_slice %arg6[%add3A_77] : memref<409600xf32, #tpu.memory_space<hbm>> -> memref<3200xf32, #tpu.memory_space<hbm>>
    %dma_wait3A_87 = tpu.memref_slice %arg6[%add3A_77] : memref<409600xf32, #tpu.memory_space<hbm>> -> memref<3200xf32, #tpu.memory_space<hbm>>
    tpu.wait_dma2 semaphore(%arg21 : memref<!tpu.dma_semaphore, #tpu.memory_space<semaphore_mem>>) src(%arg18 : memref<3200xf32, #tpu.memory_space<vmem>>) dst(%dma_wait3A_87 : memref<3200xf32, #tpu.memory_space<hbm>>)
    return
  }
}

#map = affine_map<(d0, d1) -> (0)>
module attributes {stable_mosaic.version = 14 : i64} {
  func.func @body(%arg0: i32, %arg1: i32, %arg2: memref<409600xf32, #tpu.memory_space<hbm>>, %arg3: memref<1600512xi32, #tpu.memory_space<hbm>>, %arg4: memref<1600512xf32, #tpu.memory_space<hbm>>, %arg5: memref<102400xf32, #tpu.memory_space<vmem_shared>>, %arg6: memref<3072xi32, #tpu.memory_space<vmem>>, %arg7: memref<3072xi32, #tpu.memory_space<vmem>>, %arg8: memref<3072xf32, #tpu.memory_space<vmem>>, %arg9: memref<3072xf32, #tpu.memory_space<vmem>>, %arg10: memref<!tpu.dma_semaphore, #tpu.memory_space<semaphore_mem>>, %arg11: memref<!tpu.dma_semaphore, #tpu.memory_space<semaphore_mem>>, %arg12: memref<!tpu.dma_semaphore, #tpu.memory_space<semaphore_mem>>, %arg13: memref<!tpu.dma_semaphore, #tpu.memory_space<semaphore_mem>>, %arg14: memref<!tpu.dma_semaphore, #tpu.memory_space<semaphore_mem>>, %arg15: memref<!tpu.dma_semaphore, #tpu.memory_space<semaphore_mem>>) attributes {dimension_semantics = [#tpu.dimension_semantics<core_parallel>, #tpu.dimension_semantics<subcore_parallel>], iteration_bounds = array<i64: 2, 16>, scalar_prefetch = 0 : i64, scratch_operands = 11 : i64, tpu.core_type = #tpu.core_type<sc_vector_subcore>, window_params = [{transform_indices = #map}, {transform_indices = #map}, {transform_indices = #map}]} {
    %mul3A = arith.constant 2 : i32
    %mul3A_0 = arith.muli %arg1, %mul3A : i32
    %add3A = arith.addi %mul3A_0, %arg0 : i32
    %mul3A_1 = arith.constant 6400 : i32
    %mul3A_2 = arith.muli %arg1, %mul3A_1 : i32
    %add3A_3 = arith.constant 307200 : i32
    %add3A_4 = arith.addi %add3A_3, %mul3A_2 : i32
    %dma_start3A = tpu.memref_slice %arg5[%mul3A_2] : memref<102400xf32, #tpu.memory_space<vmem_shared>> -> memref<6400xf32, #tpu.memory_space<vmem_shared>>
    %dma_start3A_5 = tpu.memref_slice %arg2[%add3A_4] : memref<409600xf32, #tpu.memory_space<hbm>> -> memref<6400xf32, #tpu.memory_space<hbm>>
    tpu.enqueue_dma source(%dma_start3A_5 : memref<6400xf32, #tpu.memory_space<hbm>>) target(%dma_start3A : memref<6400xf32, #tpu.memory_space<vmem_shared>>) target_semaphore(%arg10 : memref<!tpu.dma_semaphore, #tpu.memory_space<semaphore_mem>>)
    %dma_wait3A = tpu.memref_slice %arg5[%mul3A_2] : memref<102400xf32, #tpu.memory_space<vmem_shared>> -> memref<6400xf32, #tpu.memory_space<vmem_shared>>
    %dma_wait3A_6 = tpu.memref_slice %arg2[%add3A_4] : memref<409600xf32, #tpu.memory_space<hbm>> -> memref<6400xf32, #tpu.memory_space<hbm>>
    tpu.wait_dma2 semaphore(%arg10 : memref<!tpu.dma_semaphore, #tpu.memory_space<semaphore_mem>>) src(%dma_wait3A_6 : memref<6400xf32, #tpu.memory_space<hbm>>) dst(%dma_wait3A : memref<6400xf32, #tpu.memory_space<vmem_shared>>)
    %barrier3A = arith.constant 0 : index
    tpu.barrier barrier_id(%barrier3A)
    %sub3A = arith.constant 521 : i32
    %sub3A_7 = arith.subi %sub3A, %add3A : i32
    %add3A_8 = arith.constant 32 : i32
    %add3A_9 = arith.addi %sub3A_7, %add3A_8 : i32
    %sub3A_10 = arith.constant 1 : i32
    %sub3A_11 = arith.subi %add3A_9, %sub3A_10 : i32
    %jit3A = arith.constant 32 : i32
    %div3A = arith.divsi %sub3A_11, %jit3A : i32
    %sign3A = arith.constant 0 : i32
    %sign3A_12 = arith.cmpi sgt, %sub3A_11, %sign3A : i32
    %sign3A_13 = arith.extui %sign3A_12 : i1 to i32
    %sign3A_14 = arith.constant 0 : i32
    %sign3A_15 = arith.cmpi slt, %sub3A_11, %sign3A_14 : i32
    %sign3A_16 = arith.extui %sign3A_15 : i1 to i32
    %sign3A_17 = arith.subi %sign3A_13, %sign3A_16 : i32
    %sign3A_18 = arith.constant 0 : i32
    %sign3A_19 = arith.cmpi sgt, %jit3A, %sign3A_18 : i32
    %sign3A_20 = arith.extui %sign3A_19 : i1 to i32
    %sign3A_21 = arith.constant 0 : i32
    %sign3A_22 = arith.cmpi slt, %jit3A, %sign3A_21 : i32
    %sign3A_23 = arith.extui %sign3A_22 : i1 to i32
    %sign3A_24 = arith.subi %sign3A_20, %sign3A_23 : i32
    %ne3A = arith.cmpi ne, %sign3A_17, %sign3A_24 : i32
    %rem3A = arith.remsi %sub3A_11, %jit3A : i32
    %ne3A_25 = arith.constant 0 : i32
    %ne3A_26 = arith.cmpi ne, %rem3A, %ne3A_25 : i32
    %and3A = arith.andi %ne3A, %ne3A_26 : i1
    %sub3A_27 = arith.constant 1 : i32
    %sub3A_28 = arith.subi %div3A, %sub3A_27 : i32
    %select_n3A = arith.select %and3A, %sub3A_28, %div3A : i32
    %jit3A_29 = arith.constant 2 : i32
    %div3A_30 = arith.divsi %select_n3A, %jit3A_29 : i32
    %sign3A_31 = arith.constant 0 : i32
    %sign3A_32 = arith.cmpi sgt, %select_n3A, %sign3A_31 : i32
    %sign3A_33 = arith.extui %sign3A_32 : i1 to i32
    %sign3A_34 = arith.constant 0 : i32
    %sign3A_35 = arith.cmpi slt, %select_n3A, %sign3A_34 : i32
    %sign3A_36 = arith.extui %sign3A_35 : i1 to i32
    %sign3A_37 = arith.subi %sign3A_33, %sign3A_36 : i32
    %sign3A_38 = arith.constant 0 : i32
    %sign3A_39 = arith.cmpi sgt, %jit3A_29, %sign3A_38 : i32
    %sign3A_40 = arith.extui %sign3A_39 : i1 to i32
    %sign3A_41 = arith.constant 0 : i32
    %sign3A_42 = arith.cmpi slt, %jit3A_29, %sign3A_41 : i32
    %sign3A_43 = arith.extui %sign3A_42 : i1 to i32
    %sign3A_44 = arith.subi %sign3A_40, %sign3A_43 : i32
    %ne3A_45 = arith.cmpi ne, %sign3A_37, %sign3A_44 : i32
    %rem3A_46 = arith.remsi %select_n3A, %jit3A_29 : i32
    %ne3A_47 = arith.constant 0 : i32
    %ne3A_48 = arith.cmpi ne, %rem3A_46, %ne3A_47 : i32
    %and3A_49 = arith.andi %ne3A_45, %ne3A_48 : i1
    %sub3A_50 = arith.constant 1 : i32
    %sub3A_51 = arith.subi %div3A_30, %sub3A_50 : i32
    %select_n3A_52 = arith.select %and3A_49, %sub3A_51, %div3A_30 : i32
    %mul3A_53 = arith.constant 2 : i32
    %mul3A_54 = arith.muli %mul3A_53, %select_n3A_52 : i32
    %sub3A_55 = arith.subi %select_n3A, %mul3A_54 : i32
    %mul3A_56 = arith.constant 3072 : i32
    %mul3A_57 = arith.muli %add3A, %mul3A_56 : i32
    "tpu.region"() ({
      %run_scoped3A = tpu.sem_alloc : memref<!tpu.dma_semaphore, #tpu.memory_space<semaphore_mem>>
      %dma_start3A_82 = tpu.memref_slice %arg3[%mul3A_57] : memref<1600512xi32, #tpu.memory_space<hbm>> -> memref<3072xi32, #tpu.memory_space<hbm>>
      %dma_start3A_83 = tpu.memref_slice %arg3[%mul3A_57] : memref<1600512xi32, #tpu.memory_space<hbm>> -> memref<3072xi32, #tpu.memory_space<hbm>>
      tpu.enqueue_dma source(%dma_start3A_83 : memref<3072xi32, #tpu.memory_space<hbm>>) target(%arg6 : memref<3072xi32, #tpu.memory_space<vmem>>) target_semaphore(%run_scoped3A : memref<!tpu.dma_semaphore, #tpu.memory_space<semaphore_mem>>)
      %dma_wait3A_84 = tpu.memref_slice %arg3[%mul3A_57] : memref<1600512xi32, #tpu.memory_space<hbm>> -> memref<3072xi32, #tpu.memory_space<hbm>>
      %dma_wait3A_85 = tpu.memref_slice %arg3[%mul3A_57] : memref<1600512xi32, #tpu.memory_space<hbm>> -> memref<3072xi32, #tpu.memory_space<hbm>>
      tpu.wait_dma2 semaphore(%run_scoped3A : memref<!tpu.dma_semaphore, #tpu.memory_space<semaphore_mem>>) src(%dma_wait3A_85 : memref<3072xi32, #tpu.memory_space<hbm>>) dst(%arg6 : memref<3072xi32, #tpu.memory_space<vmem>>)
      tpu.yield
    }) : () -> ()
    %add3A_58 = arith.constant 32 : i32
    %add3A_59 = arith.addi %add3A, %add3A_58 : i32
    %mul3A_60 = arith.constant 3072 : i32
    %mul3A_61 = arith.muli %add3A_59, %mul3A_60 : i32
    "tpu.region"() ({
      %run_scoped3A = tpu.sem_alloc : memref<!tpu.dma_semaphore, #tpu.memory_space<semaphore_mem>>
      %dma_start3A_82 = tpu.memref_slice %arg3[%mul3A_61] : memref<1600512xi32, #tpu.memory_space<hbm>> -> memref<3072xi32, #tpu.memory_space<hbm>>
      %dma_start3A_83 = tpu.memref_slice %arg3[%mul3A_61] : memref<1600512xi32, #tpu.memory_space<hbm>> -> memref<3072xi32, #tpu.memory_space<hbm>>
      tpu.enqueue_dma source(%dma_start3A_83 : memref<3072xi32, #tpu.memory_space<hbm>>) target(%arg7 : memref<3072xi32, #tpu.memory_space<vmem>>) target_semaphore(%run_scoped3A : memref<!tpu.dma_semaphore, #tpu.memory_space<semaphore_mem>>)
      %dma_wait3A_84 = tpu.memref_slice %arg3[%mul3A_61] : memref<1600512xi32, #tpu.memory_space<hbm>> -> memref<3072xi32, #tpu.memory_space<hbm>>
      %dma_wait3A_85 = tpu.memref_slice %arg3[%mul3A_61] : memref<1600512xi32, #tpu.memory_space<hbm>> -> memref<3072xi32, #tpu.memory_space<hbm>>
      tpu.wait_dma2 semaphore(%run_scoped3A : memref<!tpu.dma_semaphore, #tpu.memory_space<semaphore_mem>>) src(%dma_wait3A_85 : memref<3072xi32, #tpu.memory_space<hbm>>) dst(%arg7 : memref<3072xi32, #tpu.memory_space<vmem>>)
      tpu.yield
    }) : () -> ()
    %while3A = arith.constant 0 : i32
    %while3A_62 = arith.constant 0 : i32
    %while3A_63 = arith.subi %select_n3A_52, %while3A_62 : i32
    %while3A_64 = arith.addi %while3A_62, %while3A_63 : i32
    %while3A_65 = arith.constant 1 : i32
    %while3A_66 = arith.divsi %while3A_63, %while3A_65 : i32
    %while3A_67 = arith.muli %while3A_66, %while3A_65 : i32
    %while3A_68 = arith.addi %while3A_62, %while3A_67 : i32
    %while3A_69 = arith.constant 1 : i32
    scf.for %while3A_82 = %while3A_62 to %while3A_68 step %while3A_69  : i32 {
      %mul3A_83 = arith.constant 2 : i32
      %mul3A_84 = arith.muli %mul3A_83, %while3A_82 : i32
      %add3A_85 = arith.constant 0 : i32
      %add3A_86 = arith.addi %mul3A_84, %add3A_85 : i32
      %mul3A_87 = arith.constant 32 : i32
      %mul3A_88 = arith.muli %add3A_86, %mul3A_87 : i32
      %add3A_89 = arith.addi %add3A, %mul3A_88 : i32
      %mul3A_90 = arith.constant 3072 : i32
      %mul3A_91 = arith.muli %add3A_89, %mul3A_90 : i32
      %gt3A = arith.constant 0 : i32
      %gt3A_92 = arith.cmpi sgt, %while3A_82, %gt3A : i32
      %convert_element_type3A_93 = arith.extui %gt3A_92 : i1 to i32
      %cond3A_94 = arith.constant 0 : i32
      %cond3A_95 = arith.cmpi ne, %convert_element_type3A_93, %cond3A_94 : i32
      scf.if %cond3A_95 {
        %dma_wait3A_133 = tpu.memref_slice %arg4[%mul3A_91] : memref<1600512xf32, #tpu.memory_space<hbm>> -> memref<3072xf32, #tpu.memory_space<hbm>>
        %dma_wait3A_134 = tpu.memref_slice %arg4[%mul3A_91] : memref<1600512xf32, #tpu.memory_space<hbm>> -> memref<3072xf32, #tpu.memory_space<hbm>>
        tpu.wait_dma2 semaphore(%arg12 : memref<!tpu.dma_semaphore, #tpu.memory_space<semaphore_mem>>) src(%arg8 : memref<3072xf32, #tpu.memory_space<vmem>>) dst(%dma_wait3A_134 : memref<3072xf32, #tpu.memory_space<hbm>>)
        %dma_wait3A_135 = tpu.memref_slice %arg3[%mul3A_91] : memref<1600512xi32, #tpu.memory_space<hbm>> -> memref<3072xi32, #tpu.memory_space<hbm>>
        %dma_wait3A_136 = tpu.memref_slice %arg3[%mul3A_91] : memref<1600512xi32, #tpu.memory_space<hbm>> -> memref<3072xi32, #tpu.memory_space<hbm>>
        tpu.wait_dma2 semaphore(%arg14 : memref<!tpu.dma_semaphore, #tpu.memory_space<semaphore_mem>>) src(%dma_wait3A_136 : memref<3072xi32, #tpu.memory_space<hbm>>) dst(%arg6 : memref<3072xi32, #tpu.memory_space<vmem>>)
      } else {
      }
      %dma_start3A_96 = arith.constant 0 : i32
      %dma_start3A_97 = tpu.memref_slice %arg5[%dma_start3A_96] : memref<102400xf32, #tpu.memory_space<vmem_shared>> -> memref<102400xf32, #tpu.memory_space<vmem_shared>>
      tpu.enqueue_indirect_dma source(%dma_start3A_97 : memref<102400xf32, #tpu.memory_space<vmem_shared>>) target(%arg8 : memref<3072xf32, #tpu.memory_space<vmem>>) offsets(%arg6 : memref<3072xi32, #tpu.memory_space<vmem>>) semaphore(%arg11 : memref<!tpu.dma_semaphore, #tpu.memory_space<semaphore_mem>>)
      %dma_wait3A_98 = arith.constant 0 : i32
      %dma_wait3A_99 = tpu.memref_slice %arg5[%dma_wait3A_98] : memref<102400xf32, #tpu.memory_space<vmem_shared>> -> memref<102400xf32, #tpu.memory_space<vmem_shared>>
      tpu.wait_indirect_dma semaphore(%arg11 : memref<!tpu.dma_semaphore, #tpu.memory_space<semaphore_mem>>) src(%dma_wait3A_99 : memref<102400xf32, #tpu.memory_space<vmem_shared>>) dst(%arg8 : memref<3072xf32, #tpu.memory_space<vmem>>)
      %add3A_100 = arith.constant 2 : i32
      %add3A_101 = arith.addi %add3A_86, %add3A_100 : i32
      %lt3A = arith.cmpi slt, %add3A_101, %select_n3A : i32
      %convert_element_type3A_102 = arith.extui %lt3A : i1 to i32
      %cond3A_103 = arith.constant 0 : i32
      %cond3A_104 = arith.cmpi ne, %convert_element_type3A_102, %cond3A_103 : i32
      scf.if %cond3A_104 {
        %add3A_133 = arith.constant 2 : i32
        %add3A_134 = arith.addi %add3A_86, %add3A_133 : i32
        %mul3A_135 = arith.constant 32 : i32
        %mul3A_136 = arith.muli %add3A_134, %mul3A_135 : i32
        %add3A_137 = arith.addi %add3A, %mul3A_136 : i32
        %mul3A_138 = arith.constant 3072 : i32
        %mul3A_139 = arith.muli %add3A_137, %mul3A_138 : i32
        %dma_start3A_140 = tpu.memref_slice %arg3[%mul3A_139] : memref<1600512xi32, #tpu.memory_space<hbm>> -> memref<3072xi32, #tpu.memory_space<hbm>>
        %dma_start3A_141 = tpu.memref_slice %arg3[%mul3A_139] : memref<1600512xi32, #tpu.memory_space<hbm>> -> memref<3072xi32, #tpu.memory_space<hbm>>
        tpu.enqueue_dma source(%dma_start3A_141 : memref<3072xi32, #tpu.memory_space<hbm>>) target(%arg6 : memref<3072xi32, #tpu.memory_space<vmem>>) target_semaphore(%arg14 : memref<!tpu.dma_semaphore, #tpu.memory_space<semaphore_mem>>)
      } else {
      }
      %dma_start3A_105 = tpu.memref_slice %arg4[%mul3A_91] : memref<1600512xf32, #tpu.memory_space<hbm>> -> memref<3072xf32, #tpu.memory_space<hbm>>
      %dma_start3A_106 = tpu.memref_slice %arg4[%mul3A_91] : memref<1600512xf32, #tpu.memory_space<hbm>> -> memref<3072xf32, #tpu.memory_space<hbm>>
      tpu.enqueue_dma source(%arg8 : memref<3072xf32, #tpu.memory_space<vmem>>) target(%dma_start3A_106 : memref<3072xf32, #tpu.memory_space<hbm>>) target_semaphore(%arg12 : memref<!tpu.dma_semaphore, #tpu.memory_space<semaphore_mem>>)
      %mul3A_107 = arith.constant 2 : i32
      %mul3A_108 = arith.muli %mul3A_107, %while3A_82 : i32
      %add3A_109 = arith.constant 1 : i32
      %add3A_110 = arith.addi %mul3A_108, %add3A_109 : i32
      %mul3A_111 = arith.constant 32 : i32
      %mul3A_112 = arith.muli %add3A_110, %mul3A_111 : i32
      %add3A_113 = arith.addi %add3A, %mul3A_112 : i32
      %mul3A_114 = arith.constant 3072 : i32
      %mul3A_115 = arith.muli %add3A_113, %mul3A_114 : i32
      %gt3A_116 = arith.constant 0 : i32
      %gt3A_117 = arith.cmpi sgt, %while3A_82, %gt3A_116 : i32
      %convert_element_type3A_118 = arith.extui %gt3A_117 : i1 to i32
      %cond3A_119 = arith.constant 0 : i32
      %cond3A_120 = arith.cmpi ne, %convert_element_type3A_118, %cond3A_119 : i32
      scf.if %cond3A_120 {
        %dma_wait3A_133 = tpu.memref_slice %arg4[%mul3A_115] : memref<1600512xf32, #tpu.memory_space<hbm>> -> memref<3072xf32, #tpu.memory_space<hbm>>
        %dma_wait3A_134 = tpu.memref_slice %arg4[%mul3A_115] : memref<1600512xf32, #tpu.memory_space<hbm>> -> memref<3072xf32, #tpu.memory_space<hbm>>
        tpu.wait_dma2 semaphore(%arg13 : memref<!tpu.dma_semaphore, #tpu.memory_space<semaphore_mem>>) src(%arg9 : memref<3072xf32, #tpu.memory_space<vmem>>) dst(%dma_wait3A_134 : memref<3072xf32, #tpu.memory_space<hbm>>)
        %dma_wait3A_135 = tpu.memref_slice %arg3[%mul3A_115] : memref<1600512xi32, #tpu.memory_space<hbm>> -> memref<3072xi32, #tpu.memory_space<hbm>>
        %dma_wait3A_136 = tpu.memref_slice %arg3[%mul3A_115] : memref<1600512xi32, #tpu.memory_space<hbm>> -> memref<3072xi32, #tpu.memory_space<hbm>>
        tpu.wait_dma2 semaphore(%arg15 : memref<!tpu.dma_semaphore, #tpu.memory_space<semaphore_mem>>) src(%dma_wait3A_136 : memref<3072xi32, #tpu.memory_space<hbm>>) dst(%arg7 : memref<3072xi32, #tpu.memory_space<vmem>>)
      } else {
      }
      %dma_start3A_121 = arith.constant 0 : i32
      %dma_start3A_122 = tpu.memref_slice %arg5[%dma_start3A_121] : memref<102400xf32, #tpu.memory_space<vmem_shared>> -> memref<102400xf32, #tpu.memory_space<vmem_shared>>
      tpu.enqueue_indirect_dma source(%dma_start3A_122 : memref<102400xf32, #tpu.memory_space<vmem_shared>>) target(%arg9 : memref<3072xf32, #tpu.memory_space<vmem>>) offsets(%arg7 : memref<3072xi32, #tpu.memory_space<vmem>>) semaphore(%arg11 : memref<!tpu.dma_semaphore, #tpu.memory_space<semaphore_mem>>)
      %dma_wait3A_123 = arith.constant 0 : i32
      %dma_wait3A_124 = tpu.memref_slice %arg5[%dma_wait3A_123] : memref<102400xf32, #tpu.memory_space<vmem_shared>> -> memref<102400xf32, #tpu.memory_space<vmem_shared>>
      tpu.wait_indirect_dma semaphore(%arg11 : memref<!tpu.dma_semaphore, #tpu.memory_space<semaphore_mem>>) src(%dma_wait3A_124 : memref<102400xf32, #tpu.memory_space<vmem_shared>>) dst(%arg9 : memref<3072xf32, #tpu.memory_space<vmem>>)
      %add3A_125 = arith.constant 2 : i32
      %add3A_126 = arith.addi %add3A_110, %add3A_125 : i32
      %lt3A_127 = arith.cmpi slt, %add3A_126, %select_n3A : i32
      %convert_element_type3A_128 = arith.extui %lt3A_127 : i1 to i32
      %cond3A_129 = arith.constant 0 : i32
      %cond3A_130 = arith.cmpi ne, %convert_element_type3A_128, %cond3A_129 : i32
      scf.if %cond3A_130 {
        %add3A_133 = arith.constant 2 : i32
        %add3A_134 = arith.addi %add3A_110, %add3A_133 : i32
        %mul3A_135 = arith.constant 32 : i32
        %mul3A_136 = arith.muli %add3A_134, %mul3A_135 : i32
        %add3A_137 = arith.addi %add3A, %mul3A_136 : i32
        %mul3A_138 = arith.constant 3072 : i32
        %mul3A_139 = arith.muli %add3A_137, %mul3A_138 : i32
        %dma_start3A_140 = tpu.memref_slice %arg3[%mul3A_139] : memref<1600512xi32, #tpu.memory_space<hbm>> -> memref<3072xi32, #tpu.memory_space<hbm>>
        %dma_start3A_141 = tpu.memref_slice %arg3[%mul3A_139] : memref<1600512xi32, #tpu.memory_space<hbm>> -> memref<3072xi32, #tpu.memory_space<hbm>>
        tpu.enqueue_dma source(%dma_start3A_141 : memref<3072xi32, #tpu.memory_space<hbm>>) target(%arg7 : memref<3072xi32, #tpu.memory_space<vmem>>) target_semaphore(%arg15 : memref<!tpu.dma_semaphore, #tpu.memory_space<semaphore_mem>>)
      } else {
      }
      %dma_start3A_131 = tpu.memref_slice %arg4[%mul3A_115] : memref<1600512xf32, #tpu.memory_space<hbm>> -> memref<3072xf32, #tpu.memory_space<hbm>>
      %dma_start3A_132 = tpu.memref_slice %arg4[%mul3A_115] : memref<1600512xf32, #tpu.memory_space<hbm>> -> memref<3072xf32, #tpu.memory_space<hbm>>
      tpu.enqueue_dma source(%arg9 : memref<3072xf32, #tpu.memory_space<vmem>>) target(%dma_start3A_132 : memref<3072xf32, #tpu.memory_space<hbm>>) target_semaphore(%arg13 : memref<!tpu.dma_semaphore, #tpu.memory_space<semaphore_mem>>)
    }
    %while3A_70 = arith.constant 1 : i32
    scf.for %while3A_82 = %while3A_68 to %while3A_64 step %while3A_70  : i32 {
      %mul3A_83 = arith.constant 2 : i32
      %mul3A_84 = arith.muli %mul3A_83, %while3A_82 : i32
      %add3A_85 = arith.constant 0 : i32
      %add3A_86 = arith.addi %mul3A_84, %add3A_85 : i32
      %mul3A_87 = arith.constant 32 : i32
      %mul3A_88 = arith.muli %add3A_86, %mul3A_87 : i32
      %add3A_89 = arith.addi %add3A, %mul3A_88 : i32
      %mul3A_90 = arith.constant 3072 : i32
      %mul3A_91 = arith.muli %add3A_89, %mul3A_90 : i32
      %gt3A = arith.constant 0 : i32
      %gt3A_92 = arith.cmpi sgt, %while3A_82, %gt3A : i32
      %convert_element_type3A_93 = arith.extui %gt3A_92 : i1 to i32
      %cond3A_94 = arith.constant 0 : i32
      %cond3A_95 = arith.cmpi ne, %convert_element_type3A_93, %cond3A_94 : i32
      scf.if %cond3A_95 {
        %dma_wait3A_133 = tpu.memref_slice %arg4[%mul3A_91] : memref<1600512xf32, #tpu.memory_space<hbm>> -> memref<3072xf32, #tpu.memory_space<hbm>>
        %dma_wait3A_134 = tpu.memref_slice %arg4[%mul3A_91] : memref<1600512xf32, #tpu.memory_space<hbm>> -> memref<3072xf32, #tpu.memory_space<hbm>>
        tpu.wait_dma2 semaphore(%arg12 : memref<!tpu.dma_semaphore, #tpu.memory_space<semaphore_mem>>) src(%arg8 : memref<3072xf32, #tpu.memory_space<vmem>>) dst(%dma_wait3A_134 : memref<3072xf32, #tpu.memory_space<hbm>>)
        %dma_wait3A_135 = tpu.memref_slice %arg3[%mul3A_91] : memref<1600512xi32, #tpu.memory_space<hbm>> -> memref<3072xi32, #tpu.memory_space<hbm>>
        %dma_wait3A_136 = tpu.memref_slice %arg3[%mul3A_91] : memref<1600512xi32, #tpu.memory_space<hbm>> -> memref<3072xi32, #tpu.memory_space<hbm>>
        tpu.wait_dma2 semaphore(%arg14 : memref<!tpu.dma_semaphore, #tpu.memory_space<semaphore_mem>>) src(%dma_wait3A_136 : memref<3072xi32, #tpu.memory_space<hbm>>) dst(%arg6 : memref<3072xi32, #tpu.memory_space<vmem>>)
      } else {
      }
      %dma_start3A_96 = arith.constant 0 : i32
      %dma_start3A_97 = tpu.memref_slice %arg5[%dma_start3A_96] : memref<102400xf32, #tpu.memory_space<vmem_shared>> -> memref<102400xf32, #tpu.memory_space<vmem_shared>>
      tpu.enqueue_indirect_dma source(%dma_start3A_97 : memref<102400xf32, #tpu.memory_space<vmem_shared>>) target(%arg8 : memref<3072xf32, #tpu.memory_space<vmem>>) offsets(%arg6 : memref<3072xi32, #tpu.memory_space<vmem>>) semaphore(%arg11 : memref<!tpu.dma_semaphore, #tpu.memory_space<semaphore_mem>>)
      %dma_wait3A_98 = arith.constant 0 : i32
      %dma_wait3A_99 = tpu.memref_slice %arg5[%dma_wait3A_98] : memref<102400xf32, #tpu.memory_space<vmem_shared>> -> memref<102400xf32, #tpu.memory_space<vmem_shared>>
      tpu.wait_indirect_dma semaphore(%arg11 : memref<!tpu.dma_semaphore, #tpu.memory_space<semaphore_mem>>) src(%dma_wait3A_99 : memref<102400xf32, #tpu.memory_space<vmem_shared>>) dst(%arg8 : memref<3072xf32, #tpu.memory_space<vmem>>)
      %add3A_100 = arith.constant 2 : i32
      %add3A_101 = arith.addi %add3A_86, %add3A_100 : i32
      %lt3A = arith.cmpi slt, %add3A_101, %select_n3A : i32
      %convert_element_type3A_102 = arith.extui %lt3A : i1 to i32
      %cond3A_103 = arith.constant 0 : i32
      %cond3A_104 = arith.cmpi ne, %convert_element_type3A_102, %cond3A_103 : i32
      scf.if %cond3A_104 {
        %add3A_133 = arith.constant 2 : i32
        %add3A_134 = arith.addi %add3A_86, %add3A_133 : i32
        %mul3A_135 = arith.constant 32 : i32
        %mul3A_136 = arith.muli %add3A_134, %mul3A_135 : i32
        %add3A_137 = arith.addi %add3A, %mul3A_136 : i32
        %mul3A_138 = arith.constant 3072 : i32
        %mul3A_139 = arith.muli %add3A_137, %mul3A_138 : i32
        %dma_start3A_140 = tpu.memref_slice %arg3[%mul3A_139] : memref<1600512xi32, #tpu.memory_space<hbm>> -> memref<3072xi32, #tpu.memory_space<hbm>>
        %dma_start3A_141 = tpu.memref_slice %arg3[%mul3A_139] : memref<1600512xi32, #tpu.memory_space<hbm>> -> memref<3072xi32, #tpu.memory_space<hbm>>
        tpu.enqueue_dma source(%dma_start3A_141 : memref<3072xi32, #tpu.memory_space<hbm>>) target(%arg6 : memref<3072xi32, #tpu.memory_space<vmem>>) target_semaphore(%arg14 : memref<!tpu.dma_semaphore, #tpu.memory_space<semaphore_mem>>)
      } else {
      }
      %dma_start3A_105 = tpu.memref_slice %arg4[%mul3A_91] : memref<1600512xf32, #tpu.memory_space<hbm>> -> memref<3072xf32, #tpu.memory_space<hbm>>
      %dma_start3A_106 = tpu.memref_slice %arg4[%mul3A_91] : memref<1600512xf32, #tpu.memory_space<hbm>> -> memref<3072xf32, #tpu.memory_space<hbm>>
      tpu.enqueue_dma source(%arg8 : memref<3072xf32, #tpu.memory_space<vmem>>) target(%dma_start3A_106 : memref<3072xf32, #tpu.memory_space<hbm>>) target_semaphore(%arg12 : memref<!tpu.dma_semaphore, #tpu.memory_space<semaphore_mem>>)
      %mul3A_107 = arith.constant 2 : i32
      %mul3A_108 = arith.muli %mul3A_107, %while3A_82 : i32
      %add3A_109 = arith.constant 1 : i32
      %add3A_110 = arith.addi %mul3A_108, %add3A_109 : i32
      %mul3A_111 = arith.constant 32 : i32
      %mul3A_112 = arith.muli %add3A_110, %mul3A_111 : i32
      %add3A_113 = arith.addi %add3A, %mul3A_112 : i32
      %mul3A_114 = arith.constant 3072 : i32
      %mul3A_115 = arith.muli %add3A_113, %mul3A_114 : i32
      %gt3A_116 = arith.constant 0 : i32
      %gt3A_117 = arith.cmpi sgt, %while3A_82, %gt3A_116 : i32
      %convert_element_type3A_118 = arith.extui %gt3A_117 : i1 to i32
      %cond3A_119 = arith.constant 0 : i32
      %cond3A_120 = arith.cmpi ne, %convert_element_type3A_118, %cond3A_119 : i32
      scf.if %cond3A_120 {
        %dma_wait3A_133 = tpu.memref_slice %arg4[%mul3A_115] : memref<1600512xf32, #tpu.memory_space<hbm>> -> memref<3072xf32, #tpu.memory_space<hbm>>
        %dma_wait3A_134 = tpu.memref_slice %arg4[%mul3A_115] : memref<1600512xf32, #tpu.memory_space<hbm>> -> memref<3072xf32, #tpu.memory_space<hbm>>
        tpu.wait_dma2 semaphore(%arg13 : memref<!tpu.dma_semaphore, #tpu.memory_space<semaphore_mem>>) src(%arg9 : memref<3072xf32, #tpu.memory_space<vmem>>) dst(%dma_wait3A_134 : memref<3072xf32, #tpu.memory_space<hbm>>)
        %dma_wait3A_135 = tpu.memref_slice %arg3[%mul3A_115] : memref<1600512xi32, #tpu.memory_space<hbm>> -> memref<3072xi32, #tpu.memory_space<hbm>>
        %dma_wait3A_136 = tpu.memref_slice %arg3[%mul3A_115] : memref<1600512xi32, #tpu.memory_space<hbm>> -> memref<3072xi32, #tpu.memory_space<hbm>>
        tpu.wait_dma2 semaphore(%arg15 : memref<!tpu.dma_semaphore, #tpu.memory_space<semaphore_mem>>) src(%dma_wait3A_136 : memref<3072xi32, #tpu.memory_space<hbm>>) dst(%arg7 : memref<3072xi32, #tpu.memory_space<vmem>>)
      } else {
      }
      %dma_start3A_121 = arith.constant 0 : i32
      %dma_start3A_122 = tpu.memref_slice %arg5[%dma_start3A_121] : memref<102400xf32, #tpu.memory_space<vmem_shared>> -> memref<102400xf32, #tpu.memory_space<vmem_shared>>
      tpu.enqueue_indirect_dma source(%dma_start3A_122 : memref<102400xf32, #tpu.memory_space<vmem_shared>>) target(%arg9 : memref<3072xf32, #tpu.memory_space<vmem>>) offsets(%arg7 : memref<3072xi32, #tpu.memory_space<vmem>>) semaphore(%arg11 : memref<!tpu.dma_semaphore, #tpu.memory_space<semaphore_mem>>)
      %dma_wait3A_123 = arith.constant 0 : i32
      %dma_wait3A_124 = tpu.memref_slice %arg5[%dma_wait3A_123] : memref<102400xf32, #tpu.memory_space<vmem_shared>> -> memref<102400xf32, #tpu.memory_space<vmem_shared>>
      tpu.wait_indirect_dma semaphore(%arg11 : memref<!tpu.dma_semaphore, #tpu.memory_space<semaphore_mem>>) src(%dma_wait3A_124 : memref<102400xf32, #tpu.memory_space<vmem_shared>>) dst(%arg9 : memref<3072xf32, #tpu.memory_space<vmem>>)
      %add3A_125 = arith.constant 2 : i32
      %add3A_126 = arith.addi %add3A_110, %add3A_125 : i32
      %lt3A_127 = arith.cmpi slt, %add3A_126, %select_n3A : i32
      %convert_element_type3A_128 = arith.extui %lt3A_127 : i1 to i32
      %cond3A_129 = arith.constant 0 : i32
      %cond3A_130 = arith.cmpi ne, %convert_element_type3A_128, %cond3A_129 : i32
      scf.if %cond3A_130 {
        %add3A_133 = arith.constant 2 : i32
        %add3A_134 = arith.addi %add3A_110, %add3A_133 : i32
        %mul3A_135 = arith.constant 32 : i32
        %mul3A_136 = arith.muli %add3A_134, %mul3A_135 : i32
        %add3A_137 = arith.addi %add3A, %mul3A_136 : i32
        %mul3A_138 = arith.constant 3072 : i32
        %mul3A_139 = arith.muli %add3A_137, %mul3A_138 : i32
        %dma_start3A_140 = tpu.memref_slice %arg3[%mul3A_139] : memref<1600512xi32, #tpu.memory_space<hbm>> -> memref<3072xi32, #tpu.memory_space<hbm>>
        %dma_start3A_141 = tpu.memref_slice %arg3[%mul3A_139] : memref<1600512xi32, #tpu.memory_space<hbm>> -> memref<3072xi32, #tpu.memory_space<hbm>>
        tpu.enqueue_dma source(%dma_start3A_141 : memref<3072xi32, #tpu.memory_space<hbm>>) target(%arg7 : memref<3072xi32, #tpu.memory_space<vmem>>) target_semaphore(%arg15 : memref<!tpu.dma_semaphore, #tpu.memory_space<semaphore_mem>>)
      } else {
      }
      %dma_start3A_131 = tpu.memref_slice %arg4[%mul3A_115] : memref<1600512xf32, #tpu.memory_space<hbm>> -> memref<3072xf32, #tpu.memory_space<hbm>>
      %dma_start3A_132 = tpu.memref_slice %arg4[%mul3A_115] : memref<1600512xf32, #tpu.memory_space<hbm>> -> memref<3072xf32, #tpu.memory_space<hbm>>
      tpu.enqueue_dma source(%arg9 : memref<3072xf32, #tpu.memory_space<vmem>>) target(%dma_start3A_132 : memref<3072xf32, #tpu.memory_space<hbm>>) target_semaphore(%arg13 : memref<!tpu.dma_semaphore, #tpu.memory_space<semaphore_mem>>)
    }
    %eq3A = arith.constant 1 : i32
    %eq3A_71 = arith.cmpi eq, %sub3A_55, %eq3A : i32
    %convert_element_type3A = arith.extui %eq3A_71 : i1 to i32
    %cond3A = arith.constant 0 : i32
    %cond3A_72 = arith.cmpi ne, %convert_element_type3A, %cond3A : i32
    scf.if %cond3A_72 {
      %sub3A_82 = arith.constant 1 : i32
      %sub3A_83 = arith.subi %select_n3A, %sub3A_82 : i32
      %mul3A_84 = arith.constant 32 : i32
      %mul3A_85 = arith.muli %sub3A_83, %mul3A_84 : i32
      %add3A_86 = arith.addi %add3A, %mul3A_85 : i32
      %mul3A_87 = arith.constant 3072 : i32
      %mul3A_88 = arith.muli %add3A_86, %mul3A_87 : i32
      %dma_wait3A_89 = tpu.memref_slice %arg4[%mul3A_88] : memref<1600512xf32, #tpu.memory_space<hbm>> -> memref<3072xf32, #tpu.memory_space<hbm>>
      %dma_wait3A_90 = tpu.memref_slice %arg4[%mul3A_88] : memref<1600512xf32, #tpu.memory_space<hbm>> -> memref<3072xf32, #tpu.memory_space<hbm>>
      tpu.wait_dma2 semaphore(%arg12 : memref<!tpu.dma_semaphore, #tpu.memory_space<semaphore_mem>>) src(%arg8 : memref<3072xf32, #tpu.memory_space<vmem>>) dst(%dma_wait3A_90 : memref<3072xf32, #tpu.memory_space<hbm>>)
      %dma_wait3A_91 = tpu.memref_slice %arg3[%mul3A_88] : memref<1600512xi32, #tpu.memory_space<hbm>> -> memref<3072xi32, #tpu.memory_space<hbm>>
      %dma_wait3A_92 = tpu.memref_slice %arg3[%mul3A_88] : memref<1600512xi32, #tpu.memory_space<hbm>> -> memref<3072xi32, #tpu.memory_space<hbm>>
      tpu.wait_dma2 semaphore(%arg14 : memref<!tpu.dma_semaphore, #tpu.memory_space<semaphore_mem>>) src(%dma_wait3A_92 : memref<3072xi32, #tpu.memory_space<hbm>>) dst(%arg6 : memref<3072xi32, #tpu.memory_space<vmem>>)
      %dma_start3A_93 = arith.constant 0 : i32
      %dma_start3A_94 = tpu.memref_slice %arg5[%dma_start3A_93] : memref<102400xf32, #tpu.memory_space<vmem_shared>> -> memref<102400xf32, #tpu.memory_space<vmem_shared>>
      tpu.enqueue_indirect_dma source(%dma_start3A_94 : memref<102400xf32, #tpu.memory_space<vmem_shared>>) target(%arg8 : memref<3072xf32, #tpu.memory_space<vmem>>) offsets(%arg6 : memref<3072xi32, #tpu.memory_space<vmem>>) semaphore(%arg11 : memref<!tpu.dma_semaphore, #tpu.memory_space<semaphore_mem>>)
      %dma_wait3A_95 = arith.constant 0 : i32
      %dma_wait3A_96 = tpu.memref_slice %arg5[%dma_wait3A_95] : memref<102400xf32, #tpu.memory_space<vmem_shared>> -> memref<102400xf32, #tpu.memory_space<vmem_shared>>
      tpu.wait_indirect_dma semaphore(%arg11 : memref<!tpu.dma_semaphore, #tpu.memory_space<semaphore_mem>>) src(%dma_wait3A_96 : memref<102400xf32, #tpu.memory_space<vmem_shared>>) dst(%arg8 : memref<3072xf32, #tpu.memory_space<vmem>>)
      "tpu.region"() ({
        %run_scoped3A = tpu.sem_alloc : memref<!tpu.dma_semaphore, #tpu.memory_space<semaphore_mem>>
        %dma_start3A_97 = tpu.memref_slice %arg4[%mul3A_88] : memref<1600512xf32, #tpu.memory_space<hbm>> -> memref<3072xf32, #tpu.memory_space<hbm>>
        %dma_start3A_98 = tpu.memref_slice %arg4[%mul3A_88] : memref<1600512xf32, #tpu.memory_space<hbm>> -> memref<3072xf32, #tpu.memory_space<hbm>>
        tpu.enqueue_dma source(%arg8 : memref<3072xf32, #tpu.memory_space<vmem>>) target(%dma_start3A_98 : memref<3072xf32, #tpu.memory_space<hbm>>) target_semaphore(%run_scoped3A : memref<!tpu.dma_semaphore, #tpu.memory_space<semaphore_mem>>)
        %dma_wait3A_99 = tpu.memref_slice %arg4[%mul3A_88] : memref<1600512xf32, #tpu.memory_space<hbm>> -> memref<3072xf32, #tpu.memory_space<hbm>>
        %dma_wait3A_100 = tpu.memref_slice %arg4[%mul3A_88] : memref<1600512xf32, #tpu.memory_space<hbm>> -> memref<3072xf32, #tpu.memory_space<hbm>>
        tpu.wait_dma2 semaphore(%run_scoped3A : memref<!tpu.dma_semaphore, #tpu.memory_space<semaphore_mem>>) src(%arg8 : memref<3072xf32, #tpu.memory_space<vmem>>) dst(%dma_wait3A_100 : memref<3072xf32, #tpu.memory_space<hbm>>)
        tpu.yield
      }) : () -> ()
    } else {
    }
    %eq3A_73 = arith.constant 0 : i32
    %eq3A_74 = arith.cmpi eq, %sub3A_55, %eq3A_73 : i32
    %convert_element_type3A_75 = arith.extui %eq3A_74 : i1 to i32
    %cond3A_76 = arith.constant 0 : i32
    %cond3A_77 = arith.cmpi ne, %convert_element_type3A_75, %cond3A_76 : i32
    scf.if %cond3A_77 {
      %dma_wait3A_82 = arith.constant 0 : i32
      %dma_wait3A_83 = tpu.memref_slice %arg4[%dma_wait3A_82] : memref<1600512xf32, #tpu.memory_space<hbm>> -> memref<3072xf32, #tpu.memory_space<hbm>>
      %dma_wait3A_84 = arith.constant 0 : i32
      %dma_wait3A_85 = tpu.memref_slice %arg4[%dma_wait3A_84] : memref<1600512xf32, #tpu.memory_space<hbm>> -> memref<3072xf32, #tpu.memory_space<hbm>>
      tpu.wait_dma2 semaphore(%arg12 : memref<!tpu.dma_semaphore, #tpu.memory_space<semaphore_mem>>) src(%arg8 : memref<3072xf32, #tpu.memory_space<vmem>>) dst(%dma_wait3A_85 : memref<3072xf32, #tpu.memory_space<hbm>>)
    } else {
    }
    %dma_wait3A_78 = arith.constant 0 : i32
    %dma_wait3A_79 = tpu.memref_slice %arg4[%dma_wait3A_78] : memref<1600512xf32, #tpu.memory_space<hbm>> -> memref<3072xf32, #tpu.memory_space<hbm>>
    %dma_wait3A_80 = arith.constant 0 : i32
    %dma_wait3A_81 = tpu.memref_slice %arg4[%dma_wait3A_80] : memref<1600512xf32, #tpu.memory_space<hbm>> -> memref<3072xf32, #tpu.memory_space<hbm>>
    tpu.wait_dma2 semaphore(%arg13 : memref<!tpu.dma_semaphore, #tpu.memory_space<semaphore_mem>>) src(%arg9 : memref<3072xf32, #tpu.memory_space<vmem>>) dst(%dma_wait3A_81 : memref<3072xf32, #tpu.memory_space<hbm>>)
    return
  }
}

#map = affine_map<(d0, d1) -> (0)>
module attributes {stable_mosaic.version = 14 : i64} {
  func.func @body(%arg0: i32, %arg1: i32, %arg2: memref<409600xf32, #tpu.memory_space<hbm>>, %arg3: memref<1600512xi32, #tpu.memory_space<hbm>>, %arg4: memref<1600512xf32, #tpu.memory_space<hbm>>, %arg5: memref<102400xf32, #tpu.memory_space<vmem_shared>>, %arg6: memref<3072xi32, #tpu.memory_space<vmem>>, %arg7: memref<3072xi32, #tpu.memory_space<vmem>>, %arg8: memref<3072xf32, #tpu.memory_space<vmem>>, %arg9: memref<3072xf32, #tpu.memory_space<vmem>>, %arg10: memref<!tpu.dma_semaphore, #tpu.memory_space<semaphore_mem>>, %arg11: memref<!tpu.dma_semaphore, #tpu.memory_space<semaphore_mem>>, %arg12: memref<!tpu.dma_semaphore, #tpu.memory_space<semaphore_mem>>, %arg13: memref<!tpu.dma_semaphore, #tpu.memory_space<semaphore_mem>>, %arg14: memref<!tpu.dma_semaphore, #tpu.memory_space<semaphore_mem>>, %arg15: memref<!tpu.dma_semaphore, #tpu.memory_space<semaphore_mem>>) attributes {dimension_semantics = [#tpu.dimension_semantics<core_parallel>, #tpu.dimension_semantics<subcore_parallel>], iteration_bounds = array<i64: 2, 16>, scalar_prefetch = 0 : i64, scratch_operands = 11 : i64, tpu.core_type = #tpu.core_type<sc_vector_subcore>, window_params = [{transform_indices = #map}, {transform_indices = #map}, {transform_indices = #map}]} {
    %mul3A = arith.constant 2 : i32
    %mul3A_0 = arith.muli %arg1, %mul3A : i32
    %add3A = arith.addi %mul3A_0, %arg0 : i32
    %mul3A_1 = arith.constant 6400 : i32
    %mul3A_2 = arith.muli %arg1, %mul3A_1 : i32
    %add3A_3 = arith.constant 102400 : i32
    %add3A_4 = arith.addi %add3A_3, %mul3A_2 : i32
    %dma_start3A = tpu.memref_slice %arg5[%mul3A_2] : memref<102400xf32, #tpu.memory_space<vmem_shared>> -> memref<6400xf32, #tpu.memory_space<vmem_shared>>
    %dma_start3A_5 = tpu.memref_slice %arg2[%add3A_4] : memref<409600xf32, #tpu.memory_space<hbm>> -> memref<6400xf32, #tpu.memory_space<hbm>>
    tpu.enqueue_dma source(%dma_start3A_5 : memref<6400xf32, #tpu.memory_space<hbm>>) target(%dma_start3A : memref<6400xf32, #tpu.memory_space<vmem_shared>>) target_semaphore(%arg10 : memref<!tpu.dma_semaphore, #tpu.memory_space<semaphore_mem>>)
    %dma_wait3A = tpu.memref_slice %arg5[%mul3A_2] : memref<102400xf32, #tpu.memory_space<vmem_shared>> -> memref<6400xf32, #tpu.memory_space<vmem_shared>>
    %dma_wait3A_6 = tpu.memref_slice %arg2[%add3A_4] : memref<409600xf32, #tpu.memory_space<hbm>> -> memref<6400xf32, #tpu.memory_space<hbm>>
    tpu.wait_dma2 semaphore(%arg10 : memref<!tpu.dma_semaphore, #tpu.memory_space<semaphore_mem>>) src(%dma_wait3A_6 : memref<6400xf32, #tpu.memory_space<hbm>>) dst(%dma_wait3A : memref<6400xf32, #tpu.memory_space<vmem_shared>>)
    %barrier3A = arith.constant 0 : index
    tpu.barrier barrier_id(%barrier3A)
    %sub3A = arith.constant 521 : i32
    %sub3A_7 = arith.subi %sub3A, %add3A : i32
    %add3A_8 = arith.constant 32 : i32
    %add3A_9 = arith.addi %sub3A_7, %add3A_8 : i32
    %sub3A_10 = arith.constant 1 : i32
    %sub3A_11 = arith.subi %add3A_9, %sub3A_10 : i32
    %jit3A = arith.constant 32 : i32
    %div3A = arith.divsi %sub3A_11, %jit3A : i32
    %sign3A = arith.constant 0 : i32
    %sign3A_12 = arith.cmpi sgt, %sub3A_11, %sign3A : i32
    %sign3A_13 = arith.extui %sign3A_12 : i1 to i32
    %sign3A_14 = arith.constant 0 : i32
    %sign3A_15 = arith.cmpi slt, %sub3A_11, %sign3A_14 : i32
    %sign3A_16 = arith.extui %sign3A_15 : i1 to i32
    %sign3A_17 = arith.subi %sign3A_13, %sign3A_16 : i32
    %sign3A_18 = arith.constant 0 : i32
    %sign3A_19 = arith.cmpi sgt, %jit3A, %sign3A_18 : i32
    %sign3A_20 = arith.extui %sign3A_19 : i1 to i32
    %sign3A_21 = arith.constant 0 : i32
    %sign3A_22 = arith.cmpi slt, %jit3A, %sign3A_21 : i32
    %sign3A_23 = arith.extui %sign3A_22 : i1 to i32
    %sign3A_24 = arith.subi %sign3A_20, %sign3A_23 : i32
    %ne3A = arith.cmpi ne, %sign3A_17, %sign3A_24 : i32
    %rem3A = arith.remsi %sub3A_11, %jit3A : i32
    %ne3A_25 = arith.constant 0 : i32
    %ne3A_26 = arith.cmpi ne, %rem3A, %ne3A_25 : i32
    %and3A = arith.andi %ne3A, %ne3A_26 : i1
    %sub3A_27 = arith.constant 1 : i32
    %sub3A_28 = arith.subi %div3A, %sub3A_27 : i32
    %select_n3A = arith.select %and3A, %sub3A_28, %div3A : i32
    %jit3A_29 = arith.constant 2 : i32
    %div3A_30 = arith.divsi %select_n3A, %jit3A_29 : i32
    %sign3A_31 = arith.constant 0 : i32
    %sign3A_32 = arith.cmpi sgt, %select_n3A, %sign3A_31 : i32
    %sign3A_33 = arith.extui %sign3A_32 : i1 to i32
    %sign3A_34 = arith.constant 0 : i32
    %sign3A_35 = arith.cmpi slt, %select_n3A, %sign3A_34 : i32
    %sign3A_36 = arith.extui %sign3A_35 : i1 to i32
    %sign3A_37 = arith.subi %sign3A_33, %sign3A_36 : i32
    %sign3A_38 = arith.constant 0 : i32
    %sign3A_39 = arith.cmpi sgt, %jit3A_29, %sign3A_38 : i32
    %sign3A_40 = arith.extui %sign3A_39 : i1 to i32
    %sign3A_41 = arith.constant 0 : i32
    %sign3A_42 = arith.cmpi slt, %jit3A_29, %sign3A_41 : i32
    %sign3A_43 = arith.extui %sign3A_42 : i1 to i32
    %sign3A_44 = arith.subi %sign3A_40, %sign3A_43 : i32
    %ne3A_45 = arith.cmpi ne, %sign3A_37, %sign3A_44 : i32
    %rem3A_46 = arith.remsi %select_n3A, %jit3A_29 : i32
    %ne3A_47 = arith.constant 0 : i32
    %ne3A_48 = arith.cmpi ne, %rem3A_46, %ne3A_47 : i32
    %and3A_49 = arith.andi %ne3A_45, %ne3A_48 : i1
    %sub3A_50 = arith.constant 1 : i32
    %sub3A_51 = arith.subi %div3A_30, %sub3A_50 : i32
    %select_n3A_52 = arith.select %and3A_49, %sub3A_51, %div3A_30 : i32
    %mul3A_53 = arith.constant 2 : i32
    %mul3A_54 = arith.muli %mul3A_53, %select_n3A_52 : i32
    %sub3A_55 = arith.subi %select_n3A, %mul3A_54 : i32
    %mul3A_56 = arith.constant 3072 : i32
    %mul3A_57 = arith.muli %add3A, %mul3A_56 : i32
    "tpu.region"() ({
      %run_scoped3A = tpu.sem_alloc : memref<!tpu.dma_semaphore, #tpu.memory_space<semaphore_mem>>
      %dma_start3A_82 = tpu.memref_slice %arg3[%mul3A_57] : memref<1600512xi32, #tpu.memory_space<hbm>> -> memref<3072xi32, #tpu.memory_space<hbm>>
      %dma_start3A_83 = tpu.memref_slice %arg3[%mul3A_57] : memref<1600512xi32, #tpu.memory_space<hbm>> -> memref<3072xi32, #tpu.memory_space<hbm>>
      tpu.enqueue_dma source(%dma_start3A_83 : memref<3072xi32, #tpu.memory_space<hbm>>) target(%arg6 : memref<3072xi32, #tpu.memory_space<vmem>>) target_semaphore(%run_scoped3A : memref<!tpu.dma_semaphore, #tpu.memory_space<semaphore_mem>>)
      %dma_wait3A_84 = tpu.memref_slice %arg3[%mul3A_57] : memref<1600512xi32, #tpu.memory_space<hbm>> -> memref<3072xi32, #tpu.memory_space<hbm>>
      %dma_wait3A_85 = tpu.memref_slice %arg3[%mul3A_57] : memref<1600512xi32, #tpu.memory_space<hbm>> -> memref<3072xi32, #tpu.memory_space<hbm>>
      tpu.wait_dma2 semaphore(%run_scoped3A : memref<!tpu.dma_semaphore, #tpu.memory_space<semaphore_mem>>) src(%dma_wait3A_85 : memref<3072xi32, #tpu.memory_space<hbm>>) dst(%arg6 : memref<3072xi32, #tpu.memory_space<vmem>>)
      tpu.yield
    }) : () -> ()
    %add3A_58 = arith.constant 32 : i32
    %add3A_59 = arith.addi %add3A, %add3A_58 : i32
    %mul3A_60 = arith.constant 3072 : i32
    %mul3A_61 = arith.muli %add3A_59, %mul3A_60 : i32
    "tpu.region"() ({
      %run_scoped3A = tpu.sem_alloc : memref<!tpu.dma_semaphore, #tpu.memory_space<semaphore_mem>>
      %dma_start3A_82 = tpu.memref_slice %arg3[%mul3A_61] : memref<1600512xi32, #tpu.memory_space<hbm>> -> memref<3072xi32, #tpu.memory_space<hbm>>
      %dma_start3A_83 = tpu.memref_slice %arg3[%mul3A_61] : memref<1600512xi32, #tpu.memory_space<hbm>> -> memref<3072xi32, #tpu.memory_space<hbm>>
      tpu.enqueue_dma source(%dma_start3A_83 : memref<3072xi32, #tpu.memory_space<hbm>>) target(%arg7 : memref<3072xi32, #tpu.memory_space<vmem>>) target_semaphore(%run_scoped3A : memref<!tpu.dma_semaphore, #tpu.memory_space<semaphore_mem>>)
      %dma_wait3A_84 = tpu.memref_slice %arg3[%mul3A_61] : memref<1600512xi32, #tpu.memory_space<hbm>> -> memref<3072xi32, #tpu.memory_space<hbm>>
      %dma_wait3A_85 = tpu.memref_slice %arg3[%mul3A_61] : memref<1600512xi32, #tpu.memory_space<hbm>> -> memref<3072xi32, #tpu.memory_space<hbm>>
      tpu.wait_dma2 semaphore(%run_scoped3A : memref<!tpu.dma_semaphore, #tpu.memory_space<semaphore_mem>>) src(%dma_wait3A_85 : memref<3072xi32, #tpu.memory_space<hbm>>) dst(%arg7 : memref<3072xi32, #tpu.memory_space<vmem>>)
      tpu.yield
    }) : () -> ()
    %while3A = arith.constant 0 : i32
    %while3A_62 = arith.constant 0 : i32
    %while3A_63 = arith.subi %select_n3A_52, %while3A_62 : i32
    %while3A_64 = arith.addi %while3A_62, %while3A_63 : i32
    %while3A_65 = arith.constant 1 : i32
    %while3A_66 = arith.divsi %while3A_63, %while3A_65 : i32
    %while3A_67 = arith.muli %while3A_66, %while3A_65 : i32
    %while3A_68 = arith.addi %while3A_62, %while3A_67 : i32
    %while3A_69 = arith.constant 1 : i32
    scf.for %while3A_82 = %while3A_62 to %while3A_68 step %while3A_69  : i32 {
      %mul3A_83 = arith.constant 2 : i32
      %mul3A_84 = arith.muli %mul3A_83, %while3A_82 : i32
      %add3A_85 = arith.constant 0 : i32
      %add3A_86 = arith.addi %mul3A_84, %add3A_85 : i32
      %mul3A_87 = arith.constant 32 : i32
      %mul3A_88 = arith.muli %add3A_86, %mul3A_87 : i32
      %add3A_89 = arith.addi %add3A, %mul3A_88 : i32
      %mul3A_90 = arith.constant 3072 : i32
      %mul3A_91 = arith.muli %add3A_89, %mul3A_90 : i32
      %gt3A = arith.constant 0 : i32
      %gt3A_92 = arith.cmpi sgt, %while3A_82, %gt3A : i32
      %convert_element_type3A_93 = arith.extui %gt3A_92 : i1 to i32
      %cond3A_94 = arith.constant 0 : i32
      %cond3A_95 = arith.cmpi ne, %convert_element_type3A_93, %cond3A_94 : i32
      scf.if %cond3A_95 {
        %dma_wait3A_133 = tpu.memref_slice %arg4[%mul3A_91] : memref<1600512xf32, #tpu.memory_space<hbm>> -> memref<3072xf32, #tpu.memory_space<hbm>>
        %dma_wait3A_134 = tpu.memref_slice %arg4[%mul3A_91] : memref<1600512xf32, #tpu.memory_space<hbm>> -> memref<3072xf32, #tpu.memory_space<hbm>>
        tpu.wait_dma2 semaphore(%arg12 : memref<!tpu.dma_semaphore, #tpu.memory_space<semaphore_mem>>) src(%arg8 : memref<3072xf32, #tpu.memory_space<vmem>>) dst(%dma_wait3A_134 : memref<3072xf32, #tpu.memory_space<hbm>>)
        %dma_wait3A_135 = tpu.memref_slice %arg3[%mul3A_91] : memref<1600512xi32, #tpu.memory_space<hbm>> -> memref<3072xi32, #tpu.memory_space<hbm>>
        %dma_wait3A_136 = tpu.memref_slice %arg3[%mul3A_91] : memref<1600512xi32, #tpu.memory_space<hbm>> -> memref<3072xi32, #tpu.memory_space<hbm>>
        tpu.wait_dma2 semaphore(%arg14 : memref<!tpu.dma_semaphore, #tpu.memory_space<semaphore_mem>>) src(%dma_wait3A_136 : memref<3072xi32, #tpu.memory_space<hbm>>) dst(%arg6 : memref<3072xi32, #tpu.memory_space<vmem>>)
      } else {
      }
      %dma_start3A_96 = arith.constant 0 : i32
      %dma_start3A_97 = tpu.memref_slice %arg5[%dma_start3A_96] : memref<102400xf32, #tpu.memory_space<vmem_shared>> -> memref<102400xf32, #tpu.memory_space<vmem_shared>>
      tpu.enqueue_indirect_dma source(%dma_start3A_97 : memref<102400xf32, #tpu.memory_space<vmem_shared>>) target(%arg8 : memref<3072xf32, #tpu.memory_space<vmem>>) offsets(%arg6 : memref<3072xi32, #tpu.memory_space<vmem>>) semaphore(%arg11 : memref<!tpu.dma_semaphore, #tpu.memory_space<semaphore_mem>>)
      %dma_wait3A_98 = arith.constant 0 : i32
      %dma_wait3A_99 = tpu.memref_slice %arg5[%dma_wait3A_98] : memref<102400xf32, #tpu.memory_space<vmem_shared>> -> memref<102400xf32, #tpu.memory_space<vmem_shared>>
      tpu.wait_indirect_dma semaphore(%arg11 : memref<!tpu.dma_semaphore, #tpu.memory_space<semaphore_mem>>) src(%dma_wait3A_99 : memref<102400xf32, #tpu.memory_space<vmem_shared>>) dst(%arg8 : memref<3072xf32, #tpu.memory_space<vmem>>)
      %add3A_100 = arith.constant 2 : i32
      %add3A_101 = arith.addi %add3A_86, %add3A_100 : i32
      %lt3A = arith.cmpi slt, %add3A_101, %select_n3A : i32
      %convert_element_type3A_102 = arith.extui %lt3A : i1 to i32
      %cond3A_103 = arith.constant 0 : i32
      %cond3A_104 = arith.cmpi ne, %convert_element_type3A_102, %cond3A_103 : i32
      scf.if %cond3A_104 {
        %add3A_133 = arith.constant 2 : i32
        %add3A_134 = arith.addi %add3A_86, %add3A_133 : i32
        %mul3A_135 = arith.constant 32 : i32
        %mul3A_136 = arith.muli %add3A_134, %mul3A_135 : i32
        %add3A_137 = arith.addi %add3A, %mul3A_136 : i32
        %mul3A_138 = arith.constant 3072 : i32
        %mul3A_139 = arith.muli %add3A_137, %mul3A_138 : i32
        %dma_start3A_140 = tpu.memref_slice %arg3[%mul3A_139] : memref<1600512xi32, #tpu.memory_space<hbm>> -> memref<3072xi32, #tpu.memory_space<hbm>>
        %dma_start3A_141 = tpu.memref_slice %arg3[%mul3A_139] : memref<1600512xi32, #tpu.memory_space<hbm>> -> memref<3072xi32, #tpu.memory_space<hbm>>
        tpu.enqueue_dma source(%dma_start3A_141 : memref<3072xi32, #tpu.memory_space<hbm>>) target(%arg6 : memref<3072xi32, #tpu.memory_space<vmem>>) target_semaphore(%arg14 : memref<!tpu.dma_semaphore, #tpu.memory_space<semaphore_mem>>)
      } else {
      }
      %dma_start3A_105 = tpu.memref_slice %arg4[%mul3A_91] : memref<1600512xf32, #tpu.memory_space<hbm>> -> memref<3072xf32, #tpu.memory_space<hbm>>
      %dma_start3A_106 = tpu.memref_slice %arg4[%mul3A_91] : memref<1600512xf32, #tpu.memory_space<hbm>> -> memref<3072xf32, #tpu.memory_space<hbm>>
      tpu.enqueue_dma source(%arg8 : memref<3072xf32, #tpu.memory_space<vmem>>) target(%dma_start3A_106 : memref<3072xf32, #tpu.memory_space<hbm>>) target_semaphore(%arg12 : memref<!tpu.dma_semaphore, #tpu.memory_space<semaphore_mem>>)
      %mul3A_107 = arith.constant 2 : i32
      %mul3A_108 = arith.muli %mul3A_107, %while3A_82 : i32
      %add3A_109 = arith.constant 1 : i32
      %add3A_110 = arith.addi %mul3A_108, %add3A_109 : i32
      %mul3A_111 = arith.constant 32 : i32
      %mul3A_112 = arith.muli %add3A_110, %mul3A_111 : i32
      %add3A_113 = arith.addi %add3A, %mul3A_112 : i32
      %mul3A_114 = arith.constant 3072 : i32
      %mul3A_115 = arith.muli %add3A_113, %mul3A_114 : i32
      %gt3A_116 = arith.constant 0 : i32
      %gt3A_117 = arith.cmpi sgt, %while3A_82, %gt3A_116 : i32
      %convert_element_type3A_118 = arith.extui %gt3A_117 : i1 to i32
      %cond3A_119 = arith.constant 0 : i32
      %cond3A_120 = arith.cmpi ne, %convert_element_type3A_118, %cond3A_119 : i32
      scf.if %cond3A_120 {
        %dma_wait3A_133 = tpu.memref_slice %arg4[%mul3A_115] : memref<1600512xf32, #tpu.memory_space<hbm>> -> memref<3072xf32, #tpu.memory_space<hbm>>
        %dma_wait3A_134 = tpu.memref_slice %arg4[%mul3A_115] : memref<1600512xf32, #tpu.memory_space<hbm>> -> memref<3072xf32, #tpu.memory_space<hbm>>
        tpu.wait_dma2 semaphore(%arg13 : memref<!tpu.dma_semaphore, #tpu.memory_space<semaphore_mem>>) src(%arg9 : memref<3072xf32, #tpu.memory_space<vmem>>) dst(%dma_wait3A_134 : memref<3072xf32, #tpu.memory_space<hbm>>)
        %dma_wait3A_135 = tpu.memref_slice %arg3[%mul3A_115] : memref<1600512xi32, #tpu.memory_space<hbm>> -> memref<3072xi32, #tpu.memory_space<hbm>>
        %dma_wait3A_136 = tpu.memref_slice %arg3[%mul3A_115] : memref<1600512xi32, #tpu.memory_space<hbm>> -> memref<3072xi32, #tpu.memory_space<hbm>>
        tpu.wait_dma2 semaphore(%arg15 : memref<!tpu.dma_semaphore, #tpu.memory_space<semaphore_mem>>) src(%dma_wait3A_136 : memref<3072xi32, #tpu.memory_space<hbm>>) dst(%arg7 : memref<3072xi32, #tpu.memory_space<vmem>>)
      } else {
      }
      %dma_start3A_121 = arith.constant 0 : i32
      %dma_start3A_122 = tpu.memref_slice %arg5[%dma_start3A_121] : memref<102400xf32, #tpu.memory_space<vmem_shared>> -> memref<102400xf32, #tpu.memory_space<vmem_shared>>
      tpu.enqueue_indirect_dma source(%dma_start3A_122 : memref<102400xf32, #tpu.memory_space<vmem_shared>>) target(%arg9 : memref<3072xf32, #tpu.memory_space<vmem>>) offsets(%arg7 : memref<3072xi32, #tpu.memory_space<vmem>>) semaphore(%arg11 : memref<!tpu.dma_semaphore, #tpu.memory_space<semaphore_mem>>)
      %dma_wait3A_123 = arith.constant 0 : i32
      %dma_wait3A_124 = tpu.memref_slice %arg5[%dma_wait3A_123] : memref<102400xf32, #tpu.memory_space<vmem_shared>> -> memref<102400xf32, #tpu.memory_space<vmem_shared>>
      tpu.wait_indirect_dma semaphore(%arg11 : memref<!tpu.dma_semaphore, #tpu.memory_space<semaphore_mem>>) src(%dma_wait3A_124 : memref<102400xf32, #tpu.memory_space<vmem_shared>>) dst(%arg9 : memref<3072xf32, #tpu.memory_space<vmem>>)
      %add3A_125 = arith.constant 2 : i32
      %add3A_126 = arith.addi %add3A_110, %add3A_125 : i32
      %lt3A_127 = arith.cmpi slt, %add3A_126, %select_n3A : i32
      %convert_element_type3A_128 = arith.extui %lt3A_127 : i1 to i32
      %cond3A_129 = arith.constant 0 : i32
      %cond3A_130 = arith.cmpi ne, %convert_element_type3A_128, %cond3A_129 : i32
      scf.if %cond3A_130 {
        %add3A_133 = arith.constant 2 : i32
        %add3A_134 = arith.addi %add3A_110, %add3A_133 : i32
        %mul3A_135 = arith.constant 32 : i32
        %mul3A_136 = arith.muli %add3A_134, %mul3A_135 : i32
        %add3A_137 = arith.addi %add3A, %mul3A_136 : i32
        %mul3A_138 = arith.constant 3072 : i32
        %mul3A_139 = arith.muli %add3A_137, %mul3A_138 : i32
        %dma_start3A_140 = tpu.memref_slice %arg3[%mul3A_139] : memref<1600512xi32, #tpu.memory_space<hbm>> -> memref<3072xi32, #tpu.memory_space<hbm>>
        %dma_start3A_141 = tpu.memref_slice %arg3[%mul3A_139] : memref<1600512xi32, #tpu.memory_space<hbm>> -> memref<3072xi32, #tpu.memory_space<hbm>>
        tpu.enqueue_dma source(%dma_start3A_141 : memref<3072xi32, #tpu.memory_space<hbm>>) target(%arg7 : memref<3072xi32, #tpu.memory_space<vmem>>) target_semaphore(%arg15 : memref<!tpu.dma_semaphore, #tpu.memory_space<semaphore_mem>>)
      } else {
      }
      %dma_start3A_131 = tpu.memref_slice %arg4[%mul3A_115] : memref<1600512xf32, #tpu.memory_space<hbm>> -> memref<3072xf32, #tpu.memory_space<hbm>>
      %dma_start3A_132 = tpu.memref_slice %arg4[%mul3A_115] : memref<1600512xf32, #tpu.memory_space<hbm>> -> memref<3072xf32, #tpu.memory_space<hbm>>
      tpu.enqueue_dma source(%arg9 : memref<3072xf32, #tpu.memory_space<vmem>>) target(%dma_start3A_132 : memref<3072xf32, #tpu.memory_space<hbm>>) target_semaphore(%arg13 : memref<!tpu.dma_semaphore, #tpu.memory_space<semaphore_mem>>)
    }
    %while3A_70 = arith.constant 1 : i32
    scf.for %while3A_82 = %while3A_68 to %while3A_64 step %while3A_70  : i32 {
      %mul3A_83 = arith.constant 2 : i32
      %mul3A_84 = arith.muli %mul3A_83, %while3A_82 : i32
      %add3A_85 = arith.constant 0 : i32
      %add3A_86 = arith.addi %mul3A_84, %add3A_85 : i32
      %mul3A_87 = arith.constant 32 : i32
      %mul3A_88 = arith.muli %add3A_86, %mul3A_87 : i32
      %add3A_89 = arith.addi %add3A, %mul3A_88 : i32
      %mul3A_90 = arith.constant 3072 : i32
      %mul3A_91 = arith.muli %add3A_89, %mul3A_90 : i32
      %gt3A = arith.constant 0 : i32
      %gt3A_92 = arith.cmpi sgt, %while3A_82, %gt3A : i32
      %convert_element_type3A_93 = arith.extui %gt3A_92 : i1 to i32
      %cond3A_94 = arith.constant 0 : i32
      %cond3A_95 = arith.cmpi ne, %convert_element_type3A_93, %cond3A_94 : i32
      scf.if %cond3A_95 {
        %dma_wait3A_133 = tpu.memref_slice %arg4[%mul3A_91] : memref<1600512xf32, #tpu.memory_space<hbm>> -> memref<3072xf32, #tpu.memory_space<hbm>>
        %dma_wait3A_134 = tpu.memref_slice %arg4[%mul3A_91] : memref<1600512xf32, #tpu.memory_space<hbm>> -> memref<3072xf32, #tpu.memory_space<hbm>>
        tpu.wait_dma2 semaphore(%arg12 : memref<!tpu.dma_semaphore, #tpu.memory_space<semaphore_mem>>) src(%arg8 : memref<3072xf32, #tpu.memory_space<vmem>>) dst(%dma_wait3A_134 : memref<3072xf32, #tpu.memory_space<hbm>>)
        %dma_wait3A_135 = tpu.memref_slice %arg3[%mul3A_91] : memref<1600512xi32, #tpu.memory_space<hbm>> -> memref<3072xi32, #tpu.memory_space<hbm>>
        %dma_wait3A_136 = tpu.memref_slice %arg3[%mul3A_91] : memref<1600512xi32, #tpu.memory_space<hbm>> -> memref<3072xi32, #tpu.memory_space<hbm>>
        tpu.wait_dma2 semaphore(%arg14 : memref<!tpu.dma_semaphore, #tpu.memory_space<semaphore_mem>>) src(%dma_wait3A_136 : memref<3072xi32, #tpu.memory_space<hbm>>) dst(%arg6 : memref<3072xi32, #tpu.memory_space<vmem>>)
      } else {
      }
      %dma_start3A_96 = arith.constant 0 : i32
      %dma_start3A_97 = tpu.memref_slice %arg5[%dma_start3A_96] : memref<102400xf32, #tpu.memory_space<vmem_shared>> -> memref<102400xf32, #tpu.memory_space<vmem_shared>>
      tpu.enqueue_indirect_dma source(%dma_start3A_97 : memref<102400xf32, #tpu.memory_space<vmem_shared>>) target(%arg8 : memref<3072xf32, #tpu.memory_space<vmem>>) offsets(%arg6 : memref<3072xi32, #tpu.memory_space<vmem>>) semaphore(%arg11 : memref<!tpu.dma_semaphore, #tpu.memory_space<semaphore_mem>>)
      %dma_wait3A_98 = arith.constant 0 : i32
      %dma_wait3A_99 = tpu.memref_slice %arg5[%dma_wait3A_98] : memref<102400xf32, #tpu.memory_space<vmem_shared>> -> memref<102400xf32, #tpu.memory_space<vmem_shared>>
      tpu.wait_indirect_dma semaphore(%arg11 : memref<!tpu.dma_semaphore, #tpu.memory_space<semaphore_mem>>) src(%dma_wait3A_99 : memref<102400xf32, #tpu.memory_space<vmem_shared>>) dst(%arg8 : memref<3072xf32, #tpu.memory_space<vmem>>)
      %add3A_100 = arith.constant 2 : i32
      %add3A_101 = arith.addi %add3A_86, %add3A_100 : i32
      %lt3A = arith.cmpi slt, %add3A_101, %select_n3A : i32
      %convert_element_type3A_102 = arith.extui %lt3A : i1 to i32
      %cond3A_103 = arith.constant 0 : i32
      %cond3A_104 = arith.cmpi ne, %convert_element_type3A_102, %cond3A_103 : i32
      scf.if %cond3A_104 {
        %add3A_133 = arith.constant 2 : i32
        %add3A_134 = arith.addi %add3A_86, %add3A_133 : i32
        %mul3A_135 = arith.constant 32 : i32
        %mul3A_136 = arith.muli %add3A_134, %mul3A_135 : i32
        %add3A_137 = arith.addi %add3A, %mul3A_136 : i32
        %mul3A_138 = arith.constant 3072 : i32
        %mul3A_139 = arith.muli %add3A_137, %mul3A_138 : i32
        %dma_start3A_140 = tpu.memref_slice %arg3[%mul3A_139] : memref<1600512xi32, #tpu.memory_space<hbm>> -> memref<3072xi32, #tpu.memory_space<hbm>>
        %dma_start3A_141 = tpu.memref_slice %arg3[%mul3A_139] : memref<1600512xi32, #tpu.memory_space<hbm>> -> memref<3072xi32, #tpu.memory_space<hbm>>
        tpu.enqueue_dma source(%dma_start3A_141 : memref<3072xi32, #tpu.memory_space<hbm>>) target(%arg6 : memref<3072xi32, #tpu.memory_space<vmem>>) target_semaphore(%arg14 : memref<!tpu.dma_semaphore, #tpu.memory_space<semaphore_mem>>)
      } else {
      }
      %dma_start3A_105 = tpu.memref_slice %arg4[%mul3A_91] : memref<1600512xf32, #tpu.memory_space<hbm>> -> memref<3072xf32, #tpu.memory_space<hbm>>
      %dma_start3A_106 = tpu.memref_slice %arg4[%mul3A_91] : memref<1600512xf32, #tpu.memory_space<hbm>> -> memref<3072xf32, #tpu.memory_space<hbm>>
      tpu.enqueue_dma source(%arg8 : memref<3072xf32, #tpu.memory_space<vmem>>) target(%dma_start3A_106 : memref<3072xf32, #tpu.memory_space<hbm>>) target_semaphore(%arg12 : memref<!tpu.dma_semaphore, #tpu.memory_space<semaphore_mem>>)
      %mul3A_107 = arith.constant 2 : i32
      %mul3A_108 = arith.muli %mul3A_107, %while3A_82 : i32
      %add3A_109 = arith.constant 1 : i32
      %add3A_110 = arith.addi %mul3A_108, %add3A_109 : i32
      %mul3A_111 = arith.constant 32 : i32
      %mul3A_112 = arith.muli %add3A_110, %mul3A_111 : i32
      %add3A_113 = arith.addi %add3A, %mul3A_112 : i32
      %mul3A_114 = arith.constant 3072 : i32
      %mul3A_115 = arith.muli %add3A_113, %mul3A_114 : i32
      %gt3A_116 = arith.constant 0 : i32
      %gt3A_117 = arith.cmpi sgt, %while3A_82, %gt3A_116 : i32
      %convert_element_type3A_118 = arith.extui %gt3A_117 : i1 to i32
      %cond3A_119 = arith.constant 0 : i32
      %cond3A_120 = arith.cmpi ne, %convert_element_type3A_118, %cond3A_119 : i32
      scf.if %cond3A_120 {
        %dma_wait3A_133 = tpu.memref_slice %arg4[%mul3A_115] : memref<1600512xf32, #tpu.memory_space<hbm>> -> memref<3072xf32, #tpu.memory_space<hbm>>
        %dma_wait3A_134 = tpu.memref_slice %arg4[%mul3A_115] : memref<1600512xf32, #tpu.memory_space<hbm>> -> memref<3072xf32, #tpu.memory_space<hbm>>
        tpu.wait_dma2 semaphore(%arg13 : memref<!tpu.dma_semaphore, #tpu.memory_space<semaphore_mem>>) src(%arg9 : memref<3072xf32, #tpu.memory_space<vmem>>) dst(%dma_wait3A_134 : memref<3072xf32, #tpu.memory_space<hbm>>)
        %dma_wait3A_135 = tpu.memref_slice %arg3[%mul3A_115] : memref<1600512xi32, #tpu.memory_space<hbm>> -> memref<3072xi32, #tpu.memory_space<hbm>>
        %dma_wait3A_136 = tpu.memref_slice %arg3[%mul3A_115] : memref<1600512xi32, #tpu.memory_space<hbm>> -> memref<3072xi32, #tpu.memory_space<hbm>>
        tpu.wait_dma2 semaphore(%arg15 : memref<!tpu.dma_semaphore, #tpu.memory_space<semaphore_mem>>) src(%dma_wait3A_136 : memref<3072xi32, #tpu.memory_space<hbm>>) dst(%arg7 : memref<3072xi32, #tpu.memory_space<vmem>>)
      } else {
      }
      %dma_start3A_121 = arith.constant 0 : i32
      %dma_start3A_122 = tpu.memref_slice %arg5[%dma_start3A_121] : memref<102400xf32, #tpu.memory_space<vmem_shared>> -> memref<102400xf32, #tpu.memory_space<vmem_shared>>
      tpu.enqueue_indirect_dma source(%dma_start3A_122 : memref<102400xf32, #tpu.memory_space<vmem_shared>>) target(%arg9 : memref<3072xf32, #tpu.memory_space<vmem>>) offsets(%arg7 : memref<3072xi32, #tpu.memory_space<vmem>>) semaphore(%arg11 : memref<!tpu.dma_semaphore, #tpu.memory_space<semaphore_mem>>)
      %dma_wait3A_123 = arith.constant 0 : i32
      %dma_wait3A_124 = tpu.memref_slice %arg5[%dma_wait3A_123] : memref<102400xf32, #tpu.memory_space<vmem_shared>> -> memref<102400xf32, #tpu.memory_space<vmem_shared>>
      tpu.wait_indirect_dma semaphore(%arg11 : memref<!tpu.dma_semaphore, #tpu.memory_space<semaphore_mem>>) src(%dma_wait3A_124 : memref<102400xf32, #tpu.memory_space<vmem_shared>>) dst(%arg9 : memref<3072xf32, #tpu.memory_space<vmem>>)
      %add3A_125 = arith.constant 2 : i32
      %add3A_126 = arith.addi %add3A_110, %add3A_125 : i32
      %lt3A_127 = arith.cmpi slt, %add3A_126, %select_n3A : i32
      %convert_element_type3A_128 = arith.extui %lt3A_127 : i1 to i32
      %cond3A_129 = arith.constant 0 : i32
      %cond3A_130 = arith.cmpi ne, %convert_element_type3A_128, %cond3A_129 : i32
      scf.if %cond3A_130 {
        %add3A_133 = arith.constant 2 : i32
        %add3A_134 = arith.addi %add3A_110, %add3A_133 : i32
        %mul3A_135 = arith.constant 32 : i32
        %mul3A_136 = arith.muli %add3A_134, %mul3A_135 : i32
        %add3A_137 = arith.addi %add3A, %mul3A_136 : i32
        %mul3A_138 = arith.constant 3072 : i32
        %mul3A_139 = arith.muli %add3A_137, %mul3A_138 : i32
        %dma_start3A_140 = tpu.memref_slice %arg3[%mul3A_139] : memref<1600512xi32, #tpu.memory_space<hbm>> -> memref<3072xi32, #tpu.memory_space<hbm>>
        %dma_start3A_141 = tpu.memref_slice %arg3[%mul3A_139] : memref<1600512xi32, #tpu.memory_space<hbm>> -> memref<3072xi32, #tpu.memory_space<hbm>>
        tpu.enqueue_dma source(%dma_start3A_141 : memref<3072xi32, #tpu.memory_space<hbm>>) target(%arg7 : memref<3072xi32, #tpu.memory_space<vmem>>) target_semaphore(%arg15 : memref<!tpu.dma_semaphore, #tpu.memory_space<semaphore_mem>>)
      } else {
      }
      %dma_start3A_131 = tpu.memref_slice %arg4[%mul3A_115] : memref<1600512xf32, #tpu.memory_space<hbm>> -> memref<3072xf32, #tpu.memory_space<hbm>>
      %dma_start3A_132 = tpu.memref_slice %arg4[%mul3A_115] : memref<1600512xf32, #tpu.memory_space<hbm>> -> memref<3072xf32, #tpu.memory_space<hbm>>
      tpu.enqueue_dma source(%arg9 : memref<3072xf32, #tpu.memory_space<vmem>>) target(%dma_start3A_132 : memref<3072xf32, #tpu.memory_space<hbm>>) target_semaphore(%arg13 : memref<!tpu.dma_semaphore, #tpu.memory_space<semaphore_mem>>)
    }
    %eq3A = arith.constant 1 : i32
    %eq3A_71 = arith.cmpi eq, %sub3A_55, %eq3A : i32
    %convert_element_type3A = arith.extui %eq3A_71 : i1 to i32
    %cond3A = arith.constant 0 : i32
    %cond3A_72 = arith.cmpi ne, %convert_element_type3A, %cond3A : i32
    scf.if %cond3A_72 {
      %sub3A_82 = arith.constant 1 : i32
      %sub3A_83 = arith.subi %select_n3A, %sub3A_82 : i32
      %mul3A_84 = arith.constant 32 : i32
      %mul3A_85 = arith.muli %sub3A_83, %mul3A_84 : i32
      %add3A_86 = arith.addi %add3A, %mul3A_85 : i32
      %mul3A_87 = arith.constant 3072 : i32
      %mul3A_88 = arith.muli %add3A_86, %mul3A_87 : i32
      %dma_wait3A_89 = tpu.memref_slice %arg4[%mul3A_88] : memref<1600512xf32, #tpu.memory_space<hbm>> -> memref<3072xf32, #tpu.memory_space<hbm>>
      %dma_wait3A_90 = tpu.memref_slice %arg4[%mul3A_88] : memref<1600512xf32, #tpu.memory_space<hbm>> -> memref<3072xf32, #tpu.memory_space<hbm>>
      tpu.wait_dma2 semaphore(%arg12 : memref<!tpu.dma_semaphore, #tpu.memory_space<semaphore_mem>>) src(%arg8 : memref<3072xf32, #tpu.memory_space<vmem>>) dst(%dma_wait3A_90 : memref<3072xf32, #tpu.memory_space<hbm>>)
      %dma_wait3A_91 = tpu.memref_slice %arg3[%mul3A_88] : memref<1600512xi32, #tpu.memory_space<hbm>> -> memref<3072xi32, #tpu.memory_space<hbm>>
      %dma_wait3A_92 = tpu.memref_slice %arg3[%mul3A_88] : memref<1600512xi32, #tpu.memory_space<hbm>> -> memref<3072xi32, #tpu.memory_space<hbm>>
      tpu.wait_dma2 semaphore(%arg14 : memref<!tpu.dma_semaphore, #tpu.memory_space<semaphore_mem>>) src(%dma_wait3A_92 : memref<3072xi32, #tpu.memory_space<hbm>>) dst(%arg6 : memref<3072xi32, #tpu.memory_space<vmem>>)
      %dma_start3A_93 = arith.constant 0 : i32
      %dma_start3A_94 = tpu.memref_slice %arg5[%dma_start3A_93] : memref<102400xf32, #tpu.memory_space<vmem_shared>> -> memref<102400xf32, #tpu.memory_space<vmem_shared>>
      tpu.enqueue_indirect_dma source(%dma_start3A_94 : memref<102400xf32, #tpu.memory_space<vmem_shared>>) target(%arg8 : memref<3072xf32, #tpu.memory_space<vmem>>) offsets(%arg6 : memref<3072xi32, #tpu.memory_space<vmem>>) semaphore(%arg11 : memref<!tpu.dma_semaphore, #tpu.memory_space<semaphore_mem>>)
      %dma_wait3A_95 = arith.constant 0 : i32
      %dma_wait3A_96 = tpu.memref_slice %arg5[%dma_wait3A_95] : memref<102400xf32, #tpu.memory_space<vmem_shared>> -> memref<102400xf32, #tpu.memory_space<vmem_shared>>
      tpu.wait_indirect_dma semaphore(%arg11 : memref<!tpu.dma_semaphore, #tpu.memory_space<semaphore_mem>>) src(%dma_wait3A_96 : memref<102400xf32, #tpu.memory_space<vmem_shared>>) dst(%arg8 : memref<3072xf32, #tpu.memory_space<vmem>>)
      "tpu.region"() ({
        %run_scoped3A = tpu.sem_alloc : memref<!tpu.dma_semaphore, #tpu.memory_space<semaphore_mem>>
        %dma_start3A_97 = tpu.memref_slice %arg4[%mul3A_88] : memref<1600512xf32, #tpu.memory_space<hbm>> -> memref<3072xf32, #tpu.memory_space<hbm>>
        %dma_start3A_98 = tpu.memref_slice %arg4[%mul3A_88] : memref<1600512xf32, #tpu.memory_space<hbm>> -> memref<3072xf32, #tpu.memory_space<hbm>>
        tpu.enqueue_dma source(%arg8 : memref<3072xf32, #tpu.memory_space<vmem>>) target(%dma_start3A_98 : memref<3072xf32, #tpu.memory_space<hbm>>) target_semaphore(%run_scoped3A : memref<!tpu.dma_semaphore, #tpu.memory_space<semaphore_mem>>)
        %dma_wait3A_99 = tpu.memref_slice %arg4[%mul3A_88] : memref<1600512xf32, #tpu.memory_space<hbm>> -> memref<3072xf32, #tpu.memory_space<hbm>>
        %dma_wait3A_100 = tpu.memref_slice %arg4[%mul3A_88] : memref<1600512xf32, #tpu.memory_space<hbm>> -> memref<3072xf32, #tpu.memory_space<hbm>>
        tpu.wait_dma2 semaphore(%run_scoped3A : memref<!tpu.dma_semaphore, #tpu.memory_space<semaphore_mem>>) src(%arg8 : memref<3072xf32, #tpu.memory_space<vmem>>) dst(%dma_wait3A_100 : memref<3072xf32, #tpu.memory_space<hbm>>)
        tpu.yield
      }) : () -> ()
    } else {
    }
    %eq3A_73 = arith.constant 0 : i32
    %eq3A_74 = arith.cmpi eq, %sub3A_55, %eq3A_73 : i32
    %convert_element_type3A_75 = arith.extui %eq3A_74 : i1 to i32
    %cond3A_76 = arith.constant 0 : i32
    %cond3A_77 = arith.cmpi ne, %convert_element_type3A_75, %cond3A_76 : i32
    scf.if %cond3A_77 {
      %dma_wait3A_82 = arith.constant 0 : i32
      %dma_wait3A_83 = tpu.memref_slice %arg4[%dma_wait3A_82] : memref<1600512xf32, #tpu.memory_space<hbm>> -> memref<3072xf32, #tpu.memory_space<hbm>>
      %dma_wait3A_84 = arith.constant 0 : i32
      %dma_wait3A_85 = tpu.memref_slice %arg4[%dma_wait3A_84] : memref<1600512xf32, #tpu.memory_space<hbm>> -> memref<3072xf32, #tpu.memory_space<hbm>>
      tpu.wait_dma2 semaphore(%arg12 : memref<!tpu.dma_semaphore, #tpu.memory_space<semaphore_mem>>) src(%arg8 : memref<3072xf32, #tpu.memory_space<vmem>>) dst(%dma_wait3A_85 : memref<3072xf32, #tpu.memory_space<hbm>>)
    } else {
    }
    %dma_wait3A_78 = arith.constant 0 : i32
    %dma_wait3A_79 = tpu.memref_slice %arg4[%dma_wait3A_78] : memref<1600512xf32, #tpu.memory_space<hbm>> -> memref<3072xf32, #tpu.memory_space<hbm>>
    %dma_wait3A_80 = arith.constant 0 : i32
    %dma_wait3A_81 = tpu.memref_slice %arg4[%dma_wait3A_80] : memref<1600512xf32, #tpu.memory_space<hbm>> -> memref<3072xf32, #tpu.memory_space<hbm>>
    tpu.wait_dma2 semaphore(%arg13 : memref<!tpu.dma_semaphore, #tpu.memory_space<semaphore_mem>>) src(%arg9 : memref<3072xf32, #tpu.memory_space<vmem>>) dst(%dma_wait3A_81 : memref<3072xf32, #tpu.memory_space<hbm>>)
    return
  }
}

#map = affine_map<(d0, d1) -> (0)>
module attributes {stable_mosaic.version = 14 : i64} {
  func.func @body(%arg0: i32, %arg1: i32, %arg2: memref<409600xf32, #tpu.memory_space<hbm>>, %arg3: memref<1600512xi32, #tpu.memory_space<hbm>>, %arg4: memref<1600512xf32, #tpu.memory_space<hbm>>, %arg5: memref<102400xf32, #tpu.memory_space<vmem_shared>>, %arg6: memref<3072xi32, #tpu.memory_space<vmem>>, %arg7: memref<3072xi32, #tpu.memory_space<vmem>>, %arg8: memref<3072xf32, #tpu.memory_space<vmem>>, %arg9: memref<3072xf32, #tpu.memory_space<vmem>>, %arg10: memref<!tpu.dma_semaphore, #tpu.memory_space<semaphore_mem>>, %arg11: memref<!tpu.dma_semaphore, #tpu.memory_space<semaphore_mem>>, %arg12: memref<!tpu.dma_semaphore, #tpu.memory_space<semaphore_mem>>, %arg13: memref<!tpu.dma_semaphore, #tpu.memory_space<semaphore_mem>>, %arg14: memref<!tpu.dma_semaphore, #tpu.memory_space<semaphore_mem>>, %arg15: memref<!tpu.dma_semaphore, #tpu.memory_space<semaphore_mem>>) attributes {dimension_semantics = [#tpu.dimension_semantics<core_parallel>, #tpu.dimension_semantics<subcore_parallel>], iteration_bounds = array<i64: 2, 16>, scalar_prefetch = 0 : i64, scratch_operands = 11 : i64, tpu.core_type = #tpu.core_type<sc_vector_subcore>, window_params = [{transform_indices = #map}, {transform_indices = #map}, {transform_indices = #map}]} {
    %mul3A = arith.constant 2 : i32
    %mul3A_0 = arith.muli %arg1, %mul3A : i32
    %add3A = arith.addi %mul3A_0, %arg0 : i32
    %mul3A_1 = arith.constant 6400 : i32
    %mul3A_2 = arith.muli %arg1, %mul3A_1 : i32
    %add3A_3 = arith.constant 0 : i32
    %add3A_4 = arith.addi %add3A_3, %mul3A_2 : i32
    %dma_start3A = tpu.memref_slice %arg5[%mul3A_2] : memref<102400xf32, #tpu.memory_space<vmem_shared>> -> memref<6400xf32, #tpu.memory_space<vmem_shared>>
    %dma_start3A_5 = tpu.memref_slice %arg2[%add3A_4] : memref<409600xf32, #tpu.memory_space<hbm>> -> memref<6400xf32, #tpu.memory_space<hbm>>
    tpu.enqueue_dma source(%dma_start3A_5 : memref<6400xf32, #tpu.memory_space<hbm>>) target(%dma_start3A : memref<6400xf32, #tpu.memory_space<vmem_shared>>) target_semaphore(%arg10 : memref<!tpu.dma_semaphore, #tpu.memory_space<semaphore_mem>>)
    %dma_wait3A = tpu.memref_slice %arg5[%mul3A_2] : memref<102400xf32, #tpu.memory_space<vmem_shared>> -> memref<6400xf32, #tpu.memory_space<vmem_shared>>
    %dma_wait3A_6 = tpu.memref_slice %arg2[%add3A_4] : memref<409600xf32, #tpu.memory_space<hbm>> -> memref<6400xf32, #tpu.memory_space<hbm>>
    tpu.wait_dma2 semaphore(%arg10 : memref<!tpu.dma_semaphore, #tpu.memory_space<semaphore_mem>>) src(%dma_wait3A_6 : memref<6400xf32, #tpu.memory_space<hbm>>) dst(%dma_wait3A : memref<6400xf32, #tpu.memory_space<vmem_shared>>)
    %barrier3A = arith.constant 0 : index
    tpu.barrier barrier_id(%barrier3A)
    %sub3A = arith.constant 521 : i32
    %sub3A_7 = arith.subi %sub3A, %add3A : i32
    %add3A_8 = arith.constant 32 : i32
    %add3A_9 = arith.addi %sub3A_7, %add3A_8 : i32
    %sub3A_10 = arith.constant 1 : i32
    %sub3A_11 = arith.subi %add3A_9, %sub3A_10 : i32
    %jit3A = arith.constant 32 : i32
    %div3A = arith.divsi %sub3A_11, %jit3A : i32
    %sign3A = arith.constant 0 : i32
    %sign3A_12 = arith.cmpi sgt, %sub3A_11, %sign3A : i32
    %sign3A_13 = arith.extui %sign3A_12 : i1 to i32
    %sign3A_14 = arith.constant 0 : i32
    %sign3A_15 = arith.cmpi slt, %sub3A_11, %sign3A_14 : i32
    %sign3A_16 = arith.extui %sign3A_15 : i1 to i32
    %sign3A_17 = arith.subi %sign3A_13, %sign3A_16 : i32
    %sign3A_18 = arith.constant 0 : i32
    %sign3A_19 = arith.cmpi sgt, %jit3A, %sign3A_18 : i32
    %sign3A_20 = arith.extui %sign3A_19 : i1 to i32
    %sign3A_21 = arith.constant 0 : i32
    %sign3A_22 = arith.cmpi slt, %jit3A, %sign3A_21 : i32
    %sign3A_23 = arith.extui %sign3A_22 : i1 to i32
    %sign3A_24 = arith.subi %sign3A_20, %sign3A_23 : i32
    %ne3A = arith.cmpi ne, %sign3A_17, %sign3A_24 : i32
    %rem3A = arith.remsi %sub3A_11, %jit3A : i32
    %ne3A_25 = arith.constant 0 : i32
    %ne3A_26 = arith.cmpi ne, %rem3A, %ne3A_25 : i32
    %and3A = arith.andi %ne3A, %ne3A_26 : i1
    %sub3A_27 = arith.constant 1 : i32
    %sub3A_28 = arith.subi %div3A, %sub3A_27 : i32
    %select_n3A = arith.select %and3A, %sub3A_28, %div3A : i32
    %jit3A_29 = arith.constant 2 : i32
    %div3A_30 = arith.divsi %select_n3A, %jit3A_29 : i32
    %sign3A_31 = arith.constant 0 : i32
    %sign3A_32 = arith.cmpi sgt, %select_n3A, %sign3A_31 : i32
    %sign3A_33 = arith.extui %sign3A_32 : i1 to i32
    %sign3A_34 = arith.constant 0 : i32
    %sign3A_35 = arith.cmpi slt, %select_n3A, %sign3A_34 : i32
    %sign3A_36 = arith.extui %sign3A_35 : i1 to i32
    %sign3A_37 = arith.subi %sign3A_33, %sign3A_36 : i32
    %sign3A_38 = arith.constant 0 : i32
    %sign3A_39 = arith.cmpi sgt, %jit3A_29, %sign3A_38 : i32
    %sign3A_40 = arith.extui %sign3A_39 : i1 to i32
    %sign3A_41 = arith.constant 0 : i32
    %sign3A_42 = arith.cmpi slt, %jit3A_29, %sign3A_41 : i32
    %sign3A_43 = arith.extui %sign3A_42 : i1 to i32
    %sign3A_44 = arith.subi %sign3A_40, %sign3A_43 : i32
    %ne3A_45 = arith.cmpi ne, %sign3A_37, %sign3A_44 : i32
    %rem3A_46 = arith.remsi %select_n3A, %jit3A_29 : i32
    %ne3A_47 = arith.constant 0 : i32
    %ne3A_48 = arith.cmpi ne, %rem3A_46, %ne3A_47 : i32
    %and3A_49 = arith.andi %ne3A_45, %ne3A_48 : i1
    %sub3A_50 = arith.constant 1 : i32
    %sub3A_51 = arith.subi %div3A_30, %sub3A_50 : i32
    %select_n3A_52 = arith.select %and3A_49, %sub3A_51, %div3A_30 : i32
    %mul3A_53 = arith.constant 2 : i32
    %mul3A_54 = arith.muli %mul3A_53, %select_n3A_52 : i32
    %sub3A_55 = arith.subi %select_n3A, %mul3A_54 : i32
    %mul3A_56 = arith.constant 3072 : i32
    %mul3A_57 = arith.muli %add3A, %mul3A_56 : i32
    "tpu.region"() ({
      %run_scoped3A = tpu.sem_alloc : memref<!tpu.dma_semaphore, #tpu.memory_space<semaphore_mem>>
      %dma_start3A_82 = tpu.memref_slice %arg3[%mul3A_57] : memref<1600512xi32, #tpu.memory_space<hbm>> -> memref<3072xi32, #tpu.memory_space<hbm>>
      %dma_start3A_83 = tpu.memref_slice %arg3[%mul3A_57] : memref<1600512xi32, #tpu.memory_space<hbm>> -> memref<3072xi32, #tpu.memory_space<hbm>>
      tpu.enqueue_dma source(%dma_start3A_83 : memref<3072xi32, #tpu.memory_space<hbm>>) target(%arg6 : memref<3072xi32, #tpu.memory_space<vmem>>) target_semaphore(%run_scoped3A : memref<!tpu.dma_semaphore, #tpu.memory_space<semaphore_mem>>)
      %dma_wait3A_84 = tpu.memref_slice %arg3[%mul3A_57] : memref<1600512xi32, #tpu.memory_space<hbm>> -> memref<3072xi32, #tpu.memory_space<hbm>>
      %dma_wait3A_85 = tpu.memref_slice %arg3[%mul3A_57] : memref<1600512xi32, #tpu.memory_space<hbm>> -> memref<3072xi32, #tpu.memory_space<hbm>>
      tpu.wait_dma2 semaphore(%run_scoped3A : memref<!tpu.dma_semaphore, #tpu.memory_space<semaphore_mem>>) src(%dma_wait3A_85 : memref<3072xi32, #tpu.memory_space<hbm>>) dst(%arg6 : memref<3072xi32, #tpu.memory_space<vmem>>)
      tpu.yield
    }) : () -> ()
    %add3A_58 = arith.constant 32 : i32
    %add3A_59 = arith.addi %add3A, %add3A_58 : i32
    %mul3A_60 = arith.constant 3072 : i32
    %mul3A_61 = arith.muli %add3A_59, %mul3A_60 : i32
    "tpu.region"() ({
      %run_scoped3A = tpu.sem_alloc : memref<!tpu.dma_semaphore, #tpu.memory_space<semaphore_mem>>
      %dma_start3A_82 = tpu.memref_slice %arg3[%mul3A_61] : memref<1600512xi32, #tpu.memory_space<hbm>> -> memref<3072xi32, #tpu.memory_space<hbm>>
      %dma_start3A_83 = tpu.memref_slice %arg3[%mul3A_61] : memref<1600512xi32, #tpu.memory_space<hbm>> -> memref<3072xi32, #tpu.memory_space<hbm>>
      tpu.enqueue_dma source(%dma_start3A_83 : memref<3072xi32, #tpu.memory_space<hbm>>) target(%arg7 : memref<3072xi32, #tpu.memory_space<vmem>>) target_semaphore(%run_scoped3A : memref<!tpu.dma_semaphore, #tpu.memory_space<semaphore_mem>>)
      %dma_wait3A_84 = tpu.memref_slice %arg3[%mul3A_61] : memref<1600512xi32, #tpu.memory_space<hbm>> -> memref<3072xi32, #tpu.memory_space<hbm>>
      %dma_wait3A_85 = tpu.memref_slice %arg3[%mul3A_61] : memref<1600512xi32, #tpu.memory_space<hbm>> -> memref<3072xi32, #tpu.memory_space<hbm>>
      tpu.wait_dma2 semaphore(%run_scoped3A : memref<!tpu.dma_semaphore, #tpu.memory_space<semaphore_mem>>) src(%dma_wait3A_85 : memref<3072xi32, #tpu.memory_space<hbm>>) dst(%arg7 : memref<3072xi32, #tpu.memory_space<vmem>>)
      tpu.yield
    }) : () -> ()
    %while3A = arith.constant 0 : i32
    %while3A_62 = arith.constant 0 : i32
    %while3A_63 = arith.subi %select_n3A_52, %while3A_62 : i32
    %while3A_64 = arith.addi %while3A_62, %while3A_63 : i32
    %while3A_65 = arith.constant 1 : i32
    %while3A_66 = arith.divsi %while3A_63, %while3A_65 : i32
    %while3A_67 = arith.muli %while3A_66, %while3A_65 : i32
    %while3A_68 = arith.addi %while3A_62, %while3A_67 : i32
    %while3A_69 = arith.constant 1 : i32
    scf.for %while3A_82 = %while3A_62 to %while3A_68 step %while3A_69  : i32 {
      %mul3A_83 = arith.constant 2 : i32
      %mul3A_84 = arith.muli %mul3A_83, %while3A_82 : i32
      %add3A_85 = arith.constant 0 : i32
      %add3A_86 = arith.addi %mul3A_84, %add3A_85 : i32
      %mul3A_87 = arith.constant 32 : i32
      %mul3A_88 = arith.muli %add3A_86, %mul3A_87 : i32
      %add3A_89 = arith.addi %add3A, %mul3A_88 : i32
      %mul3A_90 = arith.constant 3072 : i32
      %mul3A_91 = arith.muli %add3A_89, %mul3A_90 : i32
      %gt3A = arith.constant 0 : i32
      %gt3A_92 = arith.cmpi sgt, %while3A_82, %gt3A : i32
      %convert_element_type3A_93 = arith.extui %gt3A_92 : i1 to i32
      %cond3A_94 = arith.constant 0 : i32
      %cond3A_95 = arith.cmpi ne, %convert_element_type3A_93, %cond3A_94 : i32
      scf.if %cond3A_95 {
        %dma_wait3A_133 = tpu.memref_slice %arg4[%mul3A_91] : memref<1600512xf32, #tpu.memory_space<hbm>> -> memref<3072xf32, #tpu.memory_space<hbm>>
        %dma_wait3A_134 = tpu.memref_slice %arg4[%mul3A_91] : memref<1600512xf32, #tpu.memory_space<hbm>> -> memref<3072xf32, #tpu.memory_space<hbm>>
        tpu.wait_dma2 semaphore(%arg12 : memref<!tpu.dma_semaphore, #tpu.memory_space<semaphore_mem>>) src(%arg8 : memref<3072xf32, #tpu.memory_space<vmem>>) dst(%dma_wait3A_134 : memref<3072xf32, #tpu.memory_space<hbm>>)
        %dma_wait3A_135 = tpu.memref_slice %arg3[%mul3A_91] : memref<1600512xi32, #tpu.memory_space<hbm>> -> memref<3072xi32, #tpu.memory_space<hbm>>
        %dma_wait3A_136 = tpu.memref_slice %arg3[%mul3A_91] : memref<1600512xi32, #tpu.memory_space<hbm>> -> memref<3072xi32, #tpu.memory_space<hbm>>
        tpu.wait_dma2 semaphore(%arg14 : memref<!tpu.dma_semaphore, #tpu.memory_space<semaphore_mem>>) src(%dma_wait3A_136 : memref<3072xi32, #tpu.memory_space<hbm>>) dst(%arg6 : memref<3072xi32, #tpu.memory_space<vmem>>)
      } else {
      }
      %dma_start3A_96 = arith.constant 0 : i32
      %dma_start3A_97 = tpu.memref_slice %arg5[%dma_start3A_96] : memref<102400xf32, #tpu.memory_space<vmem_shared>> -> memref<102400xf32, #tpu.memory_space<vmem_shared>>
      tpu.enqueue_indirect_dma source(%dma_start3A_97 : memref<102400xf32, #tpu.memory_space<vmem_shared>>) target(%arg8 : memref<3072xf32, #tpu.memory_space<vmem>>) offsets(%arg6 : memref<3072xi32, #tpu.memory_space<vmem>>) semaphore(%arg11 : memref<!tpu.dma_semaphore, #tpu.memory_space<semaphore_mem>>)
      %dma_wait3A_98 = arith.constant 0 : i32
      %dma_wait3A_99 = tpu.memref_slice %arg5[%dma_wait3A_98] : memref<102400xf32, #tpu.memory_space<vmem_shared>> -> memref<102400xf32, #tpu.memory_space<vmem_shared>>
      tpu.wait_indirect_dma semaphore(%arg11 : memref<!tpu.dma_semaphore, #tpu.memory_space<semaphore_mem>>) src(%dma_wait3A_99 : memref<102400xf32, #tpu.memory_space<vmem_shared>>) dst(%arg8 : memref<3072xf32, #tpu.memory_space<vmem>>)
      %add3A_100 = arith.constant 2 : i32
      %add3A_101 = arith.addi %add3A_86, %add3A_100 : i32
      %lt3A = arith.cmpi slt, %add3A_101, %select_n3A : i32
      %convert_element_type3A_102 = arith.extui %lt3A : i1 to i32
      %cond3A_103 = arith.constant 0 : i32
      %cond3A_104 = arith.cmpi ne, %convert_element_type3A_102, %cond3A_103 : i32
      scf.if %cond3A_104 {
        %add3A_133 = arith.constant 2 : i32
        %add3A_134 = arith.addi %add3A_86, %add3A_133 : i32
        %mul3A_135 = arith.constant 32 : i32
        %mul3A_136 = arith.muli %add3A_134, %mul3A_135 : i32
        %add3A_137 = arith.addi %add3A, %mul3A_136 : i32
        %mul3A_138 = arith.constant 3072 : i32
        %mul3A_139 = arith.muli %add3A_137, %mul3A_138 : i32
        %dma_start3A_140 = tpu.memref_slice %arg3[%mul3A_139] : memref<1600512xi32, #tpu.memory_space<hbm>> -> memref<3072xi32, #tpu.memory_space<hbm>>
        %dma_start3A_141 = tpu.memref_slice %arg3[%mul3A_139] : memref<1600512xi32, #tpu.memory_space<hbm>> -> memref<3072xi32, #tpu.memory_space<hbm>>
        tpu.enqueue_dma source(%dma_start3A_141 : memref<3072xi32, #tpu.memory_space<hbm>>) target(%arg6 : memref<3072xi32, #tpu.memory_space<vmem>>) target_semaphore(%arg14 : memref<!tpu.dma_semaphore, #tpu.memory_space<semaphore_mem>>)
      } else {
      }
      %dma_start3A_105 = tpu.memref_slice %arg4[%mul3A_91] : memref<1600512xf32, #tpu.memory_space<hbm>> -> memref<3072xf32, #tpu.memory_space<hbm>>
      %dma_start3A_106 = tpu.memref_slice %arg4[%mul3A_91] : memref<1600512xf32, #tpu.memory_space<hbm>> -> memref<3072xf32, #tpu.memory_space<hbm>>
      tpu.enqueue_dma source(%arg8 : memref<3072xf32, #tpu.memory_space<vmem>>) target(%dma_start3A_106 : memref<3072xf32, #tpu.memory_space<hbm>>) target_semaphore(%arg12 : memref<!tpu.dma_semaphore, #tpu.memory_space<semaphore_mem>>)
      %mul3A_107 = arith.constant 2 : i32
      %mul3A_108 = arith.muli %mul3A_107, %while3A_82 : i32
      %add3A_109 = arith.constant 1 : i32
      %add3A_110 = arith.addi %mul3A_108, %add3A_109 : i32
      %mul3A_111 = arith.constant 32 : i32
      %mul3A_112 = arith.muli %add3A_110, %mul3A_111 : i32
      %add3A_113 = arith.addi %add3A, %mul3A_112 : i32
      %mul3A_114 = arith.constant 3072 : i32
      %mul3A_115 = arith.muli %add3A_113, %mul3A_114 : i32
      %gt3A_116 = arith.constant 0 : i32
      %gt3A_117 = arith.cmpi sgt, %while3A_82, %gt3A_116 : i32
      %convert_element_type3A_118 = arith.extui %gt3A_117 : i1 to i32
      %cond3A_119 = arith.constant 0 : i32
      %cond3A_120 = arith.cmpi ne, %convert_element_type3A_118, %cond3A_119 : i32
      scf.if %cond3A_120 {
        %dma_wait3A_133 = tpu.memref_slice %arg4[%mul3A_115] : memref<1600512xf32, #tpu.memory_space<hbm>> -> memref<3072xf32, #tpu.memory_space<hbm>>
        %dma_wait3A_134 = tpu.memref_slice %arg4[%mul3A_115] : memref<1600512xf32, #tpu.memory_space<hbm>> -> memref<3072xf32, #tpu.memory_space<hbm>>
        tpu.wait_dma2 semaphore(%arg13 : memref<!tpu.dma_semaphore, #tpu.memory_space<semaphore_mem>>) src(%arg9 : memref<3072xf32, #tpu.memory_space<vmem>>) dst(%dma_wait3A_134 : memref<3072xf32, #tpu.memory_space<hbm>>)
        %dma_wait3A_135 = tpu.memref_slice %arg3[%mul3A_115] : memref<1600512xi32, #tpu.memory_space<hbm>> -> memref<3072xi32, #tpu.memory_space<hbm>>
        %dma_wait3A_136 = tpu.memref_slice %arg3[%mul3A_115] : memref<1600512xi32, #tpu.memory_space<hbm>> -> memref<3072xi32, #tpu.memory_space<hbm>>
        tpu.wait_dma2 semaphore(%arg15 : memref<!tpu.dma_semaphore, #tpu.memory_space<semaphore_mem>>) src(%dma_wait3A_136 : memref<3072xi32, #tpu.memory_space<hbm>>) dst(%arg7 : memref<3072xi32, #tpu.memory_space<vmem>>)
      } else {
      }
      %dma_start3A_121 = arith.constant 0 : i32
      %dma_start3A_122 = tpu.memref_slice %arg5[%dma_start3A_121] : memref<102400xf32, #tpu.memory_space<vmem_shared>> -> memref<102400xf32, #tpu.memory_space<vmem_shared>>
      tpu.enqueue_indirect_dma source(%dma_start3A_122 : memref<102400xf32, #tpu.memory_space<vmem_shared>>) target(%arg9 : memref<3072xf32, #tpu.memory_space<vmem>>) offsets(%arg7 : memref<3072xi32, #tpu.memory_space<vmem>>) semaphore(%arg11 : memref<!tpu.dma_semaphore, #tpu.memory_space<semaphore_mem>>)
      %dma_wait3A_123 = arith.constant 0 : i32
      %dma_wait3A_124 = tpu.memref_slice %arg5[%dma_wait3A_123] : memref<102400xf32, #tpu.memory_space<vmem_shared>> -> memref<102400xf32, #tpu.memory_space<vmem_shared>>
      tpu.wait_indirect_dma semaphore(%arg11 : memref<!tpu.dma_semaphore, #tpu.memory_space<semaphore_mem>>) src(%dma_wait3A_124 : memref<102400xf32, #tpu.memory_space<vmem_shared>>) dst(%arg9 : memref<3072xf32, #tpu.memory_space<vmem>>)
      %add3A_125 = arith.constant 2 : i32
      %add3A_126 = arith.addi %add3A_110, %add3A_125 : i32
      %lt3A_127 = arith.cmpi slt, %add3A_126, %select_n3A : i32
      %convert_element_type3A_128 = arith.extui %lt3A_127 : i1 to i32
      %cond3A_129 = arith.constant 0 : i32
      %cond3A_130 = arith.cmpi ne, %convert_element_type3A_128, %cond3A_129 : i32
      scf.if %cond3A_130 {
        %add3A_133 = arith.constant 2 : i32
        %add3A_134 = arith.addi %add3A_110, %add3A_133 : i32
        %mul3A_135 = arith.constant 32 : i32
        %mul3A_136 = arith.muli %add3A_134, %mul3A_135 : i32
        %add3A_137 = arith.addi %add3A, %mul3A_136 : i32
        %mul3A_138 = arith.constant 3072 : i32
        %mul3A_139 = arith.muli %add3A_137, %mul3A_138 : i32
        %dma_start3A_140 = tpu.memref_slice %arg3[%mul3A_139] : memref<1600512xi32, #tpu.memory_space<hbm>> -> memref<3072xi32, #tpu.memory_space<hbm>>
        %dma_start3A_141 = tpu.memref_slice %arg3[%mul3A_139] : memref<1600512xi32, #tpu.memory_space<hbm>> -> memref<3072xi32, #tpu.memory_space<hbm>>
        tpu.enqueue_dma source(%dma_start3A_141 : memref<3072xi32, #tpu.memory_space<hbm>>) target(%arg7 : memref<3072xi32, #tpu.memory_space<vmem>>) target_semaphore(%arg15 : memref<!tpu.dma_semaphore, #tpu.memory_space<semaphore_mem>>)
      } else {
      }
      %dma_start3A_131 = tpu.memref_slice %arg4[%mul3A_115] : memref<1600512xf32, #tpu.memory_space<hbm>> -> memref<3072xf32, #tpu.memory_space<hbm>>
      %dma_start3A_132 = tpu.memref_slice %arg4[%mul3A_115] : memref<1600512xf32, #tpu.memory_space<hbm>> -> memref<3072xf32, #tpu.memory_space<hbm>>
      tpu.enqueue_dma source(%arg9 : memref<3072xf32, #tpu.memory_space<vmem>>) target(%dma_start3A_132 : memref<3072xf32, #tpu.memory_space<hbm>>) target_semaphore(%arg13 : memref<!tpu.dma_semaphore, #tpu.memory_space<semaphore_mem>>)
    }
    %while3A_70 = arith.constant 1 : i32
    scf.for %while3A_82 = %while3A_68 to %while3A_64 step %while3A_70  : i32 {
      %mul3A_83 = arith.constant 2 : i32
      %mul3A_84 = arith.muli %mul3A_83, %while3A_82 : i32
      %add3A_85 = arith.constant 0 : i32
      %add3A_86 = arith.addi %mul3A_84, %add3A_85 : i32
      %mul3A_87 = arith.constant 32 : i32
      %mul3A_88 = arith.muli %add3A_86, %mul3A_87 : i32
      %add3A_89 = arith.addi %add3A, %mul3A_88 : i32
      %mul3A_90 = arith.constant 3072 : i32
      %mul3A_91 = arith.muli %add3A_89, %mul3A_90 : i32
      %gt3A = arith.constant 0 : i32
      %gt3A_92 = arith.cmpi sgt, %while3A_82, %gt3A : i32
      %convert_element_type3A_93 = arith.extui %gt3A_92 : i1 to i32
      %cond3A_94 = arith.constant 0 : i32
      %cond3A_95 = arith.cmpi ne, %convert_element_type3A_93, %cond3A_94 : i32
      scf.if %cond3A_95 {
        %dma_wait3A_133 = tpu.memref_slice %arg4[%mul3A_91] : memref<1600512xf32, #tpu.memory_space<hbm>> -> memref<3072xf32, #tpu.memory_space<hbm>>
        %dma_wait3A_134 = tpu.memref_slice %arg4[%mul3A_91] : memref<1600512xf32, #tpu.memory_space<hbm>> -> memref<3072xf32, #tpu.memory_space<hbm>>
        tpu.wait_dma2 semaphore(%arg12 : memref<!tpu.dma_semaphore, #tpu.memory_space<semaphore_mem>>) src(%arg8 : memref<3072xf32, #tpu.memory_space<vmem>>) dst(%dma_wait3A_134 : memref<3072xf32, #tpu.memory_space<hbm>>)
        %dma_wait3A_135 = tpu.memref_slice %arg3[%mul3A_91] : memref<1600512xi32, #tpu.memory_space<hbm>> -> memref<3072xi32, #tpu.memory_space<hbm>>
        %dma_wait3A_136 = tpu.memref_slice %arg3[%mul3A_91] : memref<1600512xi32, #tpu.memory_space<hbm>> -> memref<3072xi32, #tpu.memory_space<hbm>>
        tpu.wait_dma2 semaphore(%arg14 : memref<!tpu.dma_semaphore, #tpu.memory_space<semaphore_mem>>) src(%dma_wait3A_136 : memref<3072xi32, #tpu.memory_space<hbm>>) dst(%arg6 : memref<3072xi32, #tpu.memory_space<vmem>>)
      } else {
      }
      %dma_start3A_96 = arith.constant 0 : i32
      %dma_start3A_97 = tpu.memref_slice %arg5[%dma_start3A_96] : memref<102400xf32, #tpu.memory_space<vmem_shared>> -> memref<102400xf32, #tpu.memory_space<vmem_shared>>
      tpu.enqueue_indirect_dma source(%dma_start3A_97 : memref<102400xf32, #tpu.memory_space<vmem_shared>>) target(%arg8 : memref<3072xf32, #tpu.memory_space<vmem>>) offsets(%arg6 : memref<3072xi32, #tpu.memory_space<vmem>>) semaphore(%arg11 : memref<!tpu.dma_semaphore, #tpu.memory_space<semaphore_mem>>)
      %dma_wait3A_98 = arith.constant 0 : i32
      %dma_wait3A_99 = tpu.memref_slice %arg5[%dma_wait3A_98] : memref<102400xf32, #tpu.memory_space<vmem_shared>> -> memref<102400xf32, #tpu.memory_space<vmem_shared>>
      tpu.wait_indirect_dma semaphore(%arg11 : memref<!tpu.dma_semaphore, #tpu.memory_space<semaphore_mem>>) src(%dma_wait3A_99 : memref<102400xf32, #tpu.memory_space<vmem_shared>>) dst(%arg8 : memref<3072xf32, #tpu.memory_space<vmem>>)
      %add3A_100 = arith.constant 2 : i32
      %add3A_101 = arith.addi %add3A_86, %add3A_100 : i32
      %lt3A = arith.cmpi slt, %add3A_101, %select_n3A : i32
      %convert_element_type3A_102 = arith.extui %lt3A : i1 to i32
      %cond3A_103 = arith.constant 0 : i32
      %cond3A_104 = arith.cmpi ne, %convert_element_type3A_102, %cond3A_103 : i32
      scf.if %cond3A_104 {
        %add3A_133 = arith.constant 2 : i32
        %add3A_134 = arith.addi %add3A_86, %add3A_133 : i32
        %mul3A_135 = arith.constant 32 : i32
        %mul3A_136 = arith.muli %add3A_134, %mul3A_135 : i32
        %add3A_137 = arith.addi %add3A, %mul3A_136 : i32
        %mul3A_138 = arith.constant 3072 : i32
        %mul3A_139 = arith.muli %add3A_137, %mul3A_138 : i32
        %dma_start3A_140 = tpu.memref_slice %arg3[%mul3A_139] : memref<1600512xi32, #tpu.memory_space<hbm>> -> memref<3072xi32, #tpu.memory_space<hbm>>
        %dma_start3A_141 = tpu.memref_slice %arg3[%mul3A_139] : memref<1600512xi32, #tpu.memory_space<hbm>> -> memref<3072xi32, #tpu.memory_space<hbm>>
        tpu.enqueue_dma source(%dma_start3A_141 : memref<3072xi32, #tpu.memory_space<hbm>>) target(%arg6 : memref<3072xi32, #tpu.memory_space<vmem>>) target_semaphore(%arg14 : memref<!tpu.dma_semaphore, #tpu.memory_space<semaphore_mem>>)
      } else {
      }
      %dma_start3A_105 = tpu.memref_slice %arg4[%mul3A_91] : memref<1600512xf32, #tpu.memory_space<hbm>> -> memref<3072xf32, #tpu.memory_space<hbm>>
      %dma_start3A_106 = tpu.memref_slice %arg4[%mul3A_91] : memref<1600512xf32, #tpu.memory_space<hbm>> -> memref<3072xf32, #tpu.memory_space<hbm>>
      tpu.enqueue_dma source(%arg8 : memref<3072xf32, #tpu.memory_space<vmem>>) target(%dma_start3A_106 : memref<3072xf32, #tpu.memory_space<hbm>>) target_semaphore(%arg12 : memref<!tpu.dma_semaphore, #tpu.memory_space<semaphore_mem>>)
      %mul3A_107 = arith.constant 2 : i32
      %mul3A_108 = arith.muli %mul3A_107, %while3A_82 : i32
      %add3A_109 = arith.constant 1 : i32
      %add3A_110 = arith.addi %mul3A_108, %add3A_109 : i32
      %mul3A_111 = arith.constant 32 : i32
      %mul3A_112 = arith.muli %add3A_110, %mul3A_111 : i32
      %add3A_113 = arith.addi %add3A, %mul3A_112 : i32
      %mul3A_114 = arith.constant 3072 : i32
      %mul3A_115 = arith.muli %add3A_113, %mul3A_114 : i32
      %gt3A_116 = arith.constant 0 : i32
      %gt3A_117 = arith.cmpi sgt, %while3A_82, %gt3A_116 : i32
      %convert_element_type3A_118 = arith.extui %gt3A_117 : i1 to i32
      %cond3A_119 = arith.constant 0 : i32
      %cond3A_120 = arith.cmpi ne, %convert_element_type3A_118, %cond3A_119 : i32
      scf.if %cond3A_120 {
        %dma_wait3A_133 = tpu.memref_slice %arg4[%mul3A_115] : memref<1600512xf32, #tpu.memory_space<hbm>> -> memref<3072xf32, #tpu.memory_space<hbm>>
        %dma_wait3A_134 = tpu.memref_slice %arg4[%mul3A_115] : memref<1600512xf32, #tpu.memory_space<hbm>> -> memref<3072xf32, #tpu.memory_space<hbm>>
        tpu.wait_dma2 semaphore(%arg13 : memref<!tpu.dma_semaphore, #tpu.memory_space<semaphore_mem>>) src(%arg9 : memref<3072xf32, #tpu.memory_space<vmem>>) dst(%dma_wait3A_134 : memref<3072xf32, #tpu.memory_space<hbm>>)
        %dma_wait3A_135 = tpu.memref_slice %arg3[%mul3A_115] : memref<1600512xi32, #tpu.memory_space<hbm>> -> memref<3072xi32, #tpu.memory_space<hbm>>
        %dma_wait3A_136 = tpu.memref_slice %arg3[%mul3A_115] : memref<1600512xi32, #tpu.memory_space<hbm>> -> memref<3072xi32, #tpu.memory_space<hbm>>
        tpu.wait_dma2 semaphore(%arg15 : memref<!tpu.dma_semaphore, #tpu.memory_space<semaphore_mem>>) src(%dma_wait3A_136 : memref<3072xi32, #tpu.memory_space<hbm>>) dst(%arg7 : memref<3072xi32, #tpu.memory_space<vmem>>)
      } else {
      }
      %dma_start3A_121 = arith.constant 0 : i32
      %dma_start3A_122 = tpu.memref_slice %arg5[%dma_start3A_121] : memref<102400xf32, #tpu.memory_space<vmem_shared>> -> memref<102400xf32, #tpu.memory_space<vmem_shared>>
      tpu.enqueue_indirect_dma source(%dma_start3A_122 : memref<102400xf32, #tpu.memory_space<vmem_shared>>) target(%arg9 : memref<3072xf32, #tpu.memory_space<vmem>>) offsets(%arg7 : memref<3072xi32, #tpu.memory_space<vmem>>) semaphore(%arg11 : memref<!tpu.dma_semaphore, #tpu.memory_space<semaphore_mem>>)
      %dma_wait3A_123 = arith.constant 0 : i32
      %dma_wait3A_124 = tpu.memref_slice %arg5[%dma_wait3A_123] : memref<102400xf32, #tpu.memory_space<vmem_shared>> -> memref<102400xf32, #tpu.memory_space<vmem_shared>>
      tpu.wait_indirect_dma semaphore(%arg11 : memref<!tpu.dma_semaphore, #tpu.memory_space<semaphore_mem>>) src(%dma_wait3A_124 : memref<102400xf32, #tpu.memory_space<vmem_shared>>) dst(%arg9 : memref<3072xf32, #tpu.memory_space<vmem>>)
      %add3A_125 = arith.constant 2 : i32
      %add3A_126 = arith.addi %add3A_110, %add3A_125 : i32
      %lt3A_127 = arith.cmpi slt, %add3A_126, %select_n3A : i32
      %convert_element_type3A_128 = arith.extui %lt3A_127 : i1 to i32
      %cond3A_129 = arith.constant 0 : i32
      %cond3A_130 = arith.cmpi ne, %convert_element_type3A_128, %cond3A_129 : i32
      scf.if %cond3A_130 {
        %add3A_133 = arith.constant 2 : i32
        %add3A_134 = arith.addi %add3A_110, %add3A_133 : i32
        %mul3A_135 = arith.constant 32 : i32
        %mul3A_136 = arith.muli %add3A_134, %mul3A_135 : i32
        %add3A_137 = arith.addi %add3A, %mul3A_136 : i32
        %mul3A_138 = arith.constant 3072 : i32
        %mul3A_139 = arith.muli %add3A_137, %mul3A_138 : i32
        %dma_start3A_140 = tpu.memref_slice %arg3[%mul3A_139] : memref<1600512xi32, #tpu.memory_space<hbm>> -> memref<3072xi32, #tpu.memory_space<hbm>>
        %dma_start3A_141 = tpu.memref_slice %arg3[%mul3A_139] : memref<1600512xi32, #tpu.memory_space<hbm>> -> memref<3072xi32, #tpu.memory_space<hbm>>
        tpu.enqueue_dma source(%dma_start3A_141 : memref<3072xi32, #tpu.memory_space<hbm>>) target(%arg7 : memref<3072xi32, #tpu.memory_space<vmem>>) target_semaphore(%arg15 : memref<!tpu.dma_semaphore, #tpu.memory_space<semaphore_mem>>)
      } else {
      }
      %dma_start3A_131 = tpu.memref_slice %arg4[%mul3A_115] : memref<1600512xf32, #tpu.memory_space<hbm>> -> memref<3072xf32, #tpu.memory_space<hbm>>
      %dma_start3A_132 = tpu.memref_slice %arg4[%mul3A_115] : memref<1600512xf32, #tpu.memory_space<hbm>> -> memref<3072xf32, #tpu.memory_space<hbm>>
      tpu.enqueue_dma source(%arg9 : memref<3072xf32, #tpu.memory_space<vmem>>) target(%dma_start3A_132 : memref<3072xf32, #tpu.memory_space<hbm>>) target_semaphore(%arg13 : memref<!tpu.dma_semaphore, #tpu.memory_space<semaphore_mem>>)
    }
    %eq3A = arith.constant 1 : i32
    %eq3A_71 = arith.cmpi eq, %sub3A_55, %eq3A : i32
    %convert_element_type3A = arith.extui %eq3A_71 : i1 to i32
    %cond3A = arith.constant 0 : i32
    %cond3A_72 = arith.cmpi ne, %convert_element_type3A, %cond3A : i32
    scf.if %cond3A_72 {
      %sub3A_82 = arith.constant 1 : i32
      %sub3A_83 = arith.subi %select_n3A, %sub3A_82 : i32
      %mul3A_84 = arith.constant 32 : i32
      %mul3A_85 = arith.muli %sub3A_83, %mul3A_84 : i32
      %add3A_86 = arith.addi %add3A, %mul3A_85 : i32
      %mul3A_87 = arith.constant 3072 : i32
      %mul3A_88 = arith.muli %add3A_86, %mul3A_87 : i32
      %dma_wait3A_89 = tpu.memref_slice %arg4[%mul3A_88] : memref<1600512xf32, #tpu.memory_space<hbm>> -> memref<3072xf32, #tpu.memory_space<hbm>>
      %dma_wait3A_90 = tpu.memref_slice %arg4[%mul3A_88] : memref<1600512xf32, #tpu.memory_space<hbm>> -> memref<3072xf32, #tpu.memory_space<hbm>>
      tpu.wait_dma2 semaphore(%arg12 : memref<!tpu.dma_semaphore, #tpu.memory_space<semaphore_mem>>) src(%arg8 : memref<3072xf32, #tpu.memory_space<vmem>>) dst(%dma_wait3A_90 : memref<3072xf32, #tpu.memory_space<hbm>>)
      %dma_wait3A_91 = tpu.memref_slice %arg3[%mul3A_88] : memref<1600512xi32, #tpu.memory_space<hbm>> -> memref<3072xi32, #tpu.memory_space<hbm>>
      %dma_wait3A_92 = tpu.memref_slice %arg3[%mul3A_88] : memref<1600512xi32, #tpu.memory_space<hbm>> -> memref<3072xi32, #tpu.memory_space<hbm>>
      tpu.wait_dma2 semaphore(%arg14 : memref<!tpu.dma_semaphore, #tpu.memory_space<semaphore_mem>>) src(%dma_wait3A_92 : memref<3072xi32, #tpu.memory_space<hbm>>) dst(%arg6 : memref<3072xi32, #tpu.memory_space<vmem>>)
      %dma_start3A_93 = arith.constant 0 : i32
      %dma_start3A_94 = tpu.memref_slice %arg5[%dma_start3A_93] : memref<102400xf32, #tpu.memory_space<vmem_shared>> -> memref<102400xf32, #tpu.memory_space<vmem_shared>>
      tpu.enqueue_indirect_dma source(%dma_start3A_94 : memref<102400xf32, #tpu.memory_space<vmem_shared>>) target(%arg8 : memref<3072xf32, #tpu.memory_space<vmem>>) offsets(%arg6 : memref<3072xi32, #tpu.memory_space<vmem>>) semaphore(%arg11 : memref<!tpu.dma_semaphore, #tpu.memory_space<semaphore_mem>>)
      %dma_wait3A_95 = arith.constant 0 : i32
      %dma_wait3A_96 = tpu.memref_slice %arg5[%dma_wait3A_95] : memref<102400xf32, #tpu.memory_space<vmem_shared>> -> memref<102400xf32, #tpu.memory_space<vmem_shared>>
      tpu.wait_indirect_dma semaphore(%arg11 : memref<!tpu.dma_semaphore, #tpu.memory_space<semaphore_mem>>) src(%dma_wait3A_96 : memref<102400xf32, #tpu.memory_space<vmem_shared>>) dst(%arg8 : memref<3072xf32, #tpu.memory_space<vmem>>)
      "tpu.region"() ({
        %run_scoped3A = tpu.sem_alloc : memref<!tpu.dma_semaphore, #tpu.memory_space<semaphore_mem>>
        %dma_start3A_97 = tpu.memref_slice %arg4[%mul3A_88] : memref<1600512xf32, #tpu.memory_space<hbm>> -> memref<3072xf32, #tpu.memory_space<hbm>>
        %dma_start3A_98 = tpu.memref_slice %arg4[%mul3A_88] : memref<1600512xf32, #tpu.memory_space<hbm>> -> memref<3072xf32, #tpu.memory_space<hbm>>
        tpu.enqueue_dma source(%arg8 : memref<3072xf32, #tpu.memory_space<vmem>>) target(%dma_start3A_98 : memref<3072xf32, #tpu.memory_space<hbm>>) target_semaphore(%run_scoped3A : memref<!tpu.dma_semaphore, #tpu.memory_space<semaphore_mem>>)
        %dma_wait3A_99 = tpu.memref_slice %arg4[%mul3A_88] : memref<1600512xf32, #tpu.memory_space<hbm>> -> memref<3072xf32, #tpu.memory_space<hbm>>
        %dma_wait3A_100 = tpu.memref_slice %arg4[%mul3A_88] : memref<1600512xf32, #tpu.memory_space<hbm>> -> memref<3072xf32, #tpu.memory_space<hbm>>
        tpu.wait_dma2 semaphore(%run_scoped3A : memref<!tpu.dma_semaphore, #tpu.memory_space<semaphore_mem>>) src(%arg8 : memref<3072xf32, #tpu.memory_space<vmem>>) dst(%dma_wait3A_100 : memref<3072xf32, #tpu.memory_space<hbm>>)
        tpu.yield
      }) : () -> ()
    } else {
    }
    %eq3A_73 = arith.constant 0 : i32
    %eq3A_74 = arith.cmpi eq, %sub3A_55, %eq3A_73 : i32
    %convert_element_type3A_75 = arith.extui %eq3A_74 : i1 to i32
    %cond3A_76 = arith.constant 0 : i32
    %cond3A_77 = arith.cmpi ne, %convert_element_type3A_75, %cond3A_76 : i32
    scf.if %cond3A_77 {
      %dma_wait3A_82 = arith.constant 0 : i32
      %dma_wait3A_83 = tpu.memref_slice %arg4[%dma_wait3A_82] : memref<1600512xf32, #tpu.memory_space<hbm>> -> memref<3072xf32, #tpu.memory_space<hbm>>
      %dma_wait3A_84 = arith.constant 0 : i32
      %dma_wait3A_85 = tpu.memref_slice %arg4[%dma_wait3A_84] : memref<1600512xf32, #tpu.memory_space<hbm>> -> memref<3072xf32, #tpu.memory_space<hbm>>
      tpu.wait_dma2 semaphore(%arg12 : memref<!tpu.dma_semaphore, #tpu.memory_space<semaphore_mem>>) src(%arg8 : memref<3072xf32, #tpu.memory_space<vmem>>) dst(%dma_wait3A_85 : memref<3072xf32, #tpu.memory_space<hbm>>)
    } else {
    }
    %dma_wait3A_78 = arith.constant 0 : i32
    %dma_wait3A_79 = tpu.memref_slice %arg4[%dma_wait3A_78] : memref<1600512xf32, #tpu.memory_space<hbm>> -> memref<3072xf32, #tpu.memory_space<hbm>>
    %dma_wait3A_80 = arith.constant 0 : i32
    %dma_wait3A_81 = tpu.memref_slice %arg4[%dma_wait3A_80] : memref<1600512xf32, #tpu.memory_space<hbm>> -> memref<3072xf32, #tpu.memory_space<hbm>>
    tpu.wait_dma2 semaphore(%arg13 : memref<!tpu.dma_semaphore, #tpu.memory_space<semaphore_mem>>) src(%arg9 : memref<3072xf32, #tpu.memory_space<vmem>>) dst(%dma_wait3A_81 : memref<3072xf32, #tpu.memory_space<hbm>>)
    return
  }
}

</mosaic_0001>

<sc_bundles>
// kernel: kernel.11.cloned.1.call-start
scs
__scs_entry_jumppad:
0x0: {  	(pc) =	sbr.rel $0x88, $3  }
0x1: {  	(tag) =	ssettag $0x0;
	lr =	simm.s32 $0x1  }
0x2: {  	[smem:$0x3F9B] =	sst lr;
	_ =	strace $0xD0000000  }
0x3: {  	_ = 	snop  }
0x4: {  	_ = 	snop  }
0x5: {  	_ = 	snop  }
0x6: {  	_ = 	snop  }
0x7: {  	_ = 	snop  }
__scs_overlays_trampoline_lowered:
0x8: {  	[smem:$0x3FAA] =	sst s0  }
0x9: {  	[smem:$0x3FAB] =	sst s1  }
0xa: {  	[smem:$0x3FAC] =	sst s2  }
0xb: {  	[smem:$0x3FAD] =	sst s3  }
0xc: {  	[smem:$0x3FAE] =	sst s4  }
0xd: {  	[smem:$0x3FAF] =	sst s5  }
0xe: {  	[smem:$0x3FB0] =	sst s6  }
0xf: {  	[smem:$0x3FB1] =	sst s7  }
0x10: {  	[smem:$0x3FB2] =	sst s8  }
0x11: {  	[smem:$0x3FB3] =	sst s9;
	s0 =	simm.s32 @!p0 $0x0  }
0x12: {  	s1 =	sld [smem:$0x3F99];
	s0 =	simm.s32 @p0 $0x1  }
0x13: {  	[smem:$0x3FB4] =	sst s0;
	s0 =	simm.s32 @!p1 $0x0  }
0x14: {  	s2 =	sld [smem:$0x3F98];
	s0 =	simm.s32 @p1 $0x1  }
0x15: {  	[smem:$0x3FB5] =	sst s0;
	s0 =	simm.s32 @!p2 $0x0  }
0x16: {  	s3 =	sld [smem:$0x3FDB];
	s0 =	simm.s32 @p2 $0x1  }
0x17: {  	s4 =	simm.s32 $0x1BF5;
	[smem:$0x3FB7] =	sst s0  }
0x18: {  	s0 =	sld [smem:$0x3F9A];
	_ =	swait.ge [sflag:s4], $0x0  }
0x19: {  	s7 =	sld [smem:$0x3F9B]  }
0x1a: {  	s8 =	sadd.s32 $0xFFFFE003, lr  }
0x1b: {  	s9 =	sadd.s32 $0xFFFFFEF7, lr;
	s5 =	simm.s32 $0xFFFFFFFF;
	p2 =	slt.u32 s8, $0xFFFFF086  }
0x1c: {  	p1 =	slt.u32 s9, $0xF7A;
	s5 =	simm.s32 @!p2 $0x0  }
0x1d: {  	s5 =	simm.s32 @p1 $0x1;
	p0 =	seq.s32 s7, s2  }
0x1e: {  	s7 =	smul.u32 @!p0 $0xF7A, s2;
	p2 =	seq.s32 @!p0 s5, $0x0  }
0x1f: {  	s9 =	smul.u32 $0xF7A, s1;
	s8 =	simm.s32 @!p0 $0x1BF5;
	p2 =	por !p2, p0  }
0x20: {  	[sflag:s8] =	ssyncset.s32 @!p0 $0xFFFFF086;
	s6 =	sadd.s32 @!p0 s3, s7;
	s7 =	simm.s32 @!p0 $0x108  }
0x21: {  	s3 =	sadd.s32 s3, s9;
	s6 =	sadd.s32 @!p0 $0x88, s6;
	s7 =	simm.s32 @p2 $0x1082  }
0x22: {  	[simem:s7], [sflag:s8] =	dma.local @!p0 [hbm:s6], $0xF7A  }
0x23: {  	s9 =	sor.u32 $0xD0000000, s2;
	s6 =	simm.s32 $0x108;
	_ =	swait.ge @!p0 [sflag:s8], $0x0  }
0x24: {  	s3 =	sadd.s32 $0x88, s3;
	s6 =	simm.s32 @!p1 $0x1082;
	[sflag:s4] =	ssyncset.s32 $0xFFFFF086  }
0x25: {  	[simem:s6], [sflag:s4] =	dma.local [hbm:s3], $0xF7A  }
0x26: {  	[smem:$0x3F9B] =	sst s1;
	(tag) =	ssettag s2;
	_ =	strace s9  }
0x27: {  	s1 =	sld [smem:$0x3FAB]  }
0x28: {  	s2 =	sld [smem:$0x3FAC]  }
0x29: {  	s4 =	sld [smem:$0x3FAE]  }
0x2a: {  	p0 =	seq.s32 s5, $0x0;
	s5 =	sld [smem:$0x3FAF]  }
0x2b: {  	s6 =	sld [smem:$0x3FB0]  }
0x2c: {  	s7 =	sld [smem:$0x3FB1]  }
0x2d: {  	s3 =	simm.s32 $0x108;
	s8 =	sld [smem:$0x3FB2]  }
0x2e: {  	s3 =	simm.s32 @!p0 $0x1082;
	s9 =	sld [smem:$0x3FB3]  }
0x2f: {  	lr =	sadd.s32 s0, s3;
	s0 =	sld [smem:$0x3FAA]  }
0x30: {  	s3 =	sld [smem:$0x3FAD]  }
0x31: {  	[smem:$0x3FB6] =	sst s10  }
0x32: {  	s10 =	sld [smem:$0x3FB4];
	_ =	sdelay $0x3  }
0x33: {  	p0 =	seq.s32 s10, $0x1;
	s10 =	sld [smem:$0x3FB6];
	_ =	sdelay $0x3  }
0x34: {  	[smem:$0x3FB6] =	sst s10  }
0x35: {  	s10 =	sld [smem:$0x3FB5];
	_ =	sdelay $0x3  }
0x36: {  	p1 =	seq.s32 s10, $0x1;
	s10 =	sld [smem:$0x3FB6];
	_ =	sdelay $0x3  }
0x37: {  	[smem:$0x3FB6] =	sst s10  }
0x38: {  	s10 =	sld [smem:$0x3FB7]  }
0x39: {  	_ = 	snop;
	(pc) =	sbr.ind lr, $3  }
0x3a: {  	_ = 	snop  }
0x3b: {  	_ = 	snop  }
0x3c: {  	p2 =	seq.s32 s10, $0x1;
	s10 =	sld [smem:$0x3FB6]  }
0x3d: {  	_ =	shalt  }
0x3e: {  	_ =	shalt  }
0x3f: {  	_ =	shalt  }
0x40: {  	_ =	shalt  }
0x41: {  	_ =	shalt  }
0x42: {  	_ =	shalt  }
0x43: {  	_ =	shalt  }
0x44: {  	_ =	shalt  }
0x45: {  	_ =	shalt  }
0x46: {  	_ =	shalt  }
0x47: {  	_ =	shalt  }
0x48: {  	_ =	shalt  }
0x49: {  	_ =	shalt  }
0x4a: {  	_ =	shalt  }
0x4b: {  	_ =	shalt  }
0x4c: {  	_ =	shalt  }
0x4d: {  	_ =	shalt  }
0x4e: {  	_ =	shalt  }
0x4f: {  	_ =	shalt  }
0x50: {  	_ =	shalt  }
0x51: {  	_ =	shalt  }
0x52: {  	_ =	shalt  }
0x53: {  	_ =	shalt  }
0x54: {  	_ =	shalt  }
0x55: {  	_ =	shalt  }
0x56: {  	_ =	shalt  }
0x57: {  	_ =	shalt  }
0x58: {  	_ =	shalt  }
0x59: {  	_ =	shalt  }
0x5a: {  	_ =	shalt  }
0x5b: {  	_ =	shalt  }
0x5c: {  	_ =	shalt  }
0x5d: {  	_ =	shalt  }
0x5e: {  	_ =	shalt  }
0x5f: {  	_ =	shalt  }
0x60: {  	_ =	shalt  }
0x61: {  	_ =	shalt  }
0x62: {  	_ =	shalt  }
0x63: {  	_ =	shalt  }
0x64: {  	_ =	shalt  }
0x65: {  	_ =	shalt  }
0x66: {  	_ =	shalt  }
0x67: {  	_ =	shalt  }
0x68: {  	_ =	shalt  }
0x69: {  	_ =	shalt  }
0x6a: {  	_ =	shalt  }
0x6b: {  	_ =	shalt  }
0x6c: {  	_ =	shalt  }
0x6d: {  	_ =	shalt  }
0x6e: {  	_ =	shalt  }
0x6f: {  	_ =	shalt  }
0x70: {  	_ =	shalt  }
0x71: {  	_ =	shalt  }
0x72: {  	_ =	shalt  }
0x73: {  	_ =	shalt  }
0x74: {  	_ =	shalt  }
0x75: {  	_ =	shalt  }
0x76: {  	_ =	shalt  }
0x77: {  	_ =	shalt  }
0x78: {  	_ =	shalt  }
0x79: {  	_ =	shalt  }
0x7a: {  	_ =	shalt  }
0x7b: {  	_ =	shalt  }
0x7c: {  	_ =	shalt  }
0x7d: {  	_ =	shalt  }
0x7e: {  	_ =	shalt  }
0x7f: {  	_ =	shalt  }
0x80: {  	_ =	shalt  }
0x81: {  	_ =	shalt  }
0x82: {  	_ =	shalt  }
0x83: {  	_ =	shalt  }
0x84: {  	_ =	shalt  }
0x85: {  	_ =	shalt  }
0x86: {  	_ =	shalt  }
0x87: {  	_ =	shalt  }
.Lfunc_end0:
.L_simem_size_0:
called_computation.1_lowered:
.L_overlay_start_0:
0x88: {  	s2 =	sld [smem:$0x3FD9]  }
0x89: {  	s3 =	sld [smem:$0x3FFE];
	_ =	sdelay $0x1  }
0x8a: {  	s1 =	srdreg.scid  }
0x8b: {  	s0 =	sand.u32 $0x1, s1  }
0x8c: {  	s14 =	sshll.u32 s0, $0xA;
	s2 =	sadd.s32 s3, s2  }
0x8d: {  	s2 =	sadd.s32 s2, s14  }
0x8e: {  	[smem:$0x3FC2] =	sst s2  }
0x8f: {  	_ = 	snop  }
0x90: {  	s2 =	sld [smem:$0x3FD0];
	_ =	sdelay $0x2  }
0x91: {  	s15 =	simm.s32 $0xD;
	s4 =	simm.s32 $0x10  }
0x92: {  	[smem:s4], [sflag:s15] =	dma.local [hbm:s2], $0x1  }
0x93: {  	_ =	swait.eq [sflag:s15], $0x1  }
0x94: {  	s16 =	sld [smem:$0x10]  }
0x95: {  	s17 =	sld [smem:$0x11];
	[sflag:s15] =	ssyncset.done $0x0  }
0x96: {  	s5 =	sld [smem:$0x12];
	[sflag:s15] =	ssyncadd.s32 $0xFFFFFFFF  }
0x97: {  	s18 =	sld [smem:$0x13];
	(tm) =	ssettm $0x1  }
0x98: {  	s6 =	sld [smem:$0x3FFB];
	_ =	sdelay $0x3  }
0x99: {  	_ =	strace s6  }
0x9a: {  	s6 =	sld [smem:$0x3FFC];
	_ =	sdelay $0x3  }
0x9b: {  	_ =	strace s6  }
0x9c: {  	s6 =	sld [smem:$0x3FFD];
	_ =	sdelay $0x3  }
0x9d: {  	_ =	strace s6  }
0x9e: {  	_ =	strace $0x8FFFFFFF  }
0x9f: {  	s19 =	sld [smem:$0x3FDB];
	_ =	sdelay $0x1  }
0xa0: {  	s7 =	simm.s32 $_scs_section_size  }
0xa1: {  	s8 =	simm.s32 $_size__tile_overlayer_lowered;
	s9 =	simm.s32 $_tile_overlayer_lowered  }
0xa2: {  	s22 =	simm.s32 $0x1BFF;
	s21 =	sshll.u32 s9, $0x1;
	s6 =	sadd.s32 s7, s19  }
0xa3: {  	s10 =	simm.s32 $0x0;
	s20 =	sshll.u32 s8, $0x1;
	s8 =	sadd.s32 s21, s6  }
0xa4: {  	[timem:s10], [sflag:s22] =	dma.local [hbm:s8], s20  }
0xa5: {  	_ =	swait.ge [sflag:s22], s20  }
0xa6: {  	s7 =	ssub.s32 $0x0, s20;
	[sflag:s22] =	ssyncset.done $0x0  }
0xa7: {  	[sflag:s22] =	ssyncadd.s32 s7;
	_ =	sdelay $0x1  }
0xa8: {  	s23 =	simm.s32 $0x1B8B  }
0xa9: {  	_ =	swait.ge [sflag:s23], $0x1  }
0xaa: {  	[sflag:s23] =	ssyncset.done $0x0  }
0xab: {  	s25 =	simm.s32 $0x1B8E;
	s24 =	sld [smem:$0x3FFE];
	[sflag:s23] =	ssyncadd.s32 $0xFFFFFFFF  }
0xac: {  	s26 =	simm.s32 $execute0_lowered;
	[smem:$0x3FD2] =	sst s25  }
0xad: {  	s8 =	sshll.u32 s26, $0x1;
	_ =	strace $0x80000049;
	[dreg:$0x1] =	wrdreg $0xFFFFFFFF  }
0xae: {  	s28 =	simm.s32 $_size_execute0_lowered;
	s6 =	sadd.s32 s6, s8;
	[dreg:$0x0] =	wrdreg $0x0  }
0xaf: {  	s8 =	sshll.u32 s28, $0x1;
	[dreg:$0x2] =	wrdreg s6  }
0xb0: {  	[dreg:$0x3] =	wrdreg s8  }
0xb1: {  	[dreg:$0x4] =	wrdreg $0xC0  }
0xb2: {  	_ =	task [dreg:s10], $0x5FFFF  }
0xb3: {  	[dreg:$0x1] =	wrdreg $0xFFFFFFFF  }
0xb4: {  	[dreg:$0x0] =	wrdreg $0x60  }
0xb5: {  	[dreg:$0x2] =	wrdreg s18  }
0xb6: {  	[dreg:$0x3] =	wrdreg s24  }
0xb7: {  	[dreg:$0x4] =	wrdreg s5  }
0xb8: {  	[dreg:$0x5] =	wrdreg s17  }
0xb9: {  	[dreg:$0x6] =	wrdreg s16  }
0xba: {  	[dreg:$0x7] =	wrdreg $0x9  }
0xbb: {  	_ =	task.clear_ibuf [dreg:s10], $0x8FFFF;
	_ =	strace $0x90000049  }
0xbc: {  	s29 =	simm.s32 $0x9;
	_ =	strace $0x8000004B  }
0xbd: {  	_ =	swait.ge [sflag:s29], $0x1  }
0xbe: {  	[sflag:s29] =	ssyncadd.s32 $0xFFFFFFFF  }
0xbf: {  	_ =	strace $0x9000004B  }
0xc0: {  	_ =	sfence  }
0xc1: {  	s30 =	sld [smem:$0x0];
	_ =	sdelay $0x2  }
0xc2: {  	s31 =	sshll.u32 s1, $0xD;
	s1 =	sshrl.u32 s1, $0x2  }
0xc3: {  	s3 =	sand.u32 $0x4000, s31;
	s1 =	sadd.s32 s1, s30  }
0xc4: {  	s0 =	sor.u32 s3, s0;
	s1 =	sshll.u32 s1, $0x11  }
0xc5: {  	s0 =	sor.u32 s1, s0  }
0xc6: {  	s0 =	sadd.s32 $0x8F2B, s0  }
0xc7: {  	[sflag:s0] =	ssyncadd.remote.s32 $0x1  }
0xc8: {  	_ =	sfence.sel $0xFFFF  }
0xc9: {  	[dreg:$0x0] =	wrdreg $0xFFFFFFFF;
	(pc) =	sbr.abs _section_cstart, $3  }
0xca: {  	[dreg:$0x1] =	wrdreg $0xFFFFFFFF  }
0xcb: {  	_ =	task.clear_ibuf [dreg:s10], $0x2FFFF;
	_ =	strace $0x9FFFFFFF  }
0xcc: {  	(tm) =	ssettm $0x7FFFFFFF  }
0xcd: {  	_ =	shalt  }
tec
execute0_lowered:
.L_overlay_start_1:
0x0: {  	(tag) =	ssettag $0x1  }
0x1: {  	s1 =	rddreg [dreg:$0x0]  }
0x2: {  	s3 =	rddreg [dreg:$0x1]  }
0x3: {  	s6 =	rddreg [dreg:$0x2]  }
0x4: {  	s9 =	rddreg [dreg:$0x3]  }
0x5: {  	s2 =	srdreg.scid;
	s0 =	stileid.u32  }
0x6: {  	s13 =	rddreg [dreg:$0x4];
	s16 =	simm.s32 $0x4B00;
	s17 =	simm.s32 $0x1900  }
0x7: {  	s18 =	simm.s32 $0x2580;
	s19 =	simm.s32 $0x5780;
	s20 =	simm.s32 $0x1  }
0x8: {  	s21 =	simm.s32 $0x3200;
	s22 =	simm.s32 $0x3E80;
	s23 =	simm.s32 $0x2  }
0x9: {  	s24 =	simm.s32 $0x6400;
	s25 =	simm.s32 $0x7080;
	s26 =	simm.s32 $0x7D00  }
0xa: {  	s28 =	simm.s32 $0x8980;
	s4 =	sand.u32 $0x1, s2;
	s5 =	sshll.u32 s0, $0x1  }
0xb: {  	s29 =	simm.s32 $0x3;
	s30 =	simm.s32 $0x0;
	s5 =	sor.u32 s4, s5  }
0xc: {  	s2 =	simm.s32 $0x0;
	s4 =	ssub.s32 $0x2, s4;
	s5 =	smul.u32 $0xC80, s5  }
0xd: {  	s3 =	sadd.s32 $0x95800, s3;
	[smem:$0x7FF] =	sst s2;
	s7 =	sshrl.u32 s4, $0x1  }
0xe: {  	_ =	strace $0x8000004A;
	s14 =	ssub.s32 s4, s7;
	s12 =	sshrl.u32 s5, $0x3  }
0xf: {  	s14 =	smax.u32 s14, $0x1;
	s4 =	sadd.s32 s1, s12;
	s10 =	sadd.s32 $0x6400, s12  }
0x10: {  	s15 =	sadd.s32 $0x3200, s12;
	s11 =	sadd.s32 $0x9600, s12;
	s6 =	sadd.s32 s6, s12  }
0x11: {  	s9 =	sadd.s32 s9, s12;
	s12 =	sadd.s32 s13, s12;
	s5 =	sadd.s32 s1, s10  }
0x12: {  	s7 =	sadd.s32 s1, s15;
	s8 =	sadd.s32 s1, s11;
	s10 =	sadd.s32 s13, s10  }
0x13: {  	s11 =	sadd.s32 s13, s11;
	s13 =	sadd.s32 s13, s15;
	s15 =	simm.s32 $0xC80  }
.LBB2_1:
0x14: {  	[tilespmem:s2], [sflag:$0x1] =	stream.linear.gather [hbm4b:s4+s2], $0xC80, $0x38;
	[tilespmem:$0x9600] =	vst v63  }
0x15: {  	_ = 	snop  }
0x16: {  	[tilespmem:s15], [sflag:$0x1] =	stream.linear.gather [hbm4b:s5+s2], $0xC80, $0x38;
	[tilespmem:$0x9600] =	vst v63  }
0x17: {  	_ = 	snop  }
0x18: {  	[tilespmem:s16], [sflag:$0x1] =	stream.linear.gather [hbm4b:s6+s2], $0xC80, $0x38;
	[tilespmem:$0x9600] =	vst v63  }
0x19: {  	_ = 	snop  }
0x1a: {  	[tilespmem:s17], [sflag:$0x1] =	stream.linear.gather [hbm4b:s7+s2], $0xC80, $0x38;
	[tilespmem:$0x9600] =	vst v63  }
0x1b: {  	_ = 	snop  }
0x1c: {  	[tilespmem:s18], [sflag:$0x1] =	stream.linear.gather [hbm4b:s8+s2], $0xC80, $0x38;
	[tilespmem:$0x9600] =	vst v63  }
0x1d: {  	_ = 	snop  }
0x1e: {  	[tilespmem:s19], [sflag:$0x1] =	stream.linear.gather [hbm4b:s9+s2], $0xC80, $0x38;
	[tilespmem:$0x9600] =	vst v63  }
0x1f: {  	_ =	swait.ge [sflag:s20], $0xC80  }
0x20: {  	[sflag:s20] =	ssyncset.done $0x0  }
0x21: {  	[sflag:s20] =	ssyncadd.s32 $0xFFFFF380  }
0x22: {  	_ =	swait.ge [sflag:s20], $0xC80  }
0x23: {  	[sflag:s20] =	ssyncset.done $0x0  }
0x24: {  	[sflag:s20] =	ssyncadd.s32 $0xFFFFF380  }
0x25: {  	_ =	swait.ge [sflag:s20], $0xC80  }
0x26: {  	[sflag:s20] =	ssyncset.done $0x0  }
0x27: {  	[sflag:s20] =	ssyncadd.s32 $0xFFFFF380  }
0x28: {  	_ =	swait.ge [sflag:s20], $0xC80  }
0x29: {  	[sflag:s20] =	ssyncset.done $0x0  }
0x2a: {  	[sflag:s20] =	ssyncadd.s32 $0xFFFFF380  }
0x2b: {  	_ =	swait.ge [sflag:s20], $0xC80  }
0x2c: {  	[sflag:s20] =	ssyncset.done $0x0  }
0x2d: {  	[sflag:s20] =	ssyncadd.s32 $0xFFFFF380  }
0x2e: {  	_ =	swait.ge [sflag:s20], $0xC80  }
0x2f: {  	[sflag:s20] =	ssyncset.done $0x0  }
0x30: {  	s1 =	simm.s32 $0x0;
	[sflag:s20] =	ssyncadd.s32 $0xFFFFF380  }
0x31: {  	s31 =	simm.s32 $0x40;
	v0 =	vld [tilespmem:s1+$0x4B00]  }
.LBB2_2:
0x32: {  	_ =	sdelay $0x1  }
0x33: {  	p0 =	sne.s32 s31, $0x31C0  }
.Ltmp0:
0x34: {  	_ = 	snop;
	(pc) =	sbr.rel @p0 .LBB2_2-.Ltmp0, $4  }
0x35: {  	v1 =	vtrunc.f32 v0  }
0x36: {  	v1 =	vcvt.f32.s32 v1  }
0x37: {  	s0 =	sshra.s32 s31, $0x2  }
0x38: {  	s31 =	sadd.s32 $0x40, s31;
	v0 =	vld [tilespmem:s0+$0x4B00];
	[tilespmem:s1+$0x3200] =	vst v1;
	s1 =	smov.u32 s0  }
0x39: {  	_ =	sdelay $0x3  }
0x3a: {  	v0 =	vtrunc.f32 v0  }
0x3b: {  	v0 =	vcvt.f32.s32 v0;
	_ =	sdelay $0x1  }
0x3c: {  	[tilespmem:s1+$0x3200] =	vst v0;
	s1 =	simm.s32 $0x0  }
0x3d: {  	[tilespmem:s16], [sflag:$0x2] =	stream.indirect.gather [hbm4b:s3+s15], $0x1, s21, s15, $0xb8;
	[tilespmem:$0x9600] =	vst v63  }
0x3e: {  	s31 =	simm.s32 $0x40;
	v0 =	vld [tilespmem:s1+$0x5780]  }
.LBB2_4:
0x3f: {  	_ =	sdelay $0x1  }
0x40: {  	p0 =	sne.s32 s31, $0x31C0  }
.Ltmp1:
0x41: {  	_ = 	snop;
	(pc) =	sbr.rel @p0 .LBB2_4-.Ltmp1, $4  }
0x42: {  	v1 =	vtrunc.f32 v0  }
0x43: {  	v1 =	vcvt.f32.s32 v1  }
0x44: {  	s0 =	sshra.s32 s31, $0x2  }
0x45: {  	s31 =	sadd.s32 $0x40, s31;
	v0 =	vld [tilespmem:s0+$0x5780];
	[tilespmem:s1+$0x3E80] =	vst v1;
	s1 =	smov.u32 s0  }
0x46: {  	_ =	sdelay $0x3  }
0x47: {  	v0 =	vtrunc.f32 v0  }
0x48: {  	v0 =	vcvt.f32.s32 v0;
	_ =	sdelay $0x1  }
0x49: {  	[tilespmem:s1+$0x3E80] =	vst v0  }
0x4a: {  	[tilespmem:s19], [sflag:$0x2] =	stream.indirect.gather [hbm4b:s3+s15], $0x1, s22, s15, $0xb8;
	[tilespmem:$0x9600] =	vst v63  }
0x4b: {  	_ =	swait.ge [sflag:s23], $0xC80  }
0x4c: {  	[sflag:s23] =	ssyncset.done $0x0  }
0x4d: {  	[sflag:s23] =	ssyncadd.s32 $0xFFFFF380  }
0x4e: {  	_ =	swait.ge [sflag:s23], $0xC80  }
0x4f: {  	[sflag:s23] =	ssyncset.done $0x0  }
0x50: {  	s31 =	simm.s32 $0x0;
	[sflag:s23] =	ssyncadd.s32 $0xFFFFF380  }
0x51: {  	v0 =	vld [tilespmem:s31+$0x0]  }
0x52: {  	v1 =	vld [tilespmem:s31+$0xC80];
	_ =	sdelay $0x1  }
0x53: {  	v2 =	vld [tilespmem:s31+$0x4B00]  }
0x54: {  	s1 =	simm.s32 $0x40  }
.LBB2_6:
0x55: {  	s0 =	sshra.s32 s1, $0x2;
	p0 =	sne.s32 s1, $0x31C0  }
.Ltmp2:
0x56: {  	s1 =	sadd.s32 $0x40, s1;
	v3 =	vadd.f32 v1, v0;
	v0 =	vld [tilespmem:s0+$0x0];
	(pc) =	sbr.rel @p0 .LBB2_6-.Ltmp2, $4  }
0x57: {  	v1 =	vld [tilespmem:s0+$0xC80]  }
0x58: {  	[tilespmem:s31+$0x6400] =	vst v3;
	v3 =	vmul.f32 v2, v3  }
0x59: {  	v2 =	vld [tilespmem:s0+$0x4B00]  }
0x5a: {  	[tilespmem:s31+$0x7080] =	vst v3;
	s31 =	smov.u32 s0  }
0x5b: {  	_ = 	snop  }
0x5c: {  	v0 =	vadd.f32 v1, v0;
	_ =	sdelay $0x1  }
0x5d: {  	v1 =	vmul.f32 v2, v0  }
0x5e: {  	[tilespmem:s31+$0x6400] =	vst v0  }
0x5f: {  	s0 =	simm.s32 $0x0;
	[tilespmem:s31+$0x7080] =	vst v1  }
0x60: {  	[hbm4b:s10+s0] =	stream.linear.scatter [tilespmem:s24], [sflag:$0x3], $0xC80, $0x38;
	[tilespmem:$0x9600] =	vst v63  }
0x61: {  	s31 =	simm.s32 $0x0  }
0x62: {  	[hbm4b:s11+s0] =	stream.linear.scatter [tilespmem:s25], [sflag:$0x3], $0xC80, $0x38;
	[tilespmem:$0x9600] =	vst v63  }
0x63: {  	v0 =	vld [tilespmem:s31+$0x1900]  }
0x64: {  	v1 =	vld [tilespmem:s31+$0x2580];
	_ =	sdelay $0x1  }
0x65: {  	v2 =	vld [tilespmem:s31+$0x5780]  }
0x66: {  	s1 =	simm.s32 $0x40  }
.LBB2_8:
0x67: {  	s0 =	sshra.s32 s1, $0x2;
	p0 =	sne.s32 s1, $0x31C0  }
.Ltmp3:
0x68: {  	s1 =	sadd.s32 $0x40, s1;
	v3 =	vadd.f32 v1, v0;
	v0 =	vld [tilespmem:s0+$0x1900];
	(pc) =	sbr.rel @p0 .LBB2_8-.Ltmp3, $4  }
0x69: {  	v1 =	vld [tilespmem:s0+$0x2580]  }
0x6a: {  	[tilespmem:s31+$0x7D00] =	vst v3;
	v3 =	vmul.f32 v2, v3  }
0x6b: {  	v2 =	vld [tilespmem:s0+$0x5780]  }
0x6c: {  	[tilespmem:s31+$0x8980] =	vst v3;
	s31 =	smov.u32 s0  }
0x6d: {  	_ = 	snop  }
0x6e: {  	v0 =	vadd.f32 v1, v0;
	_ =	sdelay $0x1  }
0x6f: {  	v1 =	vmul.f32 v2, v0  }
0x70: {  	[tilespmem:s31+$0x7D00] =	vst v0  }
0x71: {  	[tilespmem:s31+$0x8980] =	vst v1  }
0x72: {  	[hbm4b:s12+s2] =	stream.linear.scatter [tilespmem:s26], [sflag:$0x3], $0xC80, $0x38;
	[tilespmem:$0x9600] =	vst v63  }
0x73: {  	_ = 	snop  }
0x74: {  	[hbm4b:s13+s2] =	stream.linear.scatter [tilespmem:s28], [sflag:$0x3], $0xC80, $0x38;
	[tilespmem:$0x9600] =	vst v63  }
0x75: {  	_ =	swait.ge [sflag:s29], $0xC80  }
0x76: {  	[sflag:s29] =	ssyncset.done $0x0  }
0x77: {  	[sflag:s29] =	ssyncadd.s32 $0xFFFFF380  }
0x78: {  	_ =	swait.ge [sflag:s29], $0xC80  }
0x79: {  	[sflag:s29] =	ssyncset.done $0x0  }
0x7a: {  	s30 =	sadd.s32 $0x1, s30;
	[sflag:s29] =	ssyncadd.s32 $0xFFFFF380  }
0x7b: {  	p0 =	sne.s32 s30, s14;
	_ =	swait.ge [sflag:s29], $0xC80  }
.Ltmp4:
0x7c: {  	[sflag:s29] =	ssyncset.done $0x0;
	(pc) =	sbr.rel @p0 .LBB2_1-.Ltmp4, $4  }
0x7d: {  	[sflag:s29] =	ssyncadd.s32 $0xFFFFF380  }
0x7e: {  	_ =	swait.ge [sflag:s29], $0xC80  }
0x7f: {  	[sflag:s29] =	ssyncset.done $0x0  }
0x80: {  	[sflag:s29] =	ssyncadd.s32 $0xFFFFF380  }
0x81: {  	_ =	sfence.sel $0x180000  }
0x82: {  	[bflag:$0x0] =	sbarrier.arrive $0xFFFF  }
0x83: {  	_ =	strace $0x9000004A  }
0x84: {  	s0 =	stileid.u32;
	[bflag:$0x2] =	sbarrier.arrive $0xFFFF  }
0x85: {  	p0 =	sne.s32 s0, $0x0;
	s0 =	rddreg [dreg:$0x5]  }
0x86: {  	s0 =	sadd.s32 @!p0 $0x100000, s0  }
0x87: {  	[sflag:s0] =	ssyncadd.tile.s32 @!p0 $0x1;
	_ =	shalt  }
.Lfunc_end2:
_tile_overlayer_lowered:
.L_overlay_start_2:
0x88: {  	(tag) =	ssettag $0x2  }
0x89: {  	s0 =	rddreg [dreg:$0x0];
	s2 =	stileid.u32  }
0x8a: {  	s1 =	rddreg [dreg:$0x1];
	p0 =	sne.s32 s2, $0x0  }
0x8b: {  	s3 =	rddreg [dreg:$0x2];
	[bflag:$0x3] =	sbarrier.arrive $0xFFFF;
	s2 =	simm.s32 @!p0 $0x1C04  }
0x8c: {  	[timem:s3], [sflag:s2] =	dma.local @!p0 [hbm:s0], s1  }
0x8d: {  	s0 =	simm.s32 @!p0 $0x4  }
0x8e: {  	_ =	swait.ge @!p0 [sflag:s0], s1  }
0x8f: {  	s1 =	ssub.s32 @!p0 $0x0, s1;
	[sflag:s0] =	ssyncset.done @!p0 $0x0  }
0x90: {  	[sflag:s0] =	ssyncadd.s32 @!p0 s1  }
0x91: {  	[bflag:$0x3] =	sbarrier.arrive $0xFFFF  }
0x92: {  	_ =	shalt  }

// kernel: kernel.14.cloned.1.call-start
scs
__scs_entry_jumppad:
0x0: {  	(pc) =	sbr.rel $0x88, $3  }
0x1: {  	(tag) =	ssettag $0x0;
	lr =	simm.s32 $0x1  }
0x2: {  	[smem:$0x3F9B] =	sst lr;
	_ =	strace $0xD0000000  }
0x3: {  	_ = 	snop  }
0x4: {  	_ = 	snop  }
0x5: {  	_ = 	snop  }
0x6: {  	_ = 	snop  }
0x7: {  	_ = 	snop  }
__scs_overlays_trampoline_lowered:
0x8: {  	[smem:$0x3FAA] =	sst s0  }
0x9: {  	[smem:$0x3FAB] =	sst s1  }
0xa: {  	[smem:$0x3FAC] =	sst s2  }
0xb: {  	[smem:$0x3FAD] =	sst s3  }
0xc: {  	[smem:$0x3FAE] =	sst s4  }
0xd: {  	[smem:$0x3FAF] =	sst s5  }
0xe: {  	[smem:$0x3FB0] =	sst s6  }
0xf: {  	[smem:$0x3FB1] =	sst s7  }
0x10: {  	[smem:$0x3FB2] =	sst s8  }
0x11: {  	[smem:$0x3FB3] =	sst s9;
	s0 =	simm.s32 @!p0 $0x0  }
0x12: {  	s1 =	sld [smem:$0x3F99];
	s0 =	simm.s32 @p0 $0x1  }
0x13: {  	[smem:$0x3FB4] =	sst s0;
	s0 =	simm.s32 @!p1 $0x0  }
0x14: {  	s2 =	sld [smem:$0x3F98];
	s0 =	simm.s32 @p1 $0x1  }
0x15: {  	[smem:$0x3FB5] =	sst s0;
	s0 =	simm.s32 @!p2 $0x0  }
0x16: {  	s3 =	sld [smem:$0x3FDB];
	s0 =	simm.s32 @p2 $0x1  }
0x17: {  	s4 =	simm.s32 $0x1BF5;
	[smem:$0x3FB7] =	sst s0  }
0x18: {  	s0 =	sld [smem:$0x3F9A];
	_ =	swait.ge [sflag:s4], $0x0  }
0x19: {  	s7 =	sld [smem:$0x3F9B]  }
0x1a: {  	s8 =	sadd.s32 $0xFFFFE003, lr  }
0x1b: {  	s9 =	sadd.s32 $0xFFFFFEF7, lr;
	s5 =	simm.s32 $0xFFFFFFFF;
	p2 =	slt.u32 s8, $0xFFFFF086  }
0x1c: {  	p1 =	slt.u32 s9, $0xF7A;
	s5 =	simm.s32 @!p2 $0x0  }
0x1d: {  	s5 =	simm.s32 @p1 $0x1;
	p0 =	seq.s32 s7, s2  }
0x1e: {  	s7 =	smul.u32 @!p0 $0xF7A, s2;
	p2 =	seq.s32 @!p0 s5, $0x0  }
0x1f: {  	s9 =	smul.u32 $0xF7A, s1;
	s8 =	simm.s32 @!p0 $0x1BF5;
	p2 =	por !p2, p0  }
0x20: {  	[sflag:s8] =	ssyncset.s32 @!p0 $0xFFFFF086;
	s6 =	sadd.s32 @!p0 s3, s7;
	s7 =	simm.s32 @!p0 $0x108  }
0x21: {  	s3 =	sadd.s32 s3, s9;
	s6 =	sadd.s32 @!p0 $0x88, s6;
	s7 =	simm.s32 @p2 $0x1082  }
0x22: {  	[simem:s7], [sflag:s8] =	dma.local @!p0 [hbm:s6], $0xF7A  }
0x23: {  	s9 =	sor.u32 $0xD0000000, s2;
	s6 =	simm.s32 $0x108;
	_ =	swait.ge @!p0 [sflag:s8], $0x0  }
0x24: {  	s3 =	sadd.s32 $0x88, s3;
	s6 =	simm.s32 @!p1 $0x1082;
	[sflag:s4] =	ssyncset.s32 $0xFFFFF086  }
0x25: {  	[simem:s6], [sflag:s4] =	dma.local [hbm:s3], $0xF7A  }
0x26: {  	[smem:$0x3F9B] =	sst s1;
	(tag) =	ssettag s2;
	_ =	strace s9  }
0x27: {  	s1 =	sld [smem:$0x3FAB]  }
0x28: {  	s2 =	sld [smem:$0x3FAC]  }
0x29: {  	s4 =	sld [smem:$0x3FAE]  }
0x2a: {  	p0 =	seq.s32 s5, $0x0;
	s5 =	sld [smem:$0x3FAF]  }
0x2b: {  	s6 =	sld [smem:$0x3FB0]  }
0x2c: {  	s7 =	sld [smem:$0x3FB1]  }
0x2d: {  	s3 =	simm.s32 $0x108;
	s8 =	sld [smem:$0x3FB2]  }
0x2e: {  	s3 =	simm.s32 @!p0 $0x1082;
	s9 =	sld [smem:$0x3FB3]  }
0x2f: {  	lr =	sadd.s32 s0, s3;
	s0 =	sld [smem:$0x3FAA]  }
0x30: {  	s3 =	sld [smem:$0x3FAD]  }
0x31: {  	[smem:$0x3FB6] =	sst s10  }
0x32: {  	s10 =	sld [smem:$0x3FB4];
	_ =	sdelay $0x3  }
0x33: {  	p0 =	seq.s32 s10, $0x1;
	s10 =	sld [smem:$0x3FB6];
	_ =	sdelay $0x3  }
0x34: {  	[smem:$0x3FB6] =	sst s10  }
0x35: {  	s10 =	sld [smem:$0x3FB5];
	_ =	sdelay $0x3  }
0x36: {  	p1 =	seq.s32 s10, $0x1;
	s10 =	sld [smem:$0x3FB6];
	_ =	sdelay $0x3  }
0x37: {  	[smem:$0x3FB6] =	sst s10  }
0x38: {  	s10 =	sld [smem:$0x3FB7]  }
0x39: {  	_ = 	snop;
	(pc) =	sbr.ind lr, $3  }
0x3a: {  	_ = 	snop  }
0x3b: {  	_ = 	snop  }
0x3c: {  	p2 =	seq.s32 s10, $0x1;
	s10 =	sld [smem:$0x3FB6]  }
0x3d: {  	_ =	shalt  }
0x3e: {  	_ =	shalt  }
0x3f: {  	_ =	shalt  }
0x40: {  	_ =	shalt  }
0x41: {  	_ =	shalt  }
0x42: {  	_ =	shalt  }
0x43: {  	_ =	shalt  }
0x44: {  	_ =	shalt  }
0x45: {  	_ =	shalt  }
0x46: {  	_ =	shalt  }
0x47: {  	_ =	shalt  }
0x48: {  	_ =	shalt  }
0x49: {  	_ =	shalt  }
0x4a: {  	_ =	shalt  }
0x4b: {  	_ =	shalt  }
0x4c: {  	_ =	shalt  }
0x4d: {  	_ =	shalt  }
0x4e: {  	_ =	shalt  }
0x4f: {  	_ =	shalt  }
0x50: {  	_ =	shalt  }
0x51: {  	_ =	shalt  }
0x52: {  	_ =	shalt  }
0x53: {  	_ =	shalt  }
0x54: {  	_ =	shalt  }
0x55: {  	_ =	shalt  }
0x56: {  	_ =	shalt  }
0x57: {  	_ =	shalt  }
0x58: {  	_ =	shalt  }
0x59: {  	_ =	shalt  }
0x5a: {  	_ =	shalt  }
0x5b: {  	_ =	shalt  }
0x5c: {  	_ =	shalt  }
0x5d: {  	_ =	shalt  }
0x5e: {  	_ =	shalt  }
0x5f: {  	_ =	shalt  }
0x60: {  	_ =	shalt  }
0x61: {  	_ =	shalt  }
0x62: {  	_ =	shalt  }
0x63: {  	_ =	shalt  }
0x64: {  	_ =	shalt  }
0x65: {  	_ =	shalt  }
0x66: {  	_ =	shalt  }
0x67: {  	_ =	shalt  }
0x68: {  	_ =	shalt  }
0x69: {  	_ =	shalt  }
0x6a: {  	_ =	shalt  }
0x6b: {  	_ =	shalt  }
0x6c: {  	_ =	shalt  }
0x6d: {  	_ =	shalt  }
0x6e: {  	_ =	shalt  }
0x6f: {  	_ =	shalt  }
0x70: {  	_ =	shalt  }
0x71: {  	_ =	shalt  }
0x72: {  	_ =	shalt  }
0x73: {  	_ =	shalt  }
0x74: {  	_ =	shalt  }
0x75: {  	_ =	shalt  }
0x76: {  	_ =	shalt  }
0x77: {  	_ =	shalt  }
0x78: {  	_ =	shalt  }
0x79: {  	_ =	shalt  }
0x7a: {  	_ =	shalt  }
0x7b: {  	_ =	shalt  }
0x7c: {  	_ =	shalt  }
0x7d: {  	_ =	shalt  }
0x7e: {  	_ =	shalt  }
0x7f: {  	_ =	shalt  }
0x80: {  	_ =	shalt  }
0x81: {  	_ =	shalt  }
0x82: {  	_ =	shalt  }
0x83: {  	_ =	shalt  }
0x84: {  	_ =	shalt  }
0x85: {  	_ =	shalt  }
0x86: {  	_ =	shalt  }
0x87: {  	_ =	shalt  }
.Lfunc_end0:
.L_simem_size_0:
called_computation.2_lowered:
.L_overlay_start_0:
0x88: {  	s2 =	sld [smem:$0x3FD9]  }
0x89: {  	s3 =	sld [smem:$0x3FFE];
	_ =	sdelay $0x1  }
0x8a: {  	s1 =	srdreg.scid  }
0x8b: {  	s0 =	sand.u32 $0x1, s1  }
0x8c: {  	s15 =	sshll.u32 s0, $0xA;
	s2 =	sadd.s32 s3, s2  }
0x8d: {  	s2 =	sadd.s32 s2, s15  }
0x8e: {  	[smem:$0x3FC2] =	sst s2  }
0x8f: {  	_ = 	snop  }
0x90: {  	s2 =	sld [smem:$0x3FD0];
	_ =	sdelay $0x2  }
0x91: {  	s16 =	simm.s32 $0xD;
	s4 =	simm.s32 $0x10  }
0x92: {  	[smem:s4], [sflag:s16] =	dma.local [hbm:s2], $0x1  }
0x93: {  	_ =	swait.eq [sflag:s16], $0x1  }
0x94: {  	[sflag:s16] =	ssyncset.done $0x0  }
0x95: {  	[sflag:s16] =	ssyncadd.s32 $0xFFFFFFFF  }
0x96: {  	s17 =	sld [smem:$0x10];
	(tm) =	ssettm $0x1  }
0x97: {  	s18 =	sld [smem:$0x3FFB];
	_ =	sdelay $0x3  }
0x98: {  	_ =	strace s18  }
0x99: {  	s2 =	sld [smem:$0x3FFC];
	_ =	sdelay $0x3  }
0x9a: {  	_ =	strace s2  }
0x9b: {  	s2 =	sld [smem:$0x3FFD];
	_ =	sdelay $0x3  }
0x9c: {  	_ =	strace s2  }
0x9d: {  	_ =	strace $0x8FFFFFFF  }
0x9e: {  	s19 =	sld [smem:$0x3FDB];
	_ =	sdelay $0x1  }
0x9f: {  	s20 =	simm.s32 $_scs_section_size  }
0xa0: {  	s5 =	simm.s32 $_size__tile_overlayer_lowered;
	s6 =	simm.s32 $_tile_overlayer_lowered  }
0xa1: {  	s7 =	simm.s32 $0x1BFF;
	s21 =	sshll.u32 s6, $0x1;
	s4 =	sadd.s32 s20, s19  }
0xa2: {  	s22 =	simm.s32 $0x0;
	s5 =	sshll.u32 s5, $0x1;
	s6 =	sadd.s32 s21, s4  }
0xa3: {  	[timem:s22], [sflag:s7] =	dma.local [hbm:s6], s5  }
0xa4: {  	_ =	swait.ge [sflag:s7], s5  }
0xa5: {  	s5 =	ssub.s32 $0x0, s5;
	[sflag:s7] =	ssyncset.done $0x0  }
0xa6: {  	[sflag:s7] =	ssyncadd.s32 s5;
	_ =	sdelay $0x1  }
0xa7: {  	s23 =	simm.s32 $0x1B8B  }
0xa8: {  	_ =	swait.ge [sflag:s23], $0x1  }
0xa9: {  	[sflag:s23] =	ssyncset.done $0x0  }
0xaa: {  	[sflag:s23] =	ssyncadd.s32 $0xFFFFFFFF  }
0xab: {  	s5 =	sld [smem:$0x0]  }
0xac: {  	s6 =	sand.u32 $0xFFFFFFFE, s1  }
0xad: {  	p0 =	sne.s32 s1, s6  }
0xae: {  	s6 =	sshll.u32 @p0 s6, $0xE  }
0xaf: {  	s6 =	sadd.s32 @p0 $0x11B8D, s6;
	s7 =	sshll.u32 @p0 s5, $0x11  }
0xb0: {  	s6 =	sor.u32 @p0 s7, s6  }
0xb1: {  	[sflag:s6] =	ssyncadd.remote.s32 @p0 $0x1;
	_ =	sdelay $0x1  }
0xb2: {  	s6 =	simm.s32 @p0 $0x1B8D  }
0xb3: {  	_ =	swait.eq @p0 [sflag:s6], $0x1  }
0xb4: {  	[sflag:s6] =	ssyncadd.s32 @p0 $0xFFFFFFFF  }
0xb5: {  	s7 =	sshll.u32 @!p0 s1, $0xE  }
0xb6: {  	s7 =	sor.u32 @!p0 $0x4000, s7;
	s6 =	simm.s32 @!p0 $0x1B8D  }
0xb7: {  	s5 =	sshll.u32 @!p0 s5, $0x11;
	s7 =	sadd.s32 @!p0 $0x11B8D, s7;
	_ =	swait.eq @!p0 [sflag:s6], $0x1  }
0xb8: {  	s5 =	sor.u32 @!p0 s5, s7;
	[sflag:s6] =	ssyncadd.s32 @!p0 $0xFFFFFFFF  }
0xb9: {  	s25 =	simm.s32 $0x1B8E;
	s24 =	sld [smem:$0x3FFE];
	[sflag:s5] =	ssyncadd.remote.s32 @!p0 $0x1  }
0xba: {  	s26 =	simm.s32 $execute0_lowered;
	[smem:$0x3FD2] =	sst s25  }
0xbb: {  	s6 =	sshll.u32 s26, $0x1;
	_ =	strace $0x80000055;
	[dreg:$0x1] =	wrdreg $0xFFFFFFFF  }
0xbc: {  	s28 =	simm.s32 $_size_execute0_lowered;
	s4 =	sadd.s32 s4, s6;
	[dreg:$0x0] =	wrdreg $0x0  }
0xbd: {  	s6 =	sshll.u32 s28, $0x1;
	[dreg:$0x2] =	wrdreg s4  }
0xbe: {  	[dreg:$0x3] =	wrdreg s6  }
0xbf: {  	[dreg:$0x4] =	wrdreg $0xC0  }
0xc0: {  	_ =	task [dreg:s22], $0x5FFFF  }
0xc1: {  	[dreg:$0x1] =	wrdreg $0xFFFFFFFF  }
0xc2: {  	[dreg:$0x0] =	wrdreg $0x60  }
0xc3: {  	[dreg:$0x2] =	wrdreg s17  }
0xc4: {  	[dreg:$0x3] =	wrdreg s24  }
0xc5: {  	[dreg:$0x4] =	wrdreg $0x0  }
0xc6: {  	[dreg:$0x5] =	wrdreg $0x9  }
0xc7: {  	_ =	task.clear_ibuf [dreg:s22], $0x6FFFF;
	_ =	strace $0x90000055  }
0xc8: {  	s29 =	simm.s32 $0x9;
	_ =	strace $0x80000057  }
0xc9: {  	_ =	swait.ge [sflag:s29], $0x1  }
0xca: {  	[sflag:s29] =	ssyncadd.s32 $0xFFFFFFFF  }
0xcb: {  	_ =	strace $0x90000057  }
0xcc: {  	_ =	sfence  }
0xcd: {  	s30 =	sld [smem:$0x0];
	_ =	sdelay $0x2  }
0xce: {  	s31 =	sshll.u32 s1, $0xD;
	s1 =	sshrl.u32 s1, $0x2  }
0xcf: {  	s4 =	sand.u32 $0x4000, s31;
	s1 =	sadd.s32 s1, s30  }
0xd0: {  	s0 =	sor.u32 s4, s0;
	s1 =	sshll.u32 s1, $0x11  }
0xd1: {  	s0 =	sor.u32 s1, s0  }
0xd2: {  	s0 =	sadd.s32 $0x8F2B, s0  }
0xd3: {  	[sflag:s0] =	ssyncadd.remote.s32 $0x1  }
0xd4: {  	_ =	sfence.sel $0xFFFF  }
0xd5: {  	[dreg:$0x0] =	wrdreg $0xFFFFFFFF;
	(pc) =	sbr.abs _section_cstart, $3  }
0xd6: {  	[dreg:$0x1] =	wrdreg $0xFFFFFFFF  }
0xd7: {  	_ =	task.clear_ibuf [dreg:s22], $0x2FFFF;
	_ =	strace $0x9FFFFFFF  }
0xd8: {  	(tm) =	ssettm $0x7FFFFFFF  }
0xd9: {  	_ =	shalt  }
tec
execute0_lowered:
.L_overlay_start_1:
0x0: {  	(tag) =	ssettag $0x1  }
0x1: {  	s0 =	rddreg [dreg:$0x0]  }
0x2: {  	s2 =	rddreg [dreg:$0x1]  }
0x3: {  	s1 =	rddreg [dreg:$0x2];
	s3 =	simm.s32 $0x0;
	s4 =	srdreg.scid  }
0x4: {  	s9 =	stileid.u32;
	s28 =	simm.s32 $0x5;
	s29 =	simm.s32 $0x4  }
0x5: {  	s30 =	simm.s32 $0x6;
	s31 =	simm.s32 $0x0;
	[smem:$0x7FF] =	sst s3  }
0x6: {  	s4 =	sand.u32 $0x1, s4;
	s14 =	sadd.s32 $0x2E00, s2;
	s6 =	smul.u32 $0x1900, s9  }
0x7: {  	s2 =	sadd.s32 $0xC6600, s2;
	s8 =	sshll.u32 s9, $0x1;
	s21 =	sshll.u32 s9, $0x6  }
0x8: {  	s25 =	smul.u32 $0x300, s9;
	_ =	strace $0x80000056;
	s5 =	ssub.s32 $0x2, s4  }
0x9: {  	s18 =	sor.u32 s4, s8;
	s23 =	sor.u32 $0x1C01, s21;
	s4 =	smul.u32 $0x180, s4  }
0xa: {  	s21 =	simm.s32 $0x2500;
	s7 =	sshrl.u32 s5, $0x1;
	s19 =	sshrl.u32 s6, $0x3  }
0xb: {  	s17 =	sadd.s32 s6, s1;
	s20 =	smul.u32 $0xC00, s18;
	s22 =	ssub.s32 $0x228, s18  }
0xc: {  	s8 =	smul.u32 $0x180, s18;
	[dreg:$0x5] =	wrdreg s23;
	s18 =	simm.s32 $0x1  }
0xd: {  	s23 =	simm.s32 $0x3100;
	s11 =	ssub.s32 s5, s7;
	s0 =	sadd.s32 s0, s19  }
0xe: {  	s6 =	sshrl.u32 s22, $0x5;
	s17 =	sshrl.u32 s17, $0x3;
	s19 =	simm.s32 $0x1900  }
0xf: {  	s22 =	simm.s32 $0xC00;
	[dreg:$0x4] =	wrdreg s0;
	s0 =	sshrl.u32 s20, $0x3  }
0x10: {  	s7 =	sadd.s32 s14, s8;
	s8 =	sadd.s32 s2, s8;
	s26 =	smax.u32 s11, $0x1  }
0x11: {  	s2 =	sadd.s32 s25, s2;
	s20 =	simm.s32 $0x7;
	p0 =	sne.s32 s6, $0x11  }
0x12: {  	s0 =	sadd.s32 s14, s0;
	s24 =	sadd.s32 $0x30000, s8;
	[dreg:$0x8] =	wrdreg s26  }
0x13: {  	s12 =	sadd.s32 $0x6000, s7;
	s13 =	sadd.s32 $0x9000, s7;
	s15 =	sadd.s32 s4, s2  }
0x14: {  	s26 =	simm.s32 $0x3;
	s0 =	sadd.s32 $0x3000, s0;
	[dreg:$0x7] =	wrdreg s24  }
0x15: {  	s24 =	simm.s32 $0x2;
	[dreg:$0x6] =	wrdreg s0;
	s0 =	sadd.s32 s25, s14  }
0x16: {  	s14 =	sadd.s32 $0x3000, s8;
	s25 =	simm.s32 $0x3D00;
	s16 =	sadd.s32 s4, s0  }
.LBB2_1:
0x17: {  	s0 =	rddreg [dreg:$0x4]  }
0x18: {  	s2 =	rddreg [dreg:$0x5]  }
0x19: {  	[spmem:s17], [sflag:s2] =	dma.local [hbm:s0], $0x320  }
0x1a: {  	_ =	swait.ge [sflag:s18], $0x320  }
0x1b: {  	[sflag:s18] =	ssyncset.done $0x0  }
0x1c: {  	[sflag:s18] =	ssyncadd.s32 $0xFFFFFCE0  }
0x1d: {  	[bflag:$0x0] =	sbarrier.arrive $0xFFFF  }
0x1e: {  	[tilespmem:s19], [sflag:$0x7] =	stream.linear.gather [hbm4b:s7+s3], $0xC00, $0x38;
	[tilespmem:$0x4900] =	vst v63  }
0x1f: {  	_ =	swait.ge [sflag:s20], $0xC00  }
0x20: {  	[sflag:s20] =	ssyncset.done $0x0  }
0x21: {  	s9 =	rddreg [dreg:$0x6];
	[sflag:s20] =	ssyncadd.s32 $0xFFFFF400  }
0x22: {  	[tilespmem:s21], [sflag:$0x7] =	stream.linear.gather [hbm4b:s9+s3], $0xC00, $0x38;
	[tilespmem:$0x4900] =	vst v63  }
0x23: {  	_ =	swait.ge [sflag:s20], $0xC00  }
0x24: {  	[sflag:s20] =	ssyncset.done $0x0  }
0x25: {  	[sflag:s20] =	ssyncadd.s32 $0xFFFFF400  }
0x26: {  	[tilespmem:s23], [sflag:$0x2] =	stream.indirect.gather [spmem:s1], $0x1, s19, s22, $0xb8;
	[tilespmem:$0x4900] =	vst v63  }
0x27: {  	_ =	swait.ge [sflag:s24], $0xC00  }
0x28: {  	[sflag:s24] =	ssyncset.done $0x0  }
0x29: {  	[sflag:s24] =	ssyncadd.s32 $0xFFFFF400  }
0x2a: {  	[tilespmem:s19], [sflag:$0x5] =	stream.linear.gather [hbm4b:s12+s3], $0xC00, $0x38;
	[tilespmem:$0x4900] =	vst v63  }
0x2b: {  	_ = 	snop  }
0x2c: {  	[hbm4b:s8+s3] =	stream.linear.scatter [tilespmem:s23], [sflag:$0x3], $0xC00, $0x38;
	[tilespmem:$0x4900] =	vst v63  }
0x2d: {  	_ = 	snop  }
0x2e: {  	[tilespmem:s25], [sflag:$0x2] =	stream.indirect.gather [spmem:s1], $0x1, s21, s22, $0xb8;
	[tilespmem:$0x4900] =	vst v63  }
0x2f: {  	_ =	swait.ge [sflag:s24], $0xC00  }
0x30: {  	[sflag:s24] =	ssyncset.done $0x0  }
0x31: {  	[sflag:s24] =	ssyncadd.s32 $0xFFFFF400  }
0x32: {  	[tilespmem:s21], [sflag:$0x6] =	stream.linear.gather [hbm4b:s13+s3], $0xC00, $0x38;
	[tilespmem:$0x4900] =	vst v63  }
0x33: {  	_ = 	snop  }
0x34: {  	[hbm4b:s14+s3] =	stream.linear.scatter [tilespmem:s25], [sflag:$0x4], $0xC00, $0x38;
	[tilespmem:$0x4900] =	vst v63  }
0x35: {  	_ =	swait.ge [sflag:s26], $0xC00  }
0x36: {  	[sflag:s26] =	ssyncset.done $0x0  }
0x37: {  	[sflag:s26] =	ssyncadd.s32 $0xFFFFF400  }
0x38: {  	_ =	swait.ge [sflag:s28], $0xC00  }
0x39: {  	[sflag:s28] =	ssyncset.done $0x0  }
0x3a: {  	[sflag:s28] =	ssyncadd.s32 $0xFFFFF400  }
0x3b: {  	[tilespmem:s23], [sflag:$0x2] =	stream.indirect.gather [spmem:s1], $0x1, s19, s22, $0xb8;
	[tilespmem:$0x4900] =	vst v63  }
0x3c: {  	p1 =	sle.u32 s6, $0x4;
	s10 =	sadd.s32 $0x0, s15;
	_ =	swait.ge [sflag:s24], $0xC00  }
0x3d: {  	s0 =	sadd.s32 @!p1 $0x0, s16;
	s4 =	simm.s32 @!p1 $0x1900;
	[sflag:s24] =	ssyncset.done $0x0  }
0x3e: {  	s5 =	simm.s32 @!p1 $0x0;
	s0 =	sadd.s32 @!p1 $0xC000, s0;
	[sflag:s24] =	ssyncadd.s32 $0xFFFFF400  }
0x3f: {  	[tilespmem:s4], [sflag:$0x5] =	stream.linear.gather @!p1 [hbm4b:s0+s5], $0xC00, $0x38;
	[tilespmem:$0x4900] =	vst v63  }
0x40: {  	s11 =	sadd.s32 $0x6000, s10  }
0x41: {  	[hbm4b:s11+s3] =	stream.linear.scatter [tilespmem:s23], [sflag:$0x3], $0xC00, $0x38;
	[tilespmem:$0x4900] =	vst v63  }
0x42: {  	_ =	swait.ge [sflag:s29], $0xC00  }
0x43: {  	[sflag:s29] =	ssyncset.done $0x0  }
0x44: {  	[sflag:s29] =	ssyncadd.s32 $0xFFFFF400  }
0x45: {  	_ =	swait.ge [sflag:s30], $0xC00  }
0x46: {  	[sflag:s30] =	ssyncset.done $0x0  }
0x47: {  	[sflag:s30] =	ssyncadd.s32 $0xFFFFF400  }
0x48: {  	[tilespmem:s25], [sflag:$0x2] =	stream.indirect.gather [spmem:s1], $0x1, s21, s22, $0xb8;
	[tilespmem:$0x4900] =	vst v63  }
0x49: {  	p1 =	sle.u32 s6, $0x5;
	_ =	swait.ge [sflag:s24], $0xC00  }
0x4a: {  	s0 =	sadd.s32 @!p1 $0x0, s16;
	s4 =	simm.s32 @!p1 $0x2500;
	[sflag:s24] =	ssyncset.done $0x0  }
0x4b: {  	s5 =	simm.s32 @!p1 $0x0;
	s0 =	sadd.s32 @!p1 $0xF000, s0;
	[sflag:s24] =	ssyncadd.s32 $0xFFFFF400  }
0x4c: {  	[tilespmem:s4], [sflag:$0x6] =	stream.linear.gather @!p1 [hbm4b:s0+s5], $0xC00, $0x38;
	[tilespmem:$0x4900] =	vst v63  }
0x4d: {  	s2 =	simm.s32 $0x7;
	s0 =	simm.s32 $0x6000;
	s4 =	sadd.s32 $0x9000, s10  }
.LBB2_2:
0x4e: {  	[hbm4b:s4+s3] =	stream.linear.scatter [tilespmem:s25], [sflag:$0x4], $0xC00, $0x38;
	[tilespmem:$0x4900] =	vst v63  }
0x4f: {  	s4 =	smov.u32 s0;
	s0 =	sadd.s32 $0x6000, s0;
	_ =	swait.ge [sflag:s26], $0xC00  }
0x50: {  	p1 =	sne.s32 s0, $0x2A000;
	[sflag:s26] =	ssyncset.done $0x0  }
0x51: {  	[sflag:s26] =	ssyncadd.s32 $0xFFFFF400  }
0x52: {  	_ =	swait.ge [sflag:s28], $0xC00  }
0x53: {  	[sflag:s28] =	ssyncset.done $0x0  }
0x54: {  	s5 =	sadd.s32 $0xFFFFFFFF, s2;
	[sflag:s28] =	ssyncadd.s32 $0xFFFFF400  }
0x55: {  	[tilespmem:s23], [sflag:$0x2] =	stream.indirect.gather [spmem:s1], $0x1, s19, s22, $0xb8;
	[tilespmem:$0x4900] =	vst v63  }
0x56: {  	p2 =	sge.u32 s5, s6;
	s5 =	sadd.s32 s4, s15;
	_ =	swait.ge [sflag:s24], $0xC00  }
0x57: {  	s9 =	sadd.s32 @!p2 s4, s16;
	s10 =	simm.s32 @!p2 $0x1900;
	[sflag:s24] =	ssyncset.done $0x0  }
0x58: {  	s11 =	simm.s32 @!p2 $0x0;
	s9 =	sadd.s32 @!p2 $0xC000, s9;
	[sflag:s24] =	ssyncadd.s32 $0xFFFFF400  }
0x59: {  	[tilespmem:s10], [sflag:$0x5] =	stream.linear.gather @!p2 [hbm4b:s9+s11], $0xC00, $0x38;
	[tilespmem:$0x4900] =	vst v63  }
0x5a: {  	s9 =	sadd.s32 $0x6000, s5  }
0x5b: {  	[hbm4b:s9+s3] =	stream.linear.scatter [tilespmem:s23], [sflag:$0x3], $0xC00, $0x38;
	[tilespmem:$0x4900] =	vst v63  }
0x5c: {  	_ =	swait.ge [sflag:s29], $0xC00  }
0x5d: {  	[sflag:s29] =	ssyncset.done $0x0  }
0x5e: {  	[sflag:s29] =	ssyncadd.s32 $0xFFFFF400  }
0x5f: {  	_ =	swait.ge [sflag:s30], $0xC00  }
0x60: {  	[sflag:s30] =	ssyncset.done $0x0  }
0x61: {  	[sflag:s30] =	ssyncadd.s32 $0xFFFFF400  }
0x62: {  	[tilespmem:s25], [sflag:$0x2] =	stream.indirect.gather [spmem:s1], $0x1, s21, s22, $0xb8;
	[tilespmem:$0x4900] =	vst v63  }
.Ltmp0:
0x63: {  	p2 =	sge.u32 s2, s6;
	_ =	swait.ge [sflag:s24], $0xC00;
	(pc) =	sbr.rel @p1 .LBB2_2-.Ltmp0, $4  }
0x64: {  	s4 =	sadd.s32 @!p2 s4, s16;
	s9 =	simm.s32 @!p2 $0x2500;
	[sflag:s24] =	ssyncset.done $0x0  }
0x65: {  	s10 =	simm.s32 @!p2 $0x0;
	s4 =	sadd.s32 @!p2 $0xF000, s4;
	[sflag:s24] =	ssyncadd.s32 $0xFFFFF400  }
0x66: {  	[tilespmem:s9], [sflag:$0x6] =	stream.linear.gather @!p2 [hbm4b:s4+s10], $0xC00, $0x38;
	[tilespmem:$0x4900] =	vst v63  }
0x67: {  	s2 =	sadd.s32 $0x2, s2;
	s4 =	sadd.s32 $0x9000, s5  }
0x68: {  	[hbm4b:s4+s3] =	stream.linear.scatter [tilespmem:s25], [sflag:$0x4], $0xC00, $0x38;
	[tilespmem:$0x4900] =	vst v63  }
0x69: {  	s0 =	simm.s32 @!p0 $0x3  }
0x6a: {  	_ =	swait.ge @!p0 [sflag:s0], $0xC00  }
0x6b: {  	[sflag:s0] =	ssyncset.done @!p0 $0x0  }
0x6c: {  	[sflag:s0] =	ssyncadd.s32 @!p0 $0xFFFFF400;
	s0 =	simm.s32 @!p0 $0x5  }
0x6d: {  	_ =	swait.ge @!p0 [sflag:s0], $0xC00  }
0x6e: {  	s2 =	simm.s32 @!p0 $0x1900;
	[sflag:s0] =	ssyncset.done @!p0 $0x0  }
0x6f: {  	s4 =	simm.s32 @!p0 $0x3100;
	[sflag:s0] =	ssyncadd.s32 @!p0 $0xFFFFF400;
	s0 =	simm.s32 @!p0 $0xC00  }
0x70: {  	[tilespmem:s4], [sflag:$0x2] =	stream.indirect.gather @!p0 [spmem:s1], $0x1, s2, s0, $0xb8;
	[tilespmem:$0x4900] =	vst v63  }
0x71: {  	s0 =	simm.s32 @!p0 $0x2  }
0x72: {  	_ =	swait.ge @!p0 [sflag:s0], $0xC00  }
0x73: {  	[sflag:s0] =	ssyncset.done @!p0 $0x0  }
0x74: {  	s2 =	rddreg [dreg:$0x7];
	[sflag:s0] =	ssyncadd.s32 @!p0 $0xFFFFF400;
	s0 =	simm.s32 @!p0 $0x0  }
0x75: {  	[hbm4b:s2+s0] =	stream.linear.scatter @!p0 [tilespmem:s4], [sflag:$0x7], $0xC00, $0x38;
	[tilespmem:$0x4900] =	vst v63  }
0x76: {  	s0 =	simm.s32 @!p0 $0x7  }
0x77: {  	s0 =	simm.s32 @p0 $0x3  }
0x78: {  	_ =	swait.ge [sflag:s0], $0xC00  }
0x79: {  	[sflag:s0] =	ssyncset.done $0x0  }
0x7a: {  	[sflag:s0] =	ssyncadd.s32 $0xFFFFF400  }
0x7b: {  	_ =	swait.ge [sflag:s29], $0xC00  }
0x7c: {  	s31 =	sadd.s32 $0x1, s31;
	s11 =	rddreg [dreg:$0x8]  }
0x7d: {  	p1 =	sne.s32 s31, s11  }
.Ltmp1:
0x7e: {  	_ = 	snop;
	(pc) =	sbr.rel @p1 .LBB2_1-.Ltmp1, $3  }
0x7f: {  	_ =	sdelay $0x1  }
0x80: {  	[sflag:s29] =	ssyncset.done $0x0  }
0x81: {  	[sflag:s29] =	ssyncadd.s32 $0xFFFFF400  }
0x82: {  	_ =	sfence.sel $0x180000  }
0x83: {  	[bflag:$0x0] =	sbarrier.arrive $0xFFFF  }
0x84: {  	_ =	strace $0x90000056  }
0x85: {  	s0 =	stileid.u32;
	[bflag:$0x2] =	sbarrier.arrive $0xFFFF  }
0x86: {  	p0 =	sne.s32 s0, $0x0;
	s0 =	rddreg [dreg:$0x3]  }
0x87: {  	s0 =	sadd.s32 @!p0 $0x100000, s0  }
0x88: {  	[sflag:s0] =	ssyncadd.tile.s32 @!p0 $0x1;
	_ =	shalt  }
.Lfunc_end2:
_tile_overlayer_lowered:
.L_overlay_start_2:
0x89: {  	(tag) =	ssettag $0x2  }
0x8a: {  	s0 =	rddreg [dreg:$0x0];
	s2 =	stileid.u32  }
0x8b: {  	s1 =	rddreg [dreg:$0x1];
	p0 =	sne.s32 s2, $0x0  }
0x8c: {  	s3 =	rddreg [dreg:$0x2];
	[bflag:$0x3] =	sbarrier.arrive $0xFFFF;
	s2 =	simm.s32 @!p0 $0x1C07  }
0x8d: {  	[timem:s3], [sflag:s2] =	dma.local @!p0 [hbm:s0], s1  }
0x8e: {  	s0 =	simm.s32 @!p0 $0x7  }
0x8f: {  	_ =	swait.ge @!p0 [sflag:s0], s1  }
0x90: {  	s1 =	ssub.s32 @!p0 $0x0, s1;
	[sflag:s0] =	ssyncset.done @!p0 $0x0  }
0x91: {  	[sflag:s0] =	ssyncadd.s32 @!p0 s1  }
0x92: {  	[bflag:$0x3] =	sbarrier.arrive $0xFFFF  }
0x93: {  	_ =	shalt  }

// kernel: kernel.17.cloned.1.call-start
scs
__scs_entry_jumppad:
0x0: {  	(pc) =	sbr.rel $0x88, $3  }
0x1: {  	(tag) =	ssettag $0x0;
	lr =	simm.s32 $0x1  }
0x2: {  	[smem:$0x3F9B] =	sst lr;
	_ =	strace $0xD0000000  }
0x3: {  	_ = 	snop  }
0x4: {  	_ = 	snop  }
0x5: {  	_ = 	snop  }
0x6: {  	_ = 	snop  }
0x7: {  	_ = 	snop  }
__scs_overlays_trampoline_lowered:
0x8: {  	[smem:$0x3FAA] =	sst s0  }
0x9: {  	[smem:$0x3FAB] =	sst s1  }
0xa: {  	[smem:$0x3FAC] =	sst s2  }
0xb: {  	[smem:$0x3FAD] =	sst s3  }
0xc: {  	[smem:$0x3FAE] =	sst s4  }
0xd: {  	[smem:$0x3FAF] =	sst s5  }
0xe: {  	[smem:$0x3FB0] =	sst s6  }
0xf: {  	[smem:$0x3FB1] =	sst s7  }
0x10: {  	[smem:$0x3FB2] =	sst s8  }
0x11: {  	[smem:$0x3FB3] =	sst s9;
	s0 =	simm.s32 @!p0 $0x0  }
0x12: {  	s1 =	sld [smem:$0x3F99];
	s0 =	simm.s32 @p0 $0x1  }
0x13: {  	[smem:$0x3FB4] =	sst s0;
	s0 =	simm.s32 @!p1 $0x0  }
0x14: {  	s2 =	sld [smem:$0x3F98];
	s0 =	simm.s32 @p1 $0x1  }
0x15: {  	[smem:$0x3FB5] =	sst s0;
	s0 =	simm.s32 @!p2 $0x0  }
0x16: {  	s3 =	sld [smem:$0x3FDB];
	s0 =	simm.s32 @p2 $0x1  }
0x17: {  	s4 =	simm.s32 $0x1BF5;
	[smem:$0x3FB7] =	sst s0  }
0x18: {  	s0 =	sld [smem:$0x3F9A];
	_ =	swait.ge [sflag:s4], $0x0  }
0x19: {  	s7 =	sld [smem:$0x3F9B]  }
0x1a: {  	s8 =	sadd.s32 $0xFFFFE003, lr  }
0x1b: {  	s9 =	sadd.s32 $0xFFFFFEF7, lr;
	s5 =	simm.s32 $0xFFFFFFFF;
	p2 =	slt.u32 s8, $0xFFFFF086  }
0x1c: {  	p1 =	slt.u32 s9, $0xF7A;
	s5 =	simm.s32 @!p2 $0x0  }
0x1d: {  	s5 =	simm.s32 @p1 $0x1;
	p0 =	seq.s32 s7, s2  }
0x1e: {  	s7 =	smul.u32 @!p0 $0xF7A, s2;
	p2 =	seq.s32 @!p0 s5, $0x0  }
0x1f: {  	s9 =	smul.u32 $0xF7A, s1;
	s8 =	simm.s32 @!p0 $0x1BF5;
	p2 =	por !p2, p0  }
0x20: {  	[sflag:s8] =	ssyncset.s32 @!p0 $0xFFFFF086;
	s6 =	sadd.s32 @!p0 s3, s7;
	s7 =	simm.s32 @!p0 $0x108  }
0x21: {  	s3 =	sadd.s32 s3, s9;
	s6 =	sadd.s32 @!p0 $0x88, s6;
	s7 =	simm.s32 @p2 $0x1082  }
0x22: {  	[simem:s7], [sflag:s8] =	dma.local @!p0 [hbm:s6], $0xF7A  }
0x23: {  	s9 =	sor.u32 $0xD0000000, s2;
	s6 =	simm.s32 $0x108;
	_ =	swait.ge @!p0 [sflag:s8], $0x0  }
0x24: {  	s3 =	sadd.s32 $0x88, s3;
	s6 =	simm.s32 @!p1 $0x1082;
	[sflag:s4] =	ssyncset.s32 $0xFFFFF086  }
0x25: {  	[simem:s6], [sflag:s4] =	dma.local [hbm:s3], $0xF7A  }
0x26: {  	[smem:$0x3F9B] =	sst s1;
	(tag) =	ssettag s2;
	_ =	strace s9  }
0x27: {  	s1 =	sld [smem:$0x3FAB]  }
0x28: {  	s2 =	sld [smem:$0x3FAC]  }
0x29: {  	s4 =	sld [smem:$0x3FAE]  }
0x2a: {  	p0 =	seq.s32 s5, $0x0;
	s5 =	sld [smem:$0x3FAF]  }
0x2b: {  	s6 =	sld [smem:$0x3FB0]  }
0x2c: {  	s7 =	sld [smem:$0x3FB1]  }
0x2d: {  	s3 =	simm.s32 $0x108;
	s8 =	sld [smem:$0x3FB2]  }
0x2e: {  	s3 =	simm.s32 @!p0 $0x1082;
	s9 =	sld [smem:$0x3FB3]  }
0x2f: {  	lr =	sadd.s32 s0, s3;
	s0 =	sld [smem:$0x3FAA]  }
0x30: {  	s3 =	sld [smem:$0x3FAD]  }
0x31: {  	[smem:$0x3FB6] =	sst s10  }
0x32: {  	s10 =	sld [smem:$0x3FB4];
	_ =	sdelay $0x3  }
0x33: {  	p0 =	seq.s32 s10, $0x1;
	s10 =	sld [smem:$0x3FB6];
	_ =	sdelay $0x3  }
0x34: {  	[smem:$0x3FB6] =	sst s10  }
0x35: {  	s10 =	sld [smem:$0x3FB5];
	_ =	sdelay $0x3  }
0x36: {  	p1 =	seq.s32 s10, $0x1;
	s10 =	sld [smem:$0x3FB6];
	_ =	sdelay $0x3  }
0x37: {  	[smem:$0x3FB6] =	sst s10  }
0x38: {  	s10 =	sld [smem:$0x3FB7]  }
0x39: {  	_ = 	snop;
	(pc) =	sbr.ind lr, $3  }
0x3a: {  	_ = 	snop  }
0x3b: {  	_ = 	snop  }
0x3c: {  	p2 =	seq.s32 s10, $0x1;
	s10 =	sld [smem:$0x3FB6]  }
0x3d: {  	_ =	shalt  }
0x3e: {  	_ =	shalt  }
0x3f: {  	_ =	shalt  }
0x40: {  	_ =	shalt  }
0x41: {  	_ =	shalt  }
0x42: {  	_ =	shalt  }
0x43: {  	_ =	shalt  }
0x44: {  	_ =	shalt  }
0x45: {  	_ =	shalt  }
0x46: {  	_ =	shalt  }
0x47: {  	_ =	shalt  }
0x48: {  	_ =	shalt  }
0x49: {  	_ =	shalt  }
0x4a: {  	_ =	shalt  }
0x4b: {  	_ =	shalt  }
0x4c: {  	_ =	shalt  }
0x4d: {  	_ =	shalt  }
0x4e: {  	_ =	shalt  }
0x4f: {  	_ =	shalt  }
0x50: {  	_ =	shalt  }
0x51: {  	_ =	shalt  }
0x52: {  	_ =	shalt  }
0x53: {  	_ =	shalt  }
0x54: {  	_ =	shalt  }
0x55: {  	_ =	shalt  }
0x56: {  	_ =	shalt  }
0x57: {  	_ =	shalt  }
0x58: {  	_ =	shalt  }
0x59: {  	_ =	shalt  }
0x5a: {  	_ =	shalt  }
0x5b: {  	_ =	shalt  }
0x5c: {  	_ =	shalt  }
0x5d: {  	_ =	shalt  }
0x5e: {  	_ =	shalt  }
0x5f: {  	_ =	shalt  }
0x60: {  	_ =	shalt  }
0x61: {  	_ =	shalt  }
0x62: {  	_ =	shalt  }
0x63: {  	_ =	shalt  }
0x64: {  	_ =	shalt  }
0x65: {  	_ =	shalt  }
0x66: {  	_ =	shalt  }
0x67: {  	_ =	shalt  }
0x68: {  	_ =	shalt  }
0x69: {  	_ =	shalt  }
0x6a: {  	_ =	shalt  }
0x6b: {  	_ =	shalt  }
0x6c: {  	_ =	shalt  }
0x6d: {  	_ =	shalt  }
0x6e: {  	_ =	shalt  }
0x6f: {  	_ =	shalt  }
0x70: {  	_ =	shalt  }
0x71: {  	_ =	shalt  }
0x72: {  	_ =	shalt  }
0x73: {  	_ =	shalt  }
0x74: {  	_ =	shalt  }
0x75: {  	_ =	shalt  }
0x76: {  	_ =	shalt  }
0x77: {  	_ =	shalt  }
0x78: {  	_ =	shalt  }
0x79: {  	_ =	shalt  }
0x7a: {  	_ =	shalt  }
0x7b: {  	_ =	shalt  }
0x7c: {  	_ =	shalt  }
0x7d: {  	_ =	shalt  }
0x7e: {  	_ =	shalt  }
0x7f: {  	_ =	shalt  }
0x80: {  	_ =	shalt  }
0x81: {  	_ =	shalt  }
0x82: {  	_ =	shalt  }
0x83: {  	_ =	shalt  }
0x84: {  	_ =	shalt  }
0x85: {  	_ =	shalt  }
0x86: {  	_ =	shalt  }
0x87: {  	_ =	shalt  }
.Lfunc_end0:
.L_simem_size_0:
called_computation.3_lowered:
.L_overlay_start_0:
0x88: {  	s2 =	sld [smem:$0x3FD9]  }
0x89: {  	s3 =	sld [smem:$0x3FFE];
	_ =	sdelay $0x1  }
0x8a: {  	s1 =	srdreg.scid  }
0x8b: {  	s0 =	sand.u32 $0x1, s1  }
0x8c: {  	s15 =	sshll.u32 s0, $0xA;
	s2 =	sadd.s32 s3, s2  }
0x8d: {  	s2 =	sadd.s32 s2, s15  }
0x8e: {  	[smem:$0x3FC2] =	sst s2  }
0x8f: {  	_ = 	snop  }
0x90: {  	s2 =	sld [smem:$0x3FD0];
	_ =	sdelay $0x2  }
0x91: {  	s16 =	simm.s32 $0xD;
	s4 =	simm.s32 $0x10  }
0x92: {  	[smem:s4], [sflag:s16] =	dma.local [hbm:s2], $0x1  }
0x93: {  	_ =	swait.eq [sflag:s16], $0x1  }
0x94: {  	[sflag:s16] =	ssyncset.done $0x0  }
0x95: {  	[sflag:s16] =	ssyncadd.s32 $0xFFFFFFFF  }
0x96: {  	s17 =	sld [smem:$0x10];
	(tm) =	ssettm $0x1  }
0x97: {  	s18 =	sld [smem:$0x3FFB];
	_ =	sdelay $0x3  }
0x98: {  	_ =	strace s18  }
0x99: {  	s2 =	sld [smem:$0x3FFC];
	_ =	sdelay $0x3  }
0x9a: {  	_ =	strace s2  }
0x9b: {  	s2 =	sld [smem:$0x3FFD];
	_ =	sdelay $0x3  }
0x9c: {  	_ =	strace s2  }
0x9d: {  	_ =	strace $0x8FFFFFFF  }
0x9e: {  	s19 =	sld [smem:$0x3FDB];
	_ =	sdelay $0x1  }
0x9f: {  	s20 =	simm.s32 $_scs_section_size  }
0xa0: {  	s5 =	simm.s32 $_size__tile_overlayer_lowered;
	s6 =	simm.s32 $_tile_overlayer_lowered  }
0xa1: {  	s7 =	simm.s32 $0x1BFF;
	s21 =	sshll.u32 s6, $0x1;
	s4 =	sadd.s32 s20, s19  }
0xa2: {  	s22 =	simm.s32 $0x0;
	s5 =	sshll.u32 s5, $0x1;
	s6 =	sadd.s32 s21, s4  }
0xa3: {  	[timem:s22], [sflag:s7] =	dma.local [hbm:s6], s5  }
0xa4: {  	_ =	swait.ge [sflag:s7], s5  }
0xa5: {  	s5 =	ssub.s32 $0x0, s5;
	[sflag:s7] =	ssyncset.done $0x0  }
0xa6: {  	[sflag:s7] =	ssyncadd.s32 s5;
	_ =	sdelay $0x1  }
0xa7: {  	s23 =	simm.s32 $0x1B8B  }
0xa8: {  	_ =	swait.ge [sflag:s23], $0x1  }
0xa9: {  	[sflag:s23] =	ssyncset.done $0x0  }
0xaa: {  	[sflag:s23] =	ssyncadd.s32 $0xFFFFFFFF  }
0xab: {  	s5 =	sld [smem:$0x0]  }
0xac: {  	s6 =	sand.u32 $0xFFFFFFFE, s1  }
0xad: {  	p0 =	sne.s32 s1, s6  }
0xae: {  	s6 =	sshll.u32 @p0 s6, $0xE  }
0xaf: {  	s6 =	sadd.s32 @p0 $0x11B8D, s6;
	s7 =	sshll.u32 @p0 s5, $0x11  }
0xb0: {  	s6 =	sor.u32 @p0 s7, s6  }
0xb1: {  	[sflag:s6] =	ssyncadd.remote.s32 @p0 $0x1;
	_ =	sdelay $0x1  }
0xb2: {  	s6 =	simm.s32 @p0 $0x1B8D  }
0xb3: {  	_ =	swait.eq @p0 [sflag:s6], $0x1  }
0xb4: {  	[sflag:s6] =	ssyncadd.s32 @p0 $0xFFFFFFFF  }
0xb5: {  	s7 =	sshll.u32 @!p0 s1, $0xE  }
0xb6: {  	s7 =	sor.u32 @!p0 $0x4000, s7;
	s6 =	simm.s32 @!p0 $0x1B8D  }
0xb7: {  	s5 =	sshll.u32 @!p0 s5, $0x11;
	s7 =	sadd.s32 @!p0 $0x11B8D, s7;
	_ =	swait.eq @!p0 [sflag:s6], $0x1  }
0xb8: {  	s5 =	sor.u32 @!p0 s5, s7;
	[sflag:s6] =	ssyncadd.s32 @!p0 $0xFFFFFFFF  }
0xb9: {  	s25 =	simm.s32 $0x1B8E;
	s24 =	sld [smem:$0x3FFE];
	[sflag:s5] =	ssyncadd.remote.s32 @!p0 $0x1  }
0xba: {  	s26 =	simm.s32 $execute0_lowered;
	[smem:$0x3FD2] =	sst s25  }
0xbb: {  	s6 =	sshll.u32 s26, $0x1;
	_ =	strace $0x80000052;
	[dreg:$0x1] =	wrdreg $0xFFFFFFFF  }
0xbc: {  	s28 =	simm.s32 $_size_execute0_lowered;
	s4 =	sadd.s32 s4, s6;
	[dreg:$0x0] =	wrdreg $0x0  }
0xbd: {  	s6 =	sshll.u32 s28, $0x1;
	[dreg:$0x2] =	wrdreg s4  }
0xbe: {  	[dreg:$0x3] =	wrdreg s6  }
0xbf: {  	[dreg:$0x4] =	wrdreg $0xC0  }
0xc0: {  	_ =	task [dreg:s22], $0x5FFFF  }
0xc1: {  	[dreg:$0x1] =	wrdreg $0xFFFFFFFF  }
0xc2: {  	[dreg:$0x0] =	wrdreg $0x60  }
0xc3: {  	[dreg:$0x2] =	wrdreg s17  }
0xc4: {  	[dreg:$0x3] =	wrdreg s24  }
0xc5: {  	[dreg:$0x4] =	wrdreg $0x0  }
0xc6: {  	[dreg:$0x5] =	wrdreg $0xA  }
0xc7: {  	_ =	task.clear_ibuf [dreg:s22], $0x6FFFF;
	_ =	strace $0x90000052  }
0xc8: {  	s29 =	simm.s32 $0xA;
	_ =	strace $0x80000054  }
0xc9: {  	_ =	swait.ge [sflag:s29], $0x1  }
0xca: {  	[sflag:s29] =	ssyncadd.s32 $0xFFFFFFFF  }
0xcb: {  	_ =	strace $0x90000054  }
0xcc: {  	_ =	sfence  }
0xcd: {  	s30 =	sld [smem:$0x0];
	_ =	sdelay $0x2  }
0xce: {  	s31 =	sshll.u32 s1, $0xD;
	s1 =	sshrl.u32 s1, $0x2  }
0xcf: {  	s4 =	sand.u32 $0x4000, s31;
	s1 =	sadd.s32 s1, s30  }
0xd0: {  	s0 =	sor.u32 s4, s0;
	s1 =	sshll.u32 s1, $0x11  }
0xd1: {  	s0 =	sor.u32 s1, s0  }
0xd2: {  	s0 =	sadd.s32 $0x8F2B, s0  }
0xd3: {  	[sflag:s0] =	ssyncadd.remote.s32 $0x1  }
0xd4: {  	_ =	sfence.sel $0xFFFF  }
0xd5: {  	[dreg:$0x0] =	wrdreg $0xFFFFFFFF;
	(pc) =	sbr.abs _section_cstart, $3  }
0xd6: {  	[dreg:$0x1] =	wrdreg $0xFFFFFFFF  }
0xd7: {  	_ =	task.clear_ibuf [dreg:s22], $0x2FFFF;
	_ =	strace $0x9FFFFFFF  }
0xd8: {  	(tm) =	ssettm $0x7FFFFFFF  }
0xd9: {  	_ =	shalt  }
tec
execute0_lowered:
.L_overlay_start_1:
0x0: {  	(tag) =	ssettag $0x1  }
0x1: {  	s0 =	rddreg [dreg:$0x0]  }
0x2: {  	s2 =	rddreg [dreg:$0x1]  }
0x3: {  	s1 =	rddreg [dreg:$0x2]  }
0x4: {  	s3 =	simm.s32 $0x0;
	s4 =	srdreg.scid;
	s10 =	stileid.u32  }
0x5: {  	s18 =	simm.s32 $0x1;
	s19 =	simm.s32 $0x1900;
	s28 =	simm.s32 $0x5  }
0x6: {  	s29 =	simm.s32 $0x4;
	s30 =	simm.s32 $0x6;
	s31 =	simm.s32 $0x0  }
0x7: {  	[smem:$0x7FF] =	sst s3;
	s4 =	sand.u32 $0x1, s4;
	s5 =	smul.u32 $0x1900, s10  }
0x8: {  	s14 =	sadd.s32 $0x2E00, s2;
	s2 =	sadd.s32 $0x95800, s2;
	s8 =	sshll.u32 s10, $0x1  }
0x9: {  	s22 =	sshll.u32 s10, $0x6;
	s25 =	smul.u32 $0x300, s10;
	_ =	strace $0x80000053  }
0xa: {  	s6 =	ssub.s32 $0x2, s4;
	s20 =	sor.u32 s4, s8;
	s4 =	smul.u32 $0x180, s4  }
0xb: {  	s7 =	sshrl.u32 s6, $0x1;
	s9 =	sshrl.u32 s5, $0x3;
	s21 =	smul.u32 $0xC00, s20  }
0xc: {  	s17 =	sadd.s32 s5, s1;
	s23 =	ssub.s32 $0x228, s20;
	s8 =	smul.u32 $0x180, s20  }
0xd: {  	s5 =	sor.u32 $0x1C01, s22;
	s20 =	simm.s32 $0x7;
	s22 =	simm.s32 $0xC00  }
0xe: {  	s11 =	ssub.s32 s6, s7;
	s0 =	sadd.s32 s0, s9;
	[dreg:$0x5] =	wrdreg s5  }
0xf: {  	s6 =	sshrl.u32 s23, $0x5;
	s17 =	sshrl.u32 s17, $0x3;
	s23 =	simm.s32 $0x3100  }
0x10: {  	s0 =	sadd.s32 $0x3200, s0;
	s7 =	sadd.s32 s14, s8;
	s8 =	sadd.s32 s2, s8  }
0x11: {  	s26 =	smax.u32 s11, $0x1;
	s2 =	sadd.s32 s25, s2;
	p0 =	sne.s32 s6, $0x11  }
0x12: {  	[dreg:$0x4] =	wrdreg s0;
	s0 =	sshrl.u32 s21, $0x3;
	s24 =	sadd.s32 $0x30000, s8  }
0x13: {  	[dreg:$0x8] =	wrdreg s26;
	s12 =	sadd.s32 $0x6000, s7;
	s13 =	sadd.s32 $0x9000, s7  }
0x14: {  	s15 =	sadd.s32 s4, s2;
	s21 =	simm.s32 $0x2500;
	s0 =	sadd.s32 s14, s0  }
0x15: {  	s26 =	simm.s32 $0x3;
	[dreg:$0x7] =	wrdreg s24;
	s0 =	sadd.s32 $0x3000, s0  }
0x16: {  	s24 =	simm.s32 $0x2;
	[dreg:$0x6] =	wrdreg s0;
	s0 =	sadd.s32 s25, s14  }
0x17: {  	s14 =	sadd.s32 $0x3000, s8;
	s25 =	simm.s32 $0x3D00;
	s16 =	sadd.s32 s4, s0  }
.LBB2_1:
0x18: {  	s0 =	rddreg [dreg:$0x4]  }
0x19: {  	s2 =	rddreg [dreg:$0x5]  }
0x1a: {  	[spmem:s17], [sflag:s2] =	dma.local [hbm:s0], $0x320  }
0x1b: {  	_ =	swait.ge [sflag:s18], $0x320  }
0x1c: {  	[sflag:s18] =	ssyncset.done $0x0  }
0x1d: {  	[sflag:s18] =	ssyncadd.s32 $0xFFFFFCE0  }
0x1e: {  	[bflag:$0x0] =	sbarrier.arrive $0xFFFF  }
0x1f: {  	[tilespmem:s19], [sflag:$0x7] =	stream.linear.gather [hbm4b:s7+s3], $0xC00, $0x38;
	[tilespmem:$0x4900] =	vst v63  }
0x20: {  	_ =	swait.ge [sflag:s20], $0xC00  }
0x21: {  	[sflag:s20] =	ssyncset.done $0x0  }
0x22: {  	s9 =	rddreg [dreg:$0x6];
	[sflag:s20] =	ssyncadd.s32 $0xFFFFF400  }
0x23: {  	[tilespmem:s21], [sflag:$0x7] =	stream.linear.gather [hbm4b:s9+s3], $0xC00, $0x38;
	[tilespmem:$0x4900] =	vst v63  }
0x24: {  	_ =	swait.ge [sflag:s20], $0xC00  }
0x25: {  	[sflag:s20] =	ssyncset.done $0x0  }
0x26: {  	[sflag:s20] =	ssyncadd.s32 $0xFFFFF400  }
0x27: {  	[tilespmem:s23], [sflag:$0x2] =	stream.indirect.gather [spmem:s1], $0x1, s19, s22, $0xb8;
	[tilespmem:$0x4900] =	vst v63  }
0x28: {  	_ =	swait.ge [sflag:s24], $0xC00  }
0x29: {  	[sflag:s24] =	ssyncset.done $0x0  }
0x2a: {  	[sflag:s24] =	ssyncadd.s32 $0xFFFFF400  }
0x2b: {  	[tilespmem:s19], [sflag:$0x5] =	stream.linear.gather [hbm4b:s12+s3], $0xC00, $0x38;
	[tilespmem:$0x4900] =	vst v63  }
0x2c: {  	_ = 	snop  }
0x2d: {  	[hbm4b:s8+s3] =	stream.linear.scatter [tilespmem:s23], [sflag:$0x3], $0xC00, $0x38;
	[tilespmem:$0x4900] =	vst v63  }
0x2e: {  	_ = 	snop  }
0x2f: {  	[tilespmem:s25], [sflag:$0x2] =	stream.indirect.gather [spmem:s1], $0x1, s21, s22, $0xb8;
	[tilespmem:$0x4900] =	vst v63  }
0x30: {  	_ =	swait.ge [sflag:s24], $0xC00  }
0x31: {  	[sflag:s24] =	ssyncset.done $0x0  }
0x32: {  	[sflag:s24] =	ssyncadd.s32 $0xFFFFF400  }
0x33: {  	[tilespmem:s21], [sflag:$0x6] =	stream.linear.gather [hbm4b:s13+s3], $0xC00, $0x38;
	[tilespmem:$0x4900] =	vst v63  }
0x34: {  	_ = 	snop  }
0x35: {  	[hbm4b:s14+s3] =	stream.linear.scatter [tilespmem:s25], [sflag:$0x4], $0xC00, $0x38;
	[tilespmem:$0x4900] =	vst v63  }
0x36: {  	_ =	swait.ge [sflag:s26], $0xC00  }
0x37: {  	[sflag:s26] =	ssyncset.done $0x0  }
0x38: {  	[sflag:s26] =	ssyncadd.s32 $0xFFFFF400  }
0x39: {  	_ =	swait.ge [sflag:s28], $0xC00  }
0x3a: {  	[sflag:s28] =	ssyncset.done $0x0  }
0x3b: {  	[sflag:s28] =	ssyncadd.s32 $0xFFFFF400  }
0x3c: {  	[tilespmem:s23], [sflag:$0x2] =	stream.indirect.gather [spmem:s1], $0x1, s19, s22, $0xb8;
	[tilespmem:$0x4900] =	vst v63  }
0x3d: {  	p1 =	sle.u32 s6, $0x4;
	s10 =	sadd.s32 $0x0, s15;
	_ =	swait.ge [sflag:s24], $0xC00  }
0x3e: {  	s0 =	sadd.s32 @!p1 $0x0, s16;
	s4 =	simm.s32 @!p1 $0x1900;
	[sflag:s24] =	ssyncset.done $0x0  }
0x3f: {  	s5 =	simm.s32 @!p1 $0x0;
	s0 =	sadd.s32 @!p1 $0xC000, s0;
	[sflag:s24] =	ssyncadd.s32 $0xFFFFF400  }
0x40: {  	[tilespmem:s4], [sflag:$0x5] =	stream.linear.gather @!p1 [hbm4b:s0+s5], $0xC00, $0x38;
	[tilespmem:$0x4900] =	vst v63  }
0x41: {  	s11 =	sadd.s32 $0x6000, s10  }
0x42: {  	[hbm4b:s11+s3] =	stream.linear.scatter [tilespmem:s23], [sflag:$0x3], $0xC00, $0x38;
	[tilespmem:$0x4900] =	vst v63  }
0x43: {  	_ =	swait.ge [sflag:s29], $0xC00  }
0x44: {  	[sflag:s29] =	ssyncset.done $0x0  }
0x45: {  	[sflag:s29] =	ssyncadd.s32 $0xFFFFF400  }
0x46: {  	_ =	swait.ge [sflag:s30], $0xC00  }
0x47: {  	[sflag:s30] =	ssyncset.done $0x0  }
0x48: {  	[sflag:s30] =	ssyncadd.s32 $0xFFFFF400  }
0x49: {  	[tilespmem:s25], [sflag:$0x2] =	stream.indirect.gather [spmem:s1], $0x1, s21, s22, $0xb8;
	[tilespmem:$0x4900] =	vst v63  }
0x4a: {  	p1 =	sle.u32 s6, $0x5;
	_ =	swait.ge [sflag:s24], $0xC00  }
0x4b: {  	s0 =	sadd.s32 @!p1 $0x0, s16;
	s4 =	simm.s32 @!p1 $0x2500;
	[sflag:s24] =	ssyncset.done $0x0  }
0x4c: {  	s5 =	simm.s32 @!p1 $0x0;
	s0 =	sadd.s32 @!p1 $0xF000, s0;
	[sflag:s24] =	ssyncadd.s32 $0xFFFFF400  }
0x4d: {  	[tilespmem:s4], [sflag:$0x6] =	stream.linear.gather @!p1 [hbm4b:s0+s5], $0xC00, $0x38;
	[tilespmem:$0x4900] =	vst v63  }
0x4e: {  	s2 =	simm.s32 $0x7;
	s0 =	simm.s32 $0x6000;
	s4 =	sadd.s32 $0x9000, s10  }
.LBB2_2:
0x4f: {  	[hbm4b:s4+s3] =	stream.linear.scatter [tilespmem:s25], [sflag:$0x4], $0xC00, $0x38;
	[tilespmem:$0x4900] =	vst v63  }
0x50: {  	s4 =	smov.u32 s0;
	s0 =	sadd.s32 $0x6000, s0;
	_ =	swait.ge [sflag:s26], $0xC00  }
0x51: {  	p1 =	sne.s32 s0, $0x2A000;
	[sflag:s26] =	ssyncset.done $0x0  }
0x52: {  	[sflag:s26] =	ssyncadd.s32 $0xFFFFF400  }
0x53: {  	_ =	swait.ge [sflag:s28], $0xC00  }
0x54: {  	[sflag:s28] =	ssyncset.done $0x0  }
0x55: {  	s5 =	sadd.s32 $0xFFFFFFFF, s2;
	[sflag:s28] =	ssyncadd.s32 $0xFFFFF400  }
0x56: {  	[tilespmem:s23], [sflag:$0x2] =	stream.indirect.gather [spmem:s1], $0x1, s19, s22, $0xb8;
	[tilespmem:$0x4900] =	vst v63  }
0x57: {  	p2 =	sge.u32 s5, s6;
	s5 =	sadd.s32 s4, s15;
	_ =	swait.ge [sflag:s24], $0xC00  }
0x58: {  	s9 =	sadd.s32 @!p2 s4, s16;
	s10 =	simm.s32 @!p2 $0x1900;
	[sflag:s24] =	ssyncset.done $0x0  }
0x59: {  	s11 =	simm.s32 @!p2 $0x0;
	s9 =	sadd.s32 @!p2 $0xC000, s9;
	[sflag:s24] =	ssyncadd.s32 $0xFFFFF400  }
0x5a: {  	[tilespmem:s10], [sflag:$0x5] =	stream.linear.gather @!p2 [hbm4b:s9+s11], $0xC00, $0x38;
	[tilespmem:$0x4900] =	vst v63  }
0x5b: {  	s9 =	sadd.s32 $0x6000, s5  }
0x5c: {  	[hbm4b:s9+s3] =	stream.linear.scatter [tilespmem:s23], [sflag:$0x3], $0xC00, $0x38;
	[tilespmem:$0x4900] =	vst v63  }
0x5d: {  	_ =	swait.ge [sflag:s29], $0xC00  }
0x5e: {  	[sflag:s29] =	ssyncset.done $0x0  }
0x5f: {  	[sflag:s29] =	ssyncadd.s32 $0xFFFFF400  }
0x60: {  	_ =	swait.ge [sflag:s30], $0xC00  }
0x61: {  	[sflag:s30] =	ssyncset.done $0x0  }
0x62: {  	[sflag:s30] =	ssyncadd.s32 $0xFFFFF400  }
0x63: {  	[tilespmem:s25], [sflag:$0x2] =	stream.indirect.gather [spmem:s1], $0x1, s21, s22, $0xb8;
	[tilespmem:$0x4900] =	vst v63  }
.Ltmp0:
0x64: {  	p2 =	sge.u32 s2, s6;
	_ =	swait.ge [sflag:s24], $0xC00;
	(pc) =	sbr.rel @p1 .LBB2_2-.Ltmp0, $4  }
0x65: {  	s4 =	sadd.s32 @!p2 s4, s16;
	s9 =	simm.s32 @!p2 $0x2500;
	[sflag:s24] =	ssyncset.done $0x0  }
0x66: {  	s10 =	simm.s32 @!p2 $0x0;
	s4 =	sadd.s32 @!p2 $0xF000, s4;
	[sflag:s24] =	ssyncadd.s32 $0xFFFFF400  }
0x67: {  	[tilespmem:s9], [sflag:$0x6] =	stream.linear.gather @!p2 [hbm4b:s4+s10], $0xC00, $0x38;
	[tilespmem:$0x4900] =	vst v63  }
0x68: {  	s2 =	sadd.s32 $0x2, s2;
	s4 =	sadd.s32 $0x9000, s5  }
0x69: {  	[hbm4b:s4+s3] =	stream.linear.scatter [tilespmem:s25], [sflag:$0x4], $0xC00, $0x38;
	[tilespmem:$0x4900] =	vst v63  }
0x6a: {  	s0 =	simm.s32 @!p0 $0x3  }
0x6b: {  	_ =	swait.ge @!p0 [sflag:s0], $0xC00  }
0x6c: {  	[sflag:s0] =	ssyncset.done @!p0 $0x0  }
0x6d: {  	[sflag:s0] =	ssyncadd.s32 @!p0 $0xFFFFF400;
	s0 =	simm.s32 @!p0 $0x5  }
0x6e: {  	_ =	swait.ge @!p0 [sflag:s0], $0xC00  }
0x6f: {  	s2 =	simm.s32 @!p0 $0x1900;
	[sflag:s0] =	ssyncset.done @!p0 $0x0  }
0x70: {  	s4 =	simm.s32 @!p0 $0x3100;
	[sflag:s0] =	ssyncadd.s32 @!p0 $0xFFFFF400;
	s0 =	simm.s32 @!p0 $0xC00  }
0x71: {  	[tilespmem:s4], [sflag:$0x2] =	stream.indirect.gather @!p0 [spmem:s1], $0x1, s2, s0, $0xb8;
	[tilespmem:$0x4900] =	vst v63  }
0x72: {  	s0 =	simm.s32 @!p0 $0x2  }
0x73: {  	_ =	swait.ge @!p0 [sflag:s0], $0xC00  }
0x74: {  	[sflag:s0] =	ssyncset.done @!p0 $0x0  }
0x75: {  	s2 =	rddreg [dreg:$0x7];
	[sflag:s0] =	ssyncadd.s32 @!p0 $0xFFFFF400;
	s0 =	simm.s32 @!p0 $0x0  }
0x76: {  	[hbm4b:s2+s0] =	stream.linear.scatter @!p0 [tilespmem:s4], [sflag:$0x7], $0xC00, $0x38;
	[tilespmem:$0x4900] =	vst v63  }
0x77: {  	s0 =	simm.s32 @!p0 $0x7  }
0x78: {  	s0 =	simm.s32 @p0 $0x3  }
0x79: {  	_ =	swait.ge [sflag:s0], $0xC00  }
0x7a: {  	[sflag:s0] =	ssyncset.done $0x0  }
0x7b: {  	[sflag:s0] =	ssyncadd.s32 $0xFFFFF400  }
0x7c: {  	_ =	swait.ge [sflag:s29], $0xC00  }
0x7d: {  	s31 =	sadd.s32 $0x1, s31;
	s11 =	rddreg [dreg:$0x8]  }
0x7e: {  	p1 =	sne.s32 s31, s11  }
.Ltmp1:
0x7f: {  	_ = 	snop;
	(pc) =	sbr.rel @p1 .LBB2_1-.Ltmp1, $3  }
0x80: {  	_ =	sdelay $0x1  }
0x81: {  	[sflag:s29] =	ssyncset.done $0x0  }
0x82: {  	[sflag:s29] =	ssyncadd.s32 $0xFFFFF400  }
0x83: {  	_ =	sfence.sel $0x180000  }
0x84: {  	[bflag:$0x0] =	sbarrier.arrive $0xFFFF  }
0x85: {  	_ =	strace $0x90000053  }
0x86: {  	s0 =	stileid.u32;
	[bflag:$0x2] =	sbarrier.arrive $0xFFFF  }
0x87: {  	p0 =	sne.s32 s0, $0x0;
	s0 =	rddreg [dreg:$0x3]  }
0x88: {  	s0 =	sadd.s32 @!p0 $0x100000, s0  }
0x89: {  	[sflag:s0] =	ssyncadd.tile.s32 @!p0 $0x1;
	_ =	shalt  }
.Lfunc_end2:
_tile_overlayer_lowered:
.L_overlay_start_2:
0x8a: {  	(tag) =	ssettag $0x2  }
0x8b: {  	s0 =	rddreg [dreg:$0x0];
	s2 =	stileid.u32  }
0x8c: {  	s1 =	rddreg [dreg:$0x1];
	p0 =	sne.s32 s2, $0x0  }
0x8d: {  	s3 =	rddreg [dreg:$0x2];
	[bflag:$0x3] =	sbarrier.arrive $0xFFFF;
	s2 =	simm.s32 @!p0 $0x1C07  }
0x8e: {  	[timem:s3], [sflag:s2] =	dma.local @!p0 [hbm:s0], s1  }
0x8f: {  	s0 =	simm.s32 @!p0 $0x7  }
0x90: {  	_ =	swait.ge @!p0 [sflag:s0], s1  }
0x91: {  	s1 =	ssub.s32 @!p0 $0x0, s1;
	[sflag:s0] =	ssyncset.done @!p0 $0x0  }
0x92: {  	[sflag:s0] =	ssyncadd.s32 @!p0 s1  }
0x93: {  	[bflag:$0x3] =	sbarrier.arrive $0xFFFF  }
0x94: {  	_ =	shalt  }

// kernel: kernel.20.cloned.1.call-start
scs
__scs_entry_jumppad:
0x0: {  	(pc) =	sbr.rel $0x88, $3  }
0x1: {  	(tag) =	ssettag $0x0;
	lr =	simm.s32 $0x1  }
0x2: {  	[smem:$0x3F9B] =	sst lr;
	_ =	strace $0xD0000000  }
0x3: {  	_ = 	snop  }
0x4: {  	_ = 	snop  }
0x5: {  	_ = 	snop  }
0x6: {  	_ = 	snop  }
0x7: {  	_ = 	snop  }
__scs_overlays_trampoline_lowered:
0x8: {  	[smem:$0x3FAA] =	sst s0  }
0x9: {  	[smem:$0x3FAB] =	sst s1  }
0xa: {  	[smem:$0x3FAC] =	sst s2  }
0xb: {  	[smem:$0x3FAD] =	sst s3  }
0xc: {  	[smem:$0x3FAE] =	sst s4  }
0xd: {  	[smem:$0x3FAF] =	sst s5  }
0xe: {  	[smem:$0x3FB0] =	sst s6  }
0xf: {  	[smem:$0x3FB1] =	sst s7  }
0x10: {  	[smem:$0x3FB2] =	sst s8  }
0x11: {  	[smem:$0x3FB3] =	sst s9;
	s0 =	simm.s32 @!p0 $0x0  }
0x12: {  	s1 =	sld [smem:$0x3F99];
	s0 =	simm.s32 @p0 $0x1  }
0x13: {  	[smem:$0x3FB4] =	sst s0;
	s0 =	simm.s32 @!p1 $0x0  }
0x14: {  	s2 =	sld [smem:$0x3F98];
	s0 =	simm.s32 @p1 $0x1  }
0x15: {  	[smem:$0x3FB5] =	sst s0;
	s0 =	simm.s32 @!p2 $0x0  }
0x16: {  	s3 =	sld [smem:$0x3FDB];
	s0 =	simm.s32 @p2 $0x1  }
0x17: {  	s4 =	simm.s32 $0x1BF5;
	[smem:$0x3FB7] =	sst s0  }
0x18: {  	s0 =	sld [smem:$0x3F9A];
	_ =	swait.ge [sflag:s4], $0x0  }
0x19: {  	s7 =	sld [smem:$0x3F9B]  }
0x1a: {  	s8 =	sadd.s32 $0xFFFFE003, lr  }
0x1b: {  	s9 =	sadd.s32 $0xFFFFFEF7, lr;
	s5 =	simm.s32 $0xFFFFFFFF;
	p2 =	slt.u32 s8, $0xFFFFF086  }
0x1c: {  	p1 =	slt.u32 s9, $0xF7A;
	s5 =	simm.s32 @!p2 $0x0  }
0x1d: {  	s5 =	simm.s32 @p1 $0x1;
	p0 =	seq.s32 s7, s2  }
0x1e: {  	s7 =	smul.u32 @!p0 $0xF7A, s2;
	p2 =	seq.s32 @!p0 s5, $0x0  }
0x1f: {  	s9 =	smul.u32 $0xF7A, s1;
	s8 =	simm.s32 @!p0 $0x1BF5;
	p2 =	por !p2, p0  }
0x20: {  	[sflag:s8] =	ssyncset.s32 @!p0 $0xFFFFF086;
	s6 =	sadd.s32 @!p0 s3, s7;
	s7 =	simm.s32 @!p0 $0x108  }
0x21: {  	s3 =	sadd.s32 s3, s9;
	s6 =	sadd.s32 @!p0 $0x88, s6;
	s7 =	simm.s32 @p2 $0x1082  }
0x22: {  	[simem:s7], [sflag:s8] =	dma.local @!p0 [hbm:s6], $0xF7A  }
0x23: {  	s9 =	sor.u32 $0xD0000000, s2;
	s6 =	simm.s32 $0x108;
	_ =	swait.ge @!p0 [sflag:s8], $0x0  }
0x24: {  	s3 =	sadd.s32 $0x88, s3;
	s6 =	simm.s32 @!p1 $0x1082;
	[sflag:s4] =	ssyncset.s32 $0xFFFFF086  }
0x25: {  	[simem:s6], [sflag:s4] =	dma.local [hbm:s3], $0xF7A  }
0x26: {  	[smem:$0x3F9B] =	sst s1;
	(tag) =	ssettag s2;
	_ =	strace s9  }
0x27: {  	s1 =	sld [smem:$0x3FAB]  }
0x28: {  	s2 =	sld [smem:$0x3FAC]  }
0x29: {  	s4 =	sld [smem:$0x3FAE]  }
0x2a: {  	p0 =	seq.s32 s5, $0x0;
	s5 =	sld [smem:$0x3FAF]  }
0x2b: {  	s6 =	sld [smem:$0x3FB0]  }
0x2c: {  	s7 =	sld [smem:$0x3FB1]  }
0x2d: {  	s3 =	simm.s32 $0x108;
	s8 =	sld [smem:$0x3FB2]  }
0x2e: {  	s3 =	simm.s32 @!p0 $0x1082;
	s9 =	sld [smem:$0x3FB3]  }
0x2f: {  	lr =	sadd.s32 s0, s3;
	s0 =	sld [smem:$0x3FAA]  }
0x30: {  	s3 =	sld [smem:$0x3FAD]  }
0x31: {  	[smem:$0x3FB6] =	sst s10  }
0x32: {  	s10 =	sld [smem:$0x3FB4];
	_ =	sdelay $0x3  }
0x33: {  	p0 =	seq.s32 s10, $0x1;
	s10 =	sld [smem:$0x3FB6];
	_ =	sdelay $0x3  }
0x34: {  	[smem:$0x3FB6] =	sst s10  }
0x35: {  	s10 =	sld [smem:$0x3FB5];
	_ =	sdelay $0x3  }
0x36: {  	p1 =	seq.s32 s10, $0x1;
	s10 =	sld [smem:$0x3FB6];
	_ =	sdelay $0x3  }
0x37: {  	[smem:$0x3FB6] =	sst s10  }
0x38: {  	s10 =	sld [smem:$0x3FB7]  }
0x39: {  	_ = 	snop;
	(pc) =	sbr.ind lr, $3  }
0x3a: {  	_ = 	snop  }
0x3b: {  	_ = 	snop  }
0x3c: {  	p2 =	seq.s32 s10, $0x1;
	s10 =	sld [smem:$0x3FB6]  }
0x3d: {  	_ =	shalt  }
0x3e: {  	_ =	shalt  }
0x3f: {  	_ =	shalt  }
0x40: {  	_ =	shalt  }
0x41: {  	_ =	shalt  }
0x42: {  	_ =	shalt  }
0x43: {  	_ =	shalt  }
0x44: {  	_ =	shalt  }
0x45: {  	_ =	shalt  }
0x46: {  	_ =	shalt  }
0x47: {  	_ =	shalt  }
0x48: {  	_ =	shalt  }
0x49: {  	_ =	shalt  }
0x4a: {  	_ =	shalt  }
0x4b: {  	_ =	shalt  }
0x4c: {  	_ =	shalt  }
0x4d: {  	_ =	shalt  }
0x4e: {  	_ =	shalt  }
0x4f: {  	_ =	shalt  }
0x50: {  	_ =	shalt  }
0x51: {  	_ =	shalt  }
0x52: {  	_ =	shalt  }
0x53: {  	_ =	shalt  }
0x54: {  	_ =	shalt  }
0x55: {  	_ =	shalt  }
0x56: {  	_ =	shalt  }
0x57: {  	_ =	shalt  }
0x58: {  	_ =	shalt  }
0x59: {  	_ =	shalt  }
0x5a: {  	_ =	shalt  }
0x5b: {  	_ =	shalt  }
0x5c: {  	_ =	shalt  }
0x5d: {  	_ =	shalt  }
0x5e: {  	_ =	shalt  }
0x5f: {  	_ =	shalt  }
0x60: {  	_ =	shalt  }
0x61: {  	_ =	shalt  }
0x62: {  	_ =	shalt  }
0x63: {  	_ =	shalt  }
0x64: {  	_ =	shalt  }
0x65: {  	_ =	shalt  }
0x66: {  	_ =	shalt  }
0x67: {  	_ =	shalt  }
0x68: {  	_ =	shalt  }
0x69: {  	_ =	shalt  }
0x6a: {  	_ =	shalt  }
0x6b: {  	_ =	shalt  }
0x6c: {  	_ =	shalt  }
0x6d: {  	_ =	shalt  }
0x6e: {  	_ =	shalt  }
0x6f: {  	_ =	shalt  }
0x70: {  	_ =	shalt  }
0x71: {  	_ =	shalt  }
0x72: {  	_ =	shalt  }
0x73: {  	_ =	shalt  }
0x74: {  	_ =	shalt  }
0x75: {  	_ =	shalt  }
0x76: {  	_ =	shalt  }
0x77: {  	_ =	shalt  }
0x78: {  	_ =	shalt  }
0x79: {  	_ =	shalt  }
0x7a: {  	_ =	shalt  }
0x7b: {  	_ =	shalt  }
0x7c: {  	_ =	shalt  }
0x7d: {  	_ =	shalt  }
0x7e: {  	_ =	shalt  }
0x7f: {  	_ =	shalt  }
0x80: {  	_ =	shalt  }
0x81: {  	_ =	shalt  }
0x82: {  	_ =	shalt  }
0x83: {  	_ =	shalt  }
0x84: {  	_ =	shalt  }
0x85: {  	_ =	shalt  }
0x86: {  	_ =	shalt  }
0x87: {  	_ =	shalt  }
.Lfunc_end0:
.L_simem_size_0:
called_computation.4_lowered:
.L_overlay_start_0:
0x88: {  	s2 =	sld [smem:$0x3FD9]  }
0x89: {  	s3 =	sld [smem:$0x3FFE];
	_ =	sdelay $0x1  }
0x8a: {  	s1 =	srdreg.scid  }
0x8b: {  	s0 =	sand.u32 $0x1, s1  }
0x8c: {  	s15 =	sshll.u32 s0, $0xA;
	s2 =	sadd.s32 s3, s2  }
0x8d: {  	s2 =	sadd.s32 s2, s15  }
0x8e: {  	[smem:$0x3FC2] =	sst s2  }
0x8f: {  	_ = 	snop  }
0x90: {  	s2 =	sld [smem:$0x3FD0];
	_ =	sdelay $0x2  }
0x91: {  	s16 =	simm.s32 $0xD;
	s4 =	simm.s32 $0x10  }
0x92: {  	[smem:s4], [sflag:s16] =	dma.local [hbm:s2], $0x1  }
0x93: {  	_ =	swait.eq [sflag:s16], $0x1  }
0x94: {  	[sflag:s16] =	ssyncset.done $0x0  }
0x95: {  	[sflag:s16] =	ssyncadd.s32 $0xFFFFFFFF  }
0x96: {  	s17 =	sld [smem:$0x10];
	(tm) =	ssettm $0x1  }
0x97: {  	s18 =	sld [smem:$0x3FFB];
	_ =	sdelay $0x3  }
0x98: {  	_ =	strace s18  }
0x99: {  	s2 =	sld [smem:$0x3FFC];
	_ =	sdelay $0x3  }
0x9a: {  	_ =	strace s2  }
0x9b: {  	s2 =	sld [smem:$0x3FFD];
	_ =	sdelay $0x3  }
0x9c: {  	_ =	strace s2  }
0x9d: {  	_ =	strace $0x8FFFFFFF  }
0x9e: {  	s19 =	sld [smem:$0x3FDB];
	_ =	sdelay $0x1  }
0x9f: {  	s20 =	simm.s32 $_scs_section_size  }
0xa0: {  	s5 =	simm.s32 $_size__tile_overlayer_lowered;
	s6 =	simm.s32 $_tile_overlayer_lowered  }
0xa1: {  	s7 =	simm.s32 $0x1BFF;
	s21 =	sshll.u32 s6, $0x1;
	s4 =	sadd.s32 s20, s19  }
0xa2: {  	s22 =	simm.s32 $0x0;
	s5 =	sshll.u32 s5, $0x1;
	s6 =	sadd.s32 s21, s4  }
0xa3: {  	[timem:s22], [sflag:s7] =	dma.local [hbm:s6], s5  }
0xa4: {  	_ =	swait.ge [sflag:s7], s5  }
0xa5: {  	s5 =	ssub.s32 $0x0, s5;
	[sflag:s7] =	ssyncset.done $0x0  }
0xa6: {  	[sflag:s7] =	ssyncadd.s32 s5;
	_ =	sdelay $0x1  }
0xa7: {  	s23 =	simm.s32 $0x1B8B  }
0xa8: {  	_ =	swait.ge [sflag:s23], $0x1  }
0xa9: {  	[sflag:s23] =	ssyncset.done $0x0  }
0xaa: {  	[sflag:s23] =	ssyncadd.s32 $0xFFFFFFFF  }
0xab: {  	s5 =	sld [smem:$0x0]  }
0xac: {  	s6 =	sand.u32 $0xFFFFFFFE, s1  }
0xad: {  	p0 =	sne.s32 s1, s6  }
0xae: {  	s6 =	sshll.u32 @p0 s6, $0xE  }
0xaf: {  	s6 =	sadd.s32 @p0 $0x11B8D, s6;
	s7 =	sshll.u32 @p0 s5, $0x11  }
0xb0: {  	s6 =	sor.u32 @p0 s7, s6  }
0xb1: {  	[sflag:s6] =	ssyncadd.remote.s32 @p0 $0x1;
	_ =	sdelay $0x1  }
0xb2: {  	s6 =	simm.s32 @p0 $0x1B8D  }
0xb3: {  	_ =	swait.eq @p0 [sflag:s6], $0x1  }
0xb4: {  	[sflag:s6] =	ssyncadd.s32 @p0 $0xFFFFFFFF  }
0xb5: {  	s7 =	sshll.u32 @!p0 s1, $0xE  }
0xb6: {  	s7 =	sor.u32 @!p0 $0x4000, s7;
	s6 =	simm.s32 @!p0 $0x1B8D  }
0xb7: {  	s5 =	sshll.u32 @!p0 s5, $0x11;
	s7 =	sadd.s32 @!p0 $0x11B8D, s7;
	_ =	swait.eq @!p0 [sflag:s6], $0x1  }
0xb8: {  	s5 =	sor.u32 @!p0 s5, s7;
	[sflag:s6] =	ssyncadd.s32 @!p0 $0xFFFFFFFF  }
0xb9: {  	s25 =	simm.s32 $0x1B8E;
	s24 =	sld [smem:$0x3FFE];
	[sflag:s5] =	ssyncadd.remote.s32 @!p0 $0x1  }
0xba: {  	s26 =	simm.s32 $execute0_lowered;
	[smem:$0x3FD2] =	sst s25  }
0xbb: {  	s6 =	sshll.u32 s26, $0x1;
	_ =	strace $0x8000004F;
	[dreg:$0x1] =	wrdreg $0xFFFFFFFF  }
0xbc: {  	s28 =	simm.s32 $_size_execute0_lowered;
	s4 =	sadd.s32 s4, s6;
	[dreg:$0x0] =	wrdreg $0x0  }
0xbd: {  	s6 =	sshll.u32 s28, $0x1;
	[dreg:$0x2] =	wrdreg s4  }
0xbe: {  	[dreg:$0x3] =	wrdreg s6  }
0xbf: {  	[dreg:$0x4] =	wrdreg $0xC0  }
0xc0: {  	_ =	task [dreg:s22], $0x5FFFF  }
0xc1: {  	[dreg:$0x1] =	wrdreg $0xFFFFFFFF  }
0xc2: {  	[dreg:$0x0] =	wrdreg $0x60  }
0xc3: {  	[dreg:$0x2] =	wrdreg s17  }
0xc4: {  	[dreg:$0x3] =	wrdreg s24  }
0xc5: {  	[dreg:$0x4] =	wrdreg $0x0  }
0xc6: {  	[dreg:$0x5] =	wrdreg $0xB  }
0xc7: {  	_ =	task.clear_ibuf [dreg:s22], $0x6FFFF;
	_ =	strace $0x9000004F  }
0xc8: {  	s29 =	simm.s32 $0xB;
	_ =	strace $0x80000051  }
0xc9: {  	_ =	swait.ge [sflag:s29], $0x1  }
0xca: {  	[sflag:s29] =	ssyncadd.s32 $0xFFFFFFFF  }
0xcb: {  	_ =	strace $0x90000051  }
0xcc: {  	_ =	sfence  }
0xcd: {  	s30 =	sld [smem:$0x0];
	_ =	sdelay $0x2  }
0xce: {  	s31 =	sshll.u32 s1, $0xD;
	s1 =	sshrl.u32 s1, $0x2  }
0xcf: {  	s4 =	sand.u32 $0x4000, s31;
	s1 =	sadd.s32 s1, s30  }
0xd0: {  	s0 =	sor.u32 s4, s0;
	s1 =	sshll.u32 s1, $0x11  }
0xd1: {  	s0 =	sor.u32 s1, s0  }
0xd2: {  	s0 =	sadd.s32 $0x8F2B, s0  }
0xd3: {  	[sflag:s0] =	ssyncadd.remote.s32 $0x1  }
0xd4: {  	_ =	sfence.sel $0xFFFF  }
0xd5: {  	[dreg:$0x0] =	wrdreg $0xFFFFFFFF;
	(pc) =	sbr.abs _section_cstart, $3  }
0xd6: {  	[dreg:$0x1] =	wrdreg $0xFFFFFFFF  }
0xd7: {  	_ =	task.clear_ibuf [dreg:s22], $0x2FFFF;
	_ =	strace $0x9FFFFFFF  }
0xd8: {  	(tm) =	ssettm $0x7FFFFFFF  }
0xd9: {  	_ =	shalt  }
tec
execute0_lowered:
.L_overlay_start_1:
0x0: {  	(tag) =	ssettag $0x1  }
0x1: {  	s0 =	rddreg [dreg:$0x0]  }
0x2: {  	s2 =	rddreg [dreg:$0x1]  }
0x3: {  	s1 =	rddreg [dreg:$0x2]  }
0x4: {  	s3 =	simm.s32 $0x0;
	s4 =	srdreg.scid;
	s10 =	stileid.u32  }
0x5: {  	s18 =	simm.s32 $0x1;
	s19 =	simm.s32 $0x1900;
	s28 =	simm.s32 $0x5  }
0x6: {  	s29 =	simm.s32 $0x4;
	s30 =	simm.s32 $0x6;
	s31 =	simm.s32 $0x0  }
0x7: {  	[smem:$0x7FF] =	sst s3;
	s4 =	sand.u32 $0x1, s4;
	s5 =	smul.u32 $0x1900, s10  }
0x8: {  	s14 =	sadd.s32 $0x2E00, s2;
	s2 =	sadd.s32 $0x64A00, s2;
	s8 =	sshll.u32 s10, $0x1  }
0x9: {  	s22 =	sshll.u32 s10, $0x6;
	s25 =	smul.u32 $0x300, s10;
	_ =	strace $0x80000050  }
0xa: {  	s6 =	ssub.s32 $0x2, s4;
	s20 =	sor.u32 s4, s8;
	s4 =	smul.u32 $0x180, s4  }
0xb: {  	s7 =	sshrl.u32 s6, $0x1;
	s9 =	sshrl.u32 s5, $0x3;
	s21 =	smul.u32 $0xC00, s20  }
0xc: {  	s17 =	sadd.s32 s5, s1;
	s23 =	ssub.s32 $0x228, s20;
	s8 =	smul.u32 $0x180, s20  }
0xd: {  	s5 =	sor.u32 $0x1C01, s22;
	s20 =	simm.s32 $0x7;
	s22 =	simm.s32 $0xC00  }
0xe: {  	s11 =	ssub.s32 s6, s7;
	s0 =	sadd.s32 s0, s9;
	[dreg:$0x5] =	wrdreg s5  }
0xf: {  	s6 =	sshrl.u32 s23, $0x5;
	s17 =	sshrl.u32 s17, $0x3;
	s23 =	simm.s32 $0x3100  }
0x10: {  	s0 =	sadd.s32 $0x6400, s0;
	s7 =	sadd.s32 s14, s8;
	s8 =	sadd.s32 s2, s8  }
0x11: {  	s26 =	smax.u32 s11, $0x1;
	s2 =	sadd.s32 s25, s2;
	p0 =	sne.s32 s6, $0x11  }
0x12: {  	[dreg:$0x4] =	wrdreg s0;
	s0 =	sshrl.u32 s21, $0x3;
	s24 =	sadd.s32 $0x30000, s8  }
0x13: {  	[dreg:$0x8] =	wrdreg s26;
	s12 =	sadd.s32 $0x6000, s7;
	s13 =	sadd.s32 $0x9000, s7  }
0x14: {  	s15 =	sadd.s32 s4, s2;
	s21 =	simm.s32 $0x2500;
	s0 =	sadd.s32 s14, s0  }
0x15: {  	s26 =	simm.s32 $0x3;
	[dreg:$0x7] =	wrdreg s24;
	s0 =	sadd.s32 $0x3000, s0  }
0x16: {  	s24 =	simm.s32 $0x2;
	[dreg:$0x6] =	wrdreg s0;
	s0 =	sadd.s32 s25, s14  }
0x17: {  	s14 =	sadd.s32 $0x3000, s8;
	s25 =	simm.s32 $0x3D00;
	s16 =	sadd.s32 s4, s0  }
.LBB2_1:
0x18: {  	s0 =	rddreg [dreg:$0x4]  }
0x19: {  	s2 =	rddreg [dreg:$0x5]  }
0x1a: {  	[spmem:s17], [sflag:s2] =	dma.local [hbm:s0], $0x320  }
0x1b: {  	_ =	swait.ge [sflag:s18], $0x320  }
0x1c: {  	[sflag:s18] =	ssyncset.done $0x0  }
0x1d: {  	[sflag:s18] =	ssyncadd.s32 $0xFFFFFCE0  }
0x1e: {  	[bflag:$0x0] =	sbarrier.arrive $0xFFFF  }
0x1f: {  	[tilespmem:s19], [sflag:$0x7] =	stream.linear.gather [hbm4b:s7+s3], $0xC00, $0x38;
	[tilespmem:$0x4900] =	vst v63  }
0x20: {  	_ =	swait.ge [sflag:s20], $0xC00  }
0x21: {  	[sflag:s20] =	ssyncset.done $0x0  }
0x22: {  	s9 =	rddreg [dreg:$0x6];
	[sflag:s20] =	ssyncadd.s32 $0xFFFFF400  }
0x23: {  	[tilespmem:s21], [sflag:$0x7] =	stream.linear.gather [hbm4b:s9+s3], $0xC00, $0x38;
	[tilespmem:$0x4900] =	vst v63  }
0x24: {  	_ =	swait.ge [sflag:s20], $0xC00  }
0x25: {  	[sflag:s20] =	ssyncset.done $0x0  }
0x26: {  	[sflag:s20] =	ssyncadd.s32 $0xFFFFF400  }
0x27: {  	[tilespmem:s23], [sflag:$0x2] =	stream.indirect.gather [spmem:s1], $0x1, s19, s22, $0xb8;
	[tilespmem:$0x4900] =	vst v63  }
0x28: {  	_ =	swait.ge [sflag:s24], $0xC00  }
0x29: {  	[sflag:s24] =	ssyncset.done $0x0  }
0x2a: {  	[sflag:s24] =	ssyncadd.s32 $0xFFFFF400  }
0x2b: {  	[tilespmem:s19], [sflag:$0x5] =	stream.linear.gather [hbm4b:s12+s3], $0xC00, $0x38;
	[tilespmem:$0x4900] =	vst v63  }
0x2c: {  	_ = 	snop  }
0x2d: {  	[hbm4b:s8+s3] =	stream.linear.scatter [tilespmem:s23], [sflag:$0x3], $0xC00, $0x38;
	[tilespmem:$0x4900] =	vst v63  }
0x2e: {  	_ = 	snop  }
0x2f: {  	[tilespmem:s25], [sflag:$0x2] =	stream.indirect.gather [spmem:s1], $0x1, s21, s22, $0xb8;
	[tilespmem:$0x4900] =	vst v63  }
0x30: {  	_ =	swait.ge [sflag:s24], $0xC00  }
0x31: {  	[sflag:s24] =	ssyncset.done $0x0  }
0x32: {  	[sflag:s24] =	ssyncadd.s32 $0xFFFFF400  }
0x33: {  	[tilespmem:s21], [sflag:$0x6] =	stream.linear.gather [hbm4b:s13+s3], $0xC00, $0x38;
	[tilespmem:$0x4900] =	vst v63  }
0x34: {  	_ = 	snop  }
0x35: {  	[hbm4b:s14+s3] =	stream.linear.scatter [tilespmem:s25], [sflag:$0x4], $0xC00, $0x38;
	[tilespmem:$0x4900] =	vst v63  }
0x36: {  	_ =	swait.ge [sflag:s26], $0xC00  }
0x37: {  	[sflag:s26] =	ssyncset.done $0x0  }
0x38: {  	[sflag:s26] =	ssyncadd.s32 $0xFFFFF400  }
0x39: {  	_ =	swait.ge [sflag:s28], $0xC00  }
0x3a: {  	[sflag:s28] =	ssyncset.done $0x0  }
0x3b: {  	[sflag:s28] =	ssyncadd.s32 $0xFFFFF400  }
0x3c: {  	[tilespmem:s23], [sflag:$0x2] =	stream.indirect.gather [spmem:s1], $0x1, s19, s22, $0xb8;
	[tilespmem:$0x4900] =	vst v63  }
0x3d: {  	p1 =	sle.u32 s6, $0x4;
	s10 =	sadd.s32 $0x0, s15;
	_ =	swait.ge [sflag:s24], $0xC00  }
0x3e: {  	s0 =	sadd.s32 @!p1 $0x0, s16;
	s4 =	simm.s32 @!p1 $0x1900;
	[sflag:s24] =	ssyncset.done $0x0  }
0x3f: {  	s5 =	simm.s32 @!p1 $0x0;
	s0 =	sadd.s32 @!p1 $0xC000, s0;
	[sflag:s24] =	ssyncadd.s32 $0xFFFFF400  }
0x40: {  	[tilespmem:s4], [sflag:$0x5] =	stream.linear.gather @!p1 [hbm4b:s0+s5], $0xC00, $0x38;
	[tilespmem:$0x4900] =	vst v63  }
0x41: {  	s11 =	sadd.s32 $0x6000, s10  }
0x42: {  	[hbm4b:s11+s3] =	stream.linear.scatter [tilespmem:s23], [sflag:$0x3], $0xC00, $0x38;
	[tilespmem:$0x4900] =	vst v63  }
0x43: {  	_ =	swait.ge [sflag:s29], $0xC00  }
0x44: {  	[sflag:s29] =	ssyncset.done $0x0  }
0x45: {  	[sflag:s29] =	ssyncadd.s32 $0xFFFFF400  }
0x46: {  	_ =	swait.ge [sflag:s30], $0xC00  }
0x47: {  	[sflag:s30] =	ssyncset.done $0x0  }
0x48: {  	[sflag:s30] =	ssyncadd.s32 $0xFFFFF400  }
0x49: {  	[tilespmem:s25], [sflag:$0x2] =	stream.indirect.gather [spmem:s1], $0x1, s21, s22, $0xb8;
	[tilespmem:$0x4900] =	vst v63  }
0x4a: {  	p1 =	sle.u32 s6, $0x5;
	_ =	swait.ge [sflag:s24], $0xC00  }
0x4b: {  	s0 =	sadd.s32 @!p1 $0x0, s16;
	s4 =	simm.s32 @!p1 $0x2500;
	[sflag:s24] =	ssyncset.done $0x0  }
0x4c: {  	s5 =	simm.s32 @!p1 $0x0;
	s0 =	sadd.s32 @!p1 $0xF000, s0;
	[sflag:s24] =	ssyncadd.s32 $0xFFFFF400  }
0x4d: {  	[tilespmem:s4], [sflag:$0x6] =	stream.linear.gather @!p1 [hbm4b:s0+s5], $0xC00, $0x38;
	[tilespmem:$0x4900] =	vst v63  }
0x4e: {  	s2 =	simm.s32 $0x7;
	s0 =	simm.s32 $0x6000;
	s4 =	sadd.s32 $0x9000, s10  }
.LBB2_2:
0x4f: {  	[hbm4b:s4+s3] =	stream.linear.scatter [tilespmem:s25], [sflag:$0x4], $0xC00, $0x38;
	[tilespmem:$0x4900] =	vst v63  }
0x50: {  	s4 =	smov.u32 s0;
	s0 =	sadd.s32 $0x6000, s0;
	_ =	swait.ge [sflag:s26], $0xC00  }
0x51: {  	p1 =	sne.s32 s0, $0x2A000;
	[sflag:s26] =	ssyncset.done $0x0  }
0x52: {  	[sflag:s26] =	ssyncadd.s32 $0xFFFFF400  }
0x53: {  	_ =	swait.ge [sflag:s28], $0xC00  }
0x54: {  	[sflag:s28] =	ssyncset.done $0x0  }
0x55: {  	s5 =	sadd.s32 $0xFFFFFFFF, s2;
	[sflag:s28] =	ssyncadd.s32 $0xFFFFF400  }
0x56: {  	[tilespmem:s23], [sflag:$0x2] =	stream.indirect.gather [spmem:s1], $0x1, s19, s22, $0xb8;
	[tilespmem:$0x4900] =	vst v63  }
0x57: {  	p2 =	sge.u32 s5, s6;
	s5 =	sadd.s32 s4, s15;
	_ =	swait.ge [sflag:s24], $0xC00  }
0x58: {  	s9 =	sadd.s32 @!p2 s4, s16;
	s10 =	simm.s32 @!p2 $0x1900;
	[sflag:s24] =	ssyncset.done $0x0  }
0x59: {  	s11 =	simm.s32 @!p2 $0x0;
	s9 =	sadd.s32 @!p2 $0xC000, s9;
	[sflag:s24] =	ssyncadd.s32 $0xFFFFF400  }
0x5a: {  	[tilespmem:s10], [sflag:$0x5] =	stream.linear.gather @!p2 [hbm4b:s9+s11], $0xC00, $0x38;
	[tilespmem:$0x4900] =	vst v63  }
0x5b: {  	s9 =	sadd.s32 $0x6000, s5  }
0x5c: {  	[hbm4b:s9+s3] =	stream.linear.scatter [tilespmem:s23], [sflag:$0x3], $0xC00, $0x38;
	[tilespmem:$0x4900] =	vst v63  }
0x5d: {  	_ =	swait.ge [sflag:s29], $0xC00  }
0x5e: {  	[sflag:s29] =	ssyncset.done $0x0  }
0x5f: {  	[sflag:s29] =	ssyncadd.s32 $0xFFFFF400  }
0x60: {  	_ =	swait.ge [sflag:s30], $0xC00  }
0x61: {  	[sflag:s30] =	ssyncset.done $0x0  }
0x62: {  	[sflag:s30] =	ssyncadd.s32 $0xFFFFF400  }
0x63: {  	[tilespmem:s25], [sflag:$0x2] =	stream.indirect.gather [spmem:s1], $0x1, s21, s22, $0xb8;
	[tilespmem:$0x4900] =	vst v63  }
.Ltmp0:
0x64: {  	p2 =	sge.u32 s2, s6;
	_ =	swait.ge [sflag:s24], $0xC00;
	(pc) =	sbr.rel @p1 .LBB2_2-.Ltmp0, $4  }
0x65: {  	s4 =	sadd.s32 @!p2 s4, s16;
	s9 =	simm.s32 @!p2 $0x2500;
	[sflag:s24] =	ssyncset.done $0x0  }
0x66: {  	s10 =	simm.s32 @!p2 $0x0;
	s4 =	sadd.s32 @!p2 $0xF000, s4;
	[sflag:s24] =	ssyncadd.s32 $0xFFFFF400  }
0x67: {  	[tilespmem:s9], [sflag:$0x6] =	stream.linear.gather @!p2 [hbm4b:s4+s10], $0xC00, $0x38;
	[tilespmem:$0x4900] =	vst v63  }
0x68: {  	s2 =	sadd.s32 $0x2, s2;
	s4 =	sadd.s32 $0x9000, s5  }
0x69: {  	[hbm4b:s4+s3] =	stream.linear.scatter [tilespmem:s25], [sflag:$0x4], $0xC00, $0x38;
	[tilespmem:$0x4900] =	vst v63  }
0x6a: {  	s0 =	simm.s32 @!p0 $0x3  }
0x6b: {  	_ =	swait.ge @!p0 [sflag:s0], $0xC00  }
0x6c: {  	[sflag:s0] =	ssyncset.done @!p0 $0x0  }
0x6d: {  	[sflag:s0] =	ssyncadd.s32 @!p0 $0xFFFFF400;
	s0 =	simm.s32 @!p0 $0x5  }
0x6e: {  	_ =	swait.ge @!p0 [sflag:s0], $0xC00  }
0x6f: {  	s2 =	simm.s32 @!p0 $0x1900;
	[sflag:s0] =	ssyncset.done @!p0 $0x0  }
0x70: {  	s4 =	simm.s32 @!p0 $0x3100;
	[sflag:s0] =	ssyncadd.s32 @!p0 $0xFFFFF400;
	s0 =	simm.s32 @!p0 $0xC00  }
0x71: {  	[tilespmem:s4], [sflag:$0x2] =	stream.indirect.gather @!p0 [spmem:s1], $0x1, s2, s0, $0xb8;
	[tilespmem:$0x4900] =	vst v63  }
0x72: {  	s0 =	simm.s32 @!p0 $0x2  }
0x73: {  	_ =	swait.ge @!p0 [sflag:s0], $0xC00  }
0x74: {  	[sflag:s0] =	ssyncset.done @!p0 $0x0  }
0x75: {  	s2 =	rddreg [dreg:$0x7];
	[sflag:s0] =	ssyncadd.s32 @!p0 $0xFFFFF400;
	s0 =	simm.s32 @!p0 $0x0  }
0x76: {  	[hbm4b:s2+s0] =	stream.linear.scatter @!p0 [tilespmem:s4], [sflag:$0x7], $0xC00, $0x38;
	[tilespmem:$0x4900] =	vst v63  }
0x77: {  	s0 =	simm.s32 @!p0 $0x7  }
0x78: {  	s0 =	simm.s32 @p0 $0x3  }
0x79: {  	_ =	swait.ge [sflag:s0], $0xC00  }
0x7a: {  	[sflag:s0] =	ssyncset.done $0x0  }
0x7b: {  	[sflag:s0] =	ssyncadd.s32 $0xFFFFF400  }
0x7c: {  	_ =	swait.ge [sflag:s29], $0xC00  }
0x7d: {  	s31 =	sadd.s32 $0x1, s31;
	s11 =	rddreg [dreg:$0x8]  }
0x7e: {  	p1 =	sne.s32 s31, s11  }
.Ltmp1:
0x7f: {  	_ = 	snop;
	(pc) =	sbr.rel @p1 .LBB2_1-.Ltmp1, $3  }
0x80: {  	_ =	sdelay $0x1  }
0x81: {  	[sflag:s29] =	ssyncset.done $0x0  }
0x82: {  	[sflag:s29] =	ssyncadd.s32 $0xFFFFF400  }
0x83: {  	_ =	sfence.sel $0x180000  }
0x84: {  	[bflag:$0x0] =	sbarrier.arrive $0xFFFF  }
0x85: {  	_ =	strace $0x90000050  }
0x86: {  	s0 =	stileid.u32;
	[bflag:$0x2] =	sbarrier.arrive $0xFFFF  }
0x87: {  	p0 =	sne.s32 s0, $0x0;
	s0 =	rddreg [dreg:$0x3]  }
0x88: {  	s0 =	sadd.s32 @!p0 $0x100000, s0  }
0x89: {  	[sflag:s0] =	ssyncadd.tile.s32 @!p0 $0x1;
	_ =	shalt  }
.Lfunc_end2:
_tile_overlayer_lowered:
.L_overlay_start_2:
0x8a: {  	(tag) =	ssettag $0x2  }
0x8b: {  	s0 =	rddreg [dreg:$0x0];
	s2 =	stileid.u32  }
0x8c: {  	s1 =	rddreg [dreg:$0x1];
	p0 =	sne.s32 s2, $0x0  }
0x8d: {  	s3 =	rddreg [dreg:$0x2];
	[bflag:$0x3] =	sbarrier.arrive $0xFFFF;
	s2 =	simm.s32 @!p0 $0x1C07  }
0x8e: {  	[timem:s3], [sflag:s2] =	dma.local @!p0 [hbm:s0], s1  }
0x8f: {  	s0 =	simm.s32 @!p0 $0x7  }
0x90: {  	_ =	swait.ge @!p0 [sflag:s0], s1  }
0x91: {  	s1 =	ssub.s32 @!p0 $0x0, s1;
	[sflag:s0] =	ssyncset.done @!p0 $0x0  }
0x92: {  	[sflag:s0] =	ssyncadd.s32 @!p0 s1  }
0x93: {  	[bflag:$0x3] =	sbarrier.arrive $0xFFFF  }
0x94: {  	_ =	shalt  }

// kernel: kernel.23.cloned.1.call-start
scs
__scs_entry_jumppad:
0x0: {  	(pc) =	sbr.rel $0x88, $3  }
0x1: {  	(tag) =	ssettag $0x0;
	lr =	simm.s32 $0x1  }
0x2: {  	[smem:$0x3F9B] =	sst lr;
	_ =	strace $0xD0000000  }
0x3: {  	_ = 	snop  }
0x4: {  	_ = 	snop  }
0x5: {  	_ = 	snop  }
0x6: {  	_ = 	snop  }
0x7: {  	_ = 	snop  }
__scs_overlays_trampoline_lowered:
0x8: {  	[smem:$0x3FAA] =	sst s0  }
0x9: {  	[smem:$0x3FAB] =	sst s1  }
0xa: {  	[smem:$0x3FAC] =	sst s2  }
0xb: {  	[smem:$0x3FAD] =	sst s3  }
0xc: {  	[smem:$0x3FAE] =	sst s4  }
0xd: {  	[smem:$0x3FAF] =	sst s5  }
0xe: {  	[smem:$0x3FB0] =	sst s6  }
0xf: {  	[smem:$0x3FB1] =	sst s7  }
0x10: {  	[smem:$0x3FB2] =	sst s8  }
0x11: {  	[smem:$0x3FB3] =	sst s9;
	s0 =	simm.s32 @!p0 $0x0  }
0x12: {  	s1 =	sld [smem:$0x3F99];
	s0 =	simm.s32 @p0 $0x1  }
0x13: {  	[smem:$0x3FB4] =	sst s0;
	s0 =	simm.s32 @!p1 $0x0  }
0x14: {  	s2 =	sld [smem:$0x3F98];
	s0 =	simm.s32 @p1 $0x1  }
0x15: {  	[smem:$0x3FB5] =	sst s0;
	s0 =	simm.s32 @!p2 $0x0  }
0x16: {  	s3 =	sld [smem:$0x3FDB];
	s0 =	simm.s32 @p2 $0x1  }
0x17: {  	s4 =	simm.s32 $0x1BF5;
	[smem:$0x3FB7] =	sst s0  }
0x18: {  	s0 =	sld [smem:$0x3F9A];
	_ =	swait.ge [sflag:s4], $0x0  }
0x19: {  	s7 =	sld [smem:$0x3F9B]  }
0x1a: {  	s8 =	sadd.s32 $0xFFFFE003, lr  }
0x1b: {  	s9 =	sadd.s32 $0xFFFFFEF7, lr;
	s5 =	simm.s32 $0xFFFFFFFF;
	p2 =	slt.u32 s8, $0xFFFFF086  }
0x1c: {  	p1 =	slt.u32 s9, $0xF7A;
	s5 =	simm.s32 @!p2 $0x0  }
0x1d: {  	s5 =	simm.s32 @p1 $0x1;
	p0 =	seq.s32 s7, s2  }
0x1e: {  	s7 =	smul.u32 @!p0 $0xF7A, s2;
	p2 =	seq.s32 @!p0 s5, $0x0  }
0x1f: {  	s9 =	smul.u32 $0xF7A, s1;
	s8 =	simm.s32 @!p0 $0x1BF5;
	p2 =	por !p2, p0  }
0x20: {  	[sflag:s8] =	ssyncset.s32 @!p0 $0xFFFFF086;
	s6 =	sadd.s32 @!p0 s3, s7;
	s7 =	simm.s32 @!p0 $0x108  }
0x21: {  	s3 =	sadd.s32 s3, s9;
	s6 =	sadd.s32 @!p0 $0x88, s6;
	s7 =	simm.s32 @p2 $0x1082  }
0x22: {  	[simem:s7], [sflag:s8] =	dma.local @!p0 [hbm:s6], $0xF7A  }
0x23: {  	s9 =	sor.u32 $0xD0000000, s2;
	s6 =	simm.s32 $0x108;
	_ =	swait.ge @!p0 [sflag:s8], $0x0  }
0x24: {  	s3 =	sadd.s32 $0x88, s3;
	s6 =	simm.s32 @!p1 $0x1082;
	[sflag:s4] =	ssyncset.s32 $0xFFFFF086  }
0x25: {  	[simem:s6], [sflag:s4] =	dma.local [hbm:s3], $0xF7A  }
0x26: {  	[smem:$0x3F9B] =	sst s1;
	(tag) =	ssettag s2;
	_ =	strace s9  }
0x27: {  	s1 =	sld [smem:$0x3FAB]  }
0x28: {  	s2 =	sld [smem:$0x3FAC]  }
0x29: {  	s4 =	sld [smem:$0x3FAE]  }
0x2a: {  	p0 =	seq.s32 s5, $0x0;
	s5 =	sld [smem:$0x3FAF]  }
0x2b: {  	s6 =	sld [smem:$0x3FB0]  }
0x2c: {  	s7 =	sld [smem:$0x3FB1]  }
0x2d: {  	s3 =	simm.s32 $0x108;
	s8 =	sld [smem:$0x3FB2]  }
0x2e: {  	s3 =	simm.s32 @!p0 $0x1082;
	s9 =	sld [smem:$0x3FB3]  }
0x2f: {  	lr =	sadd.s32 s0, s3;
	s0 =	sld [smem:$0x3FAA]  }
0x30: {  	s3 =	sld [smem:$0x3FAD]  }
0x31: {  	[smem:$0x3FB6] =	sst s10  }
0x32: {  	s10 =	sld [smem:$0x3FB4];
	_ =	sdelay $0x3  }
0x33: {  	p0 =	seq.s32 s10, $0x1;
	s10 =	sld [smem:$0x3FB6];
	_ =	sdelay $0x3  }
0x34: {  	[smem:$0x3FB6] =	sst s10  }
0x35: {  	s10 =	sld [smem:$0x3FB5];
	_ =	sdelay $0x3  }
0x36: {  	p1 =	seq.s32 s10, $0x1;
	s10 =	sld [smem:$0x3FB6];
	_ =	sdelay $0x3  }
0x37: {  	[smem:$0x3FB6] =	sst s10  }
0x38: {  	s10 =	sld [smem:$0x3FB7]  }
0x39: {  	_ = 	snop;
	(pc) =	sbr.ind lr, $3  }
0x3a: {  	_ = 	snop  }
0x3b: {  	_ = 	snop  }
0x3c: {  	p2 =	seq.s32 s10, $0x1;
	s10 =	sld [smem:$0x3FB6]  }
0x3d: {  	_ =	shalt  }
0x3e: {  	_ =	shalt  }
0x3f: {  	_ =	shalt  }
0x40: {  	_ =	shalt  }
0x41: {  	_ =	shalt  }
0x42: {  	_ =	shalt  }
0x43: {  	_ =	shalt  }
0x44: {  	_ =	shalt  }
0x45: {  	_ =	shalt  }
0x46: {  	_ =	shalt  }
0x47: {  	_ =	shalt  }
0x48: {  	_ =	shalt  }
0x49: {  	_ =	shalt  }
0x4a: {  	_ =	shalt  }
0x4b: {  	_ =	shalt  }
0x4c: {  	_ =	shalt  }
0x4d: {  	_ =	shalt  }
0x4e: {  	_ =	shalt  }
0x4f: {  	_ =	shalt  }
0x50: {  	_ =	shalt  }
0x51: {  	_ =	shalt  }
0x52: {  	_ =	shalt  }
0x53: {  	_ =	shalt  }
0x54: {  	_ =	shalt  }
0x55: {  	_ =	shalt  }
0x56: {  	_ =	shalt  }
0x57: {  	_ =	shalt  }
0x58: {  	_ =	shalt  }
0x59: {  	_ =	shalt  }
0x5a: {  	_ =	shalt  }
0x5b: {  	_ =	shalt  }
0x5c: {  	_ =	shalt  }
0x5d: {  	_ =	shalt  }
0x5e: {  	_ =	shalt  }
0x5f: {  	_ =	shalt  }
0x60: {  	_ =	shalt  }
0x61: {  	_ =	shalt  }
0x62: {  	_ =	shalt  }
0x63: {  	_ =	shalt  }
0x64: {  	_ =	shalt  }
0x65: {  	_ =	shalt  }
0x66: {  	_ =	shalt  }
0x67: {  	_ =	shalt  }
0x68: {  	_ =	shalt  }
0x69: {  	_ =	shalt  }
0x6a: {  	_ =	shalt  }
0x6b: {  	_ =	shalt  }
0x6c: {  	_ =	shalt  }
0x6d: {  	_ =	shalt  }
0x6e: {  	_ =	shalt  }
0x6f: {  	_ =	shalt  }
0x70: {  	_ =	shalt  }
0x71: {  	_ =	shalt  }
0x72: {  	_ =	shalt  }
0x73: {  	_ =	shalt  }
0x74: {  	_ =	shalt  }
0x75: {  	_ =	shalt  }
0x76: {  	_ =	shalt  }
0x77: {  	_ =	shalt  }
0x78: {  	_ =	shalt  }
0x79: {  	_ =	shalt  }
0x7a: {  	_ =	shalt  }
0x7b: {  	_ =	shalt  }
0x7c: {  	_ =	shalt  }
0x7d: {  	_ =	shalt  }
0x7e: {  	_ =	shalt  }
0x7f: {  	_ =	shalt  }
0x80: {  	_ =	shalt  }
0x81: {  	_ =	shalt  }
0x82: {  	_ =	shalt  }
0x83: {  	_ =	shalt  }
0x84: {  	_ =	shalt  }
0x85: {  	_ =	shalt  }
0x86: {  	_ =	shalt  }
0x87: {  	_ =	shalt  }
.Lfunc_end0:
.L_simem_size_0:
called_computation.5_lowered:
.L_overlay_start_0:
0x88: {  	s2 =	sld [smem:$0x3FD9]  }
0x89: {  	s3 =	sld [smem:$0x3FFE];
	_ =	sdelay $0x1  }
0x8a: {  	s1 =	srdreg.scid  }
0x8b: {  	s0 =	sand.u32 $0x1, s1  }
0x8c: {  	s14 =	sshll.u32 s0, $0xA;
	s2 =	sadd.s32 s3, s2  }
0x8d: {  	s2 =	sadd.s32 s2, s14  }
0x8e: {  	[smem:$0x3FC2] =	sst s2  }
0x8f: {  	_ = 	snop  }
0x90: {  	s2 =	sld [smem:$0x3FD0];
	_ =	sdelay $0x2  }
0x91: {  	s15 =	simm.s32 $0xD;
	s4 =	simm.s32 $0x10  }
0x92: {  	[smem:s4], [sflag:s15] =	dma.local [hbm:s2], $0x1  }
0x93: {  	_ =	swait.eq [sflag:s15], $0x1  }
0x94: {  	[sflag:s15] =	ssyncset.done $0x0  }
0x95: {  	[sflag:s15] =	ssyncadd.s32 $0xFFFFFFFF  }
0x96: {  	s16 =	sld [smem:$0x10];
	(tm) =	ssettm $0x1  }
0x97: {  	s17 =	sld [smem:$0x3FFB];
	_ =	sdelay $0x3  }
0x98: {  	_ =	strace s17  }
0x99: {  	s3 =	sld [smem:$0x3FFC];
	_ =	sdelay $0x3  }
0x9a: {  	_ =	strace s3  }
0x9b: {  	s3 =	sld [smem:$0x3FFD];
	_ =	sdelay $0x3  }
0x9c: {  	_ =	strace s3  }
0x9d: {  	_ =	strace $0x8FFFFFFF  }
0x9e: {  	s18 =	sld [smem:$0x3FDB];
	_ =	sdelay $0x1  }
0x9f: {  	s19 =	simm.s32 $_scs_section_size  }
0xa0: {  	s5 =	simm.s32 $_size__tile_overlayer_lowered;
	s6 =	simm.s32 $_tile_overlayer_lowered  }
0xa1: {  	s22 =	simm.s32 $0x1BFF;
	s21 =	sshll.u32 s6, $0x1;
	s3 =	sadd.s32 s19, s18  }
0xa2: {  	s7 =	simm.s32 $0x0;
	s20 =	sshll.u32 s5, $0x1;
	s5 =	sadd.s32 s21, s3  }
0xa3: {  	[timem:s7], [sflag:s22] =	dma.local [hbm:s5], s20  }
0xa4: {  	_ =	swait.ge [sflag:s22], s20  }
0xa5: {  	s4 =	ssub.s32 $0x0, s20;
	[sflag:s22] =	ssyncset.done $0x0  }
0xa6: {  	[sflag:s22] =	ssyncadd.s32 s4;
	_ =	sdelay $0x1  }
0xa7: {  	s23 =	simm.s32 $0x1B8B  }
0xa8: {  	_ =	swait.ge [sflag:s23], $0x1  }
0xa9: {  	[sflag:s23] =	ssyncset.done $0x0  }
0xaa: {  	s25 =	simm.s32 $0x1B8E;
	s24 =	sld [smem:$0x3FFE];
	[sflag:s23] =	ssyncadd.s32 $0xFFFFFFFF  }
0xab: {  	s26 =	simm.s32 $execute0_lowered;
	[smem:$0x3FD2] =	sst s25  }
0xac: {  	s5 =	sshll.u32 s26, $0x1;
	_ =	strace $0x8000004C;
	[dreg:$0x1] =	wrdreg $0xFFFFFFFF  }
0xad: {  	s28 =	simm.s32 $_size_execute0_lowered;
	s3 =	sadd.s32 s3, s5;
	[dreg:$0x0] =	wrdreg $0x0  }
0xae: {  	s5 =	sshll.u32 s28, $0x1;
	[dreg:$0x2] =	wrdreg s3  }
0xaf: {  	[dreg:$0x3] =	wrdreg s5  }
0xb0: {  	[dreg:$0x4] =	wrdreg $0xC0  }
0xb1: {  	_ =	task [dreg:s7], $0x5FFFF  }
0xb2: {  	[dreg:$0x1] =	wrdreg $0xFFFFFFFF  }
0xb3: {  	[dreg:$0x0] =	wrdreg $0x60  }
0xb4: {  	[dreg:$0x2] =	wrdreg s16  }
0xb5: {  	[dreg:$0x3] =	wrdreg s24  }
0xb6: {  	[dreg:$0x4] =	wrdreg $0x0  }
0xb7: {  	[dreg:$0x5] =	wrdreg $0xC  }
0xb8: {  	_ =	task.clear_ibuf [dreg:s7], $0x6FFFF;
	_ =	strace $0x9000004C  }
0xb9: {  	s29 =	simm.s32 $0xC;
	_ =	strace $0x8000004E  }
0xba: {  	_ =	swait.ge [sflag:s29], $0x1  }
0xbb: {  	[sflag:s29] =	ssyncadd.s32 $0xFFFFFFFF  }
0xbc: {  	_ =	strace $0x9000004E  }
0xbd: {  	_ =	sfence  }
0xbe: {  	s30 =	sld [smem:$0x0];
	_ =	sdelay $0x2  }
0xbf: {  	s31 =	sshll.u32 s1, $0xD;
	s1 =	sshrl.u32 s1, $0x2  }
0xc0: {  	s3 =	sand.u32 $0x4000, s31;
	s1 =	sadd.s32 s1, s30  }
0xc1: {  	s0 =	sor.u32 s3, s0;
	s1 =	sshll.u32 s1, $0x11  }
0xc2: {  	s0 =	sor.u32 s1, s0  }
0xc3: {  	s0 =	sadd.s32 $0x8F2B, s0  }
0xc4: {  	[sflag:s0] =	ssyncadd.remote.s32 $0x1  }
0xc5: {  	_ =	sfence.sel $0xFFFF  }
0xc6: {  	[dreg:$0x0] =	wrdreg $0xFFFFFFFF;
	(pc) =	sbr.abs _section_cstart, $3  }
0xc7: {  	[dreg:$0x1] =	wrdreg $0xFFFFFFFF  }
0xc8: {  	_ =	task.clear_ibuf [dreg:s7], $0x2FFFF;
	_ =	strace $0x9FFFFFFF  }
0xc9: {  	(tm) =	ssettm $0x7FFFFFFF  }
tec
execute0_lowered:
.L_overlay_start_1:
0x0: {  	(tag) =	ssettag $0x1  }
0x1: {  	s0 =	rddreg [dreg:$0x0]  }
0x2: {  	s2 =	rddreg [dreg:$0x1]  }
0x3: {  	s1 =	rddreg [dreg:$0x2]  }
0x4: {  	s3 =	simm.s32 $0x0;
	s4 =	srdreg.scid;
	s10 =	stileid.u32  }
0x5: {  	s18 =	simm.s32 $0x1;
	s19 =	simm.s32 $0x1900;
	s28 =	simm.s32 $0x5  }
0x6: {  	s29 =	simm.s32 $0x4;
	s30 =	simm.s32 $0x6;
	s31 =	simm.s32 $0x0  }
0x7: {  	[smem:$0x7FF] =	sst s3;
	s4 =	sand.u32 $0x1, s4;
	s5 =	smul.u32 $0x1900, s10  }
0x8: {  	s14 =	sadd.s32 $0x2E00, s2;
	s2 =	sadd.s32 $0x33C00, s2;
	s8 =	sshll.u32 s10, $0x1  }
0x9: {  	s22 =	sshll.u32 s10, $0x6;
	s25 =	smul.u32 $0x300, s10;
	_ =	strace $0x8000004D  }
0xa: {  	s6 =	ssub.s32 $0x2, s4;
	s20 =	sor.u32 s4, s8;
	s4 =	smul.u32 $0x180, s4  }
0xb: {  	s7 =	sshrl.u32 s6, $0x1;
	s9 =	sshrl.u32 s5, $0x3;
	s21 =	smul.u32 $0xC00, s20  }
0xc: {  	s17 =	sadd.s32 s5, s1;
	s23 =	ssub.s32 $0x228, s20;
	s8 =	smul.u32 $0x180, s20  }
0xd: {  	s5 =	sor.u32 $0x1C01, s22;
	s20 =	simm.s32 $0x7;
	s22 =	simm.s32 $0xC00  }
0xe: {  	s11 =	ssub.s32 s6, s7;
	s0 =	sadd.s32 s0, s9;
	[dreg:$0x5] =	wrdreg s5  }
0xf: {  	s6 =	sshrl.u32 s23, $0x5;
	s17 =	sshrl.u32 s17, $0x3;
	s23 =	simm.s32 $0x3100  }
0x10: {  	s0 =	sadd.s32 $0x9600, s0;
	s7 =	sadd.s32 s14, s8;
	s8 =	sadd.s32 s2, s8  }
0x11: {  	s26 =	smax.u32 s11, $0x1;
	s2 =	sadd.s32 s25, s2;
	p0 =	sne.s32 s6, $0x11  }
0x12: {  	[dreg:$0x4] =	wrdreg s0;
	s0 =	sshrl.u32 s21, $0x3;
	s24 =	sadd.s32 $0x30000, s8  }
0x13: {  	[dreg:$0x8] =	wrdreg s26;
	s12 =	sadd.s32 $0x6000, s7;
	s13 =	sadd.s32 $0x9000, s7  }
0x14: {  	s15 =	sadd.s32 s4, s2;
	s21 =	simm.s32 $0x2500;
	s0 =	sadd.s32 s14, s0  }
0x15: {  	s26 =	simm.s32 $0x3;
	[dreg:$0x7] =	wrdreg s24;
	s0 =	sadd.s32 $0x3000, s0  }
0x16: {  	s24 =	simm.s32 $0x2;
	[dreg:$0x6] =	wrdreg s0;
	s0 =	sadd.s32 s25, s14  }
0x17: {  	s14 =	sadd.s32 $0x3000, s8;
	s25 =	simm.s32 $0x3D00;
	s16 =	sadd.s32 s4, s0  }
.LBB2_1:
0x18: {  	s0 =	rddreg [dreg:$0x4]  }
0x19: {  	s2 =	rddreg [dreg:$0x5]  }
0x1a: {  	[spmem:s17], [sflag:s2] =	dma.local [hbm:s0], $0x320  }
0x1b: {  	_ =	swait.ge [sflag:s18], $0x320  }
0x1c: {  	[sflag:s18] =	ssyncset.done $0x0  }
0x1d: {  	[sflag:s18] =	ssyncadd.s32 $0xFFFFFCE0  }
0x1e: {  	[bflag:$0x0] =	sbarrier.arrive $0xFFFF  }
0x1f: {  	[tilespmem:s19], [sflag:$0x7] =	stream.linear.gather [hbm4b:s7+s3], $0xC00, $0x38;
	[tilespmem:$0x4900] =	vst v63  }
0x20: {  	_ =	swait.ge [sflag:s20], $0xC00  }
0x21: {  	[sflag:s20] =	ssyncset.done $0x0  }
0x22: {  	s9 =	rddreg [dreg:$0x6];
	[sflag:s20] =	ssyncadd.s32 $0xFFFFF400  }
0x23: {  	[tilespmem:s21], [sflag:$0x7] =	stream.linear.gather [hbm4b:s9+s3], $0xC00, $0x38;
	[tilespmem:$0x4900] =	vst v63  }
0x24: {  	_ =	swait.ge [sflag:s20], $0xC00  }
0x25: {  	[sflag:s20] =	ssyncset.done $0x0  }
0x26: {  	[sflag:s20] =	ssyncadd.s32 $0xFFFFF400  }
0x27: {  	[tilespmem:s23], [sflag:$0x2] =	stream.indirect.gather [spmem:s1], $0x1, s19, s22, $0xb8;
	[tilespmem:$0x4900] =	vst v63  }
0x28: {  	_ =	swait.ge [sflag:s24], $0xC00  }
0x29: {  	[sflag:s24] =	ssyncset.done $0x0  }
0x2a: {  	[sflag:s24] =	ssyncadd.s32 $0xFFFFF400  }
0x2b: {  	[tilespmem:s19], [sflag:$0x5] =	stream.linear.gather [hbm4b:s12+s3], $0xC00, $0x38;
	[tilespmem:$0x4900] =	vst v63  }
0x2c: {  	_ = 	snop  }
0x2d: {  	[hbm4b:s8+s3] =	stream.linear.scatter [tilespmem:s23], [sflag:$0x3], $0xC00, $0x38;
	[tilespmem:$0x4900] =	vst v63  }
0x2e: {  	_ = 	snop  }
0x2f: {  	[tilespmem:s25], [sflag:$0x2] =	stream.indirect.gather [spmem:s1], $0x1, s21, s22, $0xb8;
	[tilespmem:$0x4900] =	vst v63  }
0x30: {  	_ =	swait.ge [sflag:s24], $0xC00  }
0x31: {  	[sflag:s24] =	ssyncset.done $0x0  }
0x32: {  	[sflag:s24] =	ssyncadd.s32 $0xFFFFF400  }
0x33: {  	[tilespmem:s21], [sflag:$0x6] =	stream.linear.gather [hbm4b:s13+s3], $0xC00, $0x38;
	[tilespmem:$0x4900] =	vst v63  }
0x34: {  	_ = 	snop  }
0x35: {  	[hbm4b:s14+s3] =	stream.linear.scatter [tilespmem:s25], [sflag:$0x4], $0xC00, $0x38;
	[tilespmem:$0x4900] =	vst v63  }
0x36: {  	_ =	swait.ge [sflag:s26], $0xC00  }
0x37: {  	[sflag:s26] =	ssyncset.done $0x0  }
0x38: {  	[sflag:s26] =	ssyncadd.s32 $0xFFFFF400  }
0x39: {  	_ =	swait.ge [sflag:s28], $0xC00  }
0x3a: {  	[sflag:s28] =	ssyncset.done $0x0  }
0x3b: {  	[sflag:s28] =	ssyncadd.s32 $0xFFFFF400  }
0x3c: {  	[tilespmem:s23], [sflag:$0x2] =	stream.indirect.gather [spmem:s1], $0x1, s19, s22, $0xb8;
	[tilespmem:$0x4900] =	vst v63  }
0x3d: {  	p1 =	sle.u32 s6, $0x4;
	s10 =	sadd.s32 $0x0, s15;
	_ =	swait.ge [sflag:s24], $0xC00  }
0x3e: {  	s0 =	sadd.s32 @!p1 $0x0, s16;
	s4 =	simm.s32 @!p1 $0x1900;
	[sflag:s24] =	ssyncset.done $0x0  }
0x3f: {  	s5 =	simm.s32 @!p1 $0x0;
	s0 =	sadd.s32 @!p1 $0xC000, s0;
	[sflag:s24] =	ssyncadd.s32 $0xFFFFF400  }
0x40: {  	[tilespmem:s4], [sflag:$0x5] =	stream.linear.gather @!p1 [hbm4b:s0+s5], $0xC00, $0x38;
	[tilespmem:$0x4900] =	vst v63  }
0x41: {  	s11 =	sadd.s32 $0x6000, s10  }
0x42: {  	[hbm4b:s11+s3] =	stream.linear.scatter [tilespmem:s23], [sflag:$0x3], $0xC00, $0x38;
	[tilespmem:$0x4900] =	vst v63  }
0x43: {  	_ =	swait.ge [sflag:s29], $0xC00  }
0x44: {  	[sflag:s29] =	ssyncset.done $0x0  }
0x45: {  	[sflag:s29] =	ssyncadd.s32 $0xFFFFF400  }
0x46: {  	_ =	swait.ge [sflag:s30], $0xC00  }
0x47: {  	[sflag:s30] =	ssyncset.done $0x0  }
0x48: {  	[sflag:s30] =	ssyncadd.s32 $0xFFFFF400  }
0x49: {  	[tilespmem:s25], [sflag:$0x2] =	stream.indirect.gather [spmem:s1], $0x1, s21, s22, $0xb8;
	[tilespmem:$0x4900] =	vst v63  }
0x4a: {  	p1 =	sle.u32 s6, $0x5;
	_ =	swait.ge [sflag:s24], $0xC00  }
0x4b: {  	s0 =	sadd.s32 @!p1 $0x0, s16;
	s4 =	simm.s32 @!p1 $0x2500;
	[sflag:s24] =	ssyncset.done $0x0  }
0x4c: {  	s5 =	simm.s32 @!p1 $0x0;
	s0 =	sadd.s32 @!p1 $0xF000, s0;
	[sflag:s24] =	ssyncadd.s32 $0xFFFFF400  }
0x4d: {  	[tilespmem:s4], [sflag:$0x6] =	stream.linear.gather @!p1 [hbm4b:s0+s5], $0xC00, $0x38;
	[tilespmem:$0x4900] =	vst v63  }
0x4e: {  	s2 =	simm.s32 $0x7;
	s0 =	simm.s32 $0x6000;
	s4 =	sadd.s32 $0x9000, s10  }
.LBB2_2:
0x4f: {  	[hbm4b:s4+s3] =	stream.linear.scatter [tilespmem:s25], [sflag:$0x4], $0xC00, $0x38;
	[tilespmem:$0x4900] =	vst v63  }
0x50: {  	s4 =	smov.u32 s0;
	s0 =	sadd.s32 $0x6000, s0;
	_ =	swait.ge [sflag:s26], $0xC00  }
0x51: {  	p1 =	sne.s32 s0, $0x2A000;
	[sflag:s26] =	ssyncset.done $0x0  }
0x52: {  	[sflag:s26] =	ssyncadd.s32 $0xFFFFF400  }
0x53: {  	_ =	swait.ge [sflag:s28], $0xC00  }
0x54: {  	[sflag:s28] =	ssyncset.done $0x0  }
0x55: {  	s5 =	sadd.s32 $0xFFFFFFFF, s2;
	[sflag:s28] =	ssyncadd.s32 $0xFFFFF400  }
0x56: {  	[tilespmem:s23], [sflag:$0x2] =	stream.indirect.gather [spmem:s1], $0x1, s19, s22, $0xb8;
	[tilespmem:$0x4900] =	vst v63  }
0x57: {  	p2 =	sge.u32 s5, s6;
	s5 =	sadd.s32 s4, s15;
	_ =	swait.ge [sflag:s24], $0xC00  }
0x58: {  	s9 =	sadd.s32 @!p2 s4, s16;
	s10 =	simm.s32 @!p2 $0x1900;
	[sflag:s24] =	ssyncset.done $0x0  }
0x59: {  	s11 =	simm.s32 @!p2 $0x0;
	s9 =	sadd.s32 @!p2 $0xC000, s9;
	[sflag:s24] =	ssyncadd.s32 $0xFFFFF400  }
0x5a: {  	[tilespmem:s10], [sflag:$0x5] =	stream.linear.gather @!p2 [hbm4b:s9+s11], $0xC00, $0x38;
	[tilespmem:$0x4900] =	vst v63  }
0x5b: {  	s9 =	sadd.s32 $0x6000, s5  }
0x5c: {  	[hbm4b:s9+s3] =	stream.linear.scatter [tilespmem:s23], [sflag:$0x3], $0xC00, $0x38;
	[tilespmem:$0x4900] =	vst v63  }
0x5d: {  	_ =	swait.ge [sflag:s29], $0xC00  }
0x5e: {  	[sflag:s29] =	ssyncset.done $0x0  }
0x5f: {  	[sflag:s29] =	ssyncadd.s32 $0xFFFFF400  }
0x60: {  	_ =	swait.ge [sflag:s30], $0xC00  }
0x61: {  	[sflag:s30] =	ssyncset.done $0x0  }
0x62: {  	[sflag:s30] =	ssyncadd.s32 $0xFFFFF400  }
0x63: {  	[tilespmem:s25], [sflag:$0x2] =	stream.indirect.gather [spmem:s1], $0x1, s21, s22, $0xb8;
	[tilespmem:$0x4900] =	vst v63  }
.Ltmp0:
0x64: {  	p2 =	sge.u32 s2, s6;
	_ =	swait.ge [sflag:s24], $0xC00;
	(pc) =	sbr.rel @p1 .LBB2_2-.Ltmp0, $4  }
0x65: {  	s4 =	sadd.s32 @!p2 s4, s16;
	s9 =	simm.s32 @!p2 $0x2500;
	[sflag:s24] =	ssyncset.done $0x0  }
0x66: {  	s10 =	simm.s32 @!p2 $0x0;
	s4 =	sadd.s32 @!p2 $0xF000, s4;
	[sflag:s24] =	ssyncadd.s32 $0xFFFFF400  }
0x67: {  	[tilespmem:s9], [sflag:$0x6] =	stream.linear.gather @!p2 [hbm4b:s4+s10], $0xC00, $0x38;
	[tilespmem:$0x4900] =	vst v63  }
0x68: {  	s2 =	sadd.s32 $0x2, s2;
	s4 =	sadd.s32 $0x9000, s5  }
0x69: {  	[hbm4b:s4+s3] =	stream.linear.scatter [tilespmem:s25], [sflag:$0x4], $0xC00, $0x38;
	[tilespmem:$0x4900] =	vst v63  }
0x6a: {  	s0 =	simm.s32 @!p0 $0x3  }
0x6b: {  	_ =	swait.ge @!p0 [sflag:s0], $0xC00  }
0x6c: {  	[sflag:s0] =	ssyncset.done @!p0 $0x0  }
0x6d: {  	[sflag:s0] =	ssyncadd.s32 @!p0 $0xFFFFF400;
	s0 =	simm.s32 @!p0 $0x5  }
0x6e: {  	_ =	swait.ge @!p0 [sflag:s0], $0xC00  }
0x6f: {  	s2 =	simm.s32 @!p0 $0x1900;
	[sflag:s0] =	ssyncset.done @!p0 $0x0  }
0x70: {  	s4 =	simm.s32 @!p0 $0x3100;
	[sflag:s0] =	ssyncadd.s32 @!p0 $0xFFFFF400;
	s0 =	simm.s32 @!p0 $0xC00  }
0x71: {  	[tilespmem:s4], [sflag:$0x2] =	stream.indirect.gather @!p0 [spmem:s1], $0x1, s2, s0, $0xb8;
	[tilespmem:$0x4900] =	vst v63  }
0x72: {  	s0 =	simm.s32 @!p0 $0x2  }
0x73: {  	_ =	swait.ge @!p0 [sflag:s0], $0xC00  }
0x74: {  	[sflag:s0] =	ssyncset.done @!p0 $0x0  }
0x75: {  	s2 =	rddreg [dreg:$0x7];
	[sflag:s0] =	ssyncadd.s32 @!p0 $0xFFFFF400;
	s0 =	simm.s32 @!p0 $0x0  }
0x76: {  	[hbm4b:s2+s0] =	stream.linear.scatter @!p0 [tilespmem:s4], [sflag:$0x7], $0xC00, $0x38;
	[tilespmem:$0x4900] =	vst v63  }
0x77: {  	s0 =	simm.s32 @!p0 $0x7  }
0x78: {  	s0 =	simm.s32 @p0 $0x3  }
0x79: {  	_ =	swait.ge [sflag:s0], $0xC00  }
0x7a: {  	[sflag:s0] =	ssyncset.done $0x0  }
0x7b: {  	[sflag:s0] =	ssyncadd.s32 $0xFFFFF400  }
0x7c: {  	_ =	swait.ge [sflag:s29], $0xC00  }
0x7d: {  	s31 =	sadd.s32 $0x1, s31;
	s11 =	rddreg [dreg:$0x8]  }
0x7e: {  	p1 =	sne.s32 s31, s11  }
.Ltmp1:
0x7f: {  	_ = 	snop;
	(pc) =	sbr.rel @p1 .LBB2_1-.Ltmp1, $3  }
0x80: {  	_ =	sdelay $0x1  }
0x81: {  	[sflag:s29] =	ssyncset.done $0x0  }
0x82: {  	[sflag:s29] =	ssyncadd.s32 $0xFFFFF400  }
0x83: {  	_ =	sfence.sel $0x180000  }
0x84: {  	[bflag:$0x0] =	sbarrier.arrive $0xFFFF  }
0x85: {  	_ =	strace $0x9000004D  }
0x86: {  	s0 =	stileid.u32;
	[bflag:$0x2] =	sbarrier.arrive $0xFFFF  }
0x87: {  	p0 =	sne.s32 s0, $0x0;
	s0 =	rddreg [dreg:$0x3]  }
0x88: {  	s0 =	sadd.s32 @!p0 $0x100000, s0  }
0x89: {  	[sflag:s0] =	ssyncadd.tile.s32 @!p0 $0x1;
	_ =	shalt  }
.Lfunc_end2:
_tile_overlayer_lowered:
.L_overlay_start_2:
0x8a: {  	(tag) =	ssettag $0x2  }
0x8b: {  	s0 =	rddreg [dreg:$0x0];
	s2 =	stileid.u32  }
0x8c: {  	s1 =	rddreg [dreg:$0x1];
	p0 =	sne.s32 s2, $0x0  }
0x8d: {  	s3 =	rddreg [dreg:$0x2];
	[bflag:$0x3] =	sbarrier.arrive $0xFFFF;
	s2 =	simm.s32 @!p0 $0x1C07  }
0x8e: {  	[timem:s3], [sflag:s2] =	dma.local @!p0 [hbm:s0], s1  }
0x8f: {  	s0 =	simm.s32 @!p0 $0x7  }
0x90: {  	_ =	swait.ge @!p0 [sflag:s0], s1  }
0x91: {  	s1 =	ssub.s32 @!p0 $0x0, s1;
	[sflag:s0] =	ssyncset.done @!p0 $0x0  }
0x92: {  	[sflag:s0] =	ssyncadd.s32 @!p0 s1  }
0x93: {  	[bflag:$0x3] =	sbarrier.arrive $0xFFFF  }
0x94: {  	_ =	shalt  }

// kernel: kernel.8.cloned.1.call-start
scs
__scs_entry_jumppad:
0x0: {  	(pc) =	sbr.rel $0x88, $3  }
0x1: {  	(tag) =	ssettag $0x0;
	lr =	simm.s32 $0x1  }
0x2: {  	[smem:$0x3F9B] =	sst lr;
	_ =	strace $0xD0000000  }
0x3: {  	_ = 	snop  }
0x4: {  	_ = 	snop  }
0x5: {  	_ = 	snop  }
0x6: {  	_ = 	snop  }
0x7: {  	_ = 	snop  }
__scs_overlays_trampoline_lowered:
0x8: {  	[smem:$0x3FAA] =	sst s0  }
0x9: {  	[smem:$0x3FAB] =	sst s1  }
0xa: {  	[smem:$0x3FAC] =	sst s2  }
0xb: {  	[smem:$0x3FAD] =	sst s3  }
0xc: {  	[smem:$0x3FAE] =	sst s4  }
0xd: {  	[smem:$0x3FAF] =	sst s5  }
0xe: {  	[smem:$0x3FB0] =	sst s6  }
0xf: {  	[smem:$0x3FB1] =	sst s7  }
0x10: {  	[smem:$0x3FB2] =	sst s8  }
0x11: {  	[smem:$0x3FB3] =	sst s9;
	s0 =	simm.s32 @!p0 $0x0  }
0x12: {  	s1 =	sld [smem:$0x3F99];
	s0 =	simm.s32 @p0 $0x1  }
0x13: {  	[smem:$0x3FB4] =	sst s0;
	s0 =	simm.s32 @!p1 $0x0  }
0x14: {  	s2 =	sld [smem:$0x3F98];
	s0 =	simm.s32 @p1 $0x1  }
0x15: {  	[smem:$0x3FB5] =	sst s0;
	s0 =	simm.s32 @!p2 $0x0  }
0x16: {  	s3 =	sld [smem:$0x3FDB];
	s0 =	simm.s32 @p2 $0x1  }
0x17: {  	s4 =	simm.s32 $0x1BF5;
	[smem:$0x3FB7] =	sst s0  }
0x18: {  	s0 =	sld [smem:$0x3F9A];
	_ =	swait.ge [sflag:s4], $0x0  }
0x19: {  	s7 =	sld [smem:$0x3F9B]  }
0x1a: {  	s8 =	sadd.s32 $0xFFFFE003, lr  }
0x1b: {  	s9 =	sadd.s32 $0xFFFFFEF7, lr;
	s5 =	simm.s32 $0xFFFFFFFF;
	p2 =	slt.u32 s8, $0xFFFFF086  }
0x1c: {  	p1 =	slt.u32 s9, $0xF7A;
	s5 =	simm.s32 @!p2 $0x0  }
0x1d: {  	s5 =	simm.s32 @p1 $0x1;
	p0 =	seq.s32 s7, s2  }
0x1e: {  	s7 =	smul.u32 @!p0 $0xF7A, s2;
	p2 =	seq.s32 @!p0 s5, $0x0  }
0x1f: {  	s9 =	smul.u32 $0xF7A, s1;
	s8 =	simm.s32 @!p0 $0x1BF5;
	p2 =	por !p2, p0  }
0x20: {  	[sflag:s8] =	ssyncset.s32 @!p0 $0xFFFFF086;
	s6 =	sadd.s32 @!p0 s3, s7;
	s7 =	simm.s32 @!p0 $0x108  }
0x21: {  	s3 =	sadd.s32 s3, s9;
	s6 =	sadd.s32 @!p0 $0x88, s6;
	s7 =	simm.s32 @p2 $0x1082  }
0x22: {  	[simem:s7], [sflag:s8] =	dma.local @!p0 [hbm:s6], $0xF7A  }
0x23: {  	s9 =	sor.u32 $0xD0000000, s2;
	s6 =	simm.s32 $0x108;
	_ =	swait.ge @!p0 [sflag:s8], $0x0  }
0x24: {  	s3 =	sadd.s32 $0x88, s3;
	s6 =	simm.s32 @!p1 $0x1082;
	[sflag:s4] =	ssyncset.s32 $0xFFFFF086  }
0x25: {  	[simem:s6], [sflag:s4] =	dma.local [hbm:s3], $0xF7A  }
0x26: {  	[smem:$0x3F9B] =	sst s1;
	(tag) =	ssettag s2;
	_ =	strace s9  }
0x27: {  	s1 =	sld [smem:$0x3FAB]  }
0x28: {  	s2 =	sld [smem:$0x3FAC]  }
0x29: {  	s4 =	sld [smem:$0x3FAE]  }
0x2a: {  	p0 =	seq.s32 s5, $0x0;
	s5 =	sld [smem:$0x3FAF]  }
0x2b: {  	s6 =	sld [smem:$0x3FB0]  }
0x2c: {  	s7 =	sld [smem:$0x3FB1]  }
0x2d: {  	s3 =	simm.s32 $0x108;
	s8 =	sld [smem:$0x3FB2]  }
0x2e: {  	s3 =	simm.s32 @!p0 $0x1082;
	s9 =	sld [smem:$0x3FB3]  }
0x2f: {  	lr =	sadd.s32 s0, s3;
	s0 =	sld [smem:$0x3FAA]  }
0x30: {  	s3 =	sld [smem:$0x3FAD]  }
0x31: {  	[smem:$0x3FB6] =	sst s10  }
0x32: {  	s10 =	sld [smem:$0x3FB4];
	_ =	sdelay $0x3  }
0x33: {  	p0 =	seq.s32 s10, $0x1;
	s10 =	sld [smem:$0x3FB6];
	_ =	sdelay $0x3  }
0x34: {  	[smem:$0x3FB6] =	sst s10  }
0x35: {  	s10 =	sld [smem:$0x3FB5];
	_ =	sdelay $0x3  }
0x36: {  	p1 =	seq.s32 s10, $0x1;
	s10 =	sld [smem:$0x3FB6];
	_ =	sdelay $0x3  }
0x37: {  	[smem:$0x3FB6] =	sst s10  }
0x38: {  	s10 =	sld [smem:$0x3FB7]  }
0x39: {  	_ = 	snop;
	(pc) =	sbr.ind lr, $3  }
0x3a: {  	_ = 	snop  }
0x3b: {  	_ = 	snop  }
0x3c: {  	p2 =	seq.s32 s10, $0x1;
	s10 =	sld [smem:$0x3FB6]  }
0x3d: {  	_ =	shalt  }
0x3e: {  	_ =	shalt  }
0x3f: {  	_ =	shalt  }
0x40: {  	_ =	shalt  }
0x41: {  	_ =	shalt  }
0x42: {  	_ =	shalt  }
0x43: {  	_ =	shalt  }
0x44: {  	_ =	shalt  }
0x45: {  	_ =	shalt  }
0x46: {  	_ =	shalt  }
0x47: {  	_ =	shalt  }
0x48: {  	_ =	shalt  }
0x49: {  	_ =	shalt  }
0x4a: {  	_ =	shalt  }
0x4b: {  	_ =	shalt  }
0x4c: {  	_ =	shalt  }
0x4d: {  	_ =	shalt  }
0x4e: {  	_ =	shalt  }
0x4f: {  	_ =	shalt  }
0x50: {  	_ =	shalt  }
0x51: {  	_ =	shalt  }
0x52: {  	_ =	shalt  }
0x53: {  	_ =	shalt  }
0x54: {  	_ =	shalt  }
0x55: {  	_ =	shalt  }
0x56: {  	_ =	shalt  }
0x57: {  	_ =	shalt  }
0x58: {  	_ =	shalt  }
0x59: {  	_ =	shalt  }
0x5a: {  	_ =	shalt  }
0x5b: {  	_ =	shalt  }
0x5c: {  	_ =	shalt  }
0x5d: {  	_ =	shalt  }
0x5e: {  	_ =	shalt  }
0x5f: {  	_ =	shalt  }
0x60: {  	_ =	shalt  }
0x61: {  	_ =	shalt  }
0x62: {  	_ =	shalt  }
0x63: {  	_ =	shalt  }
0x64: {  	_ =	shalt  }
0x65: {  	_ =	shalt  }
0x66: {  	_ =	shalt  }
0x67: {  	_ =	shalt  }
0x68: {  	_ =	shalt  }
0x69: {  	_ =	shalt  }
0x6a: {  	_ =	shalt  }
0x6b: {  	_ =	shalt  }
0x6c: {  	_ =	shalt  }
0x6d: {  	_ =	shalt  }
0x6e: {  	_ =	shalt  }
0x6f: {  	_ =	shalt  }
0x70: {  	_ =	shalt  }
0x71: {  	_ =	shalt  }
0x72: {  	_ =	shalt  }
0x73: {  	_ =	shalt  }
0x74: {  	_ =	shalt  }
0x75: {  	_ =	shalt  }
0x76: {  	_ =	shalt  }
0x77: {  	_ =	shalt  }
0x78: {  	_ =	shalt  }
0x79: {  	_ =	shalt  }
0x7a: {  	_ =	shalt  }
0x7b: {  	_ =	shalt  }
0x7c: {  	_ =	shalt  }
0x7d: {  	_ =	shalt  }
0x7e: {  	_ =	shalt  }
0x7f: {  	_ =	shalt  }
0x80: {  	_ =	shalt  }
0x81: {  	_ =	shalt  }
0x82: {  	_ =	shalt  }
0x83: {  	_ =	shalt  }
0x84: {  	_ =	shalt  }
0x85: {  	_ =	shalt  }
0x86: {  	_ =	shalt  }
0x87: {  	_ =	shalt  }
.Lfunc_end0:
.L_simem_size_0:
called_computation_lowered:
.L_overlay_start_0:
0x88: {  	s2 =	sld [smem:$0x3FD9]  }
0x89: {  	s3 =	sld [smem:$0x3FFE];
	_ =	sdelay $0x1  }
0x8a: {  	s1 =	srdreg.scid  }
0x8b: {  	s0 =	sand.u32 $0x1, s1  }
0x8c: {  	s14 =	sshll.u32 s0, $0xA;
	s2 =	sadd.s32 s3, s2  }
0x8d: {  	s2 =	sadd.s32 s2, s14  }
0x8e: {  	[smem:$0x3FC2] =	sst s2  }
0x8f: {  	_ = 	snop  }
0x90: {  	s2 =	sld [smem:$0x3FD0];
	_ =	sdelay $0x2  }
0x91: {  	s15 =	simm.s32 $0xD;
	s4 =	simm.s32 $0x10  }
0x92: {  	[smem:s4], [sflag:s15] =	dma.local [hbm:s2], $0x1  }
0x93: {  	_ =	swait.eq [sflag:s15], $0x1  }
0x94: {  	[sflag:s15] =	ssyncset.done $0x0  }
0x95: {  	[sflag:s15] =	ssyncadd.s32 $0xFFFFFFFF  }
0x96: {  	s16 =	sld [smem:$0x13];
	(tm) =	ssettm $0x1  }
0x97: {  	s17 =	sld [smem:$0x3FFB];
	_ =	sdelay $0x3  }
0x98: {  	_ =	strace s17  }
0x99: {  	s3 =	sld [smem:$0x3FFC];
	_ =	sdelay $0x3  }
0x9a: {  	_ =	strace s3  }
0x9b: {  	s3 =	sld [smem:$0x3FFD];
	_ =	sdelay $0x3  }
0x9c: {  	_ =	strace s3  }
0x9d: {  	_ =	strace $0x8FFFFFFF  }
0x9e: {  	s18 =	sld [smem:$0x3FDB];
	_ =	sdelay $0x1  }
0x9f: {  	s19 =	simm.s32 $_scs_section_size  }
0xa0: {  	s5 =	simm.s32 $_size__tile_overlayer_lowered;
	s6 =	simm.s32 $_tile_overlayer_lowered  }
0xa1: {  	s22 =	simm.s32 $0x1BFF;
	s21 =	sshll.u32 s6, $0x1;
	s3 =	sadd.s32 s19, s18  }
0xa2: {  	s7 =	simm.s32 $0x0;
	s20 =	sshll.u32 s5, $0x1;
	s5 =	sadd.s32 s21, s3  }
0xa3: {  	[timem:s7], [sflag:s22] =	dma.local [hbm:s5], s20  }
0xa4: {  	_ =	swait.ge [sflag:s22], s20  }
0xa5: {  	s4 =	ssub.s32 $0x0, s20;
	[sflag:s22] =	ssyncset.done $0x0  }
0xa6: {  	[sflag:s22] =	ssyncadd.s32 s4;
	_ =	sdelay $0x1  }
0xa7: {  	s23 =	simm.s32 $0x1B8B  }
0xa8: {  	_ =	swait.ge [sflag:s23], $0x1  }
0xa9: {  	[sflag:s23] =	ssyncset.done $0x0  }
0xaa: {  	s25 =	simm.s32 $0x1B8E;
	s24 =	sld [smem:$0x3FFE];
	[sflag:s23] =	ssyncadd.s32 $0xFFFFFFFF  }
0xab: {  	s26 =	simm.s32 $execute0_lowered;
	[smem:$0x3FD2] =	sst s25  }
0xac: {  	s5 =	sshll.u32 s26, $0x1;
	_ =	strace $0x80000046;
	[dreg:$0x1] =	wrdreg $0xFFFFFFFF  }
0xad: {  	s28 =	simm.s32 $_size_execute0_lowered;
	s3 =	sadd.s32 s3, s5;
	[dreg:$0x0] =	wrdreg $0x0  }
0xae: {  	s5 =	sshll.u32 s28, $0x1;
	[dreg:$0x2] =	wrdreg s3  }
0xaf: {  	[dreg:$0x3] =	wrdreg s5  }
0xb0: {  	[dreg:$0x4] =	wrdreg $0xC0  }
0xb1: {  	_ =	task [dreg:s7], $0x5FFFF  }
0xb2: {  	[dreg:$0x1] =	wrdreg $0xFFFFFFFF  }
0xb3: {  	[dreg:$0x0] =	wrdreg $0x60  }
0xb4: {  	[dreg:$0x2] =	wrdreg s24  }
0xb5: {  	[dreg:$0x3] =	wrdreg s16  }
0xb6: {  	[dreg:$0x4] =	wrdreg $0x0  }
0xb7: {  	[dreg:$0x5] =	wrdreg $0x9  }
0xb8: {  	_ =	task.clear_ibuf [dreg:s7], $0x6FFFF;
	_ =	strace $0x90000046  }
0xb9: {  	s29 =	simm.s32 $0x9;
	_ =	strace $0x80000048  }
0xba: {  	_ =	swait.ge [sflag:s29], $0x1  }
0xbb: {  	[sflag:s29] =	ssyncadd.s32 $0xFFFFFFFF  }
0xbc: {  	_ =	strace $0x90000048  }
0xbd: {  	_ =	sfence  }
0xbe: {  	s30 =	sld [smem:$0x0];
	_ =	sdelay $0x2  }
0xbf: {  	s31 =	sshll.u32 s1, $0xD;
	s1 =	sshrl.u32 s1, $0x2  }
0xc0: {  	s3 =	sand.u32 $0x4000, s31;
	s1 =	sadd.s32 s1, s30  }
0xc1: {  	s0 =	sor.u32 s3, s0;
	s1 =	sshll.u32 s1, $0x11  }
0xc2: {  	s0 =	sor.u32 s1, s0  }
0xc3: {  	s0 =	sadd.s32 $0x8F2B, s0  }
0xc4: {  	[sflag:s0] =	ssyncadd.remote.s32 $0x1  }
0xc5: {  	_ =	sfence.sel $0xFFFF  }
0xc6: {  	[dreg:$0x0] =	wrdreg $0xFFFFFFFF;
	(pc) =	sbr.abs _section_cstart, $3  }
0xc7: {  	[dreg:$0x1] =	wrdreg $0xFFFFFFFF  }
0xc8: {  	_ =	task.clear_ibuf [dreg:s7], $0x2FFFF;
	_ =	strace $0x9FFFFFFF  }
0xc9: {  	(tm) =	ssettm $0x7FFFFFFF  }
tec
execute0_lowered:
.L_overlay_start_1:
0x0: {  	(tag) =	ssettag $0x1  }
0x1: {  	s6 =	rddreg [dreg:$0x0]  }
0x2: {  	s12 =	rddreg [dreg:$0x1]  }
0x3: {  	s1 =	rddreg [dreg:$0x2]  }
0x4: {  	s0 =	rddreg [dreg:$0x3];
	s2 =	simm.s32 $0x0  }
0x5: {  	s5 =	srdreg.scid;
	s3 =	stileid.u32;
	s15 =	simm.s32 $0x3  }
0x6: {  	s16 =	simm.s32 $0x3200;
	s17 =	simm.s32 $0x3E00;
	s18 =	simm.s32 $0x4A00  }
0x7: {  	s19 =	simm.s32 $0x5000;
	s20 =	simm.s32 $0x1;
	s21 =	simm.s32 $0x600  }
0x8: {  	s22 =	simm.s32 $0x5600;
	s23 =	simm.s32 $0x5C00;
	s24 =	simm.s32 $0x2  }
0x9: {  	[smem:$0x7FF] =	sst s2;
	s4 =	sadd.s32 $0x2E00, s6;
	s7 =	sand.u32 $0x1, s5  }
0xa: {  	s5 =	sadd.s32 $0x33C00, s6;
	s9 =	smul.u32 $0x3200, s3;
	s11 =	sshll.u32 s3, $0x1  }
0xb: {  	s6 =	sadd.s32 $0x64A00, s6;
	_ =	strace $0x80000047;
	s8 =	ssub.s32 $0x2, s7  }
0xc: {  	s13 =	smul.u32 $0x32000, s7;
	s7 =	sor.u32 s7, s11;
	s10 =	sshrl.u32 s8, $0x1  }
0xd: {  	s30 =	ssub.s32 $0x228, s7;
	s11 =	smul.u32 $0x180, s7;
	s14 =	ssub.s32 s8, s10  }
0xe: {  	s31 =	sadd.s32 s9, s13;
	s8 =	sshrl.u32 s30, $0x5;
	s9 =	sadd.s32 s9, s1  }
0xf: {  	s13 =	sshrl.u32 s31, $0x3;
	s10 =	sadd.s32 s4, s11;
	s11 =	sadd.s32 s5, s11  }
0x10: {  	v0 =	vimm.f32 $0.0e+00;
	s12 =	sadd.s32 s12, s13;
	s13 =	smax.u32 s14, $0x1;
	s14 =	simm.s32 $0x6200  }
.LBB2_1:
0x11: {  	s25 =	simm.s32 $0x40;
	s26 =	simm.s32 $0x0  }
.LBB2_2:
0x12: {  	p0 =	sne.s32 s25, $0xC7C0;
	[tilespmem:s26+$0x6200] =	vst v0;
	s26 =	smov.u32 s25;
	s25 =	sadd.s32 $0x40, s25  }
.Ltmp0:
0x13: {  	(pc) =	sbr.rel @p0 .LBB2_2-.Ltmp0, $2  }
0x14: {  	_ =	sdelay $0x2  }
0x15: {  	s26 =	sshra.s32 s26, $0x2  }
0x16: {  	[tilespmem:s26+$0x6200] =	vst v0  }
0x17: {  	[spmem:s9] =	stream.linear.scatter [tilespmem:s14], [sflag:$0x3], $0x3200, $0x38;
	[tilespmem:$0x9400] =	vst v63  }
0x18: {  	_ =	swait.ge [sflag:s15], $0x3200  }
0x19: {  	[sflag:s15] =	ssyncset.done $0x0  }
0x1a: {  	[sflag:s15] =	ssyncadd.s32 $0xFFFFCE00  }
0x1b: {  	s25 =	simm.s32 $0x0;
	[bflag:$0x0] =	sbarrier.arrive $0xFFFF  }
0x1c: {  	[tilespmem:s16], [sflag:$0x3] =	stream.linear.gather [hbm4b:s10+s25], $0xC00, $0x38;
	[tilespmem:$0x9400] =	vst v63  }
0x1d: {  	_ =	swait.ge [sflag:s15], $0xC00  }
0x1e: {  	[sflag:s15] =	ssyncset.done $0x0  }
0x1f: {  	[sflag:s15] =	ssyncadd.s32 $0xFFFFF400  }
0x20: {  	[tilespmem:s17], [sflag:$0x3] =	stream.linear.gather [hbm4b:s11+s25], $0xC00, $0x38;
	[tilespmem:$0x9400] =	vst v63  }
0x21: {  	_ =	swait.ge [sflag:s15], $0xC00  }
0x22: {  	[sflag:s15] =	ssyncset.done $0x0  }
0x23: {  	s26 =	simm.s32 $0x0;
	[sflag:s15] =	ssyncadd.s32 $0xFFFFF400  }
.LBB2_4:
0x24: {  	p0 =	seq.s32 s26, $0x0  }
0x25: {  	s28 =	simm.s32 @!p0 $0x1  }
0x26: {  	s29 =	sshll.u32 s26, $0x5;
	_ =	swait.ge @!p0 [sflag:s28], $0xC00  }
0x27: {  	s29 =	sor.u32 s7, s29;
	[sflag:s28] =	ssyncset.done @!p0 $0x0  }
0x28: {  	s29 =	smul.u32 $0xC00, s29;
	[sflag:s28] =	ssyncadd.s32 @!p0 $0xFFFFF400  }
0x29: {  	_ =	swait.ge @!p0 [sflag:s28], $0xC00  }
0x2a: {  	s30 =	sshrl.u32 s29, $0x3;
	[sflag:s28] =	ssyncset.done @!p0 $0x0  }
0x2b: {  	[sflag:s28] =	ssyncadd.s32 @!p0 $0xFFFFF400;
	s28 =	sadd.s32 s6, s30  }
0x2c: {  	[tilespmem:s18], [sflag:$0x1] =	stream.linear.gather [hbm4b:s28+s25], $0x600, $0x38;
	[tilespmem:$0x9400] =	vst v63  }
0x2d: {  	s28 =	sadd.s32 $0x600, s29  }
0x2e: {  	s28 =	sshrl.u32 s28, $0x3  }
0x2f: {  	s28 =	sadd.s32 s6, s28  }
0x30: {  	[tilespmem:s19], [sflag:$0x1] =	stream.linear.gather [hbm4b:s28+s25], $0x600, $0x38;
	[tilespmem:$0x9400] =	vst v63  }
0x31: {  	s28 =	simm.s32 $0x0  }
0x32: {  	v1 =	vld [tilespmem:s28+$0x3E70]  }
0x33: {  	v2 =	vld [tilespmem:s28+$0x3E00]  }
0x34: {  	v3 =	vld [tilespmem:s28+$0x3270]  }
0x35: {  	v4 =	vld [tilespmem:s28+$0x3E10]  }
0x36: {  	v5 =	vld [tilespmem:s28+$0x3E20]  }
0x37: {  	v7 =	vld [tilespmem:s28+$0x3E30]  }
0x38: {  	v10 =	vld [tilespmem:s28+$0x3E40];
	v1 =	vmul.u32 $0x19000, v1  }
0x39: {  	v11 =	vld [tilespmem:s28+$0x3E50]  }
0x3a: {  	v12 =	vld [tilespmem:s28+$0x3E60];
	v1 =	vadd.s32 v3, v1  }
0x3b: {  	[tilespmem:s28+$0x5670] =	vst v1;
	v1 =	vld [tilespmem:s28+$0x3200]  }
0x3c: {  	v13 =	vld [tilespmem:s28+$0x3210]  }
0x3d: {  	v8 =	vld [tilespmem:s28+$0x3220]  }
0x3e: {  	v6 =	vld [tilespmem:s28+$0x3230];
	v2 =	vmul.u32 $0x19000, v2  }
0x3f: {  	v14 =	vmul.u32 $0x19000, v4;
	v9 =	vmul.u32 $0x19000, v5;
	v3 =	vld [tilespmem:s28+$0x3240]  }
0x40: {  	v4 =	vld [tilespmem:s28+$0x3250];
	v7 =	vmul.u32 $0x19000, v7;
	v5 =	vmul.u32 $0x19000, v10;
	v1 =	vadd.s32 v1, v2  }
0x41: {  	s30 =	simm.s32 $0x400;
	s29 =	simm.s32 $0x80;
	v10 =	vld [tilespmem:s28+$0x3260];
	v2 =	vmul.u32 $0x19000, v11;
	v11 =	vadd.s32 v13, v14;
	[tilespmem:s28+$0x5600] =	vst v1;
	v1 =	vmul.u32 $0x19000, v12  }
.LBB2_5:
0x42: {  	p0 =	sne.s32 s30, $0x1600;
	v12 =	vld [tilespmem:s29+$0x3E70];
	[tilespmem:s28+$0x5610] =	vst v11;
	v8 =	vadd.s32 v8, v9  }
0x43: {  	v9 =	vld [tilespmem:s29+$0x3E00];
	[tilespmem:s28+$0x5620] =	vst v8;
	v6 =	vadd.s32 v6, v7  }
0x44: {  	v7 =	vld [tilespmem:s29+$0x3270];
	[tilespmem:s28+$0x5630] =	vst v6;
	v3 =	vadd.s32 v3, v5  }
0x45: {  	v5 =	vld [tilespmem:s29+$0x3E10];
	[tilespmem:s28+$0x5640] =	vst v3;
	v2 =	vadd.s32 v4, v2  }
0x46: {  	v3 =	vld [tilespmem:s29+$0x3E20];
	[tilespmem:s28+$0x5650] =	vst v2;
	v1 =	vadd.s32 v10, v1  }
0x47: {  	v2 =	vld [tilespmem:s29+$0x3E30];
	v4 =	vmul.u32 $0x19000, v12;
	[tilespmem:s28+$0x5660] =	vst v1;
	s28 =	smov.u32 s29  }
0x48: {  	v10 =	vmul.u32 $0x19000, v9;
	v1 =	vld [tilespmem:s28+$0x3E40]  }
0x49: {  	v11 =	vld [tilespmem:s28+$0x3E50];
	v4 =	vadd.s32 v7, v4  }
0x4a: {  	v12 =	vmul.u32 $0x19000, v5;
	v13 =	vld [tilespmem:s28+$0x3E60];
	[tilespmem:s28+$0x5670] =	vst v4  }
0x4b: {  	v4 =	vld [tilespmem:s28+$0x3200];
	v9 =	vmul.u32 $0x19000, v3  }
0x4c: {  	v14 =	vld [tilespmem:s28+$0x3210];
	v7 =	vmul.u32 $0x19000, v2  }
.Ltmp1:
0x4d: {  	v8 =	vld [tilespmem:s28+$0x3220];
	v5 =	vmul.u32 $0x19000, v1;
	(pc) =	sbr.rel @p0 .LBB2_5-.Ltmp1, $4  }
0x4e: {  	v6 =	vld [tilespmem:s28+$0x3230];
	v2 =	vmul.u32 $0x19000, v11  }
0x4f: {  	v3 =	vld [tilespmem:s28+$0x3240];
	v1 =	vmul.u32 $0x19000, v13  }
0x50: {  	v10 =	vadd.s32 v4, v10;
	v4 =	vld [tilespmem:s28+$0x3250]  }
0x51: {  	s29 =	sshra.s32 s30, $0x2;
	s30 =	sadd.s32 $0x200, s30;
	[tilespmem:s28+$0x5600] =	vst v10;
	v11 =	vadd.s32 v14, v12;
	v10 =	vld [tilespmem:s28+$0x3260]  }
0x52: {  	v12 =	vld [tilespmem:s29+$0x3E70];
	[tilespmem:s28+$0x5610] =	vst v11;
	v8 =	vadd.s32 v8, v9  }
0x53: {  	v9 =	vld [tilespmem:s29+$0x3E00];
	[tilespmem:s28+$0x5620] =	vst v8;
	v6 =	vadd.s32 v6, v7  }
0x54: {  	v7 =	vld [tilespmem:s29+$0x3270];
	[tilespmem:s28+$0x5630] =	vst v6;
	v3 =	vadd.s32 v3, v5  }
0x55: {  	v5 =	vld [tilespmem:s29+$0x3E10];
	[tilespmem:s28+$0x5640] =	vst v3;
	v2 =	vadd.s32 v4, v2  }
0x56: {  	v3 =	vld [tilespmem:s29+$0x3E20];
	[tilespmem:s28+$0x5650] =	vst v2;
	v1 =	vadd.s32 v10, v1  }
0x57: {  	v2 =	vld [tilespmem:s29+$0x3E30];
	[tilespmem:s28+$0x5660] =	vst v1  }
0x58: {  	v1 =	vmul.u32 $0x19000, v12;
	v4 =	vld [tilespmem:s29+$0x3E40]  }
0x59: {  	v6 =	vld [tilespmem:s29+$0x3E50]  }
0x5a: {  	v8 =	vld [tilespmem:s29+$0x3210];
	v1 =	vadd.s32 v7, v1  }
0x5b: {  	[tilespmem:s29+$0x5670] =	vst v1;
	v1 =	vld [tilespmem:s29+$0x3200]  }
0x5c: {  	v10 =	vld [tilespmem:s29+$0x3220]  }
0x5d: {  	v11 =	vld [tilespmem:s29+$0x3230]  }
0x5e: {  	v9 =	vmul.u32 $0x19000, v9;
	v62 =	vld [tilespmem:s29+$0x3240]  }
0x5f: {  	v7 =	vld [tilespmem:s29+$0x3E60];
	v5 =	vmul.u32 $0x19000, v5  }
0x60: {  	v3 =	vmul.u32 $0x19000, v3;
	v1 =	vadd.s32 v1, v9;
	v9 =	vld [tilespmem:s29+$0x3250]  }
0x61: {  	[tilespmem:s29+$0x5600] =	vst v1;
	v1 =	vmul.u32 $0x19000, v2;
	v2 =	vadd.s32 v8, v5;
	v5 =	vld [tilespmem:s29+$0x3260]  }
0x62: {  	v4 =	vmul.u32 $0x19000, v4;
	[tilespmem:s29+$0x5610] =	vst v2;
	v2 =	vadd.s32 v10, v3  }
0x63: {  	v3 =	vmul.u32 $0x19000, v6;
	[tilespmem:s29+$0x5620] =	vst v2;
	v1 =	vadd.s32 v11, v1  }
0x64: {  	v2 =	vmul.u32 $0x19000, v7;
	[tilespmem:s29+$0x5630] =	vst v1;
	v1 =	vadd.s32 v62, v4  }
0x65: {  	[tilespmem:s29+$0x5640] =	vst v1;
	v1 =	vadd.s32 v9, v3  }
0x66: {  	[tilespmem:s29+$0x5650] =	vst v1;
	v1 =	vadd.s32 v5, v2  }
0x67: {  	[tilespmem:s29+$0x5660] =	vst v1  }
0x68: {  	_ =	swait.ge [sflag:s20], $0x600  }
0x69: {  	[sflag:s20] =	ssyncset.done $0x0  }
0x6a: {  	[sflag:s20] =	ssyncadd.s32 $0xFFFFFA00  }
0x6b: {  	_ =	swait.ge [sflag:s20], $0x600  }
0x6c: {  	[sflag:s20] =	ssyncset.done $0x0  }
0x6d: {  	s28 =	simm.s32 $0x0;
	[sflag:s20] =	ssyncadd.s32 $0xFFFFFA00  }
0x6e: {  	[spmem:s1] =	stream.indirect.scatter.add.f32 [tilespmem:s18], [sflag:$0x2], $0x1, s22, s21, $0xb8;
	[tilespmem:$0x9400] =	vst v63  }
0x6f: {  	v1 =	vld [tilespmem:s28+$0x4470]  }
0x70: {  	v2 =	vld [tilespmem:s28+$0x4400]  }
0x71: {  	v3 =	vld [tilespmem:s28+$0x3870]  }
0x72: {  	v4 =	vld [tilespmem:s28+$0x4410]  }
0x73: {  	v5 =	vld [tilespmem:s28+$0x4420]  }
0x74: {  	v7 =	vld [tilespmem:s28+$0x4430]  }
0x75: {  	v10 =	vld [tilespmem:s28+$0x4440];
	v1 =	vmul.u32 $0x19000, v1  }
0x76: {  	v11 =	vld [tilespmem:s28+$0x4450]  }
0x77: {  	v63 =	vld [tilespmem:s28+$0x4460];
	v1 =	vadd.s32 v3, v1  }
0x78: {  	[tilespmem:s28+$0x5C70] =	vst v1;
	v1 =	vld [tilespmem:s28+$0x3800]  }
0x79: {  	v13 =	vld [tilespmem:s28+$0x3810]  }
0x7a: {  	v8 =	vld [tilespmem:s28+$0x3820]  }
0x7b: {  	v6 =	vld [tilespmem:s28+$0x3830];
	v2 =	vmul.u32 $0x19000, v2  }
0x7c: {  	v14 =	vmul.u32 $0x19000, v4;
	v9 =	vmul.u32 $0x19000, v5;
	v3 =	vld [tilespmem:s28+$0x3840]  }
0x7d: {  	v4 =	vld [tilespmem:s28+$0x3850];
	v7 =	vmul.u32 $0x19000, v7;
	v5 =	vmul.u32 $0x19000, v10;
	v1 =	vadd.s32 v1, v2  }
0x7e: {  	s30 =	simm.s32 $0x400;
	s29 =	simm.s32 $0x80;
	v10 =	vld [tilespmem:s28+$0x3860];
	v2 =	vmul.u32 $0x19000, v11;
	v11 =	vadd.s32 v13, v14;
	[tilespmem:s28+$0x5C00] =	vst v1;
	v1 =	vmul.u32 $0x19000, v63  }
.LBB2_7:
0x7f: {  	p0 =	sne.s32 s30, $0x1600;
	v12 =	vld [tilespmem:s29+$0x4470];
	[tilespmem:s28+$0x5C10] =	vst v11;
	v8 =	vadd.s32 v8, v9  }
0x80: {  	v9 =	vld [tilespmem:s29+$0x4400];
	[tilespmem:s28+$0x5C20] =	vst v8;
	v6 =	vadd.s32 v6, v7  }
0x81: {  	v7 =	vld [tilespmem:s29+$0x3870];
	[tilespmem:s28+$0x5C30] =	vst v6;
	v3 =	vadd.s32 v3, v5  }
0x82: {  	v5 =	vld [tilespmem:s29+$0x4410];
	[tilespmem:s28+$0x5C40] =	vst v3;
	v2 =	vadd.s32 v4, v2  }
0x83: {  	v3 =	vld [tilespmem:s29+$0x4420];
	[tilespmem:s28+$0x5C50] =	vst v2;
	v1 =	vadd.s32 v10, v1  }
0x84: {  	v2 =	vld [tilespmem:s29+$0x4430];
	v4 =	vmul.u32 $0x19000, v12;
	[tilespmem:s28+$0x5C60] =	vst v1;
	s28 =	smov.u32 s29  }
0x85: {  	v10 =	vmul.u32 $0x19000, v9;
	v1 =	vld [tilespmem:s28+$0x4440]  }
0x86: {  	v11 =	vld [tilespmem:s28+$0x4450];
	v4 =	vadd.s32 v7, v4  }
0x87: {  	v12 =	vmul.u32 $0x19000, v5;
	v13 =	vld [tilespmem:s28+$0x4460];
	[tilespmem:s28+$0x5C70] =	vst v4  }
0x88: {  	v4 =	vld [tilespmem:s28+$0x3800];
	v9 =	vmul.u32 $0x19000, v3  }
0x89: {  	v14 =	vld [tilespmem:s28+$0x3810];
	v7 =	vmul.u32 $0x19000, v2  }
.Ltmp2:
0x8a: {  	v8 =	vld [tilespmem:s28+$0x3820];
	v5 =	vmul.u32 $0x19000, v1;
	(pc) =	sbr.rel @p0 .LBB2_7-.Ltmp2, $4  }
0x8b: {  	v6 =	vld [tilespmem:s28+$0x3830];
	v2 =	vmul.u32 $0x19000, v11  }
0x8c: {  	v3 =	vld [tilespmem:s28+$0x3840];
	v1 =	vmul.u32 $0x19000, v13  }
0x8d: {  	v10 =	vadd.s32 v4, v10;
	v4 =	vld [tilespmem:s28+$0x3850]  }
0x8e: {  	s29 =	sshra.s32 s30, $0x2;
	s30 =	sadd.s32 $0x200, s30;
	[tilespmem:s28+$0x5C00] =	vst v10;
	v11 =	vadd.s32 v14, v12;
	v10 =	vld [tilespmem:s28+$0x3860]  }
0x8f: {  	v12 =	vld [tilespmem:s29+$0x4470];
	[tilespmem:s28+$0x5C10] =	vst v11;
	v8 =	vadd.s32 v8, v9  }
0x90: {  	v55 =	vld [tilespmem:s29+$0x4400];
	[tilespmem:s28+$0x5C20] =	vst v8;
	v6 =	vadd.s32 v6, v7  }
0x91: {  	v56 =	vld [tilespmem:s29+$0x3870];
	[tilespmem:s28+$0x5C30] =	vst v6;
	v3 =	vadd.s32 v3, v5  }
0x92: {  	v57 =	vld [tilespmem:s29+$0x4410];
	[tilespmem:s28+$0x5C40] =	vst v3;
	v2 =	vadd.s32 v4, v2  }
0x93: {  	v3 =	vld [tilespmem:s29+$0x4420];
	[tilespmem:s28+$0x5C50] =	vst v2;
	v1 =	vadd.s32 v10, v1  }
0x94: {  	v2 =	vld [tilespmem:s29+$0x4430];
	[tilespmem:s28+$0x5C60] =	vst v1  }
0x95: {  	v1 =	vmul.u32 $0x19000, v12;
	v58 =	vld [tilespmem:s29+$0x4440]  }
0x96: {  	v6 =	vld [tilespmem:s29+$0x4450]  }
0x97: {  	v59 =	vld [tilespmem:s29+$0x4460];
	v1 =	vadd.s32 v56, v1  }
0x98: {  	[tilespmem:s29+$0x5C70] =	vst v1;
	v1 =	vld [tilespmem:s29+$0x3800]  }
0x99: {  	v8 =	vld [tilespmem:s29+$0x3810]  }
0x9a: {  	v60 =	vld [tilespmem:s29+$0x3820]  }
0x9b: {  	v9 =	vmul.u32 $0x19000, v55;
	v11 =	vld [tilespmem:s29+$0x3830]  }
0x9c: {  	v61 =	vld [tilespmem:s29+$0x3840];
	v5 =	vmul.u32 $0x19000, v57  }
0x9d: {  	v62 =	vld [tilespmem:s29+$0x3850];
	v3 =	vmul.u32 $0x19000, v3;
	v1 =	vadd.s32 v1, v9  }
0x9e: {  	v63 =	vld [tilespmem:s29+$0x3860];
	[tilespmem:s29+$0x5C00] =	vst v1;
	v1 =	vmul.u32 $0x19000, v2;
	v2 =	vadd.s32 v8, v5  }
0x9f: {  	v4 =	vmul.u32 $0x19000, v58;
	[tilespmem:s29+$0x5C10] =	vst v2;
	v2 =	vadd.s32 v60, v3  }
0xa0: {  	s26 =	sadd.s32 $0x1, s26;
	v3 =	vmul.u32 $0x19000, v6;
	[tilespmem:s29+$0x5C20] =	vst v2;
	v1 =	vadd.s32 v11, v1  }
0xa1: {  	p0 =	sge.u32 s26, s8;
	v2 =	vmul.u32 $0x19000, v59;
	[tilespmem:s29+$0x5C30] =	vst v1;
	v1 =	vadd.s32 v61, v4  }
0xa2: {  	s28 =	sshll.u32 @!p0 s26, $0x5;
	[tilespmem:s29+$0x5C40] =	vst v1;
	v1 =	vadd.s32 v62, v3  }
0xa3: {  	s28 =	sor.u32 @!p0 s7, s28;
	[tilespmem:s29+$0x5C50] =	vst v1;
	v1 =	vadd.s32 v63, v2  }
0xa4: {  	s28 =	smul.u32 @!p0 $0x180, s28;
	[tilespmem:s29+$0x5C60] =	vst v1  }
0xa5: {  	[spmem:s1] =	stream.indirect.scatter.add.f32 [tilespmem:s19], [sflag:$0x2], $0x1, s23, s21, $0xb8;
	[tilespmem:$0x9400] =	vst v63  }
0xa6: {  	s30 =	simm.s32 @!p0 $0x0;
	s31 =	simm.s32 @!p0 $0x3200;
	s29 =	sadd.s32 @!p0 s4, s28  }
0xa7: {  	[tilespmem:s31], [sflag:$0x1] =	stream.linear.gather @!p0 [hbm4b:s29+s30], $0xC00, $0x38;
	[tilespmem:$0x9400] =	vst v63  }
0xa8: {  	s28 =	sadd.s32 @!p0 s5, s28;
	s29 =	simm.s32 @!p0 $0x3E00  }
0xa9: {  	[tilespmem:s29], [sflag:$0x1] =	stream.linear.gather @!p0 [hbm4b:s28+s30], $0xC00, $0x38;
	[tilespmem:$0x9400] =	vst v63  }
0xaa: {  	p0 =	sne.s32 s26, s8;
	_ =	swait.ge [sflag:s24], $0x600  }
.Ltmp3:
0xab: {  	[sflag:s24] =	ssyncset.done $0x0;
	(pc) =	sbr.rel @p0 .LBB2_4-.Ltmp3, $4  }
0xac: {  	[sflag:s24] =	ssyncadd.s32 $0xFFFFFA00  }
0xad: {  	_ =	swait.ge [sflag:s24], $0x600  }
0xae: {  	[sflag:s24] =	ssyncset.done $0x0  }
0xaf: {  	[sflag:s24] =	ssyncadd.s32 $0xFFFFFA00  }
0xb0: {  	s2 =	sadd.s32 $0x1, s2  }
0xb1: {  	s25 =	sshll.u32 s3, $0x6;
	[bflag:$0x0] =	sbarrier.arrive $0xFFFF;
	p0 =	sne.s32 s2, s13  }
.Ltmp4:
0xb2: {  	s26 =	sshrl.u32 s9, $0x3;
	s25 =	sor.u32 $0x1C03, s25;
	(pc) =	sbr.rel @p0 .LBB2_1-.Ltmp4, $4  }
0xb3: {  	[hbm:s12], [sflag:s25] =	dma.local [spmem:s26], $0x640  }
0xb4: {  	_ =	swait.ge [sflag:s15], $0x640  }
0xb5: {  	[sflag:s15] =	ssyncset.done $0x0  }
0xb6: {  	[sflag:s15] =	ssyncadd.s32 $0xFFFFF9C0  }
0xb7: {  	_ =	sfence.sel $0x180000  }
0xb8: {  	[bflag:$0x0] =	sbarrier.arrive $0xFFFF  }
0xb9: {  	p0 =	sne.s32 s3, $0x0;
	_ =	strace $0x90000047  }
0xba: {  	s0 =	sadd.s32 @!p0 $0x100000, s0;
	[bflag:$0x2] =	sbarrier.arrive $0xFFFF  }
0xbb: {  	[sflag:s0] =	ssyncadd.tile.s32 @!p0 $0x1;
	_ =	shalt  }
.Lfunc_end2:
_tile_overlayer_lowered:
.L_overlay_start_2:
0xbc: {  	(tag) =	ssettag $0x2  }
0xbd: {  	s0 =	rddreg [dreg:$0x0];
	s2 =	stileid.u32  }
0xbe: {  	s1 =	rddreg [dreg:$0x1];
	p0 =	sne.s32 s2, $0x0  }
0xbf: {  	s3 =	rddreg [dreg:$0x2];
	[bflag:$0x3] =	sbarrier.arrive $0xFFFF;
	s2 =	simm.s32 @!p0 $0x1C03  }
0xc0: {  	[timem:s3], [sflag:s2] =	dma.local @!p0 [hbm:s0], s1  }
0xc1: {  	s0 =	simm.s32 @!p0 $0x3  }
0xc2: {  	_ =	swait.ge @!p0 [sflag:s0], s1  }
0xc3: {  	s1 =	ssub.s32 @!p0 $0x0, s1;
	[sflag:s0] =	ssyncset.done @!p0 $0x0  }
0xc4: {  	[sflag:s0] =	ssyncadd.s32 @!p0 s1  }
0xc5: {  	[bflag:$0x3] =	sbarrier.arrive $0xFFFF  }
0xc6: {  	_ =	shalt  }

</sc_bundles>
